<compile_context>
chip_gen: v7x
topology: tpu7x:2x2x1
jax: 0.10.2.dev20260603
libtpu: 0.0.44.dev20260713+nightly
codegen_flags: <defaults>
</compile_context>

<pallas_src>
import functools

import jax
import jax.numpy as jnp
from jax import lax
from jax.experimental import pallas as pl
from jax.experimental.pallas import tpu as pltpu, tpu_sc as plsc

B = 16384
D = 128
G = 8
N_GENRES = 100

NC = 2
NS = 16
NW = NC * NS
BPW = B // NW
L = 16
NCHUNK = BPW // 128


def _sc_body(t_idx_hbm, genres_hbm, t_table_hbm, style_hbm, out_hbm,
             idx_v, gv_v, style_v, rows_s, t_buf0, t_buf1,
             sem0, sem1, semw, sems):
    wid = lax.axis_index("s") * NC + lax.axis_index("c")
    base = wid * BPW

    pltpu.sync_copy(t_idx_hbm.at[pl.ds(wid * NCHUNK, NCHUNK), :], idx_v)
    pltpu.sync_copy(genres_hbm.at[pl.ds(base * G, BPW * G)], gv_v)
    pltpu.sync_copy(style_hbm, style_v)

    t_bufs = [t_buf0, t_buf1]
    gsems = [sem0, sem1]
    iota = lax.iota(jnp.int32, L)

    gathers = [None] * NCHUNK
    writes = [None] * NCHUNK
    gathers[0] = pltpu.async_copy(t_table_hbm.at[idx_v.at[0]], t_buf0, sem0)

    for j in range(NCHUNK):
        if j >= 1:
            writes[j - 1].wait()
        if j + 1 < NCHUNK:
            gathers[j + 1] = pltpu.async_copy(
                t_table_hbm.at[idx_v.at[j + 1]], t_bufs[(j + 1) % 2],
                gsems[(j + 1) % 2])

        @plsc.parallel_loop(j * 128, (j + 1) * 128, unroll=1)
        def _elem(i):
            sb = jnp.full((L,), i * G, jnp.int32)
            gvals = [plsc.load_gather(gv_v, [sb + g]) for g in range(G)]
            vg = [(gvals[g] << 7) + iota for g in range(G)]
            row_ref = rows_s.at[i]
            for c in range(D // L):
                acc = plsc.load_gather(style_v, [vg[0] + c * L])
                for g in range(1, G):
                    acc = acc + plsc.load_gather(style_v, [vg[g] + c * L])
                row_ref[pl.ds(c * L, L)] = acc

        gathers[j].wait()
        writes[j] = pltpu.async_copy(
            t_bufs[j % 2],
            out_hbm.at[pl.ds(base + j * 128, 128), pl.ds(0, D)], semw)
        pltpu.async_copy(
            rows_s.at[pl.ds(j * 128, 128), :],
            out_hbm.at[pl.ds(base + j * 128, 128), pl.ds(D, D)], sems)

    writes[NCHUNK - 1].wait()
    for j in range(NCHUNK):
        pltpu.make_async_copy(
            rows_s.at[pl.ds(j * 128, 128), :],
            out_hbm.at[pl.ds(base + j * 128, 128), pl.ds(D, D)], sems).wait()


_sc_call = functools.partial(
    pl.kernel,
    out_type=jax.ShapeDtypeStruct((B, 2 * D), jnp.float32),
    mesh=plsc.VectorSubcoreMesh(core_axis_name="c", subcore_axis_name="s"),
    compiler_params=pltpu.CompilerParams(
        needs_layout_passes=False, use_tc_tiling_on_sc=False),
    scratch_types=[
        pltpu.VMEM((NCHUNK, 128), jnp.int32),
        pltpu.VMEM((BPW * G,), jnp.int32),
        pltpu.VMEM((N_GENRES * D,), jnp.float32),
        pltpu.VMEM((BPW, D), jnp.float32),
        pltpu.VMEM((128, D), jnp.float32),
        pltpu.VMEM((128, D), jnp.float32),
        pltpu.SemaphoreType.DMA,
        pltpu.SemaphoreType.DMA,
        pltpu.SemaphoreType.DMA,
        pltpu.SemaphoreType.DMA,
    ],
)(_sc_body)


def kernel(t, length, genres, t_table, style_table):
    del length
    t_idx = t.reshape(B // 128, 128)
    genres_flat = genres.reshape(-1)
    style_flat = style_table.reshape(-1)
    out = _sc_call(t_idx, genres_flat, t_table, style_flat)
    return out.reshape(B, 2 * D, 1)

# --- scband reference (transcript-rebuilt; emitter-appended) ---
"""Pipeline reference for scband-diffusion-conditioning-5033701671026 (READ-ONLY COPY).

The authoritative reference and input builder live on the scoring server;
editing this copy changes nothing except your own understanding.
"""

import jax, jax.numpy as jnp
import numpy as np

B = 16384
T_COND = 128
STYLE_COND = 128
NOISE_STEPS = 1000
N_GENRES = 100
G_PER_TRACK = 8


def setup_inputs(seed: int = 0) -> dict:
    key = jax.random.key(seed)
    k1, k2, k3, k4 = jax.random.split(key, 4)
    # diffusion timesteps, one per batch element
    t = jax.random.randint(k1, (B,), 0, NOISE_STEPS)
    # genre indices per context (context_cond[i].genres, stacked as [G_PER_TRACK])
    genres = jax.random.randint(k2, (B, G_PER_TRACK), 0, N_GENRES)
    # learned timestep encoding table (t_encoding, n_ctx = noise_steps + 1)
    t_table = jax.random.normal(k3, (NOISE_STEPS + 1, T_COND), dtype=jnp.float32) * 0.02
    # style_enc = nn.Embedding(len(genre_names), style_cond_size)
    style_table = jax.random.normal(k4, (N_GENRES, STYLE_COND), dtype=jnp.float32) * 0.02
    return {"t": t, "length": 1, "genres": genres, "t_table": t_table, "style_table": style_table}


def reference(t, length, genres, t_table, style_table):
    # cond = self.t_encoding.forward(length=1, offset=t).unsqueeze(-1)
    # learned positional encoding == embedding-table gather at offsets t
    t_enc = jnp.take(t_table, t, axis=0)            # [B, t_cond_size]
    cond = t_enc[:, :, None]                        # [B, t_cond_size, 1]

    # styles = [style_enc(stack(context.genres)).sum(dim=0) for context in context_cond]
    # each context: gather [G, 1, style_cond] then sum over genres -> [1, style_cond]
    # stacked -> [B, 1, style_cond]; permute(0, 2, 1) -> [B, style_cond, 1]
    styles = jnp.take(style_table, genres, axis=0)  # [B, G, style_cond]
    styles = styles.sum(axis=1)                     # [B, style_cond]
    styles = styles[:, :, None]                     # [B, style_cond, 1]

    # cls_free_guidance = False -> cfg_mask is None, no masking
    cond = jnp.concatenate([cond, styles], axis=1)  # [B, t_cond + style_cond, 1]
    # pos/time/listens/artist embeddings disabled (cond sizes 0), so no repeat/concat
    return cond

if __name__ == "__main__":
    import jax
    _d = setup_inputs()
    print(jax.jit(kernel)(*tuple(_d.values())))

</pallas_src>

<mosaic_0001>
#map = affine_map<(d0, d1) -> (0, 0)>
#map1 = affine_map<(d0, d1) -> (0)>
module attributes {stable_mosaic.version = 14 : i64} {
  func.func @_sc_body(%arg0: i32, %arg1: i32, %arg2: memref<128x128xi32, #tpu.memory_space<hbm>>, %arg3: memref<131072xi32, #tpu.memory_space<hbm>>, %arg4: memref<1001x128xf32, #tpu.memory_space<hbm>>, %arg5: memref<12800xf32, #tpu.memory_space<hbm>>, %arg6: memref<16384x256xf32, #tpu.memory_space<hbm>>, %arg7: memref<4x128xi32, #tpu.memory_space<vmem>>, %arg8: memref<4096xi32, #tpu.memory_space<vmem>>, %arg9: memref<12800xf32, #tpu.memory_space<vmem>>, %arg10: memref<512x128xf32, #tpu.memory_space<vmem>>, %arg11: memref<128x128xf32, #tpu.memory_space<vmem>>, %arg12: memref<128x128xf32, #tpu.memory_space<vmem>>, %arg13: memref<!tpu.dma_semaphore, #tpu.memory_space<semaphore_mem>>, %arg14: memref<!tpu.dma_semaphore, #tpu.memory_space<semaphore_mem>>, %arg15: memref<!tpu.dma_semaphore, #tpu.memory_space<semaphore_mem>>, %arg16: memref<!tpu.dma_semaphore, #tpu.memory_space<semaphore_mem>>) attributes {dimension_semantics = [#tpu.dimension_semantics<core_parallel>, #tpu.dimension_semantics<subcore_parallel>], iteration_bounds = array<i64: 2, 16>, scalar_prefetch = 0 : i64, scratch_operands = 10 : i64, tpu.core_type = #tpu.core_type<sc_vector_subcore>, window_params = [{transform_indices = #map}, {transform_indices = #map1}, {transform_indices = #map}, {transform_indices = #map1}, {transform_indices = #map}]} {
    %mul3A = arith.constant 2 : i32
    %mul3A_0 = arith.muli %arg1, %mul3A : i32
    %add3A = arith.addi %mul3A_0, %arg0 : i32
    %mul3A_1 = arith.constant 512 : i32
    %mul3A_2 = arith.muli %add3A, %mul3A_1 : i32
    %mul3A_3 = arith.constant 4 : i32
    %mul3A_4 = arith.muli %add3A, %mul3A_3 : i32
    "tpu.region"() ({
      %run_scoped3A = tpu.sem_alloc : memref<!tpu.dma_semaphore, #tpu.memory_space<semaphore_mem>>
      %dma_start3A_208 = arith.constant 0 : i32
      %dma_start3A_209 = tpu.memref_slice %arg2[%mul3A_4, %dma_start3A_208] : memref<128x128xi32, #tpu.memory_space<hbm>> -> memref<4x128xi32, #tpu.memory_space<hbm>>
      %dma_start3A_210 = arith.constant 0 : i32
      %dma_start3A_211 = tpu.memref_slice %arg2[%mul3A_4, %dma_start3A_210] : memref<128x128xi32, #tpu.memory_space<hbm>> -> memref<4x128xi32, #tpu.memory_space<hbm>>
      tpu.enqueue_dma source(%dma_start3A_211 : memref<4x128xi32, #tpu.memory_space<hbm>>) target(%arg7 : memref<4x128xi32, #tpu.memory_space<vmem>>) target_semaphore(%run_scoped3A : memref<!tpu.dma_semaphore, #tpu.memory_space<semaphore_mem>>)
      %dma_wait3A_212 = arith.constant 0 : i32
      %dma_wait3A_213 = tpu.memref_slice %arg2[%mul3A_4, %dma_wait3A_212] : memref<128x128xi32, #tpu.memory_space<hbm>> -> memref<4x128xi32, #tpu.memory_space<hbm>>
      %dma_wait3A_214 = arith.constant 0 : i32
      %dma_wait3A_215 = tpu.memref_slice %arg2[%mul3A_4, %dma_wait3A_214] : memref<128x128xi32, #tpu.memory_space<hbm>> -> memref<4x128xi32, #tpu.memory_space<hbm>>
      tpu.wait_dma2 semaphore(%run_scoped3A : memref<!tpu.dma_semaphore, #tpu.memory_space<semaphore_mem>>) src(%dma_wait3A_215 : memref<4x128xi32, #tpu.memory_space<hbm>>) dst(%arg7 : memref<4x128xi32, #tpu.memory_space<vmem>>)
      tpu.yield
    }) : () -> ()
    %mul3A_5 = arith.constant 8 : i32
    %mul3A_6 = arith.muli %mul3A_2, %mul3A_5 : i32
    "tpu.region"() ({
      %run_scoped3A = tpu.sem_alloc : memref<!tpu.dma_semaphore, #tpu.memory_space<semaphore_mem>>
      %dma_start3A_208 = tpu.memref_slice %arg3[%mul3A_6] : memref<131072xi32, #tpu.memory_space<hbm>> -> memref<4096xi32, #tpu.memory_space<hbm>>
      %dma_start3A_209 = tpu.memref_slice %arg3[%mul3A_6] : memref<131072xi32, #tpu.memory_space<hbm>> -> memref<4096xi32, #tpu.memory_space<hbm>>
      tpu.enqueue_dma source(%dma_start3A_209 : memref<4096xi32, #tpu.memory_space<hbm>>) target(%arg8 : memref<4096xi32, #tpu.memory_space<vmem>>) target_semaphore(%run_scoped3A : memref<!tpu.dma_semaphore, #tpu.memory_space<semaphore_mem>>)
      %dma_wait3A_210 = tpu.memref_slice %arg3[%mul3A_6] : memref<131072xi32, #tpu.memory_space<hbm>> -> memref<4096xi32, #tpu.memory_space<hbm>>
      %dma_wait3A_211 = tpu.memref_slice %arg3[%mul3A_6] : memref<131072xi32, #tpu.memory_space<hbm>> -> memref<4096xi32, #tpu.memory_space<hbm>>
      tpu.wait_dma2 semaphore(%run_scoped3A : memref<!tpu.dma_semaphore, #tpu.memory_space<semaphore_mem>>) src(%dma_wait3A_211 : memref<4096xi32, #tpu.memory_space<hbm>>) dst(%arg8 : memref<4096xi32, #tpu.memory_space<vmem>>)
      tpu.yield
    }) : () -> ()
    "tpu.region"() ({
      %run_scoped3A = tpu.sem_alloc : memref<!tpu.dma_semaphore, #tpu.memory_space<semaphore_mem>>
      tpu.enqueue_dma source(%arg5 : memref<12800xf32, #tpu.memory_space<hbm>>) target(%arg9 : memref<12800xf32, #tpu.memory_space<vmem>>) target_semaphore(%run_scoped3A : memref<!tpu.dma_semaphore, #tpu.memory_space<semaphore_mem>>)
      tpu.wait_dma2 semaphore(%run_scoped3A : memref<!tpu.dma_semaphore, #tpu.memory_space<semaphore_mem>>) src(%arg5 : memref<12800xf32, #tpu.memory_space<hbm>>) dst(%arg9 : memref<12800xf32, #tpu.memory_space<vmem>>)
      tpu.yield
    }) : () -> ()
    %iota3A = tpu.iota {dimensions = array<i32: 0>} : vector<16xi32>
    %dma_start3A = arith.constant 0 : i32
    %dma_start3A_7 = arith.constant 0 : i32
    %dma_start3A_8 = tpu.memref_slice %arg7[%dma_start3A, %dma_start3A_7] : memref<4x128xi32, #tpu.memory_space<vmem>> -> memref<1x128xi32, #tpu.memory_space<vmem>>
    %dma_start3A_9 = tpu.memref_squeeze %dma_start3A_8 : memref<1x128xi32, #tpu.memory_space<vmem>> -> memref<128xi32, #tpu.memory_space<vmem>>
    %dma_start3A_10 = arith.constant 0 : i32
    %dma_start3A_11 = arith.constant 0 : i32
    %dma_start3A_12 = tpu.memref_slice %arg4[%dma_start3A_10, %dma_start3A_11] : memref<1001x128xf32, #tpu.memory_space<hbm>> -> memref<1001x128xf32, #tpu.memory_space<hbm>>
    tpu.enqueue_indirect_dma source(%dma_start3A_12 : memref<1001x128xf32, #tpu.memory_space<hbm>>) target(%arg11 : memref<128x128xf32, #tpu.memory_space<vmem>>) offsets(%dma_start3A_9 : memref<128xi32, #tpu.memory_space<vmem>>) semaphore(%arg13 : memref<!tpu.dma_semaphore, #tpu.memory_space<semaphore_mem>>)
    %dma_start3A_13 = arith.constant 1 : i32
    %dma_start3A_14 = arith.constant 0 : i32
    %dma_start3A_15 = tpu.memref_slice %arg7[%dma_start3A_13, %dma_start3A_14] : memref<4x128xi32, #tpu.memory_space<vmem>> -> memref<1x128xi32, #tpu.memory_space<vmem>>
    %dma_start3A_16 = tpu.memref_squeeze %dma_start3A_15 : memref<1x128xi32, #tpu.memory_space<vmem>> -> memref<128xi32, #tpu.memory_space<vmem>>
    %dma_start3A_17 = arith.constant 0 : i32
    %dma_start3A_18 = arith.constant 0 : i32
    %dma_start3A_19 = tpu.memref_slice %arg4[%dma_start3A_17, %dma_start3A_18] : memref<1001x128xf32, #tpu.memory_space<hbm>> -> memref<1001x128xf32, #tpu.memory_space<hbm>>
    tpu.enqueue_indirect_dma source(%dma_start3A_19 : memref<1001x128xf32, #tpu.memory_space<hbm>>) target(%arg12 : memref<128x128xf32, #tpu.memory_space<vmem>>) offsets(%dma_start3A_16 : memref<128xi32, #tpu.memory_space<vmem>>) semaphore(%arg14 : memref<!tpu.dma_semaphore, #tpu.memory_space<semaphore_mem>>)
    %parallel_loop3A = arith.constant 0 : i32
    %parallel_loop3A_20 = arith.constant 128 : i32
    %parallel_loop3A_21 = arith.constant 1 : i32
    scf.for %parallel_loop3A_208 = %parallel_loop3A to %parallel_loop3A_20 step %parallel_loop3A_21  : i32 {
      %parallel_loop3A_209 = arith.constant 8 : i32
      %parallel_loop3A_210 = arith.muli %parallel_loop3A_208, %parallel_loop3A_209 : i32
      %parallel_loop3A_211 = vector.broadcast %parallel_loop3A_210 : i32 to vector<16xi32>
      %parallel_loop3A_212 = arith.constant 0 : i32
      %parallel_loop3A_213 = vector.broadcast %parallel_loop3A_212 : i32 to vector<16xi32>
      %parallel_loop3A_214 = arith.addi %parallel_loop3A_211, %parallel_loop3A_213 : vector<16xi32>
      %parallel_loop3A_215 = tpu.vector_load_idx %arg8[%parallel_loop3A_214] : memref<4096xi32, #tpu.memory_space<vmem>>[vector<16xi32>], vector<16xi32>,
      %parallel_loop3A_216 = arith.constant 1 : i32
      %parallel_loop3A_217 = vector.broadcast %parallel_loop3A_216 : i32 to vector<16xi32>
      %parallel_loop3A_218 = arith.addi %parallel_loop3A_211, %parallel_loop3A_217 : vector<16xi32>
      %parallel_loop3A_219 = tpu.vector_load_idx %arg8[%parallel_loop3A_218] : memref<4096xi32, #tpu.memory_space<vmem>>[vector<16xi32>], vector<16xi32>,
      %parallel_loop3A_220 = arith.constant 2 : i32
      %parallel_loop3A_221 = vector.broadcast %parallel_loop3A_220 : i32 to vector<16xi32>
      %parallel_loop3A_222 = arith.addi %parallel_loop3A_211, %parallel_loop3A_221 : vector<16xi32>
      %parallel_loop3A_223 = tpu.vector_load_idx %arg8[%parallel_loop3A_222] : memref<4096xi32, #tpu.memory_space<vmem>>[vector<16xi32>], vector<16xi32>,
      %parallel_loop3A_224 = arith.constant 3 : i32
      %parallel_loop3A_225 = vector.broadcast %parallel_loop3A_224 : i32 to vector<16xi32>
      %parallel_loop3A_226 = arith.addi %parallel_loop3A_211, %parallel_loop3A_225 : vector<16xi32>
      %parallel_loop3A_227 = tpu.vector_load_idx %arg8[%parallel_loop3A_226] : memref<4096xi32, #tpu.memory_space<vmem>>[vector<16xi32>], vector<16xi32>,
      %parallel_loop3A_228 = arith.constant 4 : i32
      %parallel_loop3A_229 = vector.broadcast %parallel_loop3A_228 : i32 to vector<16xi32>
      %parallel_loop3A_230 = arith.addi %parallel_loop3A_211, %parallel_loop3A_229 : vector<16xi32>
      %parallel_loop3A_231 = tpu.vector_load_idx %arg8[%parallel_loop3A_230] : memref<4096xi32, #tpu.memory_space<vmem>>[vector<16xi32>], vector<16xi32>,
      %parallel_loop3A_232 = arith.constant 5 : i32
      %parallel_loop3A_233 = vector.broadcast %parallel_loop3A_232 : i32 to vector<16xi32>
      %parallel_loop3A_234 = arith.addi %parallel_loop3A_211, %parallel_loop3A_233 : vector<16xi32>
      %parallel_loop3A_235 = tpu.vector_load_idx %arg8[%parallel_loop3A_234] : memref<4096xi32, #tpu.memory_space<vmem>>[vector<16xi32>], vector<16xi32>,
      %parallel_loop3A_236 = arith.constant 6 : i32
      %parallel_loop3A_237 = vector.broadcast %parallel_loop3A_236 : i32 to vector<16xi32>
      %parallel_loop3A_238 = arith.addi %parallel_loop3A_211, %parallel_loop3A_237 : vector<16xi32>
      %parallel_loop3A_239 = tpu.vector_load_idx %arg8[%parallel_loop3A_238] : memref<4096xi32, #tpu.memory_space<vmem>>[vector<16xi32>], vector<16xi32>,
      %parallel_loop3A_240 = arith.constant 7 : i32
      %parallel_loop3A_241 = vector.broadcast %parallel_loop3A_240 : i32 to vector<16xi32>
      %parallel_loop3A_242 = arith.addi %parallel_loop3A_211, %parallel_loop3A_241 : vector<16xi32>
      %parallel_loop3A_243 = tpu.vector_load_idx %arg8[%parallel_loop3A_242] : memref<4096xi32, #tpu.memory_space<vmem>>[vector<16xi32>], vector<16xi32>,
      %parallel_loop3A_244 = arith.constant 7 : i32
      %parallel_loop3A_245 = vector.broadcast %parallel_loop3A_244 : i32 to vector<16xi32>
      %parallel_loop3A_246 = arith.shli %parallel_loop3A_215, %parallel_loop3A_245 : vector<16xi32>
      %parallel_loop3A_247 = arith.addi %parallel_loop3A_246, %iota3A : vector<16xi32>
      %parallel_loop3A_248 = arith.constant 7 : i32
      %parallel_loop3A_249 = vector.broadcast %parallel_loop3A_248 : i32 to vector<16xi32>
      %parallel_loop3A_250 = arith.shli %parallel_loop3A_219, %parallel_loop3A_249 : vector<16xi32>
      %parallel_loop3A_251 = arith.addi %parallel_loop3A_250, %iota3A : vector<16xi32>
      %parallel_loop3A_252 = arith.constant 7 : i32
      %parallel_loop3A_253 = vector.broadcast %parallel_loop3A_252 : i32 to vector<16xi32>
      %parallel_loop3A_254 = arith.shli %parallel_loop3A_223, %parallel_loop3A_253 : vector<16xi32>
      %parallel_loop3A_255 = arith.addi %parallel_loop3A_254, %iota3A : vector<16xi32>
      %parallel_loop3A_256 = arith.constant 7 : i32
      %parallel_loop3A_257 = vector.broadcast %parallel_loop3A_256 : i32 to vector<16xi32>
      %parallel_loop3A_258 = arith.shli %parallel_loop3A_227, %parallel_loop3A_257 : vector<16xi32>
      %parallel_loop3A_259 = arith.addi %parallel_loop3A_258, %iota3A : vector<16xi32>
      %parallel_loop3A_260 = arith.constant 7 : i32
      %parallel_loop3A_261 = vector.broadcast %parallel_loop3A_260 : i32 to vector<16xi32>
      %parallel_loop3A_262 = arith.shli %parallel_loop3A_231, %parallel_loop3A_261 : vector<16xi32>
      %parallel_loop3A_263 = arith.addi %parallel_loop3A_262, %iota3A : vector<16xi32>
      %parallel_loop3A_264 = arith.constant 7 : i32
      %parallel_loop3A_265 = vector.broadcast %parallel_loop3A_264 : i32 to vector<16xi32>
      %parallel_loop3A_266 = arith.shli %parallel_loop3A_235, %parallel_loop3A_265 : vector<16xi32>
      %parallel_loop3A_267 = arith.addi %parallel_loop3A_266, %iota3A : vector<16xi32>
      %parallel_loop3A_268 = arith.constant 7 : i32
      %parallel_loop3A_269 = vector.broadcast %parallel_loop3A_268 : i32 to vector<16xi32>
      %parallel_loop3A_270 = arith.shli %parallel_loop3A_239, %parallel_loop3A_269 : vector<16xi32>
      %parallel_loop3A_271 = arith.addi %parallel_loop3A_270, %iota3A : vector<16xi32>
      %parallel_loop3A_272 = arith.constant 7 : i32
      %parallel_loop3A_273 = vector.broadcast %parallel_loop3A_272 : i32 to vector<16xi32>
      %parallel_loop3A_274 = arith.shli %parallel_loop3A_243, %parallel_loop3A_273 : vector<16xi32>
      %parallel_loop3A_275 = arith.addi %parallel_loop3A_274, %iota3A : vector<16xi32>
      %parallel_loop3A_276 = arith.constant 0 : i32
      %parallel_loop3A_277 = vector.broadcast %parallel_loop3A_276 : i32 to vector<16xi32>
      %parallel_loop3A_278 = arith.addi %parallel_loop3A_247, %parallel_loop3A_277 : vector<16xi32>
      %parallel_loop3A_279 = tpu.vector_load_idx %arg9[%parallel_loop3A_278] : memref<12800xf32, #tpu.memory_space<vmem>>[vector<16xi32>], vector<16xf32>,
      %parallel_loop3A_280 = arith.constant 0 : i32
      %parallel_loop3A_281 = vector.broadcast %parallel_loop3A_280 : i32 to vector<16xi32>
      %parallel_loop3A_282 = arith.addi %parallel_loop3A_251, %parallel_loop3A_281 : vector<16xi32>
      %parallel_loop3A_283 = tpu.vector_load_idx %arg9[%parallel_loop3A_282] : memref<12800xf32, #tpu.memory_space<vmem>>[vector<16xi32>], vector<16xf32>,
      %parallel_loop3A_284 = arith.addf %parallel_loop3A_279, %parallel_loop3A_283 : vector<16xf32>
      %parallel_loop3A_285 = arith.constant 0 : i32
      %parallel_loop3A_286 = vector.broadcast %parallel_loop3A_285 : i32 to vector<16xi32>
      %parallel_loop3A_287 = arith.addi %parallel_loop3A_255, %parallel_loop3A_286 : vector<16xi32>
      %parallel_loop3A_288 = tpu.vector_load_idx %arg9[%parallel_loop3A_287] : memref<12800xf32, #tpu.memory_space<vmem>>[vector<16xi32>], vector<16xf32>,
      %parallel_loop3A_289 = arith.addf %parallel_loop3A_284, %parallel_loop3A_288 : vector<16xf32>
      %parallel_loop3A_290 = arith.constant 0 : i32
      %parallel_loop3A_291 = vector.broadcast %parallel_loop3A_290 : i32 to vector<16xi32>
      %parallel_loop3A_292 = arith.addi %parallel_loop3A_259, %parallel_loop3A_291 : vector<16xi32>
      %parallel_loop3A_293 = tpu.vector_load_idx %arg9[%parallel_loop3A_292] : memref<12800xf32, #tpu.memory_space<vmem>>[vector<16xi32>], vector<16xf32>,
      %parallel_loop3A_294 = arith.addf %parallel_loop3A_289, %parallel_loop3A_293 : vector<16xf32>
      %parallel_loop3A_295 = arith.constant 0 : i32
      %parallel_loop3A_296 = vector.broadcast %parallel_loop3A_295 : i32 to vector<16xi32>
      %parallel_loop3A_297 = arith.addi %parallel_loop3A_263, %parallel_loop3A_296 : vector<16xi32>
      %parallel_loop3A_298 = tpu.vector_load_idx %arg9[%parallel_loop3A_297] : memref<12800xf32, #tpu.memory_space<vmem>>[vector<16xi32>], vector<16xf32>,
      %parallel_loop3A_299 = arith.addf %parallel_loop3A_294, %parallel_loop3A_298 : vector<16xf32>
      %parallel_loop3A_300 = arith.constant 0 : i32
      %parallel_loop3A_301 = vector.broadcast %parallel_loop3A_300 : i32 to vector<16xi32>
      %parallel_loop3A_302 = arith.addi %parallel_loop3A_267, %parallel_loop3A_301 : vector<16xi32>
      %parallel_loop3A_303 = tpu.vector_load_idx %arg9[%parallel_loop3A_302] : memref<12800xf32, #tpu.memory_space<vmem>>[vector<16xi32>], vector<16xf32>,
      %parallel_loop3A_304 = arith.addf %parallel_loop3A_299, %parallel_loop3A_303 : vector<16xf32>
      %parallel_loop3A_305 = arith.constant 0 : i32
      %parallel_loop3A_306 = vector.broadcast %parallel_loop3A_305 : i32 to vector<16xi32>
      %parallel_loop3A_307 = arith.addi %parallel_loop3A_271, %parallel_loop3A_306 : vector<16xi32>
      %parallel_loop3A_308 = tpu.vector_load_idx %arg9[%parallel_loop3A_307] : memref<12800xf32, #tpu.memory_space<vmem>>[vector<16xi32>], vector<16xf32>,
      %parallel_loop3A_309 = arith.addf %parallel_loop3A_304, %parallel_loop3A_308 : vector<16xf32>
      %parallel_loop3A_310 = arith.constant 0 : i32
      %parallel_loop3A_311 = vector.broadcast %parallel_loop3A_310 : i32 to vector<16xi32>
      %parallel_loop3A_312 = arith.addi %parallel_loop3A_275, %parallel_loop3A_311 : vector<16xi32>
      %parallel_loop3A_313 = tpu.vector_load_idx %arg9[%parallel_loop3A_312] : memref<12800xf32, #tpu.memory_space<vmem>>[vector<16xi32>], vector<16xf32>,
      %parallel_loop3A_314 = arith.addf %parallel_loop3A_309, %parallel_loop3A_313 : vector<16xf32>
      %parallel_loop3A_315 = arith.constant 0 : i32
      %parallel_loop3A_316 = tpu.memref_slice %arg10[%parallel_loop3A_208, %parallel_loop3A_315] : memref<512x128xf32, #tpu.memory_space<vmem>> -> memref<1x128xf32, #tpu.memory_space<vmem>>
      %parallel_loop3A_317 = tpu.memref_squeeze %parallel_loop3A_316 : memref<1x128xf32, #tpu.memory_space<vmem>> -> memref<128xf32, #tpu.memory_space<vmem>>
      %parallel_loop3A_318 = arith.constant 0 : index
      %parallel_loop3A_319 = tpu.vector_load %parallel_loop3A_317[%parallel_loop3A_318] {strides = array<i32>} : memref<128xf32, #tpu.memory_space<vmem>>, vector<16xf32>,
      tpu.vector_store %parallel_loop3A_317[%parallel_loop3A_318], %parallel_loop3A_314 {strides = array<i32>} : memref<128xf32, #tpu.memory_space<vmem>>, vector<16xf32>,
      %parallel_loop3A_320 = arith.constant 16 : i32
      %parallel_loop3A_321 = vector.broadcast %parallel_loop3A_320 : i32 to vector<16xi32>
      %parallel_loop3A_322 = arith.addi %parallel_loop3A_247, %parallel_loop3A_321 : vector<16xi32>
      %parallel_loop3A_323 = tpu.vector_load_idx %arg9[%parallel_loop3A_322] : memref<12800xf32, #tpu.memory_space<vmem>>[vector<16xi32>], vector<16xf32>,
      %parallel_loop3A_324 = arith.constant 16 : i32
      %parallel_loop3A_325 = vector.broadcast %parallel_loop3A_324 : i32 to vector<16xi32>
      %parallel_loop3A_326 = arith.addi %parallel_loop3A_251, %parallel_loop3A_325 : vector<16xi32>
      %parallel_loop3A_327 = tpu.vector_load_idx %arg9[%parallel_loop3A_326] : memref<12800xf32, #tpu.memory_space<vmem>>[vector<16xi32>], vector<16xf32>,
      %parallel_loop3A_328 = arith.addf %parallel_loop3A_323, %parallel_loop3A_327 : vector<16xf32>
      %parallel_loop3A_329 = arith.constant 16 : i32
      %parallel_loop3A_330 = vector.broadcast %parallel_loop3A_329 : i32 to vector<16xi32>
      %parallel_loop3A_331 = arith.addi %parallel_loop3A_255, %parallel_loop3A_330 : vector<16xi32>
      %parallel_loop3A_332 = tpu.vector_load_idx %arg9[%parallel_loop3A_331] : memref<12800xf32, #tpu.memory_space<vmem>>[vector<16xi32>], vector<16xf32>,
      %parallel_loop3A_333 = arith.addf %parallel_loop3A_328, %parallel_loop3A_332 : vector<16xf32>
      %parallel_loop3A_334 = arith.constant 16 : i32
      %parallel_loop3A_335 = vector.broadcast %parallel_loop3A_334 : i32 to vector<16xi32>
      %parallel_loop3A_336 = arith.addi %parallel_loop3A_259, %parallel_loop3A_335 : vector<16xi32>
      %parallel_loop3A_337 = tpu.vector_load_idx %arg9[%parallel_loop3A_336] : memref<12800xf32, #tpu.memory_space<vmem>>[vector<16xi32>], vector<16xf32>,
      %parallel_loop3A_338 = arith.addf %parallel_loop3A_333, %parallel_loop3A_337 : vector<16xf32>
      %parallel_loop3A_339 = arith.constant 16 : i32
      %parallel_loop3A_340 = vector.broadcast %parallel_loop3A_339 : i32 to vector<16xi32>
      %parallel_loop3A_341 = arith.addi %parallel_loop3A_263, %parallel_loop3A_340 : vector<16xi32>
      %parallel_loop3A_342 = tpu.vector_load_idx %arg9[%parallel_loop3A_341] : memref<12800xf32, #tpu.memory_space<vmem>>[vector<16xi32>], vector<16xf32>,
      %parallel_loop3A_343 = arith.addf %parallel_loop3A_338, %parallel_loop3A_342 : vector<16xf32>
      %parallel_loop3A_344 = arith.constant 16 : i32
      %parallel_loop3A_345 = vector.broadcast %parallel_loop3A_344 : i32 to vector<16xi32>
      %parallel_loop3A_346 = arith.addi %parallel_loop3A_267, %parallel_loop3A_345 : vector<16xi32>
      %parallel_loop3A_347 = tpu.vector_load_idx %arg9[%parallel_loop3A_346] : memref<12800xf32, #tpu.memory_space<vmem>>[vector<16xi32>], vector<16xf32>,
      %parallel_loop3A_348 = arith.addf %parallel_loop3A_343, %parallel_loop3A_347 : vector<16xf32>
      %parallel_loop3A_349 = arith.constant 16 : i32
      %parallel_loop3A_350 = vector.broadcast %parallel_loop3A_349 : i32 to vector<16xi32>
      %parallel_loop3A_351 = arith.addi %parallel_loop3A_271, %parallel_loop3A_350 : vector<16xi32>
      %parallel_loop3A_352 = tpu.vector_load_idx %arg9[%parallel_loop3A_351] : memref<12800xf32, #tpu.memory_space<vmem>>[vector<16xi32>], vector<16xf32>,
      %parallel_loop3A_353 = arith.addf %parallel_loop3A_348, %parallel_loop3A_352 : vector<16xf32>
      %parallel_loop3A_354 = arith.constant 16 : i32
      %parallel_loop3A_355 = vector.broadcast %parallel_loop3A_354 : i32 to vector<16xi32>
      %parallel_loop3A_356 = arith.addi %parallel_loop3A_275, %parallel_loop3A_355 : vector<16xi32>
      %parallel_loop3A_357 = tpu.vector_load_idx %arg9[%parallel_loop3A_356] : memref<12800xf32, #tpu.memory_space<vmem>>[vector<16xi32>], vector<16xf32>,
      %parallel_loop3A_358 = arith.addf %parallel_loop3A_353, %parallel_loop3A_357 : vector<16xf32>
      %parallel_loop3A_359 = arith.constant 0 : i32
      %parallel_loop3A_360 = tpu.memref_slice %arg10[%parallel_loop3A_208, %parallel_loop3A_359] : memref<512x128xf32, #tpu.memory_space<vmem>> -> memref<1x128xf32, #tpu.memory_space<vmem>>
      %parallel_loop3A_361 = tpu.memref_squeeze %parallel_loop3A_360 : memref<1x128xf32, #tpu.memory_space<vmem>> -> memref<128xf32, #tpu.memory_space<vmem>>
      %parallel_loop3A_362 = arith.constant 16 : index
      %parallel_loop3A_363 = tpu.vector_load %parallel_loop3A_361[%parallel_loop3A_362] {strides = array<i32>} : memref<128xf32, #tpu.memory_space<vmem>>, vector<16xf32>,
      tpu.vector_store %parallel_loop3A_361[%parallel_loop3A_362], %parallel_loop3A_358 {strides = array<i32>} : memref<128xf32, #tpu.memory_space<vmem>>, vector<16xf32>,
      %parallel_loop3A_364 = arith.constant 32 : i32
      %parallel_loop3A_365 = vector.broadcast %parallel_loop3A_364 : i32 to vector<16xi32>
      %parallel_loop3A_366 = arith.addi %parallel_loop3A_247, %parallel_loop3A_365 : vector<16xi32>
      %parallel_loop3A_367 = tpu.vector_load_idx %arg9[%parallel_loop3A_366] : memref<12800xf32, #tpu.memory_space<vmem>>[vector<16xi32>], vector<16xf32>,
      %parallel_loop3A_368 = arith.constant 32 : i32
      %parallel_loop3A_369 = vector.broadcast %parallel_loop3A_368 : i32 to vector<16xi32>
      %parallel_loop3A_370 = arith.addi %parallel_loop3A_251, %parallel_loop3A_369 : vector<16xi32>
      %parallel_loop3A_371 = tpu.vector_load_idx %arg9[%parallel_loop3A_370] : memref<12800xf32, #tpu.memory_space<vmem>>[vector<16xi32>], vector<16xf32>,
      %parallel_loop3A_372 = arith.addf %parallel_loop3A_367, %parallel_loop3A_371 : vector<16xf32>
      %parallel_loop3A_373 = arith.constant 32 : i32
      %parallel_loop3A_374 = vector.broadcast %parallel_loop3A_373 : i32 to vector<16xi32>
      %parallel_loop3A_375 = arith.addi %parallel_loop3A_255, %parallel_loop3A_374 : vector<16xi32>
      %parallel_loop3A_376 = tpu.vector_load_idx %arg9[%parallel_loop3A_375] : memref<12800xf32, #tpu.memory_space<vmem>>[vector<16xi32>], vector<16xf32>,
      %parallel_loop3A_377 = arith.addf %parallel_loop3A_372, %parallel_loop3A_376 : vector<16xf32>
      %parallel_loop3A_378 = arith.constant 32 : i32
      %parallel_loop3A_379 = vector.broadcast %parallel_loop3A_378 : i32 to vector<16xi32>
      %parallel_loop3A_380 = arith.addi %parallel_loop3A_259, %parallel_loop3A_379 : vector<16xi32>
      %parallel_loop3A_381 = tpu.vector_load_idx %arg9[%parallel_loop3A_380] : memref<12800xf32, #tpu.memory_space<vmem>>[vector<16xi32>], vector<16xf32>,
      %parallel_loop3A_382 = arith.addf %parallel_loop3A_377, %parallel_loop3A_381 : vector<16xf32>
      %parallel_loop3A_383 = arith.constant 32 : i32
      %parallel_loop3A_384 = vector.broadcast %parallel_loop3A_383 : i32 to vector<16xi32>
      %parallel_loop3A_385 = arith.addi %parallel_loop3A_263, %parallel_loop3A_384 : vector<16xi32>
      %parallel_loop3A_386 = tpu.vector_load_idx %arg9[%parallel_loop3A_385] : memref<12800xf32, #tpu.memory_space<vmem>>[vector<16xi32>], vector<16xf32>,
      %parallel_loop3A_387 = arith.addf %parallel_loop3A_382, %parallel_loop3A_386 : vector<16xf32>
      %parallel_loop3A_388 = arith.constant 32 : i32
      %parallel_loop3A_389 = vector.broadcast %parallel_loop3A_388 : i32 to vector<16xi32>
      %parallel_loop3A_390 = arith.addi %parallel_loop3A_267, %parallel_loop3A_389 : vector<16xi32>
      %parallel_loop3A_391 = tpu.vector_load_idx %arg9[%parallel_loop3A_390] : memref<12800xf32, #tpu.memory_space<vmem>>[vector<16xi32>], vector<16xf32>,
      %parallel_loop3A_392 = arith.addf %parallel_loop3A_387, %parallel_loop3A_391 : vector<16xf32>
      %parallel_loop3A_393 = arith.constant 32 : i32
      %parallel_loop3A_394 = vector.broadcast %parallel_loop3A_393 : i32 to vector<16xi32>
      %parallel_loop3A_395 = arith.addi %parallel_loop3A_271, %parallel_loop3A_394 : vector<16xi32>
      %parallel_loop3A_396 = tpu.vector_load_idx %arg9[%parallel_loop3A_395] : memref<12800xf32, #tpu.memory_space<vmem>>[vector<16xi32>], vector<16xf32>,
      %parallel_loop3A_397 = arith.addf %parallel_loop3A_392, %parallel_loop3A_396 : vector<16xf32>
      %parallel_loop3A_398 = arith.constant 32 : i32
      %parallel_loop3A_399 = vector.broadcast %parallel_loop3A_398 : i32 to vector<16xi32>
      %parallel_loop3A_400 = arith.addi %parallel_loop3A_275, %parallel_loop3A_399 : vector<16xi32>
      %parallel_loop3A_401 = tpu.vector_load_idx %arg9[%parallel_loop3A_400] : memref<12800xf32, #tpu.memory_space<vmem>>[vector<16xi32>], vector<16xf32>,
      %parallel_loop3A_402 = arith.addf %parallel_loop3A_397, %parallel_loop3A_401 : vector<16xf32>
      %parallel_loop3A_403 = arith.constant 0 : i32
      %parallel_loop3A_404 = tpu.memref_slice %arg10[%parallel_loop3A_208, %parallel_loop3A_403] : memref<512x128xf32, #tpu.memory_space<vmem>> -> memref<1x128xf32, #tpu.memory_space<vmem>>
      %parallel_loop3A_405 = tpu.memref_squeeze %parallel_loop3A_404 : memref<1x128xf32, #tpu.memory_space<vmem>> -> memref<128xf32, #tpu.memory_space<vmem>>
      %parallel_loop3A_406 = arith.constant 32 : index
      %parallel_loop3A_407 = tpu.vector_load %parallel_loop3A_405[%parallel_loop3A_406] {strides = array<i32>} : memref<128xf32, #tpu.memory_space<vmem>>, vector<16xf32>,
      tpu.vector_store %parallel_loop3A_405[%parallel_loop3A_406], %parallel_loop3A_402 {strides = array<i32>} : memref<128xf32, #tpu.memory_space<vmem>>, vector<16xf32>,
      %parallel_loop3A_408 = arith.constant 48 : i32
      %parallel_loop3A_409 = vector.broadcast %parallel_loop3A_408 : i32 to vector<16xi32>
      %parallel_loop3A_410 = arith.addi %parallel_loop3A_247, %parallel_loop3A_409 : vector<16xi32>
      %parallel_loop3A_411 = tpu.vector_load_idx %arg9[%parallel_loop3A_410] : memref<12800xf32, #tpu.memory_space<vmem>>[vector<16xi32>], vector<16xf32>,
      %parallel_loop3A_412 = arith.constant 48 : i32
      %parallel_loop3A_413 = vector.broadcast %parallel_loop3A_412 : i32 to vector<16xi32>
      %parallel_loop3A_414 = arith.addi %parallel_loop3A_251, %parallel_loop3A_413 : vector<16xi32>
      %parallel_loop3A_415 = tpu.vector_load_idx %arg9[%parallel_loop3A_414] : memref<12800xf32, #tpu.memory_space<vmem>>[vector<16xi32>], vector<16xf32>,
      %parallel_loop3A_416 = arith.addf %parallel_loop3A_411, %parallel_loop3A_415 : vector<16xf32>
      %parallel_loop3A_417 = arith.constant 48 : i32
      %parallel_loop3A_418 = vector.broadcast %parallel_loop3A_417 : i32 to vector<16xi32>
      %parallel_loop3A_419 = arith.addi %parallel_loop3A_255, %parallel_loop3A_418 : vector<16xi32>
      %parallel_loop3A_420 = tpu.vector_load_idx %arg9[%parallel_loop3A_419] : memref<12800xf32, #tpu.memory_space<vmem>>[vector<16xi32>], vector<16xf32>,
      %parallel_loop3A_421 = arith.addf %parallel_loop3A_416, %parallel_loop3A_420 : vector<16xf32>
      %parallel_loop3A_422 = arith.constant 48 : i32
      %parallel_loop3A_423 = vector.broadcast %parallel_loop3A_422 : i32 to vector<16xi32>
      %parallel_loop3A_424 = arith.addi %parallel_loop3A_259, %parallel_loop3A_423 : vector<16xi32>
      %parallel_loop3A_425 = tpu.vector_load_idx %arg9[%parallel_loop3A_424] : memref<12800xf32, #tpu.memory_space<vmem>>[vector<16xi32>], vector<16xf32>,
      %parallel_loop3A_426 = arith.addf %parallel_loop3A_421, %parallel_loop3A_425 : vector<16xf32>
      %parallel_loop3A_427 = arith.constant 48 : i32
      %parallel_loop3A_428 = vector.broadcast %parallel_loop3A_427 : i32 to vector<16xi32>
      %parallel_loop3A_429 = arith.addi %parallel_loop3A_263, %parallel_loop3A_428 : vector<16xi32>
      %parallel_loop3A_430 = tpu.vector_load_idx %arg9[%parallel_loop3A_429] : memref<12800xf32, #tpu.memory_space<vmem>>[vector<16xi32>], vector<16xf32>,
      %parallel_loop3A_431 = arith.addf %parallel_loop3A_426, %parallel_loop3A_430 : vector<16xf32>
      %parallel_loop3A_432 = arith.constant 48 : i32
      %parallel_loop3A_433 = vector.broadcast %parallel_loop3A_432 : i32 to vector<16xi32>
      %parallel_loop3A_434 = arith.addi %parallel_loop3A_267, %parallel_loop3A_433 : vector<16xi32>
      %parallel_loop3A_435 = tpu.vector_load_idx %arg9[%parallel_loop3A_434] : memref<12800xf32, #tpu.memory_space<vmem>>[vector<16xi32>], vector<16xf32>,
      %parallel_loop3A_436 = arith.addf %parallel_loop3A_431, %parallel_loop3A_435 : vector<16xf32>
      %parallel_loop3A_437 = arith.constant 48 : i32
      %parallel_loop3A_438 = vector.broadcast %parallel_loop3A_437 : i32 to vector<16xi32>
      %parallel_loop3A_439 = arith.addi %parallel_loop3A_271, %parallel_loop3A_438 : vector<16xi32>
      %parallel_loop3A_440 = tpu.vector_load_idx %arg9[%parallel_loop3A_439] : memref<12800xf32, #tpu.memory_space<vmem>>[vector<16xi32>], vector<16xf32>,
      %parallel_loop3A_441 = arith.addf %parallel_loop3A_436, %parallel_loop3A_440 : vector<16xf32>
      %parallel_loop3A_442 = arith.constant 48 : i32
      %parallel_loop3A_443 = vector.broadcast %parallel_loop3A_442 : i32 to vector<16xi32>
      %parallel_loop3A_444 = arith.addi %parallel_loop3A_275, %parallel_loop3A_443 : vector<16xi32>
      %parallel_loop3A_445 = tpu.vector_load_idx %arg9[%parallel_loop3A_444] : memref<12800xf32, #tpu.memory_space<vmem>>[vector<16xi32>], vector<16xf32>,
      %parallel_loop3A_446 = arith.addf %parallel_loop3A_441, %parallel_loop3A_445 : vector<16xf32>
      %parallel_loop3A_447 = arith.constant 0 : i32
      %parallel_loop3A_448 = tpu.memref_slice %arg10[%parallel_loop3A_208, %parallel_loop3A_447] : memref<512x128xf32, #tpu.memory_space<vmem>> -> memref<1x128xf32, #tpu.memory_space<vmem>>
      %parallel_loop3A_449 = tpu.memref_squeeze %parallel_loop3A_448 : memref<1x128xf32, #tpu.memory_space<vmem>> -> memref<128xf32, #tpu.memory_space<vmem>>
      %parallel_loop3A_450 = arith.constant 48 : index
      %parallel_loop3A_451 = tpu.vector_load %parallel_loop3A_449[%parallel_loop3A_450] {strides = array<i32>} : memref<128xf32, #tpu.memory_space<vmem>>, vector<16xf32>,
      tpu.vector_store %parallel_loop3A_449[%parallel_loop3A_450], %parallel_loop3A_446 {strides = array<i32>} : memref<128xf32, #tpu.memory_space<vmem>>, vector<16xf32>,
      %parallel_loop3A_452 = arith.constant 64 : i32
      %parallel_loop3A_453 = vector.broadcast %parallel_loop3A_452 : i32 to vector<16xi32>
      %parallel_loop3A_454 = arith.addi %parallel_loop3A_247, %parallel_loop3A_453 : vector<16xi32>
      %parallel_loop3A_455 = tpu.vector_load_idx %arg9[%parallel_loop3A_454] : memref<12800xf32, #tpu.memory_space<vmem>>[vector<16xi32>], vector<16xf32>,
      %parallel_loop3A_456 = arith.constant 64 : i32
      %parallel_loop3A_457 = vector.broadcast %parallel_loop3A_456 : i32 to vector<16xi32>
      %parallel_loop3A_458 = arith.addi %parallel_loop3A_251, %parallel_loop3A_457 : vector<16xi32>
      %parallel_loop3A_459 = tpu.vector_load_idx %arg9[%parallel_loop3A_458] : memref<12800xf32, #tpu.memory_space<vmem>>[vector<16xi32>], vector<16xf32>,
      %parallel_loop3A_460 = arith.addf %parallel_loop3A_455, %parallel_loop3A_459 : vector<16xf32>
      %parallel_loop3A_461 = arith.constant 64 : i32
      %parallel_loop3A_462 = vector.broadcast %parallel_loop3A_461 : i32 to vector<16xi32>
      %parallel_loop3A_463 = arith.addi %parallel_loop3A_255, %parallel_loop3A_462 : vector<16xi32>
      %parallel_loop3A_464 = tpu.vector_load_idx %arg9[%parallel_loop3A_463] : memref<12800xf32, #tpu.memory_space<vmem>>[vector<16xi32>], vector<16xf32>,
      %parallel_loop3A_465 = arith.addf %parallel_loop3A_460, %parallel_loop3A_464 : vector<16xf32>
      %parallel_loop3A_466 = arith.constant 64 : i32
      %parallel_loop3A_467 = vector.broadcast %parallel_loop3A_466 : i32 to vector<16xi32>
      %parallel_loop3A_468 = arith.addi %parallel_loop3A_259, %parallel_loop3A_467 : vector<16xi32>
      %parallel_loop3A_469 = tpu.vector_load_idx %arg9[%parallel_loop3A_468] : memref<12800xf32, #tpu.memory_space<vmem>>[vector<16xi32>], vector<16xf32>,
      %parallel_loop3A_470 = arith.addf %parallel_loop3A_465, %parallel_loop3A_469 : vector<16xf32>
      %parallel_loop3A_471 = arith.constant 64 : i32
      %parallel_loop3A_472 = vector.broadcast %parallel_loop3A_471 : i32 to vector<16xi32>
      %parallel_loop3A_473 = arith.addi %parallel_loop3A_263, %parallel_loop3A_472 : vector<16xi32>
      %parallel_loop3A_474 = tpu.vector_load_idx %arg9[%parallel_loop3A_473] : memref<12800xf32, #tpu.memory_space<vmem>>[vector<16xi32>], vector<16xf32>,
      %parallel_loop3A_475 = arith.addf %parallel_loop3A_470, %parallel_loop3A_474 : vector<16xf32>
      %parallel_loop3A_476 = arith.constant 64 : i32
      %parallel_loop3A_477 = vector.broadcast %parallel_loop3A_476 : i32 to vector<16xi32>
      %parallel_loop3A_478 = arith.addi %parallel_loop3A_267, %parallel_loop3A_477 : vector<16xi32>
      %parallel_loop3A_479 = tpu.vector_load_idx %arg9[%parallel_loop3A_478] : memref<12800xf32, #tpu.memory_space<vmem>>[vector<16xi32>], vector<16xf32>,
      %parallel_loop3A_480 = arith.addf %parallel_loop3A_475, %parallel_loop3A_479 : vector<16xf32>
      %parallel_loop3A_481 = arith.constant 64 : i32
      %parallel_loop3A_482 = vector.broadcast %parallel_loop3A_481 : i32 to vector<16xi32>
      %parallel_loop3A_483 = arith.addi %parallel_loop3A_271, %parallel_loop3A_482 : vector<16xi32>
      %parallel_loop3A_484 = tpu.vector_load_idx %arg9[%parallel_loop3A_483] : memref<12800xf32, #tpu.memory_space<vmem>>[vector<16xi32>], vector<16xf32>,
      %parallel_loop3A_485 = arith.addf %parallel_loop3A_480, %parallel_loop3A_484 : vector<16xf32>
      %parallel_loop3A_486 = arith.constant 64 : i32
      %parallel_loop3A_487 = vector.broadcast %parallel_loop3A_486 : i32 to vector<16xi32>
      %parallel_loop3A_488 = arith.addi %parallel_loop3A_275, %parallel_loop3A_487 : vector<16xi32>
      %parallel_loop3A_489 = tpu.vector_load_idx %arg9[%parallel_loop3A_488] : memref<12800xf32, #tpu.memory_space<vmem>>[vector<16xi32>], vector<16xf32>,
      %parallel_loop3A_490 = arith.addf %parallel_loop3A_485, %parallel_loop3A_489 : vector<16xf32>
      %parallel_loop3A_491 = arith.constant 0 : i32
      %parallel_loop3A_492 = tpu.memref_slice %arg10[%parallel_loop3A_208, %parallel_loop3A_491] : memref<512x128xf32, #tpu.memory_space<vmem>> -> memref<1x128xf32, #tpu.memory_space<vmem>>
      %parallel_loop3A_493 = tpu.memref_squeeze %parallel_loop3A_492 : memref<1x128xf32, #tpu.memory_space<vmem>> -> memref<128xf32, #tpu.memory_space<vmem>>
      %parallel_loop3A_494 = arith.constant 64 : index
      %parallel_loop3A_495 = tpu.vector_load %parallel_loop3A_493[%parallel_loop3A_494] {strides = array<i32>} : memref<128xf32, #tpu.memory_space<vmem>>, vector<16xf32>,
      tpu.vector_store %parallel_loop3A_493[%parallel_loop3A_494], %parallel_loop3A_490 {strides = array<i32>} : memref<128xf32, #tpu.memory_space<vmem>>, vector<16xf32>,
      %parallel_loop3A_496 = arith.constant 80 : i32
      %parallel_loop3A_497 = vector.broadcast %parallel_loop3A_496 : i32 to vector<16xi32>
      %parallel_loop3A_498 = arith.addi %parallel_loop3A_247, %parallel_loop3A_497 : vector<16xi32>
      %parallel_loop3A_499 = tpu.vector_load_idx %arg9[%parallel_loop3A_498] : memref<12800xf32, #tpu.memory_space<vmem>>[vector<16xi32>], vector<16xf32>,
      %parallel_loop3A_500 = arith.constant 80 : i32
      %parallel_loop3A_501 = vector.broadcast %parallel_loop3A_500 : i32 to vector<16xi32>
      %parallel_loop3A_502 = arith.addi %parallel_loop3A_251, %parallel_loop3A_501 : vector<16xi32>
      %parallel_loop3A_503 = tpu.vector_load_idx %arg9[%parallel_loop3A_502] : memref<12800xf32, #tpu.memory_space<vmem>>[vector<16xi32>], vector<16xf32>,
      %parallel_loop3A_504 = arith.addf %parallel_loop3A_499, %parallel_loop3A_503 : vector<16xf32>
      %parallel_loop3A_505 = arith.constant 80 : i32
      %parallel_loop3A_506 = vector.broadcast %parallel_loop3A_505 : i32 to vector<16xi32>
      %parallel_loop3A_507 = arith.addi %parallel_loop3A_255, %parallel_loop3A_506 : vector<16xi32>
      %parallel_loop3A_508 = tpu.vector_load_idx %arg9[%parallel_loop3A_507] : memref<12800xf32, #tpu.memory_space<vmem>>[vector<16xi32>], vector<16xf32>,
      %parallel_loop3A_509 = arith.addf %parallel_loop3A_504, %parallel_loop3A_508 : vector<16xf32>
      %parallel_loop3A_510 = arith.constant 80 : i32
      %parallel_loop3A_511 = vector.broadcast %parallel_loop3A_510 : i32 to vector<16xi32>
      %parallel_loop3A_512 = arith.addi %parallel_loop3A_259, %parallel_loop3A_511 : vector<16xi32>
      %parallel_loop3A_513 = tpu.vector_load_idx %arg9[%parallel_loop3A_512] : memref<12800xf32, #tpu.memory_space<vmem>>[vector<16xi32>], vector<16xf32>,
      %parallel_loop3A_514 = arith.addf %parallel_loop3A_509, %parallel_loop3A_513 : vector<16xf32>
      %parallel_loop3A_515 = arith.constant 80 : i32
      %parallel_loop3A_516 = vector.broadcast %parallel_loop3A_515 : i32 to vector<16xi32>
      %parallel_loop3A_517 = arith.addi %parallel_loop3A_263, %parallel_loop3A_516 : vector<16xi32>
      %parallel_loop3A_518 = tpu.vector_load_idx %arg9[%parallel_loop3A_517] : memref<12800xf32, #tpu.memory_space<vmem>>[vector<16xi32>], vector<16xf32>,
      %parallel_loop3A_519 = arith.addf %parallel_loop3A_514, %parallel_loop3A_518 : vector<16xf32>
      %parallel_loop3A_520 = arith.constant 80 : i32
      %parallel_loop3A_521 = vector.broadcast %parallel_loop3A_520 : i32 to vector<16xi32>
      %parallel_loop3A_522 = arith.addi %parallel_loop3A_267, %parallel_loop3A_521 : vector<16xi32>
      %parallel_loop3A_523 = tpu.vector_load_idx %arg9[%parallel_loop3A_522] : memref<12800xf32, #tpu.memory_space<vmem>>[vector<16xi32>], vector<16xf32>,
      %parallel_loop3A_524 = arith.addf %parallel_loop3A_519, %parallel_loop3A_523 : vector<16xf32>
      %parallel_loop3A_525 = arith.constant 80 : i32
      %parallel_loop3A_526 = vector.broadcast %parallel_loop3A_525 : i32 to vector<16xi32>
      %parallel_loop3A_527 = arith.addi %parallel_loop3A_271, %parallel_loop3A_526 : vector<16xi32>
      %parallel_loop3A_528 = tpu.vector_load_idx %arg9[%parallel_loop3A_527] : memref<12800xf32, #tpu.memory_space<vmem>>[vector<16xi32>], vector<16xf32>,
      %parallel_loop3A_529 = arith.addf %parallel_loop3A_524, %parallel_loop3A_528 : vector<16xf32>
      %parallel_loop3A_530 = arith.constant 80 : i32
      %parallel_loop3A_531 = vector.broadcast %parallel_loop3A_530 : i32 to vector<16xi32>
      %parallel_loop3A_532 = arith.addi %parallel_loop3A_275, %parallel_loop3A_531 : vector<16xi32>
      %parallel_loop3A_533 = tpu.vector_load_idx %arg9[%parallel_loop3A_532] : memref<12800xf32, #tpu.memory_space<vmem>>[vector<16xi32>], vector<16xf32>,
      %parallel_loop3A_534 = arith.addf %parallel_loop3A_529, %parallel_loop3A_533 : vector<16xf32>
      %parallel_loop3A_535 = arith.constant 0 : i32
      %parallel_loop3A_536 = tpu.memref_slice %arg10[%parallel_loop3A_208, %parallel_loop3A_535] : memref<512x128xf32, #tpu.memory_space<vmem>> -> memref<1x128xf32, #tpu.memory_space<vmem>>
      %parallel_loop3A_537 = tpu.memref_squeeze %parallel_loop3A_536 : memref<1x128xf32, #tpu.memory_space<vmem>> -> memref<128xf32, #tpu.memory_space<vmem>>
      %parallel_loop3A_538 = arith.constant 80 : index
      %parallel_loop3A_539 = tpu.vector_load %parallel_loop3A_537[%parallel_loop3A_538] {strides = array<i32>} : memref<128xf32, #tpu.memory_space<vmem>>, vector<16xf32>,
      tpu.vector_store %parallel_loop3A_537[%parallel_loop3A_538], %parallel_loop3A_534 {strides = array<i32>} : memref<128xf32, #tpu.memory_space<vmem>>, vector<16xf32>,
      %parallel_loop3A_540 = arith.constant 96 : i32
      %parallel_loop3A_541 = vector.broadcast %parallel_loop3A_540 : i32 to vector<16xi32>
      %parallel_loop3A_542 = arith.addi %parallel_loop3A_247, %parallel_loop3A_541 : vector<16xi32>
      %parallel_loop3A_543 = tpu.vector_load_idx %arg9[%parallel_loop3A_542] : memref<12800xf32, #tpu.memory_space<vmem>>[vector<16xi32>], vector<16xf32>,
      %parallel_loop3A_544 = arith.constant 96 : i32
      %parallel_loop3A_545 = vector.broadcast %parallel_loop3A_544 : i32 to vector<16xi32>
      %parallel_loop3A_546 = arith.addi %parallel_loop3A_251, %parallel_loop3A_545 : vector<16xi32>
      %parallel_loop3A_547 = tpu.vector_load_idx %arg9[%parallel_loop3A_546] : memref<12800xf32, #tpu.memory_space<vmem>>[vector<16xi32>], vector<16xf32>,
      %parallel_loop3A_548 = arith.addf %parallel_loop3A_543, %parallel_loop3A_547 : vector<16xf32>
      %parallel_loop3A_549 = arith.constant 96 : i32
      %parallel_loop3A_550 = vector.broadcast %parallel_loop3A_549 : i32 to vector<16xi32>
      %parallel_loop3A_551 = arith.addi %parallel_loop3A_255, %parallel_loop3A_550 : vector<16xi32>
      %parallel_loop3A_552 = tpu.vector_load_idx %arg9[%parallel_loop3A_551] : memref<12800xf32, #tpu.memory_space<vmem>>[vector<16xi32>], vector<16xf32>,
      %parallel_loop3A_553 = arith.addf %parallel_loop3A_548, %parallel_loop3A_552 : vector<16xf32>
      %parallel_loop3A_554 = arith.constant 96 : i32
      %parallel_loop3A_555 = vector.broadcast %parallel_loop3A_554 : i32 to vector<16xi32>
      %parallel_loop3A_556 = arith.addi %parallel_loop3A_259, %parallel_loop3A_555 : vector<16xi32>
      %parallel_loop3A_557 = tpu.vector_load_idx %arg9[%parallel_loop3A_556] : memref<12800xf32, #tpu.memory_space<vmem>>[vector<16xi32>], vector<16xf32>,
      %parallel_loop3A_558 = arith.addf %parallel_loop3A_553, %parallel_loop3A_557 : vector<16xf32>
      %parallel_loop3A_559 = arith.constant 96 : i32
      %parallel_loop3A_560 = vector.broadcast %parallel_loop3A_559 : i32 to vector<16xi32>
      %parallel_loop3A_561 = arith.addi %parallel_loop3A_263, %parallel_loop3A_560 : vector<16xi32>
      %parallel_loop3A_562 = tpu.vector_load_idx %arg9[%parallel_loop3A_561] : memref<12800xf32, #tpu.memory_space<vmem>>[vector<16xi32>], vector<16xf32>,
      %parallel_loop3A_563 = arith.addf %parallel_loop3A_558, %parallel_loop3A_562 : vector<16xf32>
      %parallel_loop3A_564 = arith.constant 96 : i32
      %parallel_loop3A_565 = vector.broadcast %parallel_loop3A_564 : i32 to vector<16xi32>
      %parallel_loop3A_566 = arith.addi %parallel_loop3A_267, %parallel_loop3A_565 : vector<16xi32>
      %parallel_loop3A_567 = tpu.vector_load_idx %arg9[%parallel_loop3A_566] : memref<12800xf32, #tpu.memory_space<vmem>>[vector<16xi32>], vector<16xf32>,
      %parallel_loop3A_568 = arith.addf %parallel_loop3A_563, %parallel_loop3A_567 : vector<16xf32>
      %parallel_loop3A_569 = arith.constant 96 : i32
      %parallel_loop3A_570 = vector.broadcast %parallel_loop3A_569 : i32 to vector<16xi32>
      %parallel_loop3A_571 = arith.addi %parallel_loop3A_271, %parallel_loop3A_570 : vector<16xi32>
      %parallel_loop3A_572 = tpu.vector_load_idx %arg9[%parallel_loop3A_571] : memref<12800xf32, #tpu.memory_space<vmem>>[vector<16xi32>], vector<16xf32>,
      %parallel_loop3A_573 = arith.addf %parallel_loop3A_568, %parallel_loop3A_572 : vector<16xf32>
      %parallel_loop3A_574 = arith.constant 96 : i32
      %parallel_loop3A_575 = vector.broadcast %parallel_loop3A_574 : i32 to vector<16xi32>
      %parallel_loop3A_576 = arith.addi %parallel_loop3A_275, %parallel_loop3A_575 : vector<16xi32>
      %parallel_loop3A_577 = tpu.vector_load_idx %arg9[%parallel_loop3A_576] : memref<12800xf32, #tpu.memory_space<vmem>>[vector<16xi32>], vector<16xf32>,
      %parallel_loop3A_578 = arith.addf %parallel_loop3A_573, %parallel_loop3A_577 : vector<16xf32>
      %parallel_loop3A_579 = arith.constant 0 : i32
      %parallel_loop3A_580 = tpu.memref_slice %arg10[%parallel_loop3A_208, %parallel_loop3A_579] : memref<512x128xf32, #tpu.memory_space<vmem>> -> memref<1x128xf32, #tpu.memory_space<vmem>>
      %parallel_loop3A_581 = tpu.memref_squeeze %parallel_loop3A_580 : memref<1x128xf32, #tpu.memory_space<vmem>> -> memref<128xf32, #tpu.memory_space<vmem>>
      %parallel_loop3A_582 = arith.constant 96 : index
      %parallel_loop3A_583 = tpu.vector_load %parallel_loop3A_581[%parallel_loop3A_582] {strides = array<i32>} : memref<128xf32, #tpu.memory_space<vmem>>, vector<16xf32>,
      tpu.vector_store %parallel_loop3A_581[%parallel_loop3A_582], %parallel_loop3A_578 {strides = array<i32>} : memref<128xf32, #tpu.memory_space<vmem>>, vector<16xf32>,
      %parallel_loop3A_584 = arith.constant 112 : i32
      %parallel_loop3A_585 = vector.broadcast %parallel_loop3A_584 : i32 to vector<16xi32>
      %parallel_loop3A_586 = arith.addi %parallel_loop3A_247, %parallel_loop3A_585 : vector<16xi32>
      %parallel_loop3A_587 = tpu.vector_load_idx %arg9[%parallel_loop3A_586] : memref<12800xf32, #tpu.memory_space<vmem>>[vector<16xi32>], vector<16xf32>,
      %parallel_loop3A_588 = arith.constant 112 : i32
      %parallel_loop3A_589 = vector.broadcast %parallel_loop3A_588 : i32 to vector<16xi32>
      %parallel_loop3A_590 = arith.addi %parallel_loop3A_251, %parallel_loop3A_589 : vector<16xi32>
      %parallel_loop3A_591 = tpu.vector_load_idx %arg9[%parallel_loop3A_590] : memref<12800xf32, #tpu.memory_space<vmem>>[vector<16xi32>], vector<16xf32>,
      %parallel_loop3A_592 = arith.addf %parallel_loop3A_587, %parallel_loop3A_591 : vector<16xf32>
      %parallel_loop3A_593 = arith.constant 112 : i32
      %parallel_loop3A_594 = vector.broadcast %parallel_loop3A_593 : i32 to vector<16xi32>
      %parallel_loop3A_595 = arith.addi %parallel_loop3A_255, %parallel_loop3A_594 : vector<16xi32>
      %parallel_loop3A_596 = tpu.vector_load_idx %arg9[%parallel_loop3A_595] : memref<12800xf32, #tpu.memory_space<vmem>>[vector<16xi32>], vector<16xf32>,
      %parallel_loop3A_597 = arith.addf %parallel_loop3A_592, %parallel_loop3A_596 : vector<16xf32>
      %parallel_loop3A_598 = arith.constant 112 : i32
      %parallel_loop3A_599 = vector.broadcast %parallel_loop3A_598 : i32 to vector<16xi32>
      %parallel_loop3A_600 = arith.addi %parallel_loop3A_259, %parallel_loop3A_599 : vector<16xi32>
      %parallel_loop3A_601 = tpu.vector_load_idx %arg9[%parallel_loop3A_600] : memref<12800xf32, #tpu.memory_space<vmem>>[vector<16xi32>], vector<16xf32>,
      %parallel_loop3A_602 = arith.addf %parallel_loop3A_597, %parallel_loop3A_601 : vector<16xf32>
      %parallel_loop3A_603 = arith.constant 112 : i32
      %parallel_loop3A_604 = vector.broadcast %parallel_loop3A_603 : i32 to vector<16xi32>
      %parallel_loop3A_605 = arith.addi %parallel_loop3A_263, %parallel_loop3A_604 : vector<16xi32>
      %parallel_loop3A_606 = tpu.vector_load_idx %arg9[%parallel_loop3A_605] : memref<12800xf32, #tpu.memory_space<vmem>>[vector<16xi32>], vector<16xf32>,
      %parallel_loop3A_607 = arith.addf %parallel_loop3A_602, %parallel_loop3A_606 : vector<16xf32>
      %parallel_loop3A_608 = arith.constant 112 : i32
      %parallel_loop3A_609 = vector.broadcast %parallel_loop3A_608 : i32 to vector<16xi32>
      %parallel_loop3A_610 = arith.addi %parallel_loop3A_267, %parallel_loop3A_609 : vector<16xi32>
      %parallel_loop3A_611 = tpu.vector_load_idx %arg9[%parallel_loop3A_610] : memref<12800xf32, #tpu.memory_space<vmem>>[vector<16xi32>], vector<16xf32>,
      %parallel_loop3A_612 = arith.addf %parallel_loop3A_607, %parallel_loop3A_611 : vector<16xf32>
      %parallel_loop3A_613 = arith.constant 112 : i32
      %parallel_loop3A_614 = vector.broadcast %parallel_loop3A_613 : i32 to vector<16xi32>
      %parallel_loop3A_615 = arith.addi %parallel_loop3A_271, %parallel_loop3A_614 : vector<16xi32>
      %parallel_loop3A_616 = tpu.vector_load_idx %arg9[%parallel_loop3A_615] : memref<12800xf32, #tpu.memory_space<vmem>>[vector<16xi32>], vector<16xf32>,
      %parallel_loop3A_617 = arith.addf %parallel_loop3A_612, %parallel_loop3A_616 : vector<16xf32>
      %parallel_loop3A_618 = arith.constant 112 : i32
      %parallel_loop3A_619 = vector.broadcast %parallel_loop3A_618 : i32 to vector<16xi32>
      %parallel_loop3A_620 = arith.addi %parallel_loop3A_275, %parallel_loop3A_619 : vector<16xi32>
      %parallel_loop3A_621 = tpu.vector_load_idx %arg9[%parallel_loop3A_620] : memref<12800xf32, #tpu.memory_space<vmem>>[vector<16xi32>], vector<16xf32>,
      %parallel_loop3A_622 = arith.addf %parallel_loop3A_617, %parallel_loop3A_621 : vector<16xf32>
      %parallel_loop3A_623 = arith.constant 0 : i32
      %parallel_loop3A_624 = tpu.memref_slice %arg10[%parallel_loop3A_208, %parallel_loop3A_623] : memref<512x128xf32, #tpu.memory_space<vmem>> -> memref<1x128xf32, #tpu.memory_space<vmem>>
      %parallel_loop3A_625 = tpu.memref_squeeze %parallel_loop3A_624 : memref<1x128xf32, #tpu.memory_space<vmem>> -> memref<128xf32, #tpu.memory_space<vmem>>
      %parallel_loop3A_626 = arith.constant 112 : index
      %parallel_loop3A_627 = tpu.vector_load %parallel_loop3A_625[%parallel_loop3A_626] {strides = array<i32>} : memref<128xf32, #tpu.memory_space<vmem>>, vector<16xf32>,
      tpu.vector_store %parallel_loop3A_625[%parallel_loop3A_626], %parallel_loop3A_622 {strides = array<i32>} : memref<128xf32, #tpu.memory_space<vmem>>, vector<16xf32>,
    } {sc.loop_unroll_factor = 1 : i64, sc.parallel_access}
    %dma_wait3A = arith.constant 0 : i32
    %dma_wait3A_22 = arith.constant 0 : i32
    %dma_wait3A_23 = tpu.memref_slice %arg7[%dma_wait3A, %dma_wait3A_22] : memref<4x128xi32, #tpu.memory_space<vmem>> -> memref<1x128xi32, #tpu.memory_space<vmem>>
    %dma_wait3A_24 = tpu.memref_squeeze %dma_wait3A_23 : memref<1x128xi32, #tpu.memory_space<vmem>> -> memref<128xi32, #tpu.memory_space<vmem>>
    %dma_wait3A_25 = arith.constant 0 : i32
    %dma_wait3A_26 = arith.constant 0 : i32
    %dma_wait3A_27 = tpu.memref_slice %arg4[%dma_wait3A_25, %dma_wait3A_26] : memref<1001x128xf32, #tpu.memory_space<hbm>> -> memref<1001x128xf32, #tpu.memory_space<hbm>>
    tpu.wait_indirect_dma semaphore(%arg13 : memref<!tpu.dma_semaphore, #tpu.memory_space<semaphore_mem>>) src(%dma_wait3A_27 : memref<1001x128xf32, #tpu.memory_space<hbm>>) dst(%arg11 : memref<128x128xf32, #tpu.memory_space<vmem>>)
    %add3A_28 = arith.constant 0 : i32
    %add3A_29 = arith.addi %mul3A_2, %add3A_28 : i32
    %dma_start3A_30 = arith.constant 0 : i32
    %dma_start3A_31 = tpu.memref_slice %arg6[%add3A_29, %dma_start3A_30] : memref<16384x256xf32, #tpu.memory_space<hbm>> -> memref<128x128xf32, #tpu.memory_space<hbm>>
    %dma_start3A_32 = arith.constant 0 : i32
    %dma_start3A_33 = tpu.memref_slice %arg6[%add3A_29, %dma_start3A_32] : memref<16384x256xf32, #tpu.memory_space<hbm>> -> memref<128x128xf32, #tpu.memory_space<hbm>>
    tpu.enqueue_dma source(%arg11 : memref<128x128xf32, #tpu.memory_space<vmem>>) target(%dma_start3A_33 : memref<128x128xf32, #tpu.memory_space<hbm>>) target_semaphore(%arg15 : memref<!tpu.dma_semaphore, #tpu.memory_space<semaphore_mem>>)
    %add3A_34 = arith.constant 0 : i32
    %add3A_35 = arith.addi %mul3A_2, %add3A_34 : i32
    %dma_start3A_36 = arith.constant 0 : i32
    %dma_start3A_37 = arith.constant 0 : i32
    %dma_start3A_38 = tpu.memref_slice %arg10[%dma_start3A_36, %dma_start3A_37] : memref<512x128xf32, #tpu.memory_space<vmem>> -> memref<128x128xf32, #tpu.memory_space<vmem>>
    %dma_start3A_39 = arith.constant 128 : i32
    %dma_start3A_40 = tpu.memref_slice %arg6[%add3A_35, %dma_start3A_39] : memref<16384x256xf32, #tpu.memory_space<hbm>> -> memref<128x128xf32, #tpu.memory_space<hbm>>
    %dma_start3A_41 = arith.constant 128 : i32
    %dma_start3A_42 = tpu.memref_slice %arg6[%add3A_35, %dma_start3A_41] : memref<16384x256xf32, #tpu.memory_space<hbm>> -> memref<128x128xf32, #tpu.memory_space<hbm>>
    %dma_start3A_43 = arith.constant 0 : i32
    %dma_start3A_44 = arith.constant 0 : i32
    %dma_start3A_45 = tpu.memref_slice %arg10[%dma_start3A_43, %dma_start3A_44] : memref<512x128xf32, #tpu.memory_space<vmem>> -> memref<128x128xf32, #tpu.memory_space<vmem>>
    tpu.enqueue_dma source(%dma_start3A_45 : memref<128x128xf32, #tpu.memory_space<vmem>>) target(%dma_start3A_42 : memref<128x128xf32, #tpu.memory_space<hbm>>) target_semaphore(%arg16 : memref<!tpu.dma_semaphore, #tpu.memory_space<semaphore_mem>>)
    %dma_wait3A_46 = arith.constant 0 : i32
    %dma_wait3A_47 = tpu.memref_slice %arg6[%add3A_29, %dma_wait3A_46] : memref<16384x256xf32, #tpu.memory_space<hbm>> -> memref<128x128xf32, #tpu.memory_space<hbm>>
    %dma_wait3A_48 = arith.constant 0 : i32
    %dma_wait3A_49 = tpu.memref_slice %arg6[%add3A_29, %dma_wait3A_48] : memref<16384x256xf32, #tpu.memory_space<hbm>> -> memref<128x128xf32, #tpu.memory_space<hbm>>
    tpu.wait_dma2 semaphore(%arg15 : memref<!tpu.dma_semaphore, #tpu.memory_space<semaphore_mem>>) src(%arg11 : memref<128x128xf32, #tpu.memory_space<vmem>>) dst(%dma_wait3A_49 : memref<128x128xf32, #tpu.memory_space<hbm>>)
    %dma_start3A_50 = arith.constant 2 : i32
    %dma_start3A_51 = arith.constant 0 : i32
    %dma_start3A_52 = tpu.memref_slice %arg7[%dma_start3A_50, %dma_start3A_51] : memref<4x128xi32, #tpu.memory_space<vmem>> -> memref<1x128xi32, #tpu.memory_space<vmem>>
    %dma_start3A_53 = tpu.memref_squeeze %dma_start3A_52 : memref<1x128xi32, #tpu.memory_space<vmem>> -> memref<128xi32, #tpu.memory_space<vmem>>
    %dma_start3A_54 = arith.constant 0 : i32
    %dma_start3A_55 = arith.constant 0 : i32
    %dma_start3A_56 = tpu.memref_slice %arg4[%dma_start3A_54, %dma_start3A_55] : memref<1001x128xf32, #tpu.memory_space<hbm>> -> memref<1001x128xf32, #tpu.memory_space<hbm>>
    tpu.enqueue_indirect_dma source(%dma_start3A_56 : memref<1001x128xf32, #tpu.memory_space<hbm>>) target(%arg11 : memref<128x128xf32, #tpu.memory_space<vmem>>) offsets(%dma_start3A_53 : memref<128xi32, #tpu.memory_space<vmem>>) semaphore(%arg13 : memref<!tpu.dma_semaphore, #tpu.memory_space<semaphore_mem>>)
    %parallel_loop3A_57 = arith.constant 128 : i32
    %parallel_loop3A_58 = arith.constant 256 : i32
    %parallel_loop3A_59 = arith.constant 1 : i32
    scf.for %parallel_loop3A_208 = %parallel_loop3A_57 to %parallel_loop3A_58 step %parallel_loop3A_59  : i32 {
      %parallel_loop3A_209 = arith.constant 8 : i32
      %parallel_loop3A_210 = arith.muli %parallel_loop3A_208, %parallel_loop3A_209 : i32
      %parallel_loop3A_211 = vector.broadcast %parallel_loop3A_210 : i32 to vector<16xi32>
      %parallel_loop3A_212 = arith.constant 0 : i32
      %parallel_loop3A_213 = vector.broadcast %parallel_loop3A_212 : i32 to vector<16xi32>
      %parallel_loop3A_214 = arith.addi %parallel_loop3A_211, %parallel_loop3A_213 : vector<16xi32>
      %parallel_loop3A_215 = tpu.vector_load_idx %arg8[%parallel_loop3A_214] : memref<4096xi32, #tpu.memory_space<vmem>>[vector<16xi32>], vector<16xi32>,
      %parallel_loop3A_216 = arith.constant 1 : i32
      %parallel_loop3A_217 = vector.broadcast %parallel_loop3A_216 : i32 to vector<16xi32>
      %parallel_loop3A_218 = arith.addi %parallel_loop3A_211, %parallel_loop3A_217 : vector<16xi32>
      %parallel_loop3A_219 = tpu.vector_load_idx %arg8[%parallel_loop3A_218] : memref<4096xi32, #tpu.memory_space<vmem>>[vector<16xi32>], vector<16xi32>,
      %parallel_loop3A_220 = arith.constant 2 : i32
      %parallel_loop3A_221 = vector.broadcast %parallel_loop3A_220 : i32 to vector<16xi32>
      %parallel_loop3A_222 = arith.addi %parallel_loop3A_211, %parallel_loop3A_221 : vector<16xi32>
      %parallel_loop3A_223 = tpu.vector_load_idx %arg8[%parallel_loop3A_222] : memref<4096xi32, #tpu.memory_space<vmem>>[vector<16xi32>], vector<16xi32>,
      %parallel_loop3A_224 = arith.constant 3 : i32
      %parallel_loop3A_225 = vector.broadcast %parallel_loop3A_224 : i32 to vector<16xi32>
      %parallel_loop3A_226 = arith.addi %parallel_loop3A_211, %parallel_loop3A_225 : vector<16xi32>
      %parallel_loop3A_227 = tpu.vector_load_idx %arg8[%parallel_loop3A_226] : memref<4096xi32, #tpu.memory_space<vmem>>[vector<16xi32>], vector<16xi32>,
      %parallel_loop3A_228 = arith.constant 4 : i32
      %parallel_loop3A_229 = vector.broadcast %parallel_loop3A_228 : i32 to vector<16xi32>
      %parallel_loop3A_230 = arith.addi %parallel_loop3A_211, %parallel_loop3A_229 : vector<16xi32>
      %parallel_loop3A_231 = tpu.vector_load_idx %arg8[%parallel_loop3A_230] : memref<4096xi32, #tpu.memory_space<vmem>>[vector<16xi32>], vector<16xi32>,
      %parallel_loop3A_232 = arith.constant 5 : i32
      %parallel_loop3A_233 = vector.broadcast %parallel_loop3A_232 : i32 to vector<16xi32>
      %parallel_loop3A_234 = arith.addi %parallel_loop3A_211, %parallel_loop3A_233 : vector<16xi32>
      %parallel_loop3A_235 = tpu.vector_load_idx %arg8[%parallel_loop3A_234] : memref<4096xi32, #tpu.memory_space<vmem>>[vector<16xi32>], vector<16xi32>,
      %parallel_loop3A_236 = arith.constant 6 : i32
      %parallel_loop3A_237 = vector.broadcast %parallel_loop3A_236 : i32 to vector<16xi32>
      %parallel_loop3A_238 = arith.addi %parallel_loop3A_211, %parallel_loop3A_237 : vector<16xi32>
      %parallel_loop3A_239 = tpu.vector_load_idx %arg8[%parallel_loop3A_238] : memref<4096xi32, #tpu.memory_space<vmem>>[vector<16xi32>], vector<16xi32>,
      %parallel_loop3A_240 = arith.constant 7 : i32
      %parallel_loop3A_241 = vector.broadcast %parallel_loop3A_240 : i32 to vector<16xi32>
      %parallel_loop3A_242 = arith.addi %parallel_loop3A_211, %parallel_loop3A_241 : vector<16xi32>
      %parallel_loop3A_243 = tpu.vector_load_idx %arg8[%parallel_loop3A_242] : memref<4096xi32, #tpu.memory_space<vmem>>[vector<16xi32>], vector<16xi32>,
      %parallel_loop3A_244 = arith.constant 7 : i32
      %parallel_loop3A_245 = vector.broadcast %parallel_loop3A_244 : i32 to vector<16xi32>
      %parallel_loop3A_246 = arith.shli %parallel_loop3A_215, %parallel_loop3A_245 : vector<16xi32>
      %parallel_loop3A_247 = arith.addi %parallel_loop3A_246, %iota3A : vector<16xi32>
      %parallel_loop3A_248 = arith.constant 7 : i32
      %parallel_loop3A_249 = vector.broadcast %parallel_loop3A_248 : i32 to vector<16xi32>
      %parallel_loop3A_250 = arith.shli %parallel_loop3A_219, %parallel_loop3A_249 : vector<16xi32>
      %parallel_loop3A_251 = arith.addi %parallel_loop3A_250, %iota3A : vector<16xi32>
      %parallel_loop3A_252 = arith.constant 7 : i32
      %parallel_loop3A_253 = vector.broadcast %parallel_loop3A_252 : i32 to vector<16xi32>
      %parallel_loop3A_254 = arith.shli %parallel_loop3A_223, %parallel_loop3A_253 : vector<16xi32>
      %parallel_loop3A_255 = arith.addi %parallel_loop3A_254, %iota3A : vector<16xi32>
      %parallel_loop3A_256 = arith.constant 7 : i32
      %parallel_loop3A_257 = vector.broadcast %parallel_loop3A_256 : i32 to vector<16xi32>
      %parallel_loop3A_258 = arith.shli %parallel_loop3A_227, %parallel_loop3A_257 : vector<16xi32>
      %parallel_loop3A_259 = arith.addi %parallel_loop3A_258, %iota3A : vector<16xi32>
      %parallel_loop3A_260 = arith.constant 7 : i32
      %parallel_loop3A_261 = vector.broadcast %parallel_loop3A_260 : i32 to vector<16xi32>
      %parallel_loop3A_262 = arith.shli %parallel_loop3A_231, %parallel_loop3A_261 : vector<16xi32>
      %parallel_loop3A_263 = arith.addi %parallel_loop3A_262, %iota3A : vector<16xi32>
      %parallel_loop3A_264 = arith.constant 7 : i32
      %parallel_loop3A_265 = vector.broadcast %parallel_loop3A_264 : i32 to vector<16xi32>
      %parallel_loop3A_266 = arith.shli %parallel_loop3A_235, %parallel_loop3A_265 : vector<16xi32>
      %parallel_loop3A_267 = arith.addi %parallel_loop3A_266, %iota3A : vector<16xi32>
      %parallel_loop3A_268 = arith.constant 7 : i32
      %parallel_loop3A_269 = vector.broadcast %parallel_loop3A_268 : i32 to vector<16xi32>
      %parallel_loop3A_270 = arith.shli %parallel_loop3A_239, %parallel_loop3A_269 : vector<16xi32>
      %parallel_loop3A_271 = arith.addi %parallel_loop3A_270, %iota3A : vector<16xi32>
      %parallel_loop3A_272 = arith.constant 7 : i32
      %parallel_loop3A_273 = vector.broadcast %parallel_loop3A_272 : i32 to vector<16xi32>
      %parallel_loop3A_274 = arith.shli %parallel_loop3A_243, %parallel_loop3A_273 : vector<16xi32>
      %parallel_loop3A_275 = arith.addi %parallel_loop3A_274, %iota3A : vector<16xi32>
      %parallel_loop3A_276 = arith.constant 0 : i32
      %parallel_loop3A_277 = vector.broadcast %parallel_loop3A_276 : i32 to vector<16xi32>
      %parallel_loop3A_278 = arith.addi %parallel_loop3A_247, %parallel_loop3A_277 : vector<16xi32>
      %parallel_loop3A_279 = tpu.vector_load_idx %arg9[%parallel_loop3A_278] : memref<12800xf32, #tpu.memory_space<vmem>>[vector<16xi32>], vector<16xf32>,
      %parallel_loop3A_280 = arith.constant 0 : i32
      %parallel_loop3A_281 = vector.broadcast %parallel_loop3A_280 : i32 to vector<16xi32>
      %parallel_loop3A_282 = arith.addi %parallel_loop3A_251, %parallel_loop3A_281 : vector<16xi32>
      %parallel_loop3A_283 = tpu.vector_load_idx %arg9[%parallel_loop3A_282] : memref<12800xf32, #tpu.memory_space<vmem>>[vector<16xi32>], vector<16xf32>,
      %parallel_loop3A_284 = arith.addf %parallel_loop3A_279, %parallel_loop3A_283 : vector<16xf32>
      %parallel_loop3A_285 = arith.constant 0 : i32
      %parallel_loop3A_286 = vector.broadcast %parallel_loop3A_285 : i32 to vector<16xi32>
      %parallel_loop3A_287 = arith.addi %parallel_loop3A_255, %parallel_loop3A_286 : vector<16xi32>
      %parallel_loop3A_288 = tpu.vector_load_idx %arg9[%parallel_loop3A_287] : memref<12800xf32, #tpu.memory_space<vmem>>[vector<16xi32>], vector<16xf32>,
      %parallel_loop3A_289 = arith.addf %parallel_loop3A_284, %parallel_loop3A_288 : vector<16xf32>
      %parallel_loop3A_290 = arith.constant 0 : i32
      %parallel_loop3A_291 = vector.broadcast %parallel_loop3A_290 : i32 to vector<16xi32>
      %parallel_loop3A_292 = arith.addi %parallel_loop3A_259, %parallel_loop3A_291 : vector<16xi32>
      %parallel_loop3A_293 = tpu.vector_load_idx %arg9[%parallel_loop3A_292] : memref<12800xf32, #tpu.memory_space<vmem>>[vector<16xi32>], vector<16xf32>,
      %parallel_loop3A_294 = arith.addf %parallel_loop3A_289, %parallel_loop3A_293 : vector<16xf32>
      %parallel_loop3A_295 = arith.constant 0 : i32
      %parallel_loop3A_296 = vector.broadcast %parallel_loop3A_295 : i32 to vector<16xi32>
      %parallel_loop3A_297 = arith.addi %parallel_loop3A_263, %parallel_loop3A_296 : vector<16xi32>
      %parallel_loop3A_298 = tpu.vector_load_idx %arg9[%parallel_loop3A_297] : memref<12800xf32, #tpu.memory_space<vmem>>[vector<16xi32>], vector<16xf32>,
      %parallel_loop3A_299 = arith.addf %parallel_loop3A_294, %parallel_loop3A_298 : vector<16xf32>
      %parallel_loop3A_300 = arith.constant 0 : i32
      %parallel_loop3A_301 = vector.broadcast %parallel_loop3A_300 : i32 to vector<16xi32>
      %parallel_loop3A_302 = arith.addi %parallel_loop3A_267, %parallel_loop3A_301 : vector<16xi32>
      %parallel_loop3A_303 = tpu.vector_load_idx %arg9[%parallel_loop3A_302] : memref<12800xf32, #tpu.memory_space<vmem>>[vector<16xi32>], vector<16xf32>,
      %parallel_loop3A_304 = arith.addf %parallel_loop3A_299, %parallel_loop3A_303 : vector<16xf32>
      %parallel_loop3A_305 = arith.constant 0 : i32
      %parallel_loop3A_306 = vector.broadcast %parallel_loop3A_305 : i32 to vector<16xi32>
      %parallel_loop3A_307 = arith.addi %parallel_loop3A_271, %parallel_loop3A_306 : vector<16xi32>
      %parallel_loop3A_308 = tpu.vector_load_idx %arg9[%parallel_loop3A_307] : memref<12800xf32, #tpu.memory_space<vmem>>[vector<16xi32>], vector<16xf32>,
      %parallel_loop3A_309 = arith.addf %parallel_loop3A_304, %parallel_loop3A_308 : vector<16xf32>
      %parallel_loop3A_310 = arith.constant 0 : i32
      %parallel_loop3A_311 = vector.broadcast %parallel_loop3A_310 : i32 to vector<16xi32>
      %parallel_loop3A_312 = arith.addi %parallel_loop3A_275, %parallel_loop3A_311 : vector<16xi32>
      %parallel_loop3A_313 = tpu.vector_load_idx %arg9[%parallel_loop3A_312] : memref<12800xf32, #tpu.memory_space<vmem>>[vector<16xi32>], vector<16xf32>,
      %parallel_loop3A_314 = arith.addf %parallel_loop3A_309, %parallel_loop3A_313 : vector<16xf32>
      %parallel_loop3A_315 = arith.constant 0 : i32
      %parallel_loop3A_316 = tpu.memref_slice %arg10[%parallel_loop3A_208, %parallel_loop3A_315] : memref<512x128xf32, #tpu.memory_space<vmem>> -> memref<1x128xf32, #tpu.memory_space<vmem>>
      %parallel_loop3A_317 = tpu.memref_squeeze %parallel_loop3A_316 : memref<1x128xf32, #tpu.memory_space<vmem>> -> memref<128xf32, #tpu.memory_space<vmem>>
      %parallel_loop3A_318 = arith.constant 0 : index
      %parallel_loop3A_319 = tpu.vector_load %parallel_loop3A_317[%parallel_loop3A_318] {strides = array<i32>} : memref<128xf32, #tpu.memory_space<vmem>>, vector<16xf32>,
      tpu.vector_store %parallel_loop3A_317[%parallel_loop3A_318], %parallel_loop3A_314 {strides = array<i32>} : memref<128xf32, #tpu.memory_space<vmem>>, vector<16xf32>,
      %parallel_loop3A_320 = arith.constant 16 : i32
      %parallel_loop3A_321 = vector.broadcast %parallel_loop3A_320 : i32 to vector<16xi32>
      %parallel_loop3A_322 = arith.addi %parallel_loop3A_247, %parallel_loop3A_321 : vector<16xi32>
      %parallel_loop3A_323 = tpu.vector_load_idx %arg9[%parallel_loop3A_322] : memref<12800xf32, #tpu.memory_space<vmem>>[vector<16xi32>], vector<16xf32>,
      %parallel_loop3A_324 = arith.constant 16 : i32
      %parallel_loop3A_325 = vector.broadcast %parallel_loop3A_324 : i32 to vector<16xi32>
      %parallel_loop3A_326 = arith.addi %parallel_loop3A_251, %parallel_loop3A_325 : vector<16xi32>
      %parallel_loop3A_327 = tpu.vector_load_idx %arg9[%parallel_loop3A_326] : memref<12800xf32, #tpu.memory_space<vmem>>[vector<16xi32>], vector<16xf32>,
      %parallel_loop3A_328 = arith.addf %parallel_loop3A_323, %parallel_loop3A_327 : vector<16xf32>
      %parallel_loop3A_329 = arith.constant 16 : i32
      %parallel_loop3A_330 = vector.broadcast %parallel_loop3A_329 : i32 to vector<16xi32>
      %parallel_loop3A_331 = arith.addi %parallel_loop3A_255, %parallel_loop3A_330 : vector<16xi32>
      %parallel_loop3A_332 = tpu.vector_load_idx %arg9[%parallel_loop3A_331] : memref<12800xf32, #tpu.memory_space<vmem>>[vector<16xi32>], vector<16xf32>,
      %parallel_loop3A_333 = arith.addf %parallel_loop3A_328, %parallel_loop3A_332 : vector<16xf32>
      %parallel_loop3A_334 = arith.constant 16 : i32
      %parallel_loop3A_335 = vector.broadcast %parallel_loop3A_334 : i32 to vector<16xi32>
      %parallel_loop3A_336 = arith.addi %parallel_loop3A_259, %parallel_loop3A_335 : vector<16xi32>
      %parallel_loop3A_337 = tpu.vector_load_idx %arg9[%parallel_loop3A_336] : memref<12800xf32, #tpu.memory_space<vmem>>[vector<16xi32>], vector<16xf32>,
      %parallel_loop3A_338 = arith.addf %parallel_loop3A_333, %parallel_loop3A_337 : vector<16xf32>
      %parallel_loop3A_339 = arith.constant 16 : i32
      %parallel_loop3A_340 = vector.broadcast %parallel_loop3A_339 : i32 to vector<16xi32>
      %parallel_loop3A_341 = arith.addi %parallel_loop3A_263, %parallel_loop3A_340 : vector<16xi32>
      %parallel_loop3A_342 = tpu.vector_load_idx %arg9[%parallel_loop3A_341] : memref<12800xf32, #tpu.memory_space<vmem>>[vector<16xi32>], vector<16xf32>,
      %parallel_loop3A_343 = arith.addf %parallel_loop3A_338, %parallel_loop3A_342 : vector<16xf32>
      %parallel_loop3A_344 = arith.constant 16 : i32
      %parallel_loop3A_345 = vector.broadcast %parallel_loop3A_344 : i32 to vector<16xi32>
      %parallel_loop3A_346 = arith.addi %parallel_loop3A_267, %parallel_loop3A_345 : vector<16xi32>
      %parallel_loop3A_347 = tpu.vector_load_idx %arg9[%parallel_loop3A_346] : memref<12800xf32, #tpu.memory_space<vmem>>[vector<16xi32>], vector<16xf32>,
      %parallel_loop3A_348 = arith.addf %parallel_loop3A_343, %parallel_loop3A_347 : vector<16xf32>
      %parallel_loop3A_349 = arith.constant 16 : i32
      %parallel_loop3A_350 = vector.broadcast %parallel_loop3A_349 : i32 to vector<16xi32>
      %parallel_loop3A_351 = arith.addi %parallel_loop3A_271, %parallel_loop3A_350 : vector<16xi32>
      %parallel_loop3A_352 = tpu.vector_load_idx %arg9[%parallel_loop3A_351] : memref<12800xf32, #tpu.memory_space<vmem>>[vector<16xi32>], vector<16xf32>,
      %parallel_loop3A_353 = arith.addf %parallel_loop3A_348, %parallel_loop3A_352 : vector<16xf32>
      %parallel_loop3A_354 = arith.constant 16 : i32
      %parallel_loop3A_355 = vector.broadcast %parallel_loop3A_354 : i32 to vector<16xi32>
      %parallel_loop3A_356 = arith.addi %parallel_loop3A_275, %parallel_loop3A_355 : vector<16xi32>
      %parallel_loop3A_357 = tpu.vector_load_idx %arg9[%parallel_loop3A_356] : memref<12800xf32, #tpu.memory_space<vmem>>[vector<16xi32>], vector<16xf32>,
      %parallel_loop3A_358 = arith.addf %parallel_loop3A_353, %parallel_loop3A_357 : vector<16xf32>
      %parallel_loop3A_359 = arith.constant 0 : i32
      %parallel_loop3A_360 = tpu.memref_slice %arg10[%parallel_loop3A_208, %parallel_loop3A_359] : memref<512x128xf32, #tpu.memory_space<vmem>> -> memref<1x128xf32, #tpu.memory_space<vmem>>
      %parallel_loop3A_361 = tpu.memref_squeeze %parallel_loop3A_360 : memref<1x128xf32, #tpu.memory_space<vmem>> -> memref<128xf32, #tpu.memory_space<vmem>>
      %parallel_loop3A_362 = arith.constant 16 : index
      %parallel_loop3A_363 = tpu.vector_load %parallel_loop3A_361[%parallel_loop3A_362] {strides = array<i32>} : memref<128xf32, #tpu.memory_space<vmem>>, vector<16xf32>,
      tpu.vector_store %parallel_loop3A_361[%parallel_loop3A_362], %parallel_loop3A_358 {strides = array<i32>} : memref<128xf32, #tpu.memory_space<vmem>>, vector<16xf32>,
      %parallel_loop3A_364 = arith.constant 32 : i32
      %parallel_loop3A_365 = vector.broadcast %parallel_loop3A_364 : i32 to vector<16xi32>
      %parallel_loop3A_366 = arith.addi %parallel_loop3A_247, %parallel_loop3A_365 : vector<16xi32>
      %parallel_loop3A_367 = tpu.vector_load_idx %arg9[%parallel_loop3A_366] : memref<12800xf32, #tpu.memory_space<vmem>>[vector<16xi32>], vector<16xf32>,
      %parallel_loop3A_368 = arith.constant 32 : i32
      %parallel_loop3A_369 = vector.broadcast %parallel_loop3A_368 : i32 to vector<16xi32>
      %parallel_loop3A_370 = arith.addi %parallel_loop3A_251, %parallel_loop3A_369 : vector<16xi32>
      %parallel_loop3A_371 = tpu.vector_load_idx %arg9[%parallel_loop3A_370] : memref<12800xf32, #tpu.memory_space<vmem>>[vector<16xi32>], vector<16xf32>,
      %parallel_loop3A_372 = arith.addf %parallel_loop3A_367, %parallel_loop3A_371 : vector<16xf32>
      %parallel_loop3A_373 = arith.constant 32 : i32
      %parallel_loop3A_374 = vector.broadcast %parallel_loop3A_373 : i32 to vector<16xi32>
      %parallel_loop3A_375 = arith.addi %parallel_loop3A_255, %parallel_loop3A_374 : vector<16xi32>
      %parallel_loop3A_376 = tpu.vector_load_idx %arg9[%parallel_loop3A_375] : memref<12800xf32, #tpu.memory_space<vmem>>[vector<16xi32>], vector<16xf32>,
      %parallel_loop3A_377 = arith.addf %parallel_loop3A_372, %parallel_loop3A_376 : vector<16xf32>
      %parallel_loop3A_378 = arith.constant 32 : i32
      %parallel_loop3A_379 = vector.broadcast %parallel_loop3A_378 : i32 to vector<16xi32>
      %parallel_loop3A_380 = arith.addi %parallel_loop3A_259, %parallel_loop3A_379 : vector<16xi32>
      %parallel_loop3A_381 = tpu.vector_load_idx %arg9[%parallel_loop3A_380] : memref<12800xf32, #tpu.memory_space<vmem>>[vector<16xi32>], vector<16xf32>,
      %parallel_loop3A_382 = arith.addf %parallel_loop3A_377, %parallel_loop3A_381 : vector<16xf32>
      %parallel_loop3A_383 = arith.constant 32 : i32
      %parallel_loop3A_384 = vector.broadcast %parallel_loop3A_383 : i32 to vector<16xi32>
      %parallel_loop3A_385 = arith.addi %parallel_loop3A_263, %parallel_loop3A_384 : vector<16xi32>
      %parallel_loop3A_386 = tpu.vector_load_idx %arg9[%parallel_loop3A_385] : memref<12800xf32, #tpu.memory_space<vmem>>[vector<16xi32>], vector<16xf32>,
      %parallel_loop3A_387 = arith.addf %parallel_loop3A_382, %parallel_loop3A_386 : vector<16xf32>
      %parallel_loop3A_388 = arith.constant 32 : i32
      %parallel_loop3A_389 = vector.broadcast %parallel_loop3A_388 : i32 to vector<16xi32>
      %parallel_loop3A_390 = arith.addi %parallel_loop3A_267, %parallel_loop3A_389 : vector<16xi32>
      %parallel_loop3A_391 = tpu.vector_load_idx %arg9[%parallel_loop3A_390] : memref<12800xf32, #tpu.memory_space<vmem>>[vector<16xi32>], vector<16xf32>,
      %parallel_loop3A_392 = arith.addf %parallel_loop3A_387, %parallel_loop3A_391 : vector<16xf32>
      %parallel_loop3A_393 = arith.constant 32 : i32
      %parallel_loop3A_394 = vector.broadcast %parallel_loop3A_393 : i32 to vector<16xi32>
      %parallel_loop3A_395 = arith.addi %parallel_loop3A_271, %parallel_loop3A_394 : vector<16xi32>
      %parallel_loop3A_396 = tpu.vector_load_idx %arg9[%parallel_loop3A_395] : memref<12800xf32, #tpu.memory_space<vmem>>[vector<16xi32>], vector<16xf32>,
      %parallel_loop3A_397 = arith.addf %parallel_loop3A_392, %parallel_loop3A_396 : vector<16xf32>
      %parallel_loop3A_398 = arith.constant 32 : i32
      %parallel_loop3A_399 = vector.broadcast %parallel_loop3A_398 : i32 to vector<16xi32>
      %parallel_loop3A_400 = arith.addi %parallel_loop3A_275, %parallel_loop3A_399 : vector<16xi32>
      %parallel_loop3A_401 = tpu.vector_load_idx %arg9[%parallel_loop3A_400] : memref<12800xf32, #tpu.memory_space<vmem>>[vector<16xi32>], vector<16xf32>,
      %parallel_loop3A_402 = arith.addf %parallel_loop3A_397, %parallel_loop3A_401 : vector<16xf32>
      %parallel_loop3A_403 = arith.constant 0 : i32
      %parallel_loop3A_404 = tpu.memref_slice %arg10[%parallel_loop3A_208, %parallel_loop3A_403] : memref<512x128xf32, #tpu.memory_space<vmem>> -> memref<1x128xf32, #tpu.memory_space<vmem>>
      %parallel_loop3A_405 = tpu.memref_squeeze %parallel_loop3A_404 : memref<1x128xf32, #tpu.memory_space<vmem>> -> memref<128xf32, #tpu.memory_space<vmem>>
      %parallel_loop3A_406 = arith.constant 32 : index
      %parallel_loop3A_407 = tpu.vector_load %parallel_loop3A_405[%parallel_loop3A_406] {strides = array<i32>} : memref<128xf32, #tpu.memory_space<vmem>>, vector<16xf32>,
      tpu.vector_store %parallel_loop3A_405[%parallel_loop3A_406], %parallel_loop3A_402 {strides = array<i32>} : memref<128xf32, #tpu.memory_space<vmem>>, vector<16xf32>,
      %parallel_loop3A_408 = arith.constant 48 : i32
      %parallel_loop3A_409 = vector.broadcast %parallel_loop3A_408 : i32 to vector<16xi32>
      %parallel_loop3A_410 = arith.addi %parallel_loop3A_247, %parallel_loop3A_409 : vector<16xi32>
      %parallel_loop3A_411 = tpu.vector_load_idx %arg9[%parallel_loop3A_410] : memref<12800xf32, #tpu.memory_space<vmem>>[vector<16xi32>], vector<16xf32>,
      %parallel_loop3A_412 = arith.constant 48 : i32
      %parallel_loop3A_413 = vector.broadcast %parallel_loop3A_412 : i32 to vector<16xi32>
      %parallel_loop3A_414 = arith.addi %parallel_loop3A_251, %parallel_loop3A_413 : vector<16xi32>
      %parallel_loop3A_415 = tpu.vector_load_idx %arg9[%parallel_loop3A_414] : memref<12800xf32, #tpu.memory_space<vmem>>[vector<16xi32>], vector<16xf32>,
      %parallel_loop3A_416 = arith.addf %parallel_loop3A_411, %parallel_loop3A_415 : vector<16xf32>
      %parallel_loop3A_417 = arith.constant 48 : i32
      %parallel_loop3A_418 = vector.broadcast %parallel_loop3A_417 : i32 to vector<16xi32>
      %parallel_loop3A_419 = arith.addi %parallel_loop3A_255, %parallel_loop3A_418 : vector<16xi32>
      %parallel_loop3A_420 = tpu.vector_load_idx %arg9[%parallel_loop3A_419] : memref<12800xf32, #tpu.memory_space<vmem>>[vector<16xi32>], vector<16xf32>,
      %parallel_loop3A_421 = arith.addf %parallel_loop3A_416, %parallel_loop3A_420 : vector<16xf32>
      %parallel_loop3A_422 = arith.constant 48 : i32
      %parallel_loop3A_423 = vector.broadcast %parallel_loop3A_422 : i32 to vector<16xi32>
      %parallel_loop3A_424 = arith.addi %parallel_loop3A_259, %parallel_loop3A_423 : vector<16xi32>
      %parallel_loop3A_425 = tpu.vector_load_idx %arg9[%parallel_loop3A_424] : memref<12800xf32, #tpu.memory_space<vmem>>[vector<16xi32>], vector<16xf32>,
      %parallel_loop3A_426 = arith.addf %parallel_loop3A_421, %parallel_loop3A_425 : vector<16xf32>
      %parallel_loop3A_427 = arith.constant 48 : i32
      %parallel_loop3A_428 = vector.broadcast %parallel_loop3A_427 : i32 to vector<16xi32>
      %parallel_loop3A_429 = arith.addi %parallel_loop3A_263, %parallel_loop3A_428 : vector<16xi32>
      %parallel_loop3A_430 = tpu.vector_load_idx %arg9[%parallel_loop3A_429] : memref<12800xf32, #tpu.memory_space<vmem>>[vector<16xi32>], vector<16xf32>,
      %parallel_loop3A_431 = arith.addf %parallel_loop3A_426, %parallel_loop3A_430 : vector<16xf32>
      %parallel_loop3A_432 = arith.constant 48 : i32
      %parallel_loop3A_433 = vector.broadcast %parallel_loop3A_432 : i32 to vector<16xi32>
      %parallel_loop3A_434 = arith.addi %parallel_loop3A_267, %parallel_loop3A_433 : vector<16xi32>
      %parallel_loop3A_435 = tpu.vector_load_idx %arg9[%parallel_loop3A_434] : memref<12800xf32, #tpu.memory_space<vmem>>[vector<16xi32>], vector<16xf32>,
      %parallel_loop3A_436 = arith.addf %parallel_loop3A_431, %parallel_loop3A_435 : vector<16xf32>
      %parallel_loop3A_437 = arith.constant 48 : i32
      %parallel_loop3A_438 = vector.broadcast %parallel_loop3A_437 : i32 to vector<16xi32>
      %parallel_loop3A_439 = arith.addi %parallel_loop3A_271, %parallel_loop3A_438 : vector<16xi32>
      %parallel_loop3A_440 = tpu.vector_load_idx %arg9[%parallel_loop3A_439] : memref<12800xf32, #tpu.memory_space<vmem>>[vector<16xi32>], vector<16xf32>,
      %parallel_loop3A_441 = arith.addf %parallel_loop3A_436, %parallel_loop3A_440 : vector<16xf32>
      %parallel_loop3A_442 = arith.constant 48 : i32
      %parallel_loop3A_443 = vector.broadcast %parallel_loop3A_442 : i32 to vector<16xi32>
      %parallel_loop3A_444 = arith.addi %parallel_loop3A_275, %parallel_loop3A_443 : vector<16xi32>
      %parallel_loop3A_445 = tpu.vector_load_idx %arg9[%parallel_loop3A_444] : memref<12800xf32, #tpu.memory_space<vmem>>[vector<16xi32>], vector<16xf32>,
      %parallel_loop3A_446 = arith.addf %parallel_loop3A_441, %parallel_loop3A_445 : vector<16xf32>
      %parallel_loop3A_447 = arith.constant 0 : i32
      %parallel_loop3A_448 = tpu.memref_slice %arg10[%parallel_loop3A_208, %parallel_loop3A_447] : memref<512x128xf32, #tpu.memory_space<vmem>> -> memref<1x128xf32, #tpu.memory_space<vmem>>
      %parallel_loop3A_449 = tpu.memref_squeeze %parallel_loop3A_448 : memref<1x128xf32, #tpu.memory_space<vmem>> -> memref<128xf32, #tpu.memory_space<vmem>>
      %parallel_loop3A_450 = arith.constant 48 : index
      %parallel_loop3A_451 = tpu.vector_load %parallel_loop3A_449[%parallel_loop3A_450] {strides = array<i32>} : memref<128xf32, #tpu.memory_space<vmem>>, vector<16xf32>,
      tpu.vector_store %parallel_loop3A_449[%parallel_loop3A_450], %parallel_loop3A_446 {strides = array<i32>} : memref<128xf32, #tpu.memory_space<vmem>>, vector<16xf32>,
      %parallel_loop3A_452 = arith.constant 64 : i32
      %parallel_loop3A_453 = vector.broadcast %parallel_loop3A_452 : i32 to vector<16xi32>
      %parallel_loop3A_454 = arith.addi %parallel_loop3A_247, %parallel_loop3A_453 : vector<16xi32>
      %parallel_loop3A_455 = tpu.vector_load_idx %arg9[%parallel_loop3A_454] : memref<12800xf32, #tpu.memory_space<vmem>>[vector<16xi32>], vector<16xf32>,
      %parallel_loop3A_456 = arith.constant 64 : i32
      %parallel_loop3A_457 = vector.broadcast %parallel_loop3A_456 : i32 to vector<16xi32>
      %parallel_loop3A_458 = arith.addi %parallel_loop3A_251, %parallel_loop3A_457 : vector<16xi32>
      %parallel_loop3A_459 = tpu.vector_load_idx %arg9[%parallel_loop3A_458] : memref<12800xf32, #tpu.memory_space<vmem>>[vector<16xi32>], vector<16xf32>,
      %parallel_loop3A_460 = arith.addf %parallel_loop3A_455, %parallel_loop3A_459 : vector<16xf32>
      %parallel_loop3A_461 = arith.constant 64 : i32
      %parallel_loop3A_462 = vector.broadcast %parallel_loop3A_461 : i32 to vector<16xi32>
      %parallel_loop3A_463 = arith.addi %parallel_loop3A_255, %parallel_loop3A_462 : vector<16xi32>
      %parallel_loop3A_464 = tpu.vector_load_idx %arg9[%parallel_loop3A_463] : memref<12800xf32, #tpu.memory_space<vmem>>[vector<16xi32>], vector<16xf32>,
      %parallel_loop3A_465 = arith.addf %parallel_loop3A_460, %parallel_loop3A_464 : vector<16xf32>
      %parallel_loop3A_466 = arith.constant 64 : i32
      %parallel_loop3A_467 = vector.broadcast %parallel_loop3A_466 : i32 to vector<16xi32>
      %parallel_loop3A_468 = arith.addi %parallel_loop3A_259, %parallel_loop3A_467 : vector<16xi32>
      %parallel_loop3A_469 = tpu.vector_load_idx %arg9[%parallel_loop3A_468] : memref<12800xf32, #tpu.memory_space<vmem>>[vector<16xi32>], vector<16xf32>,
      %parallel_loop3A_470 = arith.addf %parallel_loop3A_465, %parallel_loop3A_469 : vector<16xf32>
      %parallel_loop3A_471 = arith.constant 64 : i32
      %parallel_loop3A_472 = vector.broadcast %parallel_loop3A_471 : i32 to vector<16xi32>
      %parallel_loop3A_473 = arith.addi %parallel_loop3A_263, %parallel_loop3A_472 : vector<16xi32>
      %parallel_loop3A_474 = tpu.vector_load_idx %arg9[%parallel_loop3A_473] : memref<12800xf32, #tpu.memory_space<vmem>>[vector<16xi32>], vector<16xf32>,
      %parallel_loop3A_475 = arith.addf %parallel_loop3A_470, %parallel_loop3A_474 : vector<16xf32>
      %parallel_loop3A_476 = arith.constant 64 : i32
      %parallel_loop3A_477 = vector.broadcast %parallel_loop3A_476 : i32 to vector<16xi32>
      %parallel_loop3A_478 = arith.addi %parallel_loop3A_267, %parallel_loop3A_477 : vector<16xi32>
      %parallel_loop3A_479 = tpu.vector_load_idx %arg9[%parallel_loop3A_478] : memref<12800xf32, #tpu.memory_space<vmem>>[vector<16xi32>], vector<16xf32>,
      %parallel_loop3A_480 = arith.addf %parallel_loop3A_475, %parallel_loop3A_479 : vector<16xf32>
      %parallel_loop3A_481 = arith.constant 64 : i32
      %parallel_loop3A_482 = vector.broadcast %parallel_loop3A_481 : i32 to vector<16xi32>
      %parallel_loop3A_483 = arith.addi %parallel_loop3A_271, %parallel_loop3A_482 : vector<16xi32>
      %parallel_loop3A_484 = tpu.vector_load_idx %arg9[%parallel_loop3A_483] : memref<12800xf32, #tpu.memory_space<vmem>>[vector<16xi32>], vector<16xf32>,
      %parallel_loop3A_485 = arith.addf %parallel_loop3A_480, %parallel_loop3A_484 : vector<16xf32>
      %parallel_loop3A_486 = arith.constant 64 : i32
      %parallel_loop3A_487 = vector.broadcast %parallel_loop3A_486 : i32 to vector<16xi32>
      %parallel_loop3A_488 = arith.addi %parallel_loop3A_275, %parallel_loop3A_487 : vector<16xi32>
      %parallel_loop3A_489 = tpu.vector_load_idx %arg9[%parallel_loop3A_488] : memref<12800xf32, #tpu.memory_space<vmem>>[vector<16xi32>], vector<16xf32>,
      %parallel_loop3A_490 = arith.addf %parallel_loop3A_485, %parallel_loop3A_489 : vector<16xf32>
      %parallel_loop3A_491 = arith.constant 0 : i32
      %parallel_loop3A_492 = tpu.memref_slice %arg10[%parallel_loop3A_208, %parallel_loop3A_491] : memref<512x128xf32, #tpu.memory_space<vmem>> -> memref<1x128xf32, #tpu.memory_space<vmem>>
      %parallel_loop3A_493 = tpu.memref_squeeze %parallel_loop3A_492 : memref<1x128xf32, #tpu.memory_space<vmem>> -> memref<128xf32, #tpu.memory_space<vmem>>
      %parallel_loop3A_494 = arith.constant 64 : index
      %parallel_loop3A_495 = tpu.vector_load %parallel_loop3A_493[%parallel_loop3A_494] {strides = array<i32>} : memref<128xf32, #tpu.memory_space<vmem>>, vector<16xf32>,
      tpu.vector_store %parallel_loop3A_493[%parallel_loop3A_494], %parallel_loop3A_490 {strides = array<i32>} : memref<128xf32, #tpu.memory_space<vmem>>, vector<16xf32>,
      %parallel_loop3A_496 = arith.constant 80 : i32
      %parallel_loop3A_497 = vector.broadcast %parallel_loop3A_496 : i32 to vector<16xi32>
      %parallel_loop3A_498 = arith.addi %parallel_loop3A_247, %parallel_loop3A_497 : vector<16xi32>
      %parallel_loop3A_499 = tpu.vector_load_idx %arg9[%parallel_loop3A_498] : memref<12800xf32, #tpu.memory_space<vmem>>[vector<16xi32>], vector<16xf32>,
      %parallel_loop3A_500 = arith.constant 80 : i32
      %parallel_loop3A_501 = vector.broadcast %parallel_loop3A_500 : i32 to vector<16xi32>
      %parallel_loop3A_502 = arith.addi %parallel_loop3A_251, %parallel_loop3A_501 : vector<16xi32>
      %parallel_loop3A_503 = tpu.vector_load_idx %arg9[%parallel_loop3A_502] : memref<12800xf32, #tpu.memory_space<vmem>>[vector<16xi32>], vector<16xf32>,
      %parallel_loop3A_504 = arith.addf %parallel_loop3A_499, %parallel_loop3A_503 : vector<16xf32>
      %parallel_loop3A_505 = arith.constant 80 : i32
      %parallel_loop3A_506 = vector.broadcast %parallel_loop3A_505 : i32 to vector<16xi32>
      %parallel_loop3A_507 = arith.addi %parallel_loop3A_255, %parallel_loop3A_506 : vector<16xi32>
      %parallel_loop3A_508 = tpu.vector_load_idx %arg9[%parallel_loop3A_507] : memref<12800xf32, #tpu.memory_space<vmem>>[vector<16xi32>], vector<16xf32>,
      %parallel_loop3A_509 = arith.addf %parallel_loop3A_504, %parallel_loop3A_508 : vector<16xf32>
      %parallel_loop3A_510 = arith.constant 80 : i32
      %parallel_loop3A_511 = vector.broadcast %parallel_loop3A_510 : i32 to vector<16xi32>
      %parallel_loop3A_512 = arith.addi %parallel_loop3A_259, %parallel_loop3A_511 : vector<16xi32>
      %parallel_loop3A_513 = tpu.vector_load_idx %arg9[%parallel_loop3A_512] : memref<12800xf32, #tpu.memory_space<vmem>>[vector<16xi32>], vector<16xf32>,
      %parallel_loop3A_514 = arith.addf %parallel_loop3A_509, %parallel_loop3A_513 : vector<16xf32>
      %parallel_loop3A_515 = arith.constant 80 : i32
      %parallel_loop3A_516 = vector.broadcast %parallel_loop3A_515 : i32 to vector<16xi32>
      %parallel_loop3A_517 = arith.addi %parallel_loop3A_263, %parallel_loop3A_516 : vector<16xi32>
      %parallel_loop3A_518 = tpu.vector_load_idx %arg9[%parallel_loop3A_517] : memref<12800xf32, #tpu.memory_space<vmem>>[vector<16xi32>], vector<16xf32>,
      %parallel_loop3A_519 = arith.addf %parallel_loop3A_514, %parallel_loop3A_518 : vector<16xf32>
      %parallel_loop3A_520 = arith.constant 80 : i32
      %parallel_loop3A_521 = vector.broadcast %parallel_loop3A_520 : i32 to vector<16xi32>
      %parallel_loop3A_522 = arith.addi %parallel_loop3A_267, %parallel_loop3A_521 : vector<16xi32>
      %parallel_loop3A_523 = tpu.vector_load_idx %arg9[%parallel_loop3A_522] : memref<12800xf32, #tpu.memory_space<vmem>>[vector<16xi32>], vector<16xf32>,
      %parallel_loop3A_524 = arith.addf %parallel_loop3A_519, %parallel_loop3A_523 : vector<16xf32>
      %parallel_loop3A_525 = arith.constant 80 : i32
      %parallel_loop3A_526 = vector.broadcast %parallel_loop3A_525 : i32 to vector<16xi32>
      %parallel_loop3A_527 = arith.addi %parallel_loop3A_271, %parallel_loop3A_526 : vector<16xi32>
      %parallel_loop3A_528 = tpu.vector_load_idx %arg9[%parallel_loop3A_527] : memref<12800xf32, #tpu.memory_space<vmem>>[vector<16xi32>], vector<16xf32>,
      %parallel_loop3A_529 = arith.addf %parallel_loop3A_524, %parallel_loop3A_528 : vector<16xf32>
      %parallel_loop3A_530 = arith.constant 80 : i32
      %parallel_loop3A_531 = vector.broadcast %parallel_loop3A_530 : i32 to vector<16xi32>
      %parallel_loop3A_532 = arith.addi %parallel_loop3A_275, %parallel_loop3A_531 : vector<16xi32>
      %parallel_loop3A_533 = tpu.vector_load_idx %arg9[%parallel_loop3A_532] : memref<12800xf32, #tpu.memory_space<vmem>>[vector<16xi32>], vector<16xf32>,
      %parallel_loop3A_534 = arith.addf %parallel_loop3A_529, %parallel_loop3A_533 : vector<16xf32>
      %parallel_loop3A_535 = arith.constant 0 : i32
      %parallel_loop3A_536 = tpu.memref_slice %arg10[%parallel_loop3A_208, %parallel_loop3A_535] : memref<512x128xf32, #tpu.memory_space<vmem>> -> memref<1x128xf32, #tpu.memory_space<vmem>>
      %parallel_loop3A_537 = tpu.memref_squeeze %parallel_loop3A_536 : memref<1x128xf32, #tpu.memory_space<vmem>> -> memref<128xf32, #tpu.memory_space<vmem>>
      %parallel_loop3A_538 = arith.constant 80 : index
      %parallel_loop3A_539 = tpu.vector_load %parallel_loop3A_537[%parallel_loop3A_538] {strides = array<i32>} : memref<128xf32, #tpu.memory_space<vmem>>, vector<16xf32>,
      tpu.vector_store %parallel_loop3A_537[%parallel_loop3A_538], %parallel_loop3A_534 {strides = array<i32>} : memref<128xf32, #tpu.memory_space<vmem>>, vector<16xf32>,
      %parallel_loop3A_540 = arith.constant 96 : i32
      %parallel_loop3A_541 = vector.broadcast %parallel_loop3A_540 : i32 to vector<16xi32>
      %parallel_loop3A_542 = arith.addi %parallel_loop3A_247, %parallel_loop3A_541 : vector<16xi32>
      %parallel_loop3A_543 = tpu.vector_load_idx %arg9[%parallel_loop3A_542] : memref<12800xf32, #tpu.memory_space<vmem>>[vector<16xi32>], vector<16xf32>,
      %parallel_loop3A_544 = arith.constant 96 : i32
      %parallel_loop3A_545 = vector.broadcast %parallel_loop3A_544 : i32 to vector<16xi32>
      %parallel_loop3A_546 = arith.addi %parallel_loop3A_251, %parallel_loop3A_545 : vector<16xi32>
      %parallel_loop3A_547 = tpu.vector_load_idx %arg9[%parallel_loop3A_546] : memref<12800xf32, #tpu.memory_space<vmem>>[vector<16xi32>], vector<16xf32>,
      %parallel_loop3A_548 = arith.addf %parallel_loop3A_543, %parallel_loop3A_547 : vector<16xf32>
      %parallel_loop3A_549 = arith.constant 96 : i32
      %parallel_loop3A_550 = vector.broadcast %parallel_loop3A_549 : i32 to vector<16xi32>
      %parallel_loop3A_551 = arith.addi %parallel_loop3A_255, %parallel_loop3A_550 : vector<16xi32>
      %parallel_loop3A_552 = tpu.vector_load_idx %arg9[%parallel_loop3A_551] : memref<12800xf32, #tpu.memory_space<vmem>>[vector<16xi32>], vector<16xf32>,
      %parallel_loop3A_553 = arith.addf %parallel_loop3A_548, %parallel_loop3A_552 : vector<16xf32>
      %parallel_loop3A_554 = arith.constant 96 : i32
      %parallel_loop3A_555 = vector.broadcast %parallel_loop3A_554 : i32 to vector<16xi32>
      %parallel_loop3A_556 = arith.addi %parallel_loop3A_259, %parallel_loop3A_555 : vector<16xi32>
      %parallel_loop3A_557 = tpu.vector_load_idx %arg9[%parallel_loop3A_556] : memref<12800xf32, #tpu.memory_space<vmem>>[vector<16xi32>], vector<16xf32>,
      %parallel_loop3A_558 = arith.addf %parallel_loop3A_553, %parallel_loop3A_557 : vector<16xf32>
      %parallel_loop3A_559 = arith.constant 96 : i32
      %parallel_loop3A_560 = vector.broadcast %parallel_loop3A_559 : i32 to vector<16xi32>
      %parallel_loop3A_561 = arith.addi %parallel_loop3A_263, %parallel_loop3A_560 : vector<16xi32>
      %parallel_loop3A_562 = tpu.vector_load_idx %arg9[%parallel_loop3A_561] : memref<12800xf32, #tpu.memory_space<vmem>>[vector<16xi32>], vector<16xf32>,
      %parallel_loop3A_563 = arith.addf %parallel_loop3A_558, %parallel_loop3A_562 : vector<16xf32>
      %parallel_loop3A_564 = arith.constant 96 : i32
      %parallel_loop3A_565 = vector.broadcast %parallel_loop3A_564 : i32 to vector<16xi32>
      %parallel_loop3A_566 = arith.addi %parallel_loop3A_267, %parallel_loop3A_565 : vector<16xi32>
      %parallel_loop3A_567 = tpu.vector_load_idx %arg9[%parallel_loop3A_566] : memref<12800xf32, #tpu.memory_space<vmem>>[vector<16xi32>], vector<16xf32>,
      %parallel_loop3A_568 = arith.addf %parallel_loop3A_563, %parallel_loop3A_567 : vector<16xf32>
      %parallel_loop3A_569 = arith.constant 96 : i32
      %parallel_loop3A_570 = vector.broadcast %parallel_loop3A_569 : i32 to vector<16xi32>
      %parallel_loop3A_571 = arith.addi %parallel_loop3A_271, %parallel_loop3A_570 : vector<16xi32>
      %parallel_loop3A_572 = tpu.vector_load_idx %arg9[%parallel_loop3A_571] : memref<12800xf32, #tpu.memory_space<vmem>>[vector<16xi32>], vector<16xf32>,
      %parallel_loop3A_573 = arith.addf %parallel_loop3A_568, %parallel_loop3A_572 : vector<16xf32>
      %parallel_loop3A_574 = arith.constant 96 : i32
      %parallel_loop3A_575 = vector.broadcast %parallel_loop3A_574 : i32 to vector<16xi32>
      %parallel_loop3A_576 = arith.addi %parallel_loop3A_275, %parallel_loop3A_575 : vector<16xi32>
      %parallel_loop3A_577 = tpu.vector_load_idx %arg9[%parallel_loop3A_576] : memref<12800xf32, #tpu.memory_space<vmem>>[vector<16xi32>], vector<16xf32>,
      %parallel_loop3A_578 = arith.addf %parallel_loop3A_573, %parallel_loop3A_577 : vector<16xf32>
      %parallel_loop3A_579 = arith.constant 0 : i32
      %parallel_loop3A_580 = tpu.memref_slice %arg10[%parallel_loop3A_208, %parallel_loop3A_579] : memref<512x128xf32, #tpu.memory_space<vmem>> -> memref<1x128xf32, #tpu.memory_space<vmem>>
      %parallel_loop3A_581 = tpu.memref_squeeze %parallel_loop3A_580 : memref<1x128xf32, #tpu.memory_space<vmem>> -> memref<128xf32, #tpu.memory_space<vmem>>
      %parallel_loop3A_582 = arith.constant 96 : index
      %parallel_loop3A_583 = tpu.vector_load %parallel_loop3A_581[%parallel_loop3A_582] {strides = array<i32>} : memref<128xf32, #tpu.memory_space<vmem>>, vector<16xf32>,
      tpu.vector_store %parallel_loop3A_581[%parallel_loop3A_582], %parallel_loop3A_578 {strides = array<i32>} : memref<128xf32, #tpu.memory_space<vmem>>, vector<16xf32>,
      %parallel_loop3A_584 = arith.constant 112 : i32
      %parallel_loop3A_585 = vector.broadcast %parallel_loop3A_584 : i32 to vector<16xi32>
      %parallel_loop3A_586 = arith.addi %parallel_loop3A_247, %parallel_loop3A_585 : vector<16xi32>
      %parallel_loop3A_587 = tpu.vector_load_idx %arg9[%parallel_loop3A_586] : memref<12800xf32, #tpu.memory_space<vmem>>[vector<16xi32>], vector<16xf32>,
      %parallel_loop3A_588 = arith.constant 112 : i32
      %parallel_loop3A_589 = vector.broadcast %parallel_loop3A_588 : i32 to vector<16xi32>
      %parallel_loop3A_590 = arith.addi %parallel_loop3A_251, %parallel_loop3A_589 : vector<16xi32>
      %parallel_loop3A_591 = tpu.vector_load_idx %arg9[%parallel_loop3A_590] : memref<12800xf32, #tpu.memory_space<vmem>>[vector<16xi32>], vector<16xf32>,
      %parallel_loop3A_592 = arith.addf %parallel_loop3A_587, %parallel_loop3A_591 : vector<16xf32>
      %parallel_loop3A_593 = arith.constant 112 : i32
      %parallel_loop3A_594 = vector.broadcast %parallel_loop3A_593 : i32 to vector<16xi32>
      %parallel_loop3A_595 = arith.addi %parallel_loop3A_255, %parallel_loop3A_594 : vector<16xi32>
      %parallel_loop3A_596 = tpu.vector_load_idx %arg9[%parallel_loop3A_595] : memref<12800xf32, #tpu.memory_space<vmem>>[vector<16xi32>], vector<16xf32>,
      %parallel_loop3A_597 = arith.addf %parallel_loop3A_592, %parallel_loop3A_596 : vector<16xf32>
      %parallel_loop3A_598 = arith.constant 112 : i32
      %parallel_loop3A_599 = vector.broadcast %parallel_loop3A_598 : i32 to vector<16xi32>
      %parallel_loop3A_600 = arith.addi %parallel_loop3A_259, %parallel_loop3A_599 : vector<16xi32>
      %parallel_loop3A_601 = tpu.vector_load_idx %arg9[%parallel_loop3A_600] : memref<12800xf32, #tpu.memory_space<vmem>>[vector<16xi32>], vector<16xf32>,
      %parallel_loop3A_602 = arith.addf %parallel_loop3A_597, %parallel_loop3A_601 : vector<16xf32>
      %parallel_loop3A_603 = arith.constant 112 : i32
      %parallel_loop3A_604 = vector.broadcast %parallel_loop3A_603 : i32 to vector<16xi32>
      %parallel_loop3A_605 = arith.addi %parallel_loop3A_263, %parallel_loop3A_604 : vector<16xi32>
      %parallel_loop3A_606 = tpu.vector_load_idx %arg9[%parallel_loop3A_605] : memref<12800xf32, #tpu.memory_space<vmem>>[vector<16xi32>], vector<16xf32>,
      %parallel_loop3A_607 = arith.addf %parallel_loop3A_602, %parallel_loop3A_606 : vector<16xf32>
      %parallel_loop3A_608 = arith.constant 112 : i32
      %parallel_loop3A_609 = vector.broadcast %parallel_loop3A_608 : i32 to vector<16xi32>
      %parallel_loop3A_610 = arith.addi %parallel_loop3A_267, %parallel_loop3A_609 : vector<16xi32>
      %parallel_loop3A_611 = tpu.vector_load_idx %arg9[%parallel_loop3A_610] : memref<12800xf32, #tpu.memory_space<vmem>>[vector<16xi32>], vector<16xf32>,
      %parallel_loop3A_612 = arith.addf %parallel_loop3A_607, %parallel_loop3A_611 : vector<16xf32>
      %parallel_loop3A_613 = arith.constant 112 : i32
      %parallel_loop3A_614 = vector.broadcast %parallel_loop3A_613 : i32 to vector<16xi32>
      %parallel_loop3A_615 = arith.addi %parallel_loop3A_271, %parallel_loop3A_614 : vector<16xi32>
      %parallel_loop3A_616 = tpu.vector_load_idx %arg9[%parallel_loop3A_615] : memref<12800xf32, #tpu.memory_space<vmem>>[vector<16xi32>], vector<16xf32>,
      %parallel_loop3A_617 = arith.addf %parallel_loop3A_612, %parallel_loop3A_616 : vector<16xf32>
      %parallel_loop3A_618 = arith.constant 112 : i32
      %parallel_loop3A_619 = vector.broadcast %parallel_loop3A_618 : i32 to vector<16xi32>
      %parallel_loop3A_620 = arith.addi %parallel_loop3A_275, %parallel_loop3A_619 : vector<16xi32>
      %parallel_loop3A_621 = tpu.vector_load_idx %arg9[%parallel_loop3A_620] : memref<12800xf32, #tpu.memory_space<vmem>>[vector<16xi32>], vector<16xf32>,
      %parallel_loop3A_622 = arith.addf %parallel_loop3A_617, %parallel_loop3A_621 : vector<16xf32>
      %parallel_loop3A_623 = arith.constant 0 : i32
      %parallel_loop3A_624 = tpu.memref_slice %arg10[%parallel_loop3A_208, %parallel_loop3A_623] : memref<512x128xf32, #tpu.memory_space<vmem>> -> memref<1x128xf32, #tpu.memory_space<vmem>>
      %parallel_loop3A_625 = tpu.memref_squeeze %parallel_loop3A_624 : memref<1x128xf32, #tpu.memory_space<vmem>> -> memref<128xf32, #tpu.memory_space<vmem>>
      %parallel_loop3A_626 = arith.constant 112 : index
      %parallel_loop3A_627 = tpu.vector_load %parallel_loop3A_625[%parallel_loop3A_626] {strides = array<i32>} : memref<128xf32, #tpu.memory_space<vmem>>, vector<16xf32>,
      tpu.vector_store %parallel_loop3A_625[%parallel_loop3A_626], %parallel_loop3A_622 {strides = array<i32>} : memref<128xf32, #tpu.memory_space<vmem>>, vector<16xf32>,
    } {sc.loop_unroll_factor = 1 : i64, sc.parallel_access}
    %dma_wait3A_60 = arith.constant 1 : i32
    %dma_wait3A_61 = arith.constant 0 : i32
    %dma_wait3A_62 = tpu.memref_slice %arg7[%dma_wait3A_60, %dma_wait3A_61] : memref<4x128xi32, #tpu.memory_space<vmem>> -> memref<1x128xi32, #tpu.memory_space<vmem>>
    %dma_wait3A_63 = tpu.memref_squeeze %dma_wait3A_62 : memref<1x128xi32, #tpu.memory_space<vmem>> -> memref<128xi32, #tpu.memory_space<vmem>>
    %dma_wait3A_64 = arith.constant 0 : i32
    %dma_wait3A_65 = arith.constant 0 : i32
    %dma_wait3A_66 = tpu.memref_slice %arg4[%dma_wait3A_64, %dma_wait3A_65] : memref<1001x128xf32, #tpu.memory_space<hbm>> -> memref<1001x128xf32, #tpu.memory_space<hbm>>
    tpu.wait_indirect_dma semaphore(%arg14 : memref<!tpu.dma_semaphore, #tpu.memory_space<semaphore_mem>>) src(%dma_wait3A_66 : memref<1001x128xf32, #tpu.memory_space<hbm>>) dst(%arg12 : memref<128x128xf32, #tpu.memory_space<vmem>>)
    %add3A_67 = arith.constant 128 : i32
    %add3A_68 = arith.addi %mul3A_2, %add3A_67 : i32
    %dma_start3A_69 = arith.constant 0 : i32
    %dma_start3A_70 = tpu.memref_slice %arg6[%add3A_68, %dma_start3A_69] : memref<16384x256xf32, #tpu.memory_space<hbm>> -> memref<128x128xf32, #tpu.memory_space<hbm>>
    %dma_start3A_71 = arith.constant 0 : i32
    %dma_start3A_72 = tpu.memref_slice %arg6[%add3A_68, %dma_start3A_71] : memref<16384x256xf32, #tpu.memory_space<hbm>> -> memref<128x128xf32, #tpu.memory_space<hbm>>
    tpu.enqueue_dma source(%arg12 : memref<128x128xf32, #tpu.memory_space<vmem>>) target(%dma_start3A_72 : memref<128x128xf32, #tpu.memory_space<hbm>>) target_semaphore(%arg15 : memref<!tpu.dma_semaphore, #tpu.memory_space<semaphore_mem>>)
    %add3A_73 = arith.constant 128 : i32
    %add3A_74 = arith.addi %mul3A_2, %add3A_73 : i32
    %dma_start3A_75 = arith.constant 128 : i32
    %dma_start3A_76 = arith.constant 0 : i32
    %dma_start3A_77 = tpu.memref_slice %arg10[%dma_start3A_75, %dma_start3A_76] : memref<512x128xf32, #tpu.memory_space<vmem>> -> memref<128x128xf32, #tpu.memory_space<vmem>>
    %dma_start3A_78 = arith.constant 128 : i32
    %dma_start3A_79 = tpu.memref_slice %arg6[%add3A_74, %dma_start3A_78] : memref<16384x256xf32, #tpu.memory_space<hbm>> -> memref<128x128xf32, #tpu.memory_space<hbm>>
    %dma_start3A_80 = arith.constant 128 : i32
    %dma_start3A_81 = tpu.memref_slice %arg6[%add3A_74, %dma_start3A_80] : memref<16384x256xf32, #tpu.memory_space<hbm>> -> memref<128x128xf32, #tpu.memory_space<hbm>>
    %dma_start3A_82 = arith.constant 128 : i32
    %dma_start3A_83 = arith.constant 0 : i32
    %dma_start3A_84 = tpu.memref_slice %arg10[%dma_start3A_82, %dma_start3A_83] : memref<512x128xf32, #tpu.memory_space<vmem>> -> memref<128x128xf32, #tpu.memory_space<vmem>>
    tpu.enqueue_dma source(%dma_start3A_84 : memref<128x128xf32, #tpu.memory_space<vmem>>) target(%dma_start3A_81 : memref<128x128xf32, #tpu.memory_space<hbm>>) target_semaphore(%arg16 : memref<!tpu.dma_semaphore, #tpu.memory_space<semaphore_mem>>)
    %dma_wait3A_85 = arith.constant 0 : i32
    %dma_wait3A_86 = tpu.memref_slice %arg6[%add3A_68, %dma_wait3A_85] : memref<16384x256xf32, #tpu.memory_space<hbm>> -> memref<128x128xf32, #tpu.memory_space<hbm>>
    %dma_wait3A_87 = arith.constant 0 : i32
    %dma_wait3A_88 = tpu.memref_slice %arg6[%add3A_68, %dma_wait3A_87] : memref<16384x256xf32, #tpu.memory_space<hbm>> -> memref<128x128xf32, #tpu.memory_space<hbm>>
    tpu.wait_dma2 semaphore(%arg15 : memref<!tpu.dma_semaphore, #tpu.memory_space<semaphore_mem>>) src(%arg12 : memref<128x128xf32, #tpu.memory_space<vmem>>) dst(%dma_wait3A_88 : memref<128x128xf32, #tpu.memory_space<hbm>>)
    %dma_start3A_89 = arith.constant 3 : i32
    %dma_start3A_90 = arith.constant 0 : i32
    %dma_start3A_91 = tpu.memref_slice %arg7[%dma_start3A_89, %dma_start3A_90] : memref<4x128xi32, #tpu.memory_space<vmem>> -> memref<1x128xi32, #tpu.memory_space<vmem>>
    %dma_start3A_92 = tpu.memref_squeeze %dma_start3A_91 : memref<1x128xi32, #tpu.memory_space<vmem>> -> memref<128xi32, #tpu.memory_space<vmem>>
    %dma_start3A_93 = arith.constant 0 : i32
    %dma_start3A_94 = arith.constant 0 : i32
    %dma_start3A_95 = tpu.memref_slice %arg4[%dma_start3A_93, %dma_start3A_94] : memref<1001x128xf32, #tpu.memory_space<hbm>> -> memref<1001x128xf32, #tpu.memory_space<hbm>>
    tpu.enqueue_indirect_dma source(%dma_start3A_95 : memref<1001x128xf32, #tpu.memory_space<hbm>>) target(%arg12 : memref<128x128xf32, #tpu.memory_space<vmem>>) offsets(%dma_start3A_92 : memref<128xi32, #tpu.memory_space<vmem>>) semaphore(%arg14 : memref<!tpu.dma_semaphore, #tpu.memory_space<semaphore_mem>>)
    %parallel_loop3A_96 = arith.constant 256 : i32
    %parallel_loop3A_97 = arith.constant 384 : i32
    %parallel_loop3A_98 = arith.constant 1 : i32
    scf.for %parallel_loop3A_208 = %parallel_loop3A_96 to %parallel_loop3A_97 step %parallel_loop3A_98  : i32 {
      %parallel_loop3A_209 = arith.constant 8 : i32
      %parallel_loop3A_210 = arith.muli %parallel_loop3A_208, %parallel_loop3A_209 : i32
      %parallel_loop3A_211 = vector.broadcast %parallel_loop3A_210 : i32 to vector<16xi32>
      %parallel_loop3A_212 = arith.constant 0 : i32
      %parallel_loop3A_213 = vector.broadcast %parallel_loop3A_212 : i32 to vector<16xi32>
      %parallel_loop3A_214 = arith.addi %parallel_loop3A_211, %parallel_loop3A_213 : vector<16xi32>
      %parallel_loop3A_215 = tpu.vector_load_idx %arg8[%parallel_loop3A_214] : memref<4096xi32, #tpu.memory_space<vmem>>[vector<16xi32>], vector<16xi32>,
      %parallel_loop3A_216 = arith.constant 1 : i32
      %parallel_loop3A_217 = vector.broadcast %parallel_loop3A_216 : i32 to vector<16xi32>
      %parallel_loop3A_218 = arith.addi %parallel_loop3A_211, %parallel_loop3A_217 : vector<16xi32>
      %parallel_loop3A_219 = tpu.vector_load_idx %arg8[%parallel_loop3A_218] : memref<4096xi32, #tpu.memory_space<vmem>>[vector<16xi32>], vector<16xi32>,
      %parallel_loop3A_220 = arith.constant 2 : i32
      %parallel_loop3A_221 = vector.broadcast %parallel_loop3A_220 : i32 to vector<16xi32>
      %parallel_loop3A_222 = arith.addi %parallel_loop3A_211, %parallel_loop3A_221 : vector<16xi32>
      %parallel_loop3A_223 = tpu.vector_load_idx %arg8[%parallel_loop3A_222] : memref<4096xi32, #tpu.memory_space<vmem>>[vector<16xi32>], vector<16xi32>,
      %parallel_loop3A_224 = arith.constant 3 : i32
      %parallel_loop3A_225 = vector.broadcast %parallel_loop3A_224 : i32 to vector<16xi32>
      %parallel_loop3A_226 = arith.addi %parallel_loop3A_211, %parallel_loop3A_225 : vector<16xi32>
      %parallel_loop3A_227 = tpu.vector_load_idx %arg8[%parallel_loop3A_226] : memref<4096xi32, #tpu.memory_space<vmem>>[vector<16xi32>], vector<16xi32>,
      %parallel_loop3A_228 = arith.constant 4 : i32
      %parallel_loop3A_229 = vector.broadcast %parallel_loop3A_228 : i32 to vector<16xi32>
      %parallel_loop3A_230 = arith.addi %parallel_loop3A_211, %parallel_loop3A_229 : vector<16xi32>
      %parallel_loop3A_231 = tpu.vector_load_idx %arg8[%parallel_loop3A_230] : memref<4096xi32, #tpu.memory_space<vmem>>[vector<16xi32>], vector<16xi32>,
      %parallel_loop3A_232 = arith.constant 5 : i32
      %parallel_loop3A_233 = vector.broadcast %parallel_loop3A_232 : i32 to vector<16xi32>
      %parallel_loop3A_234 = arith.addi %parallel_loop3A_211, %parallel_loop3A_233 : vector<16xi32>
      %parallel_loop3A_235 = tpu.vector_load_idx %arg8[%parallel_loop3A_234] : memref<4096xi32, #tpu.memory_space<vmem>>[vector<16xi32>], vector<16xi32>,
      %parallel_loop3A_236 = arith.constant 6 : i32
      %parallel_loop3A_237 = vector.broadcast %parallel_loop3A_236 : i32 to vector<16xi32>
      %parallel_loop3A_238 = arith.addi %parallel_loop3A_211, %parallel_loop3A_237 : vector<16xi32>
      %parallel_loop3A_239 = tpu.vector_load_idx %arg8[%parallel_loop3A_238] : memref<4096xi32, #tpu.memory_space<vmem>>[vector<16xi32>], vector<16xi32>,
      %parallel_loop3A_240 = arith.constant 7 : i32
      %parallel_loop3A_241 = vector.broadcast %parallel_loop3A_240 : i32 to vector<16xi32>
      %parallel_loop3A_242 = arith.addi %parallel_loop3A_211, %parallel_loop3A_241 : vector<16xi32>
      %parallel_loop3A_243 = tpu.vector_load_idx %arg8[%parallel_loop3A_242] : memref<4096xi32, #tpu.memory_space<vmem>>[vector<16xi32>], vector<16xi32>,
      %parallel_loop3A_244 = arith.constant 7 : i32
      %parallel_loop3A_245 = vector.broadcast %parallel_loop3A_244 : i32 to vector<16xi32>
      %parallel_loop3A_246 = arith.shli %parallel_loop3A_215, %parallel_loop3A_245 : vector<16xi32>
      %parallel_loop3A_247 = arith.addi %parallel_loop3A_246, %iota3A : vector<16xi32>
      %parallel_loop3A_248 = arith.constant 7 : i32
      %parallel_loop3A_249 = vector.broadcast %parallel_loop3A_248 : i32 to vector<16xi32>
      %parallel_loop3A_250 = arith.shli %parallel_loop3A_219, %parallel_loop3A_249 : vector<16xi32>
      %parallel_loop3A_251 = arith.addi %parallel_loop3A_250, %iota3A : vector<16xi32>
      %parallel_loop3A_252 = arith.constant 7 : i32
      %parallel_loop3A_253 = vector.broadcast %parallel_loop3A_252 : i32 to vector<16xi32>
      %parallel_loop3A_254 = arith.shli %parallel_loop3A_223, %parallel_loop3A_253 : vector<16xi32>
      %parallel_loop3A_255 = arith.addi %parallel_loop3A_254, %iota3A : vector<16xi32>
      %parallel_loop3A_256 = arith.constant 7 : i32
      %parallel_loop3A_257 = vector.broadcast %parallel_loop3A_256 : i32 to vector<16xi32>
      %parallel_loop3A_258 = arith.shli %parallel_loop3A_227, %parallel_loop3A_257 : vector<16xi32>
      %parallel_loop3A_259 = arith.addi %parallel_loop3A_258, %iota3A : vector<16xi32>
      %parallel_loop3A_260 = arith.constant 7 : i32
      %parallel_loop3A_261 = vector.broadcast %parallel_loop3A_260 : i32 to vector<16xi32>
      %parallel_loop3A_262 = arith.shli %parallel_loop3A_231, %parallel_loop3A_261 : vector<16xi32>
      %parallel_loop3A_263 = arith.addi %parallel_loop3A_262, %iota3A : vector<16xi32>
      %parallel_loop3A_264 = arith.constant 7 : i32
      %parallel_loop3A_265 = vector.broadcast %parallel_loop3A_264 : i32 to vector<16xi32>
      %parallel_loop3A_266 = arith.shli %parallel_loop3A_235, %parallel_loop3A_265 : vector<16xi32>
      %parallel_loop3A_267 = arith.addi %parallel_loop3A_266, %iota3A : vector<16xi32>
      %parallel_loop3A_268 = arith.constant 7 : i32
      %parallel_loop3A_269 = vector.broadcast %parallel_loop3A_268 : i32 to vector<16xi32>
      %parallel_loop3A_270 = arith.shli %parallel_loop3A_239, %parallel_loop3A_269 : vector<16xi32>
      %parallel_loop3A_271 = arith.addi %parallel_loop3A_270, %iota3A : vector<16xi32>
      %parallel_loop3A_272 = arith.constant 7 : i32
      %parallel_loop3A_273 = vector.broadcast %parallel_loop3A_272 : i32 to vector<16xi32>
      %parallel_loop3A_274 = arith.shli %parallel_loop3A_243, %parallel_loop3A_273 : vector<16xi32>
      %parallel_loop3A_275 = arith.addi %parallel_loop3A_274, %iota3A : vector<16xi32>
      %parallel_loop3A_276 = arith.constant 0 : i32
      %parallel_loop3A_277 = vector.broadcast %parallel_loop3A_276 : i32 to vector<16xi32>
      %parallel_loop3A_278 = arith.addi %parallel_loop3A_247, %parallel_loop3A_277 : vector<16xi32>
      %parallel_loop3A_279 = tpu.vector_load_idx %arg9[%parallel_loop3A_278] : memref<12800xf32, #tpu.memory_space<vmem>>[vector<16xi32>], vector<16xf32>,
      %parallel_loop3A_280 = arith.constant 0 : i32
      %parallel_loop3A_281 = vector.broadcast %parallel_loop3A_280 : i32 to vector<16xi32>
      %parallel_loop3A_282 = arith.addi %parallel_loop3A_251, %parallel_loop3A_281 : vector<16xi32>
      %parallel_loop3A_283 = tpu.vector_load_idx %arg9[%parallel_loop3A_282] : memref<12800xf32, #tpu.memory_space<vmem>>[vector<16xi32>], vector<16xf32>,
      %parallel_loop3A_284 = arith.addf %parallel_loop3A_279, %parallel_loop3A_283 : vector<16xf32>
      %parallel_loop3A_285 = arith.constant 0 : i32
      %parallel_loop3A_286 = vector.broadcast %parallel_loop3A_285 : i32 to vector<16xi32>
      %parallel_loop3A_287 = arith.addi %parallel_loop3A_255, %parallel_loop3A_286 : vector<16xi32>
      %parallel_loop3A_288 = tpu.vector_load_idx %arg9[%parallel_loop3A_287] : memref<12800xf32, #tpu.memory_space<vmem>>[vector<16xi32>], vector<16xf32>,
      %parallel_loop3A_289 = arith.addf %parallel_loop3A_284, %parallel_loop3A_288 : vector<16xf32>
      %parallel_loop3A_290 = arith.constant 0 : i32
      %parallel_loop3A_291 = vector.broadcast %parallel_loop3A_290 : i32 to vector<16xi32>
      %parallel_loop3A_292 = arith.addi %parallel_loop3A_259, %parallel_loop3A_291 : vector<16xi32>
      %parallel_loop3A_293 = tpu.vector_load_idx %arg9[%parallel_loop3A_292] : memref<12800xf32, #tpu.memory_space<vmem>>[vector<16xi32>], vector<16xf32>,
      %parallel_loop3A_294 = arith.addf %parallel_loop3A_289, %parallel_loop3A_293 : vector<16xf32>
      %parallel_loop3A_295 = arith.constant 0 : i32
      %parallel_loop3A_296 = vector.broadcast %parallel_loop3A_295 : i32 to vector<16xi32>
      %parallel_loop3A_297 = arith.addi %parallel_loop3A_263, %parallel_loop3A_296 : vector<16xi32>
      %parallel_loop3A_298 = tpu.vector_load_idx %arg9[%parallel_loop3A_297] : memref<12800xf32, #tpu.memory_space<vmem>>[vector<16xi32>], vector<16xf32>,
      %parallel_loop3A_299 = arith.addf %parallel_loop3A_294, %parallel_loop3A_298 : vector<16xf32>
      %parallel_loop3A_300 = arith.constant 0 : i32
      %parallel_loop3A_301 = vector.broadcast %parallel_loop3A_300 : i32 to vector<16xi32>
      %parallel_loop3A_302 = arith.addi %parallel_loop3A_267, %parallel_loop3A_301 : vector<16xi32>
      %parallel_loop3A_303 = tpu.vector_load_idx %arg9[%parallel_loop3A_302] : memref<12800xf32, #tpu.memory_space<vmem>>[vector<16xi32>], vector<16xf32>,
      %parallel_loop3A_304 = arith.addf %parallel_loop3A_299, %parallel_loop3A_303 : vector<16xf32>
      %parallel_loop3A_305 = arith.constant 0 : i32
      %parallel_loop3A_306 = vector.broadcast %parallel_loop3A_305 : i32 to vector<16xi32>
      %parallel_loop3A_307 = arith.addi %parallel_loop3A_271, %parallel_loop3A_306 : vector<16xi32>
      %parallel_loop3A_308 = tpu.vector_load_idx %arg9[%parallel_loop3A_307] : memref<12800xf32, #tpu.memory_space<vmem>>[vector<16xi32>], vector<16xf32>,
      %parallel_loop3A_309 = arith.addf %parallel_loop3A_304, %parallel_loop3A_308 : vector<16xf32>
      %parallel_loop3A_310 = arith.constant 0 : i32
      %parallel_loop3A_311 = vector.broadcast %parallel_loop3A_310 : i32 to vector<16xi32>
      %parallel_loop3A_312 = arith.addi %parallel_loop3A_275, %parallel_loop3A_311 : vector<16xi32>
      %parallel_loop3A_313 = tpu.vector_load_idx %arg9[%parallel_loop3A_312] : memref<12800xf32, #tpu.memory_space<vmem>>[vector<16xi32>], vector<16xf32>,
      %parallel_loop3A_314 = arith.addf %parallel_loop3A_309, %parallel_loop3A_313 : vector<16xf32>
      %parallel_loop3A_315 = arith.constant 0 : i32
      %parallel_loop3A_316 = tpu.memref_slice %arg10[%parallel_loop3A_208, %parallel_loop3A_315] : memref<512x128xf32, #tpu.memory_space<vmem>> -> memref<1x128xf32, #tpu.memory_space<vmem>>
      %parallel_loop3A_317 = tpu.memref_squeeze %parallel_loop3A_316 : memref<1x128xf32, #tpu.memory_space<vmem>> -> memref<128xf32, #tpu.memory_space<vmem>>
      %parallel_loop3A_318 = arith.constant 0 : index
      %parallel_loop3A_319 = tpu.vector_load %parallel_loop3A_317[%parallel_loop3A_318] {strides = array<i32>} : memref<128xf32, #tpu.memory_space<vmem>>, vector<16xf32>,
      tpu.vector_store %parallel_loop3A_317[%parallel_loop3A_318], %parallel_loop3A_314 {strides = array<i32>} : memref<128xf32, #tpu.memory_space<vmem>>, vector<16xf32>,
      %parallel_loop3A_320 = arith.constant 16 : i32
      %parallel_loop3A_321 = vector.broadcast %parallel_loop3A_320 : i32 to vector<16xi32>
      %parallel_loop3A_322 = arith.addi %parallel_loop3A_247, %parallel_loop3A_321 : vector<16xi32>
      %parallel_loop3A_323 = tpu.vector_load_idx %arg9[%parallel_loop3A_322] : memref<12800xf32, #tpu.memory_space<vmem>>[vector<16xi32>], vector<16xf32>,
      %parallel_loop3A_324 = arith.constant 16 : i32
      %parallel_loop3A_325 = vector.broadcast %parallel_loop3A_324 : i32 to vector<16xi32>
      %parallel_loop3A_326 = arith.addi %parallel_loop3A_251, %parallel_loop3A_325 : vector<16xi32>
      %parallel_loop3A_327 = tpu.vector_load_idx %arg9[%parallel_loop3A_326] : memref<12800xf32, #tpu.memory_space<vmem>>[vector<16xi32>], vector<16xf32>,
      %parallel_loop3A_328 = arith.addf %parallel_loop3A_323, %parallel_loop3A_327 : vector<16xf32>
      %parallel_loop3A_329 = arith.constant 16 : i32
      %parallel_loop3A_330 = vector.broadcast %parallel_loop3A_329 : i32 to vector<16xi32>
      %parallel_loop3A_331 = arith.addi %parallel_loop3A_255, %parallel_loop3A_330 : vector<16xi32>
      %parallel_loop3A_332 = tpu.vector_load_idx %arg9[%parallel_loop3A_331] : memref<12800xf32, #tpu.memory_space<vmem>>[vector<16xi32>], vector<16xf32>,
      %parallel_loop3A_333 = arith.addf %parallel_loop3A_328, %parallel_loop3A_332 : vector<16xf32>
      %parallel_loop3A_334 = arith.constant 16 : i32
      %parallel_loop3A_335 = vector.broadcast %parallel_loop3A_334 : i32 to vector<16xi32>
      %parallel_loop3A_336 = arith.addi %parallel_loop3A_259, %parallel_loop3A_335 : vector<16xi32>
      %parallel_loop3A_337 = tpu.vector_load_idx %arg9[%parallel_loop3A_336] : memref<12800xf32, #tpu.memory_space<vmem>>[vector<16xi32>], vector<16xf32>,
      %parallel_loop3A_338 = arith.addf %parallel_loop3A_333, %parallel_loop3A_337 : vector<16xf32>
      %parallel_loop3A_339 = arith.constant 16 : i32
      %parallel_loop3A_340 = vector.broadcast %parallel_loop3A_339 : i32 to vector<16xi32>
      %parallel_loop3A_341 = arith.addi %parallel_loop3A_263, %parallel_loop3A_340 : vector<16xi32>
      %parallel_loop3A_342 = tpu.vector_load_idx %arg9[%parallel_loop3A_341] : memref<12800xf32, #tpu.memory_space<vmem>>[vector<16xi32>], vector<16xf32>,
      %parallel_loop3A_343 = arith.addf %parallel_loop3A_338, %parallel_loop3A_342 : vector<16xf32>
      %parallel_loop3A_344 = arith.constant 16 : i32
      %parallel_loop3A_345 = vector.broadcast %parallel_loop3A_344 : i32 to vector<16xi32>
      %parallel_loop3A_346 = arith.addi %parallel_loop3A_267, %parallel_loop3A_345 : vector<16xi32>
      %parallel_loop3A_347 = tpu.vector_load_idx %arg9[%parallel_loop3A_346] : memref<12800xf32, #tpu.memory_space<vmem>>[vector<16xi32>], vector<16xf32>,
      %parallel_loop3A_348 = arith.addf %parallel_loop3A_343, %parallel_loop3A_347 : vector<16xf32>
      %parallel_loop3A_349 = arith.constant 16 : i32
      %parallel_loop3A_350 = vector.broadcast %parallel_loop3A_349 : i32 to vector<16xi32>
      %parallel_loop3A_351 = arith.addi %parallel_loop3A_271, %parallel_loop3A_350 : vector<16xi32>
      %parallel_loop3A_352 = tpu.vector_load_idx %arg9[%parallel_loop3A_351] : memref<12800xf32, #tpu.memory_space<vmem>>[vector<16xi32>], vector<16xf32>,
      %parallel_loop3A_353 = arith.addf %parallel_loop3A_348, %parallel_loop3A_352 : vector<16xf32>
      %parallel_loop3A_354 = arith.constant 16 : i32
      %parallel_loop3A_355 = vector.broadcast %parallel_loop3A_354 : i32 to vector<16xi32>
      %parallel_loop3A_356 = arith.addi %parallel_loop3A_275, %parallel_loop3A_355 : vector<16xi32>
      %parallel_loop3A_357 = tpu.vector_load_idx %arg9[%parallel_loop3A_356] : memref<12800xf32, #tpu.memory_space<vmem>>[vector<16xi32>], vector<16xf32>,
      %parallel_loop3A_358 = arith.addf %parallel_loop3A_353, %parallel_loop3A_357 : vector<16xf32>
      %parallel_loop3A_359 = arith.constant 0 : i32
      %parallel_loop3A_360 = tpu.memref_slice %arg10[%parallel_loop3A_208, %parallel_loop3A_359] : memref<512x128xf32, #tpu.memory_space<vmem>> -> memref<1x128xf32, #tpu.memory_space<vmem>>
      %parallel_loop3A_361 = tpu.memref_squeeze %parallel_loop3A_360 : memref<1x128xf32, #tpu.memory_space<vmem>> -> memref<128xf32, #tpu.memory_space<vmem>>
      %parallel_loop3A_362 = arith.constant 16 : index
      %parallel_loop3A_363 = tpu.vector_load %parallel_loop3A_361[%parallel_loop3A_362] {strides = array<i32>} : memref<128xf32, #tpu.memory_space<vmem>>, vector<16xf32>,
      tpu.vector_store %parallel_loop3A_361[%parallel_loop3A_362], %parallel_loop3A_358 {strides = array<i32>} : memref<128xf32, #tpu.memory_space<vmem>>, vector<16xf32>,
      %parallel_loop3A_364 = arith.constant 32 : i32
      %parallel_loop3A_365 = vector.broadcast %parallel_loop3A_364 : i32 to vector<16xi32>
      %parallel_loop3A_366 = arith.addi %parallel_loop3A_247, %parallel_loop3A_365 : vector<16xi32>
      %parallel_loop3A_367 = tpu.vector_load_idx %arg9[%parallel_loop3A_366] : memref<12800xf32, #tpu.memory_space<vmem>>[vector<16xi32>], vector<16xf32>,
      %parallel_loop3A_368 = arith.constant 32 : i32
      %parallel_loop3A_369 = vector.broadcast %parallel_loop3A_368 : i32 to vector<16xi32>
      %parallel_loop3A_370 = arith.addi %parallel_loop3A_251, %parallel_loop3A_369 : vector<16xi32>
      %parallel_loop3A_371 = tpu.vector_load_idx %arg9[%parallel_loop3A_370] : memref<12800xf32, #tpu.memory_space<vmem>>[vector<16xi32>], vector<16xf32>,
      %parallel_loop3A_372 = arith.addf %parallel_loop3A_367, %parallel_loop3A_371 : vector<16xf32>
      %parallel_loop3A_373 = arith.constant 32 : i32
      %parallel_loop3A_374 = vector.broadcast %parallel_loop3A_373 : i32 to vector<16xi32>
      %parallel_loop3A_375 = arith.addi %parallel_loop3A_255, %parallel_loop3A_374 : vector<16xi32>
      %parallel_loop3A_376 = tpu.vector_load_idx %arg9[%parallel_loop3A_375] : memref<12800xf32, #tpu.memory_space<vmem>>[vector<16xi32>], vector<16xf32>,
      %parallel_loop3A_377 = arith.addf %parallel_loop3A_372, %parallel_loop3A_376 : vector<16xf32>
      %parallel_loop3A_378 = arith.constant 32 : i32
      %parallel_loop3A_379 = vector.broadcast %parallel_loop3A_378 : i32 to vector<16xi32>
      %parallel_loop3A_380 = arith.addi %parallel_loop3A_259, %parallel_loop3A_379 : vector<16xi32>
      %parallel_loop3A_381 = tpu.vector_load_idx %arg9[%parallel_loop3A_380] : memref<12800xf32, #tpu.memory_space<vmem>>[vector<16xi32>], vector<16xf32>,
      %parallel_loop3A_382 = arith.addf %parallel_loop3A_377, %parallel_loop3A_381 : vector<16xf32>
      %parallel_loop3A_383 = arith.constant 32 : i32
      %parallel_loop3A_384 = vector.broadcast %parallel_loop3A_383 : i32 to vector<16xi32>
      %parallel_loop3A_385 = arith.addi %parallel_loop3A_263, %parallel_loop3A_384 : vector<16xi32>
      %parallel_loop3A_386 = tpu.vector_load_idx %arg9[%parallel_loop3A_385] : memref<12800xf32, #tpu.memory_space<vmem>>[vector<16xi32>], vector<16xf32>,
      %parallel_loop3A_387 = arith.addf %parallel_loop3A_382, %parallel_loop3A_386 : vector<16xf32>
      %parallel_loop3A_388 = arith.constant 32 : i32
      %parallel_loop3A_389 = vector.broadcast %parallel_loop3A_388 : i32 to vector<16xi32>
      %parallel_loop3A_390 = arith.addi %parallel_loop3A_267, %parallel_loop3A_389 : vector<16xi32>
      %parallel_loop3A_391 = tpu.vector_load_idx %arg9[%parallel_loop3A_390] : memref<12800xf32, #tpu.memory_space<vmem>>[vector<16xi32>], vector<16xf32>,
      %parallel_loop3A_392 = arith.addf %parallel_loop3A_387, %parallel_loop3A_391 : vector<16xf32>
      %parallel_loop3A_393 = arith.constant 32 : i32
      %parallel_loop3A_394 = vector.broadcast %parallel_loop3A_393 : i32 to vector<16xi32>
      %parallel_loop3A_395 = arith.addi %parallel_loop3A_271, %parallel_loop3A_394 : vector<16xi32>
      %parallel_loop3A_396 = tpu.vector_load_idx %arg9[%parallel_loop3A_395] : memref<12800xf32, #tpu.memory_space<vmem>>[vector<16xi32>], vector<16xf32>,
      %parallel_loop3A_397 = arith.addf %parallel_loop3A_392, %parallel_loop3A_396 : vector<16xf32>
      %parallel_loop3A_398 = arith.constant 32 : i32
      %parallel_loop3A_399 = vector.broadcast %parallel_loop3A_398 : i32 to vector<16xi32>
      %parallel_loop3A_400 = arith.addi %parallel_loop3A_275, %parallel_loop3A_399 : vector<16xi32>
      %parallel_loop3A_401 = tpu.vector_load_idx %arg9[%parallel_loop3A_400] : memref<12800xf32, #tpu.memory_space<vmem>>[vector<16xi32>], vector<16xf32>,
      %parallel_loop3A_402 = arith.addf %parallel_loop3A_397, %parallel_loop3A_401 : vector<16xf32>
      %parallel_loop3A_403 = arith.constant 0 : i32
      %parallel_loop3A_404 = tpu.memref_slice %arg10[%parallel_loop3A_208, %parallel_loop3A_403] : memref<512x128xf32, #tpu.memory_space<vmem>> -> memref<1x128xf32, #tpu.memory_space<vmem>>
      %parallel_loop3A_405 = tpu.memref_squeeze %parallel_loop3A_404 : memref<1x128xf32, #tpu.memory_space<vmem>> -> memref<128xf32, #tpu.memory_space<vmem>>
      %parallel_loop3A_406 = arith.constant 32 : index
      %parallel_loop3A_407 = tpu.vector_load %parallel_loop3A_405[%parallel_loop3A_406] {strides = array<i32>} : memref<128xf32, #tpu.memory_space<vmem>>, vector<16xf32>,
      tpu.vector_store %parallel_loop3A_405[%parallel_loop3A_406], %parallel_loop3A_402 {strides = array<i32>} : memref<128xf32, #tpu.memory_space<vmem>>, vector<16xf32>,
      %parallel_loop3A_408 = arith.constant 48 : i32
      %parallel_loop3A_409 = vector.broadcast %parallel_loop3A_408 : i32 to vector<16xi32>
      %parallel_loop3A_410 = arith.addi %parallel_loop3A_247, %parallel_loop3A_409 : vector<16xi32>
      %parallel_loop3A_411 = tpu.vector_load_idx %arg9[%parallel_loop3A_410] : memref<12800xf32, #tpu.memory_space<vmem>>[vector<16xi32>], vector<16xf32>,
      %parallel_loop3A_412 = arith.constant 48 : i32
      %parallel_loop3A_413 = vector.broadcast %parallel_loop3A_412 : i32 to vector<16xi32>
      %parallel_loop3A_414 = arith.addi %parallel_loop3A_251, %parallel_loop3A_413 : vector<16xi32>
      %parallel_loop3A_415 = tpu.vector_load_idx %arg9[%parallel_loop3A_414] : memref<12800xf32, #tpu.memory_space<vmem>>[vector<16xi32>], vector<16xf32>,
      %parallel_loop3A_416 = arith.addf %parallel_loop3A_411, %parallel_loop3A_415 : vector<16xf32>
      %parallel_loop3A_417 = arith.constant 48 : i32
      %parallel_loop3A_418 = vector.broadcast %parallel_loop3A_417 : i32 to vector<16xi32>
      %parallel_loop3A_419 = arith.addi %parallel_loop3A_255, %parallel_loop3A_418 : vector<16xi32>
      %parallel_loop3A_420 = tpu.vector_load_idx %arg9[%parallel_loop3A_419] : memref<12800xf32, #tpu.memory_space<vmem>>[vector<16xi32>], vector<16xf32>,
      %parallel_loop3A_421 = arith.addf %parallel_loop3A_416, %parallel_loop3A_420 : vector<16xf32>
      %parallel_loop3A_422 = arith.constant 48 : i32
      %parallel_loop3A_423 = vector.broadcast %parallel_loop3A_422 : i32 to vector<16xi32>
      %parallel_loop3A_424 = arith.addi %parallel_loop3A_259, %parallel_loop3A_423 : vector<16xi32>
      %parallel_loop3A_425 = tpu.vector_load_idx %arg9[%parallel_loop3A_424] : memref<12800xf32, #tpu.memory_space<vmem>>[vector<16xi32>], vector<16xf32>,
      %parallel_loop3A_426 = arith.addf %parallel_loop3A_421, %parallel_loop3A_425 : vector<16xf32>
      %parallel_loop3A_427 = arith.constant 48 : i32
      %parallel_loop3A_428 = vector.broadcast %parallel_loop3A_427 : i32 to vector<16xi32>
      %parallel_loop3A_429 = arith.addi %parallel_loop3A_263, %parallel_loop3A_428 : vector<16xi32>
      %parallel_loop3A_430 = tpu.vector_load_idx %arg9[%parallel_loop3A_429] : memref<12800xf32, #tpu.memory_space<vmem>>[vector<16xi32>], vector<16xf32>,
      %parallel_loop3A_431 = arith.addf %parallel_loop3A_426, %parallel_loop3A_430 : vector<16xf32>
      %parallel_loop3A_432 = arith.constant 48 : i32
      %parallel_loop3A_433 = vector.broadcast %parallel_loop3A_432 : i32 to vector<16xi32>
      %parallel_loop3A_434 = arith.addi %parallel_loop3A_267, %parallel_loop3A_433 : vector<16xi32>
      %parallel_loop3A_435 = tpu.vector_load_idx %arg9[%parallel_loop3A_434] : memref<12800xf32, #tpu.memory_space<vmem>>[vector<16xi32>], vector<16xf32>,
      %parallel_loop3A_436 = arith.addf %parallel_loop3A_431, %parallel_loop3A_435 : vector<16xf32>
      %parallel_loop3A_437 = arith.constant 48 : i32
      %parallel_loop3A_438 = vector.broadcast %parallel_loop3A_437 : i32 to vector<16xi32>
      %parallel_loop3A_439 = arith.addi %parallel_loop3A_271, %parallel_loop3A_438 : vector<16xi32>
      %parallel_loop3A_440 = tpu.vector_load_idx %arg9[%parallel_loop3A_439] : memref<12800xf32, #tpu.memory_space<vmem>>[vector<16xi32>], vector<16xf32>,
      %parallel_loop3A_441 = arith.addf %parallel_loop3A_436, %parallel_loop3A_440 : vector<16xf32>
      %parallel_loop3A_442 = arith.constant 48 : i32
      %parallel_loop3A_443 = vector.broadcast %parallel_loop3A_442 : i32 to vector<16xi32>
      %parallel_loop3A_444 = arith.addi %parallel_loop3A_275, %parallel_loop3A_443 : vector<16xi32>
      %parallel_loop3A_445 = tpu.vector_load_idx %arg9[%parallel_loop3A_444] : memref<12800xf32, #tpu.memory_space<vmem>>[vector<16xi32>], vector<16xf32>,
      %parallel_loop3A_446 = arith.addf %parallel_loop3A_441, %parallel_loop3A_445 : vector<16xf32>
      %parallel_loop3A_447 = arith.constant 0 : i32
      %parallel_loop3A_448 = tpu.memref_slice %arg10[%parallel_loop3A_208, %parallel_loop3A_447] : memref<512x128xf32, #tpu.memory_space<vmem>> -> memref<1x128xf32, #tpu.memory_space<vmem>>
      %parallel_loop3A_449 = tpu.memref_squeeze %parallel_loop3A_448 : memref<1x128xf32, #tpu.memory_space<vmem>> -> memref<128xf32, #tpu.memory_space<vmem>>
      %parallel_loop3A_450 = arith.constant 48 : index
      %parallel_loop3A_451 = tpu.vector_load %parallel_loop3A_449[%parallel_loop3A_450] {strides = array<i32>} : memref<128xf32, #tpu.memory_space<vmem>>, vector<16xf32>,
      tpu.vector_store %parallel_loop3A_449[%parallel_loop3A_450], %parallel_loop3A_446 {strides = array<i32>} : memref<128xf32, #tpu.memory_space<vmem>>, vector<16xf32>,
      %parallel_loop3A_452 = arith.constant 64 : i32
      %parallel_loop3A_453 = vector.broadcast %parallel_loop3A_452 : i32 to vector<16xi32>
      %parallel_loop3A_454 = arith.addi %parallel_loop3A_247, %parallel_loop3A_453 : vector<16xi32>
      %parallel_loop3A_455 = tpu.vector_load_idx %arg9[%parallel_loop3A_454] : memref<12800xf32, #tpu.memory_space<vmem>>[vector<16xi32>], vector<16xf32>,
      %parallel_loop3A_456 = arith.constant 64 : i32
      %parallel_loop3A_457 = vector.broadcast %parallel_loop3A_456 : i32 to vector<16xi32>
      %parallel_loop3A_458 = arith.addi %parallel_loop3A_251, %parallel_loop3A_457 : vector<16xi32>
      %parallel_loop3A_459 = tpu.vector_load_idx %arg9[%parallel_loop3A_458] : memref<12800xf32, #tpu.memory_space<vmem>>[vector<16xi32>], vector<16xf32>,
      %parallel_loop3A_460 = arith.addf %parallel_loop3A_455, %parallel_loop3A_459 : vector<16xf32>
      %parallel_loop3A_461 = arith.constant 64 : i32
      %parallel_loop3A_462 = vector.broadcast %parallel_loop3A_461 : i32 to vector<16xi32>
      %parallel_loop3A_463 = arith.addi %parallel_loop3A_255, %parallel_loop3A_462 : vector<16xi32>
      %parallel_loop3A_464 = tpu.vector_load_idx %arg9[%parallel_loop3A_463] : memref<12800xf32, #tpu.memory_space<vmem>>[vector<16xi32>], vector<16xf32>,
      %parallel_loop3A_465 = arith.addf %parallel_loop3A_460, %parallel_loop3A_464 : vector<16xf32>
      %parallel_loop3A_466 = arith.constant 64 : i32
      %parallel_loop3A_467 = vector.broadcast %parallel_loop3A_466 : i32 to vector<16xi32>
      %parallel_loop3A_468 = arith.addi %parallel_loop3A_259, %parallel_loop3A_467 : vector<16xi32>
      %parallel_loop3A_469 = tpu.vector_load_idx %arg9[%parallel_loop3A_468] : memref<12800xf32, #tpu.memory_space<vmem>>[vector<16xi32>], vector<16xf32>,
      %parallel_loop3A_470 = arith.addf %parallel_loop3A_465, %parallel_loop3A_469 : vector<16xf32>
      %parallel_loop3A_471 = arith.constant 64 : i32
      %parallel_loop3A_472 = vector.broadcast %parallel_loop3A_471 : i32 to vector<16xi32>
      %parallel_loop3A_473 = arith.addi %parallel_loop3A_263, %parallel_loop3A_472 : vector<16xi32>
      %parallel_loop3A_474 = tpu.vector_load_idx %arg9[%parallel_loop3A_473] : memref<12800xf32, #tpu.memory_space<vmem>>[vector<16xi32>], vector<16xf32>,
      %parallel_loop3A_475 = arith.addf %parallel_loop3A_470, %parallel_loop3A_474 : vector<16xf32>
      %parallel_loop3A_476 = arith.constant 64 : i32
      %parallel_loop3A_477 = vector.broadcast %parallel_loop3A_476 : i32 to vector<16xi32>
      %parallel_loop3A_478 = arith.addi %parallel_loop3A_267, %parallel_loop3A_477 : vector<16xi32>
      %parallel_loop3A_479 = tpu.vector_load_idx %arg9[%parallel_loop3A_478] : memref<12800xf32, #tpu.memory_space<vmem>>[vector<16xi32>], vector<16xf32>,
      %parallel_loop3A_480 = arith.addf %parallel_loop3A_475, %parallel_loop3A_479 : vector<16xf32>
      %parallel_loop3A_481 = arith.constant 64 : i32
      %parallel_loop3A_482 = vector.broadcast %parallel_loop3A_481 : i32 to vector<16xi32>
      %parallel_loop3A_483 = arith.addi %parallel_loop3A_271, %parallel_loop3A_482 : vector<16xi32>
      %parallel_loop3A_484 = tpu.vector_load_idx %arg9[%parallel_loop3A_483] : memref<12800xf32, #tpu.memory_space<vmem>>[vector<16xi32>], vector<16xf32>,
      %parallel_loop3A_485 = arith.addf %parallel_loop3A_480, %parallel_loop3A_484 : vector<16xf32>
      %parallel_loop3A_486 = arith.constant 64 : i32
      %parallel_loop3A_487 = vector.broadcast %parallel_loop3A_486 : i32 to vector<16xi32>
      %parallel_loop3A_488 = arith.addi %parallel_loop3A_275, %parallel_loop3A_487 : vector<16xi32>
      %parallel_loop3A_489 = tpu.vector_load_idx %arg9[%parallel_loop3A_488] : memref<12800xf32, #tpu.memory_space<vmem>>[vector<16xi32>], vector<16xf32>,
      %parallel_loop3A_490 = arith.addf %parallel_loop3A_485, %parallel_loop3A_489 : vector<16xf32>
      %parallel_loop3A_491 = arith.constant 0 : i32
      %parallel_loop3A_492 = tpu.memref_slice %arg10[%parallel_loop3A_208, %parallel_loop3A_491] : memref<512x128xf32, #tpu.memory_space<vmem>> -> memref<1x128xf32, #tpu.memory_space<vmem>>
      %parallel_loop3A_493 = tpu.memref_squeeze %parallel_loop3A_492 : memref<1x128xf32, #tpu.memory_space<vmem>> -> memref<128xf32, #tpu.memory_space<vmem>>
      %parallel_loop3A_494 = arith.constant 64 : index
      %parallel_loop3A_495 = tpu.vector_load %parallel_loop3A_493[%parallel_loop3A_494] {strides = array<i32>} : memref<128xf32, #tpu.memory_space<vmem>>, vector<16xf32>,
      tpu.vector_store %parallel_loop3A_493[%parallel_loop3A_494], %parallel_loop3A_490 {strides = array<i32>} : memref<128xf32, #tpu.memory_space<vmem>>, vector<16xf32>,
      %parallel_loop3A_496 = arith.constant 80 : i32
      %parallel_loop3A_497 = vector.broadcast %parallel_loop3A_496 : i32 to vector<16xi32>
      %parallel_loop3A_498 = arith.addi %parallel_loop3A_247, %parallel_loop3A_497 : vector<16xi32>
      %parallel_loop3A_499 = tpu.vector_load_idx %arg9[%parallel_loop3A_498] : memref<12800xf32, #tpu.memory_space<vmem>>[vector<16xi32>], vector<16xf32>,
      %parallel_loop3A_500 = arith.constant 80 : i32
      %parallel_loop3A_501 = vector.broadcast %parallel_loop3A_500 : i32 to vector<16xi32>
      %parallel_loop3A_502 = arith.addi %parallel_loop3A_251, %parallel_loop3A_501 : vector<16xi32>
      %parallel_loop3A_503 = tpu.vector_load_idx %arg9[%parallel_loop3A_502] : memref<12800xf32, #tpu.memory_space<vmem>>[vector<16xi32>], vector<16xf32>,
      %parallel_loop3A_504 = arith.addf %parallel_loop3A_499, %parallel_loop3A_503 : vector<16xf32>
      %parallel_loop3A_505 = arith.constant 80 : i32
      %parallel_loop3A_506 = vector.broadcast %parallel_loop3A_505 : i32 to vector<16xi32>
      %parallel_loop3A_507 = arith.addi %parallel_loop3A_255, %parallel_loop3A_506 : vector<16xi32>
      %parallel_loop3A_508 = tpu.vector_load_idx %arg9[%parallel_loop3A_507] : memref<12800xf32, #tpu.memory_space<vmem>>[vector<16xi32>], vector<16xf32>,
      %parallel_loop3A_509 = arith.addf %parallel_loop3A_504, %parallel_loop3A_508 : vector<16xf32>
      %parallel_loop3A_510 = arith.constant 80 : i32
      %parallel_loop3A_511 = vector.broadcast %parallel_loop3A_510 : i32 to vector<16xi32>
      %parallel_loop3A_512 = arith.addi %parallel_loop3A_259, %parallel_loop3A_511 : vector<16xi32>
      %parallel_loop3A_513 = tpu.vector_load_idx %arg9[%parallel_loop3A_512] : memref<12800xf32, #tpu.memory_space<vmem>>[vector<16xi32>], vector<16xf32>,
      %parallel_loop3A_514 = arith.addf %parallel_loop3A_509, %parallel_loop3A_513 : vector<16xf32>
      %parallel_loop3A_515 = arith.constant 80 : i32
      %parallel_loop3A_516 = vector.broadcast %parallel_loop3A_515 : i32 to vector<16xi32>
      %parallel_loop3A_517 = arith.addi %parallel_loop3A_263, %parallel_loop3A_516 : vector<16xi32>
      %parallel_loop3A_518 = tpu.vector_load_idx %arg9[%parallel_loop3A_517] : memref<12800xf32, #tpu.memory_space<vmem>>[vector<16xi32>], vector<16xf32>,
      %parallel_loop3A_519 = arith.addf %parallel_loop3A_514, %parallel_loop3A_518 : vector<16xf32>
      %parallel_loop3A_520 = arith.constant 80 : i32
      %parallel_loop3A_521 = vector.broadcast %parallel_loop3A_520 : i32 to vector<16xi32>
      %parallel_loop3A_522 = arith.addi %parallel_loop3A_267, %parallel_loop3A_521 : vector<16xi32>
      %parallel_loop3A_523 = tpu.vector_load_idx %arg9[%parallel_loop3A_522] : memref<12800xf32, #tpu.memory_space<vmem>>[vector<16xi32>], vector<16xf32>,
      %parallel_loop3A_524 = arith.addf %parallel_loop3A_519, %parallel_loop3A_523 : vector<16xf32>
      %parallel_loop3A_525 = arith.constant 80 : i32
      %parallel_loop3A_526 = vector.broadcast %parallel_loop3A_525 : i32 to vector<16xi32>
      %parallel_loop3A_527 = arith.addi %parallel_loop3A_271, %parallel_loop3A_526 : vector<16xi32>
      %parallel_loop3A_528 = tpu.vector_load_idx %arg9[%parallel_loop3A_527] : memref<12800xf32, #tpu.memory_space<vmem>>[vector<16xi32>], vector<16xf32>,
      %parallel_loop3A_529 = arith.addf %parallel_loop3A_524, %parallel_loop3A_528 : vector<16xf32>
      %parallel_loop3A_530 = arith.constant 80 : i32
      %parallel_loop3A_531 = vector.broadcast %parallel_loop3A_530 : i32 to vector<16xi32>
      %parallel_loop3A_532 = arith.addi %parallel_loop3A_275, %parallel_loop3A_531 : vector<16xi32>
      %parallel_loop3A_533 = tpu.vector_load_idx %arg9[%parallel_loop3A_532] : memref<12800xf32, #tpu.memory_space<vmem>>[vector<16xi32>], vector<16xf32>,
      %parallel_loop3A_534 = arith.addf %parallel_loop3A_529, %parallel_loop3A_533 : vector<16xf32>
      %parallel_loop3A_535 = arith.constant 0 : i32
      %parallel_loop3A_536 = tpu.memref_slice %arg10[%parallel_loop3A_208, %parallel_loop3A_535] : memref<512x128xf32, #tpu.memory_space<vmem>> -> memref<1x128xf32, #tpu.memory_space<vmem>>
      %parallel_loop3A_537 = tpu.memref_squeeze %parallel_loop3A_536 : memref<1x128xf32, #tpu.memory_space<vmem>> -> memref<128xf32, #tpu.memory_space<vmem>>
      %parallel_loop3A_538 = arith.constant 80 : index
      %parallel_loop3A_539 = tpu.vector_load %parallel_loop3A_537[%parallel_loop3A_538] {strides = array<i32>} : memref<128xf32, #tpu.memory_space<vmem>>, vector<16xf32>,
      tpu.vector_store %parallel_loop3A_537[%parallel_loop3A_538], %parallel_loop3A_534 {strides = array<i32>} : memref<128xf32, #tpu.memory_space<vmem>>, vector<16xf32>,
      %parallel_loop3A_540 = arith.constant 96 : i32
      %parallel_loop3A_541 = vector.broadcast %parallel_loop3A_540 : i32 to vector<16xi32>
      %parallel_loop3A_542 = arith.addi %parallel_loop3A_247, %parallel_loop3A_541 : vector<16xi32>
      %parallel_loop3A_543 = tpu.vector_load_idx %arg9[%parallel_loop3A_542] : memref<12800xf32, #tpu.memory_space<vmem>>[vector<16xi32>], vector<16xf32>,
      %parallel_loop3A_544 = arith.constant 96 : i32
      %parallel_loop3A_545 = vector.broadcast %parallel_loop3A_544 : i32 to vector<16xi32>
      %parallel_loop3A_546 = arith.addi %parallel_loop3A_251, %parallel_loop3A_545 : vector<16xi32>
      %parallel_loop3A_547 = tpu.vector_load_idx %arg9[%parallel_loop3A_546] : memref<12800xf32, #tpu.memory_space<vmem>>[vector<16xi32>], vector<16xf32>,
      %parallel_loop3A_548 = arith.addf %parallel_loop3A_543, %parallel_loop3A_547 : vector<16xf32>
      %parallel_loop3A_549 = arith.constant 96 : i32
      %parallel_loop3A_550 = vector.broadcast %parallel_loop3A_549 : i32 to vector<16xi32>
      %parallel_loop3A_551 = arith.addi %parallel_loop3A_255, %parallel_loop3A_550 : vector<16xi32>
      %parallel_loop3A_552 = tpu.vector_load_idx %arg9[%parallel_loop3A_551] : memref<12800xf32, #tpu.memory_space<vmem>>[vector<16xi32>], vector<16xf32>,
      %parallel_loop3A_553 = arith.addf %parallel_loop3A_548, %parallel_loop3A_552 : vector<16xf32>
      %parallel_loop3A_554 = arith.constant 96 : i32
      %parallel_loop3A_555 = vector.broadcast %parallel_loop3A_554 : i32 to vector<16xi32>
      %parallel_loop3A_556 = arith.addi %parallel_loop3A_259, %parallel_loop3A_555 : vector<16xi32>
      %parallel_loop3A_557 = tpu.vector_load_idx %arg9[%parallel_loop3A_556] : memref<12800xf32, #tpu.memory_space<vmem>>[vector<16xi32>], vector<16xf32>,
      %parallel_loop3A_558 = arith.addf %parallel_loop3A_553, %parallel_loop3A_557 : vector<16xf32>
      %parallel_loop3A_559 = arith.constant 96 : i32
      %parallel_loop3A_560 = vector.broadcast %parallel_loop3A_559 : i32 to vector<16xi32>
      %parallel_loop3A_561 = arith.addi %parallel_loop3A_263, %parallel_loop3A_560 : vector<16xi32>
      %parallel_loop3A_562 = tpu.vector_load_idx %arg9[%parallel_loop3A_561] : memref<12800xf32, #tpu.memory_space<vmem>>[vector<16xi32>], vector<16xf32>,
      %parallel_loop3A_563 = arith.addf %parallel_loop3A_558, %parallel_loop3A_562 : vector<16xf32>
      %parallel_loop3A_564 = arith.constant 96 : i32
      %parallel_loop3A_565 = vector.broadcast %parallel_loop3A_564 : i32 to vector<16xi32>
      %parallel_loop3A_566 = arith.addi %parallel_loop3A_267, %parallel_loop3A_565 : vector<16xi32>
      %parallel_loop3A_567 = tpu.vector_load_idx %arg9[%parallel_loop3A_566] : memref<12800xf32, #tpu.memory_space<vmem>>[vector<16xi32>], vector<16xf32>,
      %parallel_loop3A_568 = arith.addf %parallel_loop3A_563, %parallel_loop3A_567 : vector<16xf32>
      %parallel_loop3A_569 = arith.constant 96 : i32
      %parallel_loop3A_570 = vector.broadcast %parallel_loop3A_569 : i32 to vector<16xi32>
      %parallel_loop3A_571 = arith.addi %parallel_loop3A_271, %parallel_loop3A_570 : vector<16xi32>
      %parallel_loop3A_572 = tpu.vector_load_idx %arg9[%parallel_loop3A_571] : memref<12800xf32, #tpu.memory_space<vmem>>[vector<16xi32>], vector<16xf32>,
      %parallel_loop3A_573 = arith.addf %parallel_loop3A_568, %parallel_loop3A_572 : vector<16xf32>
      %parallel_loop3A_574 = arith.constant 96 : i32
      %parallel_loop3A_575 = vector.broadcast %parallel_loop3A_574 : i32 to vector<16xi32>
      %parallel_loop3A_576 = arith.addi %parallel_loop3A_275, %parallel_loop3A_575 : vector<16xi32>
      %parallel_loop3A_577 = tpu.vector_load_idx %arg9[%parallel_loop3A_576] : memref<12800xf32, #tpu.memory_space<vmem>>[vector<16xi32>], vector<16xf32>,
      %parallel_loop3A_578 = arith.addf %parallel_loop3A_573, %parallel_loop3A_577 : vector<16xf32>
      %parallel_loop3A_579 = arith.constant 0 : i32
      %parallel_loop3A_580 = tpu.memref_slice %arg10[%parallel_loop3A_208, %parallel_loop3A_579] : memref<512x128xf32, #tpu.memory_space<vmem>> -> memref<1x128xf32, #tpu.memory_space<vmem>>
      %parallel_loop3A_581 = tpu.memref_squeeze %parallel_loop3A_580 : memref<1x128xf32, #tpu.memory_space<vmem>> -> memref<128xf32, #tpu.memory_space<vmem>>
      %parallel_loop3A_582 = arith.constant 96 : index
      %parallel_loop3A_583 = tpu.vector_load %parallel_loop3A_581[%parallel_loop3A_582] {strides = array<i32>} : memref<128xf32, #tpu.memory_space<vmem>>, vector<16xf32>,
      tpu.vector_store %parallel_loop3A_581[%parallel_loop3A_582], %parallel_loop3A_578 {strides = array<i32>} : memref<128xf32, #tpu.memory_space<vmem>>, vector<16xf32>,
      %parallel_loop3A_584 = arith.constant 112 : i32
      %parallel_loop3A_585 = vector.broadcast %parallel_loop3A_584 : i32 to vector<16xi32>
      %parallel_loop3A_586 = arith.addi %parallel_loop3A_247, %parallel_loop3A_585 : vector<16xi32>
      %parallel_loop3A_587 = tpu.vector_load_idx %arg9[%parallel_loop3A_586] : memref<12800xf32, #tpu.memory_space<vmem>>[vector<16xi32>], vector<16xf32>,
      %parallel_loop3A_588 = arith.constant 112 : i32
      %parallel_loop3A_589 = vector.broadcast %parallel_loop3A_588 : i32 to vector<16xi32>
      %parallel_loop3A_590 = arith.addi %parallel_loop3A_251, %parallel_loop3A_589 : vector<16xi32>
      %parallel_loop3A_591 = tpu.vector_load_idx %arg9[%parallel_loop3A_590] : memref<12800xf32, #tpu.memory_space<vmem>>[vector<16xi32>], vector<16xf32>,
      %parallel_loop3A_592 = arith.addf %parallel_loop3A_587, %parallel_loop3A_591 : vector<16xf32>
      %parallel_loop3A_593 = arith.constant 112 : i32
      %parallel_loop3A_594 = vector.broadcast %parallel_loop3A_593 : i32 to vector<16xi32>
      %parallel_loop3A_595 = arith.addi %parallel_loop3A_255, %parallel_loop3A_594 : vector<16xi32>
      %parallel_loop3A_596 = tpu.vector_load_idx %arg9[%parallel_loop3A_595] : memref<12800xf32, #tpu.memory_space<vmem>>[vector<16xi32>], vector<16xf32>,
      %parallel_loop3A_597 = arith.addf %parallel_loop3A_592, %parallel_loop3A_596 : vector<16xf32>
      %parallel_loop3A_598 = arith.constant 112 : i32
      %parallel_loop3A_599 = vector.broadcast %parallel_loop3A_598 : i32 to vector<16xi32>
      %parallel_loop3A_600 = arith.addi %parallel_loop3A_259, %parallel_loop3A_599 : vector<16xi32>
      %parallel_loop3A_601 = tpu.vector_load_idx %arg9[%parallel_loop3A_600] : memref<12800xf32, #tpu.memory_space<vmem>>[vector<16xi32>], vector<16xf32>,
      %parallel_loop3A_602 = arith.addf %parallel_loop3A_597, %parallel_loop3A_601 : vector<16xf32>
      %parallel_loop3A_603 = arith.constant 112 : i32
      %parallel_loop3A_604 = vector.broadcast %parallel_loop3A_603 : i32 to vector<16xi32>
      %parallel_loop3A_605 = arith.addi %parallel_loop3A_263, %parallel_loop3A_604 : vector<16xi32>
      %parallel_loop3A_606 = tpu.vector_load_idx %arg9[%parallel_loop3A_605] : memref<12800xf32, #tpu.memory_space<vmem>>[vector<16xi32>], vector<16xf32>,
      %parallel_loop3A_607 = arith.addf %parallel_loop3A_602, %parallel_loop3A_606 : vector<16xf32>
      %parallel_loop3A_608 = arith.constant 112 : i32
      %parallel_loop3A_609 = vector.broadcast %parallel_loop3A_608 : i32 to vector<16xi32>
      %parallel_loop3A_610 = arith.addi %parallel_loop3A_267, %parallel_loop3A_609 : vector<16xi32>
      %parallel_loop3A_611 = tpu.vector_load_idx %arg9[%parallel_loop3A_610] : memref<12800xf32, #tpu.memory_space<vmem>>[vector<16xi32>], vector<16xf32>,
      %parallel_loop3A_612 = arith.addf %parallel_loop3A_607, %parallel_loop3A_611 : vector<16xf32>
      %parallel_loop3A_613 = arith.constant 112 : i32
      %parallel_loop3A_614 = vector.broadcast %parallel_loop3A_613 : i32 to vector<16xi32>
      %parallel_loop3A_615 = arith.addi %parallel_loop3A_271, %parallel_loop3A_614 : vector<16xi32>
      %parallel_loop3A_616 = tpu.vector_load_idx %arg9[%parallel_loop3A_615] : memref<12800xf32, #tpu.memory_space<vmem>>[vector<16xi32>], vector<16xf32>,
      %parallel_loop3A_617 = arith.addf %parallel_loop3A_612, %parallel_loop3A_616 : vector<16xf32>
      %parallel_loop3A_618 = arith.constant 112 : i32
      %parallel_loop3A_619 = vector.broadcast %parallel_loop3A_618 : i32 to vector<16xi32>
      %parallel_loop3A_620 = arith.addi %parallel_loop3A_275, %parallel_loop3A_619 : vector<16xi32>
      %parallel_loop3A_621 = tpu.vector_load_idx %arg9[%parallel_loop3A_620] : memref<12800xf32, #tpu.memory_space<vmem>>[vector<16xi32>], vector<16xf32>,
      %parallel_loop3A_622 = arith.addf %parallel_loop3A_617, %parallel_loop3A_621 : vector<16xf32>
      %parallel_loop3A_623 = arith.constant 0 : i32
      %parallel_loop3A_624 = tpu.memref_slice %arg10[%parallel_loop3A_208, %parallel_loop3A_623] : memref<512x128xf32, #tpu.memory_space<vmem>> -> memref<1x128xf32, #tpu.memory_space<vmem>>
      %parallel_loop3A_625 = tpu.memref_squeeze %parallel_loop3A_624 : memref<1x128xf32, #tpu.memory_space<vmem>> -> memref<128xf32, #tpu.memory_space<vmem>>
      %parallel_loop3A_626 = arith.constant 112 : index
      %parallel_loop3A_627 = tpu.vector_load %parallel_loop3A_625[%parallel_loop3A_626] {strides = array<i32>} : memref<128xf32, #tpu.memory_space<vmem>>, vector<16xf32>,
      tpu.vector_store %parallel_loop3A_625[%parallel_loop3A_626], %parallel_loop3A_622 {strides = array<i32>} : memref<128xf32, #tpu.memory_space<vmem>>, vector<16xf32>,
    } {sc.loop_unroll_factor = 1 : i64, sc.parallel_access}
    %dma_wait3A_99 = arith.constant 2 : i32
    %dma_wait3A_100 = arith.constant 0 : i32
    %dma_wait3A_101 = tpu.memref_slice %arg7[%dma_wait3A_99, %dma_wait3A_100] : memref<4x128xi32, #tpu.memory_space<vmem>> -> memref<1x128xi32, #tpu.memory_space<vmem>>
    %dma_wait3A_102 = tpu.memref_squeeze %dma_wait3A_101 : memref<1x128xi32, #tpu.memory_space<vmem>> -> memref<128xi32, #tpu.memory_space<vmem>>
    %dma_wait3A_103 = arith.constant 0 : i32
    %dma_wait3A_104 = arith.constant 0 : i32
    %dma_wait3A_105 = tpu.memref_slice %arg4[%dma_wait3A_103, %dma_wait3A_104] : memref<1001x128xf32, #tpu.memory_space<hbm>> -> memref<1001x128xf32, #tpu.memory_space<hbm>>
    tpu.wait_indirect_dma semaphore(%arg13 : memref<!tpu.dma_semaphore, #tpu.memory_space<semaphore_mem>>) src(%dma_wait3A_105 : memref<1001x128xf32, #tpu.memory_space<hbm>>) dst(%arg11 : memref<128x128xf32, #tpu.memory_space<vmem>>)
    %add3A_106 = arith.constant 256 : i32
    %add3A_107 = arith.addi %mul3A_2, %add3A_106 : i32
    %dma_start3A_108 = arith.constant 0 : i32
    %dma_start3A_109 = tpu.memref_slice %arg6[%add3A_107, %dma_start3A_108] : memref<16384x256xf32, #tpu.memory_space<hbm>> -> memref<128x128xf32, #tpu.memory_space<hbm>>
    %dma_start3A_110 = arith.constant 0 : i32
    %dma_start3A_111 = tpu.memref_slice %arg6[%add3A_107, %dma_start3A_110] : memref<16384x256xf32, #tpu.memory_space<hbm>> -> memref<128x128xf32, #tpu.memory_space<hbm>>
    tpu.enqueue_dma source(%arg11 : memref<128x128xf32, #tpu.memory_space<vmem>>) target(%dma_start3A_111 : memref<128x128xf32, #tpu.memory_space<hbm>>) target_semaphore(%arg15 : memref<!tpu.dma_semaphore, #tpu.memory_space<semaphore_mem>>)
    %add3A_112 = arith.constant 256 : i32
    %add3A_113 = arith.addi %mul3A_2, %add3A_112 : i32
    %dma_start3A_114 = arith.constant 256 : i32
    %dma_start3A_115 = arith.constant 0 : i32
    %dma_start3A_116 = tpu.memref_slice %arg10[%dma_start3A_114, %dma_start3A_115] : memref<512x128xf32, #tpu.memory_space<vmem>> -> memref<128x128xf32, #tpu.memory_space<vmem>>
    %dma_start3A_117 = arith.constant 128 : i32
    %dma_start3A_118 = tpu.memref_slice %arg6[%add3A_113, %dma_start3A_117] : memref<16384x256xf32, #tpu.memory_space<hbm>> -> memref<128x128xf32, #tpu.memory_space<hbm>>
    %dma_start3A_119 = arith.constant 128 : i32
    %dma_start3A_120 = tpu.memref_slice %arg6[%add3A_113, %dma_start3A_119] : memref<16384x256xf32, #tpu.memory_space<hbm>> -> memref<128x128xf32, #tpu.memory_space<hbm>>
    %dma_start3A_121 = arith.constant 256 : i32
    %dma_start3A_122 = arith.constant 0 : i32
    %dma_start3A_123 = tpu.memref_slice %arg10[%dma_start3A_121, %dma_start3A_122] : memref<512x128xf32, #tpu.memory_space<vmem>> -> memref<128x128xf32, #tpu.memory_space<vmem>>
    tpu.enqueue_dma source(%dma_start3A_123 : memref<128x128xf32, #tpu.memory_space<vmem>>) target(%dma_start3A_120 : memref<128x128xf32, #tpu.memory_space<hbm>>) target_semaphore(%arg16 : memref<!tpu.dma_semaphore, #tpu.memory_space<semaphore_mem>>)
    %dma_wait3A_124 = arith.constant 0 : i32
    %dma_wait3A_125 = tpu.memref_slice %arg6[%add3A_107, %dma_wait3A_124] : memref<16384x256xf32, #tpu.memory_space<hbm>> -> memref<128x128xf32, #tpu.memory_space<hbm>>
    %dma_wait3A_126 = arith.constant 0 : i32
    %dma_wait3A_127 = tpu.memref_slice %arg6[%add3A_107, %dma_wait3A_126] : memref<16384x256xf32, #tpu.memory_space<hbm>> -> memref<128x128xf32, #tpu.memory_space<hbm>>
    tpu.wait_dma2 semaphore(%arg15 : memref<!tpu.dma_semaphore, #tpu.memory_space<semaphore_mem>>) src(%arg11 : memref<128x128xf32, #tpu.memory_space<vmem>>) dst(%dma_wait3A_127 : memref<128x128xf32, #tpu.memory_space<hbm>>)
    %parallel_loop3A_128 = arith.constant 384 : i32
    %parallel_loop3A_129 = arith.constant 512 : i32
    %parallel_loop3A_130 = arith.constant 1 : i32
    scf.for %parallel_loop3A_208 = %parallel_loop3A_128 to %parallel_loop3A_129 step %parallel_loop3A_130  : i32 {
      %parallel_loop3A_209 = arith.constant 8 : i32
      %parallel_loop3A_210 = arith.muli %parallel_loop3A_208, %parallel_loop3A_209 : i32
      %parallel_loop3A_211 = vector.broadcast %parallel_loop3A_210 : i32 to vector<16xi32>
      %parallel_loop3A_212 = arith.constant 0 : i32
      %parallel_loop3A_213 = vector.broadcast %parallel_loop3A_212 : i32 to vector<16xi32>
      %parallel_loop3A_214 = arith.addi %parallel_loop3A_211, %parallel_loop3A_213 : vector<16xi32>
      %parallel_loop3A_215 = tpu.vector_load_idx %arg8[%parallel_loop3A_214] : memref<4096xi32, #tpu.memory_space<vmem>>[vector<16xi32>], vector<16xi32>,
      %parallel_loop3A_216 = arith.constant 1 : i32
      %parallel_loop3A_217 = vector.broadcast %parallel_loop3A_216 : i32 to vector<16xi32>
      %parallel_loop3A_218 = arith.addi %parallel_loop3A_211, %parallel_loop3A_217 : vector<16xi32>
      %parallel_loop3A_219 = tpu.vector_load_idx %arg8[%parallel_loop3A_218] : memref<4096xi32, #tpu.memory_space<vmem>>[vector<16xi32>], vector<16xi32>,
      %parallel_loop3A_220 = arith.constant 2 : i32
      %parallel_loop3A_221 = vector.broadcast %parallel_loop3A_220 : i32 to vector<16xi32>
      %parallel_loop3A_222 = arith.addi %parallel_loop3A_211, %parallel_loop3A_221 : vector<16xi32>
      %parallel_loop3A_223 = tpu.vector_load_idx %arg8[%parallel_loop3A_222] : memref<4096xi32, #tpu.memory_space<vmem>>[vector<16xi32>], vector<16xi32>,
      %parallel_loop3A_224 = arith.constant 3 : i32
      %parallel_loop3A_225 = vector.broadcast %parallel_loop3A_224 : i32 to vector<16xi32>
      %parallel_loop3A_226 = arith.addi %parallel_loop3A_211, %parallel_loop3A_225 : vector<16xi32>
      %parallel_loop3A_227 = tpu.vector_load_idx %arg8[%parallel_loop3A_226] : memref<4096xi32, #tpu.memory_space<vmem>>[vector<16xi32>], vector<16xi32>,
      %parallel_loop3A_228 = arith.constant 4 : i32
      %parallel_loop3A_229 = vector.broadcast %parallel_loop3A_228 : i32 to vector<16xi32>
      %parallel_loop3A_230 = arith.addi %parallel_loop3A_211, %parallel_loop3A_229 : vector<16xi32>
      %parallel_loop3A_231 = tpu.vector_load_idx %arg8[%parallel_loop3A_230] : memref<4096xi32, #tpu.memory_space<vmem>>[vector<16xi32>], vector<16xi32>,
      %parallel_loop3A_232 = arith.constant 5 : i32
      %parallel_loop3A_233 = vector.broadcast %parallel_loop3A_232 : i32 to vector<16xi32>
      %parallel_loop3A_234 = arith.addi %parallel_loop3A_211, %parallel_loop3A_233 : vector<16xi32>
      %parallel_loop3A_235 = tpu.vector_load_idx %arg8[%parallel_loop3A_234] : memref<4096xi32, #tpu.memory_space<vmem>>[vector<16xi32>], vector<16xi32>,
      %parallel_loop3A_236 = arith.constant 6 : i32
      %parallel_loop3A_237 = vector.broadcast %parallel_loop3A_236 : i32 to vector<16xi32>
      %parallel_loop3A_238 = arith.addi %parallel_loop3A_211, %parallel_loop3A_237 : vector<16xi32>
      %parallel_loop3A_239 = tpu.vector_load_idx %arg8[%parallel_loop3A_238] : memref<4096xi32, #tpu.memory_space<vmem>>[vector<16xi32>], vector<16xi32>,
      %parallel_loop3A_240 = arith.constant 7 : i32
      %parallel_loop3A_241 = vector.broadcast %parallel_loop3A_240 : i32 to vector<16xi32>
      %parallel_loop3A_242 = arith.addi %parallel_loop3A_211, %parallel_loop3A_241 : vector<16xi32>
      %parallel_loop3A_243 = tpu.vector_load_idx %arg8[%parallel_loop3A_242] : memref<4096xi32, #tpu.memory_space<vmem>>[vector<16xi32>], vector<16xi32>,
      %parallel_loop3A_244 = arith.constant 7 : i32
      %parallel_loop3A_245 = vector.broadcast %parallel_loop3A_244 : i32 to vector<16xi32>
      %parallel_loop3A_246 = arith.shli %parallel_loop3A_215, %parallel_loop3A_245 : vector<16xi32>
      %parallel_loop3A_247 = arith.addi %parallel_loop3A_246, %iota3A : vector<16xi32>
      %parallel_loop3A_248 = arith.constant 7 : i32
      %parallel_loop3A_249 = vector.broadcast %parallel_loop3A_248 : i32 to vector<16xi32>
      %parallel_loop3A_250 = arith.shli %parallel_loop3A_219, %parallel_loop3A_249 : vector<16xi32>
      %parallel_loop3A_251 = arith.addi %parallel_loop3A_250, %iota3A : vector<16xi32>
      %parallel_loop3A_252 = arith.constant 7 : i32
      %parallel_loop3A_253 = vector.broadcast %parallel_loop3A_252 : i32 to vector<16xi32>
      %parallel_loop3A_254 = arith.shli %parallel_loop3A_223, %parallel_loop3A_253 : vector<16xi32>
      %parallel_loop3A_255 = arith.addi %parallel_loop3A_254, %iota3A : vector<16xi32>
      %parallel_loop3A_256 = arith.constant 7 : i32
      %parallel_loop3A_257 = vector.broadcast %parallel_loop3A_256 : i32 to vector<16xi32>
      %parallel_loop3A_258 = arith.shli %parallel_loop3A_227, %parallel_loop3A_257 : vector<16xi32>
      %parallel_loop3A_259 = arith.addi %parallel_loop3A_258, %iota3A : vector<16xi32>
      %parallel_loop3A_260 = arith.constant 7 : i32
      %parallel_loop3A_261 = vector.broadcast %parallel_loop3A_260 : i32 to vector<16xi32>
      %parallel_loop3A_262 = arith.shli %parallel_loop3A_231, %parallel_loop3A_261 : vector<16xi32>
      %parallel_loop3A_263 = arith.addi %parallel_loop3A_262, %iota3A : vector<16xi32>
      %parallel_loop3A_264 = arith.constant 7 : i32
      %parallel_loop3A_265 = vector.broadcast %parallel_loop3A_264 : i32 to vector<16xi32>
      %parallel_loop3A_266 = arith.shli %parallel_loop3A_235, %parallel_loop3A_265 : vector<16xi32>
      %parallel_loop3A_267 = arith.addi %parallel_loop3A_266, %iota3A : vector<16xi32>
      %parallel_loop3A_268 = arith.constant 7 : i32
      %parallel_loop3A_269 = vector.broadcast %parallel_loop3A_268 : i32 to vector<16xi32>
      %parallel_loop3A_270 = arith.shli %parallel_loop3A_239, %parallel_loop3A_269 : vector<16xi32>
      %parallel_loop3A_271 = arith.addi %parallel_loop3A_270, %iota3A : vector<16xi32>
      %parallel_loop3A_272 = arith.constant 7 : i32
      %parallel_loop3A_273 = vector.broadcast %parallel_loop3A_272 : i32 to vector<16xi32>
      %parallel_loop3A_274 = arith.shli %parallel_loop3A_243, %parallel_loop3A_273 : vector<16xi32>
      %parallel_loop3A_275 = arith.addi %parallel_loop3A_274, %iota3A : vector<16xi32>
      %parallel_loop3A_276 = arith.constant 0 : i32
      %parallel_loop3A_277 = vector.broadcast %parallel_loop3A_276 : i32 to vector<16xi32>
      %parallel_loop3A_278 = arith.addi %parallel_loop3A_247, %parallel_loop3A_277 : vector<16xi32>
      %parallel_loop3A_279 = tpu.vector_load_idx %arg9[%parallel_loop3A_278] : memref<12800xf32, #tpu.memory_space<vmem>>[vector<16xi32>], vector<16xf32>,
      %parallel_loop3A_280 = arith.constant 0 : i32
      %parallel_loop3A_281 = vector.broadcast %parallel_loop3A_280 : i32 to vector<16xi32>
      %parallel_loop3A_282 = arith.addi %parallel_loop3A_251, %parallel_loop3A_281 : vector<16xi32>
      %parallel_loop3A_283 = tpu.vector_load_idx %arg9[%parallel_loop3A_282] : memref<12800xf32, #tpu.memory_space<vmem>>[vector<16xi32>], vector<16xf32>,
      %parallel_loop3A_284 = arith.addf %parallel_loop3A_279, %parallel_loop3A_283 : vector<16xf32>
      %parallel_loop3A_285 = arith.constant 0 : i32
      %parallel_loop3A_286 = vector.broadcast %parallel_loop3A_285 : i32 to vector<16xi32>
      %parallel_loop3A_287 = arith.addi %parallel_loop3A_255, %parallel_loop3A_286 : vector<16xi32>
      %parallel_loop3A_288 = tpu.vector_load_idx %arg9[%parallel_loop3A_287] : memref<12800xf32, #tpu.memory_space<vmem>>[vector<16xi32>], vector<16xf32>,
      %parallel_loop3A_289 = arith.addf %parallel_loop3A_284, %parallel_loop3A_288 : vector<16xf32>
      %parallel_loop3A_290 = arith.constant 0 : i32
      %parallel_loop3A_291 = vector.broadcast %parallel_loop3A_290 : i32 to vector<16xi32>
      %parallel_loop3A_292 = arith.addi %parallel_loop3A_259, %parallel_loop3A_291 : vector<16xi32>
      %parallel_loop3A_293 = tpu.vector_load_idx %arg9[%parallel_loop3A_292] : memref<12800xf32, #tpu.memory_space<vmem>>[vector<16xi32>], vector<16xf32>,
      %parallel_loop3A_294 = arith.addf %parallel_loop3A_289, %parallel_loop3A_293 : vector<16xf32>
      %parallel_loop3A_295 = arith.constant 0 : i32
      %parallel_loop3A_296 = vector.broadcast %parallel_loop3A_295 : i32 to vector<16xi32>
      %parallel_loop3A_297 = arith.addi %parallel_loop3A_263, %parallel_loop3A_296 : vector<16xi32>
      %parallel_loop3A_298 = tpu.vector_load_idx %arg9[%parallel_loop3A_297] : memref<12800xf32, #tpu.memory_space<vmem>>[vector<16xi32>], vector<16xf32>,
      %parallel_loop3A_299 = arith.addf %parallel_loop3A_294, %parallel_loop3A_298 : vector<16xf32>
      %parallel_loop3A_300 = arith.constant 0 : i32
      %parallel_loop3A_301 = vector.broadcast %parallel_loop3A_300 : i32 to vector<16xi32>
      %parallel_loop3A_302 = arith.addi %parallel_loop3A_267, %parallel_loop3A_301 : vector<16xi32>
      %parallel_loop3A_303 = tpu.vector_load_idx %arg9[%parallel_loop3A_302] : memref<12800xf32, #tpu.memory_space<vmem>>[vector<16xi32>], vector<16xf32>,
      %parallel_loop3A_304 = arith.addf %parallel_loop3A_299, %parallel_loop3A_303 : vector<16xf32>
      %parallel_loop3A_305 = arith.constant 0 : i32
      %parallel_loop3A_306 = vector.broadcast %parallel_loop3A_305 : i32 to vector<16xi32>
      %parallel_loop3A_307 = arith.addi %parallel_loop3A_271, %parallel_loop3A_306 : vector<16xi32>
      %parallel_loop3A_308 = tpu.vector_load_idx %arg9[%parallel_loop3A_307] : memref<12800xf32, #tpu.memory_space<vmem>>[vector<16xi32>], vector<16xf32>,
      %parallel_loop3A_309 = arith.addf %parallel_loop3A_304, %parallel_loop3A_308 : vector<16xf32>
      %parallel_loop3A_310 = arith.constant 0 : i32
      %parallel_loop3A_311 = vector.broadcast %parallel_loop3A_310 : i32 to vector<16xi32>
      %parallel_loop3A_312 = arith.addi %parallel_loop3A_275, %parallel_loop3A_311 : vector<16xi32>
      %parallel_loop3A_313 = tpu.vector_load_idx %arg9[%parallel_loop3A_312] : memref<12800xf32, #tpu.memory_space<vmem>>[vector<16xi32>], vector<16xf32>,
      %parallel_loop3A_314 = arith.addf %parallel_loop3A_309, %parallel_loop3A_313 : vector<16xf32>
      %parallel_loop3A_315 = arith.constant 0 : i32
      %parallel_loop3A_316 = tpu.memref_slice %arg10[%parallel_loop3A_208, %parallel_loop3A_315] : memref<512x128xf32, #tpu.memory_space<vmem>> -> memref<1x128xf32, #tpu.memory_space<vmem>>
      %parallel_loop3A_317 = tpu.memref_squeeze %parallel_loop3A_316 : memref<1x128xf32, #tpu.memory_space<vmem>> -> memref<128xf32, #tpu.memory_space<vmem>>
      %parallel_loop3A_318 = arith.constant 0 : index
      %parallel_loop3A_319 = tpu.vector_load %parallel_loop3A_317[%parallel_loop3A_318] {strides = array<i32>} : memref<128xf32, #tpu.memory_space<vmem>>, vector<16xf32>,
      tpu.vector_store %parallel_loop3A_317[%parallel_loop3A_318], %parallel_loop3A_314 {strides = array<i32>} : memref<128xf32, #tpu.memory_space<vmem>>, vector<16xf32>,
      %parallel_loop3A_320 = arith.constant 16 : i32
      %parallel_loop3A_321 = vector.broadcast %parallel_loop3A_320 : i32 to vector<16xi32>
      %parallel_loop3A_322 = arith.addi %parallel_loop3A_247, %parallel_loop3A_321 : vector<16xi32>
      %parallel_loop3A_323 = tpu.vector_load_idx %arg9[%parallel_loop3A_322] : memref<12800xf32, #tpu.memory_space<vmem>>[vector<16xi32>], vector<16xf32>,
      %parallel_loop3A_324 = arith.constant 16 : i32
      %parallel_loop3A_325 = vector.broadcast %parallel_loop3A_324 : i32 to vector<16xi32>
      %parallel_loop3A_326 = arith.addi %parallel_loop3A_251, %parallel_loop3A_325 : vector<16xi32>
      %parallel_loop3A_327 = tpu.vector_load_idx %arg9[%parallel_loop3A_326] : memref<12800xf32, #tpu.memory_space<vmem>>[vector<16xi32>], vector<16xf32>,
      %parallel_loop3A_328 = arith.addf %parallel_loop3A_323, %parallel_loop3A_327 : vector<16xf32>
      %parallel_loop3A_329 = arith.constant 16 : i32
      %parallel_loop3A_330 = vector.broadcast %parallel_loop3A_329 : i32 to vector<16xi32>
      %parallel_loop3A_331 = arith.addi %parallel_loop3A_255, %parallel_loop3A_330 : vector<16xi32>
      %parallel_loop3A_332 = tpu.vector_load_idx %arg9[%parallel_loop3A_331] : memref<12800xf32, #tpu.memory_space<vmem>>[vector<16xi32>], vector<16xf32>,
      %parallel_loop3A_333 = arith.addf %parallel_loop3A_328, %parallel_loop3A_332 : vector<16xf32>
      %parallel_loop3A_334 = arith.constant 16 : i32
      %parallel_loop3A_335 = vector.broadcast %parallel_loop3A_334 : i32 to vector<16xi32>
      %parallel_loop3A_336 = arith.addi %parallel_loop3A_259, %parallel_loop3A_335 : vector<16xi32>
      %parallel_loop3A_337 = tpu.vector_load_idx %arg9[%parallel_loop3A_336] : memref<12800xf32, #tpu.memory_space<vmem>>[vector<16xi32>], vector<16xf32>,
      %parallel_loop3A_338 = arith.addf %parallel_loop3A_333, %parallel_loop3A_337 : vector<16xf32>
      %parallel_loop3A_339 = arith.constant 16 : i32
      %parallel_loop3A_340 = vector.broadcast %parallel_loop3A_339 : i32 to vector<16xi32>
      %parallel_loop3A_341 = arith.addi %parallel_loop3A_263, %parallel_loop3A_340 : vector<16xi32>
      %parallel_loop3A_342 = tpu.vector_load_idx %arg9[%parallel_loop3A_341] : memref<12800xf32, #tpu.memory_space<vmem>>[vector<16xi32>], vector<16xf32>,
      %parallel_loop3A_343 = arith.addf %parallel_loop3A_338, %parallel_loop3A_342 : vector<16xf32>
      %parallel_loop3A_344 = arith.constant 16 : i32
      %parallel_loop3A_345 = vector.broadcast %parallel_loop3A_344 : i32 to vector<16xi32>
      %parallel_loop3A_346 = arith.addi %parallel_loop3A_267, %parallel_loop3A_345 : vector<16xi32>
      %parallel_loop3A_347 = tpu.vector_load_idx %arg9[%parallel_loop3A_346] : memref<12800xf32, #tpu.memory_space<vmem>>[vector<16xi32>], vector<16xf32>,
      %parallel_loop3A_348 = arith.addf %parallel_loop3A_343, %parallel_loop3A_347 : vector<16xf32>
      %parallel_loop3A_349 = arith.constant 16 : i32
      %parallel_loop3A_350 = vector.broadcast %parallel_loop3A_349 : i32 to vector<16xi32>
      %parallel_loop3A_351 = arith.addi %parallel_loop3A_271, %parallel_loop3A_350 : vector<16xi32>
      %parallel_loop3A_352 = tpu.vector_load_idx %arg9[%parallel_loop3A_351] : memref<12800xf32, #tpu.memory_space<vmem>>[vector<16xi32>], vector<16xf32>,
      %parallel_loop3A_353 = arith.addf %parallel_loop3A_348, %parallel_loop3A_352 : vector<16xf32>
      %parallel_loop3A_354 = arith.constant 16 : i32
      %parallel_loop3A_355 = vector.broadcast %parallel_loop3A_354 : i32 to vector<16xi32>
      %parallel_loop3A_356 = arith.addi %parallel_loop3A_275, %parallel_loop3A_355 : vector<16xi32>
      %parallel_loop3A_357 = tpu.vector_load_idx %arg9[%parallel_loop3A_356] : memref<12800xf32, #tpu.memory_space<vmem>>[vector<16xi32>], vector<16xf32>,
      %parallel_loop3A_358 = arith.addf %parallel_loop3A_353, %parallel_loop3A_357 : vector<16xf32>
      %parallel_loop3A_359 = arith.constant 0 : i32
      %parallel_loop3A_360 = tpu.memref_slice %arg10[%parallel_loop3A_208, %parallel_loop3A_359] : memref<512x128xf32, #tpu.memory_space<vmem>> -> memref<1x128xf32, #tpu.memory_space<vmem>>
      %parallel_loop3A_361 = tpu.memref_squeeze %parallel_loop3A_360 : memref<1x128xf32, #tpu.memory_space<vmem>> -> memref<128xf32, #tpu.memory_space<vmem>>
      %parallel_loop3A_362 = arith.constant 16 : index
      %parallel_loop3A_363 = tpu.vector_load %parallel_loop3A_361[%parallel_loop3A_362] {strides = array<i32>} : memref<128xf32, #tpu.memory_space<vmem>>, vector<16xf32>,
      tpu.vector_store %parallel_loop3A_361[%parallel_loop3A_362], %parallel_loop3A_358 {strides = array<i32>} : memref<128xf32, #tpu.memory_space<vmem>>, vector<16xf32>,
      %parallel_loop3A_364 = arith.constant 32 : i32
      %parallel_loop3A_365 = vector.broadcast %parallel_loop3A_364 : i32 to vector<16xi32>
      %parallel_loop3A_366 = arith.addi %parallel_loop3A_247, %parallel_loop3A_365 : vector<16xi32>
      %parallel_loop3A_367 = tpu.vector_load_idx %arg9[%parallel_loop3A_366] : memref<12800xf32, #tpu.memory_space<vmem>>[vector<16xi32>], vector<16xf32>,
      %parallel_loop3A_368 = arith.constant 32 : i32
      %parallel_loop3A_369 = vector.broadcast %parallel_loop3A_368 : i32 to vector<16xi32>
      %parallel_loop3A_370 = arith.addi %parallel_loop3A_251, %parallel_loop3A_369 : vector<16xi32>
      %parallel_loop3A_371 = tpu.vector_load_idx %arg9[%parallel_loop3A_370] : memref<12800xf32, #tpu.memory_space<vmem>>[vector<16xi32>], vector<16xf32>,
      %parallel_loop3A_372 = arith.addf %parallel_loop3A_367, %parallel_loop3A_371 : vector<16xf32>
      %parallel_loop3A_373 = arith.constant 32 : i32
      %parallel_loop3A_374 = vector.broadcast %parallel_loop3A_373 : i32 to vector<16xi32>
      %parallel_loop3A_375 = arith.addi %parallel_loop3A_255, %parallel_loop3A_374 : vector<16xi32>
      %parallel_loop3A_376 = tpu.vector_load_idx %arg9[%parallel_loop3A_375] : memref<12800xf32, #tpu.memory_space<vmem>>[vector<16xi32>], vector<16xf32>,
      %parallel_loop3A_377 = arith.addf %parallel_loop3A_372, %parallel_loop3A_376 : vector<16xf32>
      %parallel_loop3A_378 = arith.constant 32 : i32
      %parallel_loop3A_379 = vector.broadcast %parallel_loop3A_378 : i32 to vector<16xi32>
      %parallel_loop3A_380 = arith.addi %parallel_loop3A_259, %parallel_loop3A_379 : vector<16xi32>
      %parallel_loop3A_381 = tpu.vector_load_idx %arg9[%parallel_loop3A_380] : memref<12800xf32, #tpu.memory_space<vmem>>[vector<16xi32>], vector<16xf32>,
      %parallel_loop3A_382 = arith.addf %parallel_loop3A_377, %parallel_loop3A_381 : vector<16xf32>
      %parallel_loop3A_383 = arith.constant 32 : i32
      %parallel_loop3A_384 = vector.broadcast %parallel_loop3A_383 : i32 to vector<16xi32>
      %parallel_loop3A_385 = arith.addi %parallel_loop3A_263, %parallel_loop3A_384 : vector<16xi32>
      %parallel_loop3A_386 = tpu.vector_load_idx %arg9[%parallel_loop3A_385] : memref<12800xf32, #tpu.memory_space<vmem>>[vector<16xi32>], vector<16xf32>,
      %parallel_loop3A_387 = arith.addf %parallel_loop3A_382, %parallel_loop3A_386 : vector<16xf32>
      %parallel_loop3A_388 = arith.constant 32 : i32
      %parallel_loop3A_389 = vector.broadcast %parallel_loop3A_388 : i32 to vector<16xi32>
      %parallel_loop3A_390 = arith.addi %parallel_loop3A_267, %parallel_loop3A_389 : vector<16xi32>
      %parallel_loop3A_391 = tpu.vector_load_idx %arg9[%parallel_loop3A_390] : memref<12800xf32, #tpu.memory_space<vmem>>[vector<16xi32>], vector<16xf32>,
      %parallel_loop3A_392 = arith.addf %parallel_loop3A_387, %parallel_loop3A_391 : vector<16xf32>
      %parallel_loop3A_393 = arith.constant 32 : i32
      %parallel_loop3A_394 = vector.broadcast %parallel_loop3A_393 : i32 to vector<16xi32>
      %parallel_loop3A_395 = arith.addi %parallel_loop3A_271, %parallel_loop3A_394 : vector<16xi32>
      %parallel_loop3A_396 = tpu.vector_load_idx %arg9[%parallel_loop3A_395] : memref<12800xf32, #tpu.memory_space<vmem>>[vector<16xi32>], vector<16xf32>,
      %parallel_loop3A_397 = arith.addf %parallel_loop3A_392, %parallel_loop3A_396 : vector<16xf32>
      %parallel_loop3A_398 = arith.constant 32 : i32
      %parallel_loop3A_399 = vector.broadcast %parallel_loop3A_398 : i32 to vector<16xi32>
      %parallel_loop3A_400 = arith.addi %parallel_loop3A_275, %parallel_loop3A_399 : vector<16xi32>
      %parallel_loop3A_401 = tpu.vector_load_idx %arg9[%parallel_loop3A_400] : memref<12800xf32, #tpu.memory_space<vmem>>[vector<16xi32>], vector<16xf32>,
      %parallel_loop3A_402 = arith.addf %parallel_loop3A_397, %parallel_loop3A_401 : vector<16xf32>
      %parallel_loop3A_403 = arith.constant 0 : i32
      %parallel_loop3A_404 = tpu.memref_slice %arg10[%parallel_loop3A_208, %parallel_loop3A_403] : memref<512x128xf32, #tpu.memory_space<vmem>> -> memref<1x128xf32, #tpu.memory_space<vmem>>
      %parallel_loop3A_405 = tpu.memref_squeeze %parallel_loop3A_404 : memref<1x128xf32, #tpu.memory_space<vmem>> -> memref<128xf32, #tpu.memory_space<vmem>>
      %parallel_loop3A_406 = arith.constant 32 : index
      %parallel_loop3A_407 = tpu.vector_load %parallel_loop3A_405[%parallel_loop3A_406] {strides = array<i32>} : memref<128xf32, #tpu.memory_space<vmem>>, vector<16xf32>,
      tpu.vector_store %parallel_loop3A_405[%parallel_loop3A_406], %parallel_loop3A_402 {strides = array<i32>} : memref<128xf32, #tpu.memory_space<vmem>>, vector<16xf32>,
      %parallel_loop3A_408 = arith.constant 48 : i32
      %parallel_loop3A_409 = vector.broadcast %parallel_loop3A_408 : i32 to vector<16xi32>
      %parallel_loop3A_410 = arith.addi %parallel_loop3A_247, %parallel_loop3A_409 : vector<16xi32>
      %parallel_loop3A_411 = tpu.vector_load_idx %arg9[%parallel_loop3A_410] : memref<12800xf32, #tpu.memory_space<vmem>>[vector<16xi32>], vector<16xf32>,
      %parallel_loop3A_412 = arith.constant 48 : i32
      %parallel_loop3A_413 = vector.broadcast %parallel_loop3A_412 : i32 to vector<16xi32>
      %parallel_loop3A_414 = arith.addi %parallel_loop3A_251, %parallel_loop3A_413 : vector<16xi32>
      %parallel_loop3A_415 = tpu.vector_load_idx %arg9[%parallel_loop3A_414] : memref<12800xf32, #tpu.memory_space<vmem>>[vector<16xi32>], vector<16xf32>,
      %parallel_loop3A_416 = arith.addf %parallel_loop3A_411, %parallel_loop3A_415 : vector<16xf32>
      %parallel_loop3A_417 = arith.constant 48 : i32
      %parallel_loop3A_418 = vector.broadcast %parallel_loop3A_417 : i32 to vector<16xi32>
      %parallel_loop3A_419 = arith.addi %parallel_loop3A_255, %parallel_loop3A_418 : vector<16xi32>
      %parallel_loop3A_420 = tpu.vector_load_idx %arg9[%parallel_loop3A_419] : memref<12800xf32, #tpu.memory_space<vmem>>[vector<16xi32>], vector<16xf32>,
      %parallel_loop3A_421 = arith.addf %parallel_loop3A_416, %parallel_loop3A_420 : vector<16xf32>
      %parallel_loop3A_422 = arith.constant 48 : i32
      %parallel_loop3A_423 = vector.broadcast %parallel_loop3A_422 : i32 to vector<16xi32>
      %parallel_loop3A_424 = arith.addi %parallel_loop3A_259, %parallel_loop3A_423 : vector<16xi32>
      %parallel_loop3A_425 = tpu.vector_load_idx %arg9[%parallel_loop3A_424] : memref<12800xf32, #tpu.memory_space<vmem>>[vector<16xi32>], vector<16xf32>,
      %parallel_loop3A_426 = arith.addf %parallel_loop3A_421, %parallel_loop3A_425 : vector<16xf32>
      %parallel_loop3A_427 = arith.constant 48 : i32
      %parallel_loop3A_428 = vector.broadcast %parallel_loop3A_427 : i32 to vector<16xi32>
      %parallel_loop3A_429 = arith.addi %parallel_loop3A_263, %parallel_loop3A_428 : vector<16xi32>
      %parallel_loop3A_430 = tpu.vector_load_idx %arg9[%parallel_loop3A_429] : memref<12800xf32, #tpu.memory_space<vmem>>[vector<16xi32>], vector<16xf32>,
      %parallel_loop3A_431 = arith.addf %parallel_loop3A_426, %parallel_loop3A_430 : vector<16xf32>
      %parallel_loop3A_432 = arith.constant 48 : i32
      %parallel_loop3A_433 = vector.broadcast %parallel_loop3A_432 : i32 to vector<16xi32>
      %parallel_loop3A_434 = arith.addi %parallel_loop3A_267, %parallel_loop3A_433 : vector<16xi32>
      %parallel_loop3A_435 = tpu.vector_load_idx %arg9[%parallel_loop3A_434] : memref<12800xf32, #tpu.memory_space<vmem>>[vector<16xi32>], vector<16xf32>,
      %parallel_loop3A_436 = arith.addf %parallel_loop3A_431, %parallel_loop3A_435 : vector<16xf32>
      %parallel_loop3A_437 = arith.constant 48 : i32
      %parallel_loop3A_438 = vector.broadcast %parallel_loop3A_437 : i32 to vector<16xi32>
      %parallel_loop3A_439 = arith.addi %parallel_loop3A_271, %parallel_loop3A_438 : vector<16xi32>
      %parallel_loop3A_440 = tpu.vector_load_idx %arg9[%parallel_loop3A_439] : memref<12800xf32, #tpu.memory_space<vmem>>[vector<16xi32>], vector<16xf32>,
      %parallel_loop3A_441 = arith.addf %parallel_loop3A_436, %parallel_loop3A_440 : vector<16xf32>
      %parallel_loop3A_442 = arith.constant 48 : i32
      %parallel_loop3A_443 = vector.broadcast %parallel_loop3A_442 : i32 to vector<16xi32>
      %parallel_loop3A_444 = arith.addi %parallel_loop3A_275, %parallel_loop3A_443 : vector<16xi32>
      %parallel_loop3A_445 = tpu.vector_load_idx %arg9[%parallel_loop3A_444] : memref<12800xf32, #tpu.memory_space<vmem>>[vector<16xi32>], vector<16xf32>,
      %parallel_loop3A_446 = arith.addf %parallel_loop3A_441, %parallel_loop3A_445 : vector<16xf32>
      %parallel_loop3A_447 = arith.constant 0 : i32
      %parallel_loop3A_448 = tpu.memref_slice %arg10[%parallel_loop3A_208, %parallel_loop3A_447] : memref<512x128xf32, #tpu.memory_space<vmem>> -> memref<1x128xf32, #tpu.memory_space<vmem>>
      %parallel_loop3A_449 = tpu.memref_squeeze %parallel_loop3A_448 : memref<1x128xf32, #tpu.memory_space<vmem>> -> memref<128xf32, #tpu.memory_space<vmem>>
      %parallel_loop3A_450 = arith.constant 48 : index
      %parallel_loop3A_451 = tpu.vector_load %parallel_loop3A_449[%parallel_loop3A_450] {strides = array<i32>} : memref<128xf32, #tpu.memory_space<vmem>>, vector<16xf32>,
      tpu.vector_store %parallel_loop3A_449[%parallel_loop3A_450], %parallel_loop3A_446 {strides = array<i32>} : memref<128xf32, #tpu.memory_space<vmem>>, vector<16xf32>,
      %parallel_loop3A_452 = arith.constant 64 : i32
      %parallel_loop3A_453 = vector.broadcast %parallel_loop3A_452 : i32 to vector<16xi32>
      %parallel_loop3A_454 = arith.addi %parallel_loop3A_247, %parallel_loop3A_453 : vector<16xi32>
      %parallel_loop3A_455 = tpu.vector_load_idx %arg9[%parallel_loop3A_454] : memref<12800xf32, #tpu.memory_space<vmem>>[vector<16xi32>], vector<16xf32>,
      %parallel_loop3A_456 = arith.constant 64 : i32
      %parallel_loop3A_457 = vector.broadcast %parallel_loop3A_456 : i32 to vector<16xi32>
      %parallel_loop3A_458 = arith.addi %parallel_loop3A_251, %parallel_loop3A_457 : vector<16xi32>
      %parallel_loop3A_459 = tpu.vector_load_idx %arg9[%parallel_loop3A_458] : memref<12800xf32, #tpu.memory_space<vmem>>[vector<16xi32>], vector<16xf32>,
      %parallel_loop3A_460 = arith.addf %parallel_loop3A_455, %parallel_loop3A_459 : vector<16xf32>
      %parallel_loop3A_461 = arith.constant 64 : i32
      %parallel_loop3A_462 = vector.broadcast %parallel_loop3A_461 : i32 to vector<16xi32>
      %parallel_loop3A_463 = arith.addi %parallel_loop3A_255, %parallel_loop3A_462 : vector<16xi32>
      %parallel_loop3A_464 = tpu.vector_load_idx %arg9[%parallel_loop3A_463] : memref<12800xf32, #tpu.memory_space<vmem>>[vector<16xi32>], vector<16xf32>,
      %parallel_loop3A_465 = arith.addf %parallel_loop3A_460, %parallel_loop3A_464 : vector<16xf32>
      %parallel_loop3A_466 = arith.constant 64 : i32
      %parallel_loop3A_467 = vector.broadcast %parallel_loop3A_466 : i32 to vector<16xi32>
      %parallel_loop3A_468 = arith.addi %parallel_loop3A_259, %parallel_loop3A_467 : vector<16xi32>
      %parallel_loop3A_469 = tpu.vector_load_idx %arg9[%parallel_loop3A_468] : memref<12800xf32, #tpu.memory_space<vmem>>[vector<16xi32>], vector<16xf32>,
      %parallel_loop3A_470 = arith.addf %parallel_loop3A_465, %parallel_loop3A_469 : vector<16xf32>
      %parallel_loop3A_471 = arith.constant 64 : i32
      %parallel_loop3A_472 = vector.broadcast %parallel_loop3A_471 : i32 to vector<16xi32>
      %parallel_loop3A_473 = arith.addi %parallel_loop3A_263, %parallel_loop3A_472 : vector<16xi32>
      %parallel_loop3A_474 = tpu.vector_load_idx %arg9[%parallel_loop3A_473] : memref<12800xf32, #tpu.memory_space<vmem>>[vector<16xi32>], vector<16xf32>,
      %parallel_loop3A_475 = arith.addf %parallel_loop3A_470, %parallel_loop3A_474 : vector<16xf32>
      %parallel_loop3A_476 = arith.constant 64 : i32
      %parallel_loop3A_477 = vector.broadcast %parallel_loop3A_476 : i32 to vector<16xi32>
      %parallel_loop3A_478 = arith.addi %parallel_loop3A_267, %parallel_loop3A_477 : vector<16xi32>
      %parallel_loop3A_479 = tpu.vector_load_idx %arg9[%parallel_loop3A_478] : memref<12800xf32, #tpu.memory_space<vmem>>[vector<16xi32>], vector<16xf32>,
      %parallel_loop3A_480 = arith.addf %parallel_loop3A_475, %parallel_loop3A_479 : vector<16xf32>
      %parallel_loop3A_481 = arith.constant 64 : i32
      %parallel_loop3A_482 = vector.broadcast %parallel_loop3A_481 : i32 to vector<16xi32>
      %parallel_loop3A_483 = arith.addi %parallel_loop3A_271, %parallel_loop3A_482 : vector<16xi32>
      %parallel_loop3A_484 = tpu.vector_load_idx %arg9[%parallel_loop3A_483] : memref<12800xf32, #tpu.memory_space<vmem>>[vector<16xi32>], vector<16xf32>,
      %parallel_loop3A_485 = arith.addf %parallel_loop3A_480, %parallel_loop3A_484 : vector<16xf32>
      %parallel_loop3A_486 = arith.constant 64 : i32
      %parallel_loop3A_487 = vector.broadcast %parallel_loop3A_486 : i32 to vector<16xi32>
      %parallel_loop3A_488 = arith.addi %parallel_loop3A_275, %parallel_loop3A_487 : vector<16xi32>
      %parallel_loop3A_489 = tpu.vector_load_idx %arg9[%parallel_loop3A_488] : memref<12800xf32, #tpu.memory_space<vmem>>[vector<16xi32>], vector<16xf32>,
      %parallel_loop3A_490 = arith.addf %parallel_loop3A_485, %parallel_loop3A_489 : vector<16xf32>
      %parallel_loop3A_491 = arith.constant 0 : i32
      %parallel_loop3A_492 = tpu.memref_slice %arg10[%parallel_loop3A_208, %parallel_loop3A_491] : memref<512x128xf32, #tpu.memory_space<vmem>> -> memref<1x128xf32, #tpu.memory_space<vmem>>
      %parallel_loop3A_493 = tpu.memref_squeeze %parallel_loop3A_492 : memref<1x128xf32, #tpu.memory_space<vmem>> -> memref<128xf32, #tpu.memory_space<vmem>>
      %parallel_loop3A_494 = arith.constant 64 : index
      %parallel_loop3A_495 = tpu.vector_load %parallel_loop3A_493[%parallel_loop3A_494] {strides = array<i32>} : memref<128xf32, #tpu.memory_space<vmem>>, vector<16xf32>,
      tpu.vector_store %parallel_loop3A_493[%parallel_loop3A_494], %parallel_loop3A_490 {strides = array<i32>} : memref<128xf32, #tpu.memory_space<vmem>>, vector<16xf32>,
      %parallel_loop3A_496 = arith.constant 80 : i32
      %parallel_loop3A_497 = vector.broadcast %parallel_loop3A_496 : i32 to vector<16xi32>
      %parallel_loop3A_498 = arith.addi %parallel_loop3A_247, %parallel_loop3A_497 : vector<16xi32>
      %parallel_loop3A_499 = tpu.vector_load_idx %arg9[%parallel_loop3A_498] : memref<12800xf32, #tpu.memory_space<vmem>>[vector<16xi32>], vector<16xf32>,
      %parallel_loop3A_500 = arith.constant 80 : i32
      %parallel_loop3A_501 = vector.broadcast %parallel_loop3A_500 : i32 to vector<16xi32>
      %parallel_loop3A_502 = arith.addi %parallel_loop3A_251, %parallel_loop3A_501 : vector<16xi32>
      %parallel_loop3A_503 = tpu.vector_load_idx %arg9[%parallel_loop3A_502] : memref<12800xf32, #tpu.memory_space<vmem>>[vector<16xi32>], vector<16xf32>,
      %parallel_loop3A_504 = arith.addf %parallel_loop3A_499, %parallel_loop3A_503 : vector<16xf32>
      %parallel_loop3A_505 = arith.constant 80 : i32
      %parallel_loop3A_506 = vector.broadcast %parallel_loop3A_505 : i32 to vector<16xi32>
      %parallel_loop3A_507 = arith.addi %parallel_loop3A_255, %parallel_loop3A_506 : vector<16xi32>
      %parallel_loop3A_508 = tpu.vector_load_idx %arg9[%parallel_loop3A_507] : memref<12800xf32, #tpu.memory_space<vmem>>[vector<16xi32>], vector<16xf32>,
      %parallel_loop3A_509 = arith.addf %parallel_loop3A_504, %parallel_loop3A_508 : vector<16xf32>
      %parallel_loop3A_510 = arith.constant 80 : i32
      %parallel_loop3A_511 = vector.broadcast %parallel_loop3A_510 : i32 to vector<16xi32>
      %parallel_loop3A_512 = arith.addi %parallel_loop3A_259, %parallel_loop3A_511 : vector<16xi32>
      %parallel_loop3A_513 = tpu.vector_load_idx %arg9[%parallel_loop3A_512] : memref<12800xf32, #tpu.memory_space<vmem>>[vector<16xi32>], vector<16xf32>,
      %parallel_loop3A_514 = arith.addf %parallel_loop3A_509, %parallel_loop3A_513 : vector<16xf32>
      %parallel_loop3A_515 = arith.constant 80 : i32
      %parallel_loop3A_516 = vector.broadcast %parallel_loop3A_515 : i32 to vector<16xi32>
      %parallel_loop3A_517 = arith.addi %parallel_loop3A_263, %parallel_loop3A_516 : vector<16xi32>
      %parallel_loop3A_518 = tpu.vector_load_idx %arg9[%parallel_loop3A_517] : memref<12800xf32, #tpu.memory_space<vmem>>[vector<16xi32>], vector<16xf32>,
      %parallel_loop3A_519 = arith.addf %parallel_loop3A_514, %parallel_loop3A_518 : vector<16xf32>
      %parallel_loop3A_520 = arith.constant 80 : i32
      %parallel_loop3A_521 = vector.broadcast %parallel_loop3A_520 : i32 to vector<16xi32>
      %parallel_loop3A_522 = arith.addi %parallel_loop3A_267, %parallel_loop3A_521 : vector<16xi32>
      %parallel_loop3A_523 = tpu.vector_load_idx %arg9[%parallel_loop3A_522] : memref<12800xf32, #tpu.memory_space<vmem>>[vector<16xi32>], vector<16xf32>,
      %parallel_loop3A_524 = arith.addf %parallel_loop3A_519, %parallel_loop3A_523 : vector<16xf32>
      %parallel_loop3A_525 = arith.constant 80 : i32
      %parallel_loop3A_526 = vector.broadcast %parallel_loop3A_525 : i32 to vector<16xi32>
      %parallel_loop3A_527 = arith.addi %parallel_loop3A_271, %parallel_loop3A_526 : vector<16xi32>
      %parallel_loop3A_528 = tpu.vector_load_idx %arg9[%parallel_loop3A_527] : memref<12800xf32, #tpu.memory_space<vmem>>[vector<16xi32>], vector<16xf32>,
      %parallel_loop3A_529 = arith.addf %parallel_loop3A_524, %parallel_loop3A_528 : vector<16xf32>
      %parallel_loop3A_530 = arith.constant 80 : i32
      %parallel_loop3A_531 = vector.broadcast %parallel_loop3A_530 : i32 to vector<16xi32>
      %parallel_loop3A_532 = arith.addi %parallel_loop3A_275, %parallel_loop3A_531 : vector<16xi32>
      %parallel_loop3A_533 = tpu.vector_load_idx %arg9[%parallel_loop3A_532] : memref<12800xf32, #tpu.memory_space<vmem>>[vector<16xi32>], vector<16xf32>,
      %parallel_loop3A_534 = arith.addf %parallel_loop3A_529, %parallel_loop3A_533 : vector<16xf32>
      %parallel_loop3A_535 = arith.constant 0 : i32
      %parallel_loop3A_536 = tpu.memref_slice %arg10[%parallel_loop3A_208, %parallel_loop3A_535] : memref<512x128xf32, #tpu.memory_space<vmem>> -> memref<1x128xf32, #tpu.memory_space<vmem>>
      %parallel_loop3A_537 = tpu.memref_squeeze %parallel_loop3A_536 : memref<1x128xf32, #tpu.memory_space<vmem>> -> memref<128xf32, #tpu.memory_space<vmem>>
      %parallel_loop3A_538 = arith.constant 80 : index
      %parallel_loop3A_539 = tpu.vector_load %parallel_loop3A_537[%parallel_loop3A_538] {strides = array<i32>} : memref<128xf32, #tpu.memory_space<vmem>>, vector<16xf32>,
      tpu.vector_store %parallel_loop3A_537[%parallel_loop3A_538], %parallel_loop3A_534 {strides = array<i32>} : memref<128xf32, #tpu.memory_space<vmem>>, vector<16xf32>,
      %parallel_loop3A_540 = arith.constant 96 : i32
      %parallel_loop3A_541 = vector.broadcast %parallel_loop3A_540 : i32 to vector<16xi32>
      %parallel_loop3A_542 = arith.addi %parallel_loop3A_247, %parallel_loop3A_541 : vector<16xi32>
      %parallel_loop3A_543 = tpu.vector_load_idx %arg9[%parallel_loop3A_542] : memref<12800xf32, #tpu.memory_space<vmem>>[vector<16xi32>], vector<16xf32>,
      %parallel_loop3A_544 = arith.constant 96 : i32
      %parallel_loop3A_545 = vector.broadcast %parallel_loop3A_544 : i32 to vector<16xi32>
      %parallel_loop3A_546 = arith.addi %parallel_loop3A_251, %parallel_loop3A_545 : vector<16xi32>
      %parallel_loop3A_547 = tpu.vector_load_idx %arg9[%parallel_loop3A_546] : memref<12800xf32, #tpu.memory_space<vmem>>[vector<16xi32>], vector<16xf32>,
      %parallel_loop3A_548 = arith.addf %parallel_loop3A_543, %parallel_loop3A_547 : vector<16xf32>
      %parallel_loop3A_549 = arith.constant 96 : i32
      %parallel_loop3A_550 = vector.broadcast %parallel_loop3A_549 : i32 to vector<16xi32>
      %parallel_loop3A_551 = arith.addi %parallel_loop3A_255, %parallel_loop3A_550 : vector<16xi32>
      %parallel_loop3A_552 = tpu.vector_load_idx %arg9[%parallel_loop3A_551] : memref<12800xf32, #tpu.memory_space<vmem>>[vector<16xi32>], vector<16xf32>,
      %parallel_loop3A_553 = arith.addf %parallel_loop3A_548, %parallel_loop3A_552 : vector<16xf32>
      %parallel_loop3A_554 = arith.constant 96 : i32
      %parallel_loop3A_555 = vector.broadcast %parallel_loop3A_554 : i32 to vector<16xi32>
      %parallel_loop3A_556 = arith.addi %parallel_loop3A_259, %parallel_loop3A_555 : vector<16xi32>
      %parallel_loop3A_557 = tpu.vector_load_idx %arg9[%parallel_loop3A_556] : memref<12800xf32, #tpu.memory_space<vmem>>[vector<16xi32>], vector<16xf32>,
      %parallel_loop3A_558 = arith.addf %parallel_loop3A_553, %parallel_loop3A_557 : vector<16xf32>
      %parallel_loop3A_559 = arith.constant 96 : i32
      %parallel_loop3A_560 = vector.broadcast %parallel_loop3A_559 : i32 to vector<16xi32>
      %parallel_loop3A_561 = arith.addi %parallel_loop3A_263, %parallel_loop3A_560 : vector<16xi32>
      %parallel_loop3A_562 = tpu.vector_load_idx %arg9[%parallel_loop3A_561] : memref<12800xf32, #tpu.memory_space<vmem>>[vector<16xi32>], vector<16xf32>,
      %parallel_loop3A_563 = arith.addf %parallel_loop3A_558, %parallel_loop3A_562 : vector<16xf32>
      %parallel_loop3A_564 = arith.constant 96 : i32
      %parallel_loop3A_565 = vector.broadcast %parallel_loop3A_564 : i32 to vector<16xi32>
      %parallel_loop3A_566 = arith.addi %parallel_loop3A_267, %parallel_loop3A_565 : vector<16xi32>
      %parallel_loop3A_567 = tpu.vector_load_idx %arg9[%parallel_loop3A_566] : memref<12800xf32, #tpu.memory_space<vmem>>[vector<16xi32>], vector<16xf32>,
      %parallel_loop3A_568 = arith.addf %parallel_loop3A_563, %parallel_loop3A_567 : vector<16xf32>
      %parallel_loop3A_569 = arith.constant 96 : i32
      %parallel_loop3A_570 = vector.broadcast %parallel_loop3A_569 : i32 to vector<16xi32>
      %parallel_loop3A_571 = arith.addi %parallel_loop3A_271, %parallel_loop3A_570 : vector<16xi32>
      %parallel_loop3A_572 = tpu.vector_load_idx %arg9[%parallel_loop3A_571] : memref<12800xf32, #tpu.memory_space<vmem>>[vector<16xi32>], vector<16xf32>,
      %parallel_loop3A_573 = arith.addf %parallel_loop3A_568, %parallel_loop3A_572 : vector<16xf32>
      %parallel_loop3A_574 = arith.constant 96 : i32
      %parallel_loop3A_575 = vector.broadcast %parallel_loop3A_574 : i32 to vector<16xi32>
      %parallel_loop3A_576 = arith.addi %parallel_loop3A_275, %parallel_loop3A_575 : vector<16xi32>
      %parallel_loop3A_577 = tpu.vector_load_idx %arg9[%parallel_loop3A_576] : memref<12800xf32, #tpu.memory_space<vmem>>[vector<16xi32>], vector<16xf32>,
      %parallel_loop3A_578 = arith.addf %parallel_loop3A_573, %parallel_loop3A_577 : vector<16xf32>
      %parallel_loop3A_579 = arith.constant 0 : i32
      %parallel_loop3A_580 = tpu.memref_slice %arg10[%parallel_loop3A_208, %parallel_loop3A_579] : memref<512x128xf32, #tpu.memory_space<vmem>> -> memref<1x128xf32, #tpu.memory_space<vmem>>
      %parallel_loop3A_581 = tpu.memref_squeeze %parallel_loop3A_580 : memref<1x128xf32, #tpu.memory_space<vmem>> -> memref<128xf32, #tpu.memory_space<vmem>>
      %parallel_loop3A_582 = arith.constant 96 : index
      %parallel_loop3A_583 = tpu.vector_load %parallel_loop3A_581[%parallel_loop3A_582] {strides = array<i32>} : memref<128xf32, #tpu.memory_space<vmem>>, vector<16xf32>,
      tpu.vector_store %parallel_loop3A_581[%parallel_loop3A_582], %parallel_loop3A_578 {strides = array<i32>} : memref<128xf32, #tpu.memory_space<vmem>>, vector<16xf32>,
      %parallel_loop3A_584 = arith.constant 112 : i32
      %parallel_loop3A_585 = vector.broadcast %parallel_loop3A_584 : i32 to vector<16xi32>
      %parallel_loop3A_586 = arith.addi %parallel_loop3A_247, %parallel_loop3A_585 : vector<16xi32>
      %parallel_loop3A_587 = tpu.vector_load_idx %arg9[%parallel_loop3A_586] : memref<12800xf32, #tpu.memory_space<vmem>>[vector<16xi32>], vector<16xf32>,
      %parallel_loop3A_588 = arith.constant 112 : i32
      %parallel_loop3A_589 = vector.broadcast %parallel_loop3A_588 : i32 to vector<16xi32>
      %parallel_loop3A_590 = arith.addi %parallel_loop3A_251, %parallel_loop3A_589 : vector<16xi32>
      %parallel_loop3A_591 = tpu.vector_load_idx %arg9[%parallel_loop3A_590] : memref<12800xf32, #tpu.memory_space<vmem>>[vector<16xi32>], vector<16xf32>,
      %parallel_loop3A_592 = arith.addf %parallel_loop3A_587, %parallel_loop3A_591 : vector<16xf32>
      %parallel_loop3A_593 = arith.constant 112 : i32
      %parallel_loop3A_594 = vector.broadcast %parallel_loop3A_593 : i32 to vector<16xi32>
      %parallel_loop3A_595 = arith.addi %parallel_loop3A_255, %parallel_loop3A_594 : vector<16xi32>
      %parallel_loop3A_596 = tpu.vector_load_idx %arg9[%parallel_loop3A_595] : memref<12800xf32, #tpu.memory_space<vmem>>[vector<16xi32>], vector<16xf32>,
      %parallel_loop3A_597 = arith.addf %parallel_loop3A_592, %parallel_loop3A_596 : vector<16xf32>
      %parallel_loop3A_598 = arith.constant 112 : i32
      %parallel_loop3A_599 = vector.broadcast %parallel_loop3A_598 : i32 to vector<16xi32>
      %parallel_loop3A_600 = arith.addi %parallel_loop3A_259, %parallel_loop3A_599 : vector<16xi32>
      %parallel_loop3A_601 = tpu.vector_load_idx %arg9[%parallel_loop3A_600] : memref<12800xf32, #tpu.memory_space<vmem>>[vector<16xi32>], vector<16xf32>,
      %parallel_loop3A_602 = arith.addf %parallel_loop3A_597, %parallel_loop3A_601 : vector<16xf32>
      %parallel_loop3A_603 = arith.constant 112 : i32
      %parallel_loop3A_604 = vector.broadcast %parallel_loop3A_603 : i32 to vector<16xi32>
      %parallel_loop3A_605 = arith.addi %parallel_loop3A_263, %parallel_loop3A_604 : vector<16xi32>
      %parallel_loop3A_606 = tpu.vector_load_idx %arg9[%parallel_loop3A_605] : memref<12800xf32, #tpu.memory_space<vmem>>[vector<16xi32>], vector<16xf32>,
      %parallel_loop3A_607 = arith.addf %parallel_loop3A_602, %parallel_loop3A_606 : vector<16xf32>
      %parallel_loop3A_608 = arith.constant 112 : i32
      %parallel_loop3A_609 = vector.broadcast %parallel_loop3A_608 : i32 to vector<16xi32>
      %parallel_loop3A_610 = arith.addi %parallel_loop3A_267, %parallel_loop3A_609 : vector<16xi32>
      %parallel_loop3A_611 = tpu.vector_load_idx %arg9[%parallel_loop3A_610] : memref<12800xf32, #tpu.memory_space<vmem>>[vector<16xi32>], vector<16xf32>,
      %parallel_loop3A_612 = arith.addf %parallel_loop3A_607, %parallel_loop3A_611 : vector<16xf32>
      %parallel_loop3A_613 = arith.constant 112 : i32
      %parallel_loop3A_614 = vector.broadcast %parallel_loop3A_613 : i32 to vector<16xi32>
      %parallel_loop3A_615 = arith.addi %parallel_loop3A_271, %parallel_loop3A_614 : vector<16xi32>
      %parallel_loop3A_616 = tpu.vector_load_idx %arg9[%parallel_loop3A_615] : memref<12800xf32, #tpu.memory_space<vmem>>[vector<16xi32>], vector<16xf32>,
      %parallel_loop3A_617 = arith.addf %parallel_loop3A_612, %parallel_loop3A_616 : vector<16xf32>
      %parallel_loop3A_618 = arith.constant 112 : i32
      %parallel_loop3A_619 = vector.broadcast %parallel_loop3A_618 : i32 to vector<16xi32>
      %parallel_loop3A_620 = arith.addi %parallel_loop3A_275, %parallel_loop3A_619 : vector<16xi32>
      %parallel_loop3A_621 = tpu.vector_load_idx %arg9[%parallel_loop3A_620] : memref<12800xf32, #tpu.memory_space<vmem>>[vector<16xi32>], vector<16xf32>,
      %parallel_loop3A_622 = arith.addf %parallel_loop3A_617, %parallel_loop3A_621 : vector<16xf32>
      %parallel_loop3A_623 = arith.constant 0 : i32
      %parallel_loop3A_624 = tpu.memref_slice %arg10[%parallel_loop3A_208, %parallel_loop3A_623] : memref<512x128xf32, #tpu.memory_space<vmem>> -> memref<1x128xf32, #tpu.memory_space<vmem>>
      %parallel_loop3A_625 = tpu.memref_squeeze %parallel_loop3A_624 : memref<1x128xf32, #tpu.memory_space<vmem>> -> memref<128xf32, #tpu.memory_space<vmem>>
      %parallel_loop3A_626 = arith.constant 112 : index
      %parallel_loop3A_627 = tpu.vector_load %parallel_loop3A_625[%parallel_loop3A_626] {strides = array<i32>} : memref<128xf32, #tpu.memory_space<vmem>>, vector<16xf32>,
      tpu.vector_store %parallel_loop3A_625[%parallel_loop3A_626], %parallel_loop3A_622 {strides = array<i32>} : memref<128xf32, #tpu.memory_space<vmem>>, vector<16xf32>,
    } {sc.loop_unroll_factor = 1 : i64, sc.parallel_access}
    %dma_wait3A_131 = arith.constant 3 : i32
    %dma_wait3A_132 = arith.constant 0 : i32
    %dma_wait3A_133 = tpu.memref_slice %arg7[%dma_wait3A_131, %dma_wait3A_132] : memref<4x128xi32, #tpu.memory_space<vmem>> -> memref<1x128xi32, #tpu.memory_space<vmem>>
    %dma_wait3A_134 = tpu.memref_squeeze %dma_wait3A_133 : memref<1x128xi32, #tpu.memory_space<vmem>> -> memref<128xi32, #tpu.memory_space<vmem>>
    %dma_wait3A_135 = arith.constant 0 : i32
    %dma_wait3A_136 = arith.constant 0 : i32
    %dma_wait3A_137 = tpu.memref_slice %arg4[%dma_wait3A_135, %dma_wait3A_136] : memref<1001x128xf32, #tpu.memory_space<hbm>> -> memref<1001x128xf32, #tpu.memory_space<hbm>>
    tpu.wait_indirect_dma semaphore(%arg14 : memref<!tpu.dma_semaphore, #tpu.memory_space<semaphore_mem>>) src(%dma_wait3A_137 : memref<1001x128xf32, #tpu.memory_space<hbm>>) dst(%arg12 : memref<128x128xf32, #tpu.memory_space<vmem>>)
    %add3A_138 = arith.constant 384 : i32
    %add3A_139 = arith.addi %mul3A_2, %add3A_138 : i32
    %dma_start3A_140 = arith.constant 0 : i32
    %dma_start3A_141 = tpu.memref_slice %arg6[%add3A_139, %dma_start3A_140] : memref<16384x256xf32, #tpu.memory_space<hbm>> -> memref<128x128xf32, #tpu.memory_space<hbm>>
    %dma_start3A_142 = arith.constant 0 : i32
    %dma_start3A_143 = tpu.memref_slice %arg6[%add3A_139, %dma_start3A_142] : memref<16384x256xf32, #tpu.memory_space<hbm>> -> memref<128x128xf32, #tpu.memory_space<hbm>>
    tpu.enqueue_dma source(%arg12 : memref<128x128xf32, #tpu.memory_space<vmem>>) target(%dma_start3A_143 : memref<128x128xf32, #tpu.memory_space<hbm>>) target_semaphore(%arg15 : memref<!tpu.dma_semaphore, #tpu.memory_space<semaphore_mem>>)
    %add3A_144 = arith.constant 384 : i32
    %add3A_145 = arith.addi %mul3A_2, %add3A_144 : i32
    %dma_start3A_146 = arith.constant 384 : i32
    %dma_start3A_147 = arith.constant 0 : i32
    %dma_start3A_148 = tpu.memref_slice %arg10[%dma_start3A_146, %dma_start3A_147] : memref<512x128xf32, #tpu.memory_space<vmem>> -> memref<128x128xf32, #tpu.memory_space<vmem>>
    %dma_start3A_149 = arith.constant 128 : i32
    %dma_start3A_150 = tpu.memref_slice %arg6[%add3A_145, %dma_start3A_149] : memref<16384x256xf32, #tpu.memory_space<hbm>> -> memref<128x128xf32, #tpu.memory_space<hbm>>
    %dma_start3A_151 = arith.constant 128 : i32
    %dma_start3A_152 = tpu.memref_slice %arg6[%add3A_145, %dma_start3A_151] : memref<16384x256xf32, #tpu.memory_space<hbm>> -> memref<128x128xf32, #tpu.memory_space<hbm>>
    %dma_start3A_153 = arith.constant 384 : i32
    %dma_start3A_154 = arith.constant 0 : i32
    %dma_start3A_155 = tpu.memref_slice %arg10[%dma_start3A_153, %dma_start3A_154] : memref<512x128xf32, #tpu.memory_space<vmem>> -> memref<128x128xf32, #tpu.memory_space<vmem>>
    tpu.enqueue_dma source(%dma_start3A_155 : memref<128x128xf32, #tpu.memory_space<vmem>>) target(%dma_start3A_152 : memref<128x128xf32, #tpu.memory_space<hbm>>) target_semaphore(%arg16 : memref<!tpu.dma_semaphore, #tpu.memory_space<semaphore_mem>>)
    %dma_wait3A_156 = arith.constant 0 : i32
    %dma_wait3A_157 = tpu.memref_slice %arg6[%add3A_139, %dma_wait3A_156] : memref<16384x256xf32, #tpu.memory_space<hbm>> -> memref<128x128xf32, #tpu.memory_space<hbm>>
    %dma_wait3A_158 = arith.constant 0 : i32
    %dma_wait3A_159 = tpu.memref_slice %arg6[%add3A_139, %dma_wait3A_158] : memref<16384x256xf32, #tpu.memory_space<hbm>> -> memref<128x128xf32, #tpu.memory_space<hbm>>
    tpu.wait_dma2 semaphore(%arg15 : memref<!tpu.dma_semaphore, #tpu.memory_space<semaphore_mem>>) src(%arg12 : memref<128x128xf32, #tpu.memory_space<vmem>>) dst(%dma_wait3A_159 : memref<128x128xf32, #tpu.memory_space<hbm>>)
    %add3A_160 = arith.constant 0 : i32
    %add3A_161 = arith.addi %mul3A_2, %add3A_160 : i32
    %dma_wait3A_162 = arith.constant 0 : i32
    %dma_wait3A_163 = arith.constant 0 : i32
    %dma_wait3A_164 = tpu.memref_slice %arg10[%dma_wait3A_162, %dma_wait3A_163] : memref<512x128xf32, #tpu.memory_space<vmem>> -> memref<128x128xf32, #tpu.memory_space<vmem>>
    %dma_wait3A_165 = arith.constant 128 : i32
    %dma_wait3A_166 = tpu.memref_slice %arg6[%add3A_161, %dma_wait3A_165] : memref<16384x256xf32, #tpu.memory_space<hbm>> -> memref<128x128xf32, #tpu.memory_space<hbm>>
    %dma_wait3A_167 = arith.constant 128 : i32
    %dma_wait3A_168 = tpu.memref_slice %arg6[%add3A_161, %dma_wait3A_167] : memref<16384x256xf32, #tpu.memory_space<hbm>> -> memref<128x128xf32, #tpu.memory_space<hbm>>
    %dma_wait3A_169 = arith.constant 0 : i32
    %dma_wait3A_170 = arith.constant 0 : i32
    %dma_wait3A_171 = tpu.memref_slice %arg10[%dma_wait3A_169, %dma_wait3A_170] : memref<512x128xf32, #tpu.memory_space<vmem>> -> memref<128x128xf32, #tpu.memory_space<vmem>>
    tpu.wait_dma2 semaphore(%arg16 : memref<!tpu.dma_semaphore, #tpu.memory_space<semaphore_mem>>) src(%dma_wait3A_171 : memref<128x128xf32, #tpu.memory_space<vmem>>) dst(%dma_wait3A_168 : memref<128x128xf32, #tpu.memory_space<hbm>>)
    %add3A_172 = arith.constant 128 : i32
    %add3A_173 = arith.addi %mul3A_2, %add3A_172 : i32
    %dma_wait3A_174 = arith.constant 128 : i32
    %dma_wait3A_175 = arith.constant 0 : i32
    %dma_wait3A_176 = tpu.memref_slice %arg10[%dma_wait3A_174, %dma_wait3A_175] : memref<512x128xf32, #tpu.memory_space<vmem>> -> memref<128x128xf32, #tpu.memory_space<vmem>>
    %dma_wait3A_177 = arith.constant 128 : i32
    %dma_wait3A_178 = tpu.memref_slice %arg6[%add3A_173, %dma_wait3A_177] : memref<16384x256xf32, #tpu.memory_space<hbm>> -> memref<128x128xf32, #tpu.memory_space<hbm>>
    %dma_wait3A_179 = arith.constant 128 : i32
    %dma_wait3A_180 = tpu.memref_slice %arg6[%add3A_173, %dma_wait3A_179] : memref<16384x256xf32, #tpu.memory_space<hbm>> -> memref<128x128xf32, #tpu.memory_space<hbm>>
    %dma_wait3A_181 = arith.constant 128 : i32
    %dma_wait3A_182 = arith.constant 0 : i32
    %dma_wait3A_183 = tpu.memref_slice %arg10[%dma_wait3A_181, %dma_wait3A_182] : memref<512x128xf32, #tpu.memory_space<vmem>> -> memref<128x128xf32, #tpu.memory_space<vmem>>
    tpu.wait_dma2 semaphore(%arg16 : memref<!tpu.dma_semaphore, #tpu.memory_space<semaphore_mem>>) src(%dma_wait3A_183 : memref<128x128xf32, #tpu.memory_space<vmem>>) dst(%dma_wait3A_180 : memref<128x128xf32, #tpu.memory_space<hbm>>)
    %add3A_184 = arith.constant 256 : i32
    %add3A_185 = arith.addi %mul3A_2, %add3A_184 : i32
    %dma_wait3A_186 = arith.constant 256 : i32
    %dma_wait3A_187 = arith.constant 0 : i32
    %dma_wait3A_188 = tpu.memref_slice %arg10[%dma_wait3A_186, %dma_wait3A_187] : memref<512x128xf32, #tpu.memory_space<vmem>> -> memref<128x128xf32, #tpu.memory_space<vmem>>
    %dma_wait3A_189 = arith.constant 128 : i32
    %dma_wait3A_190 = tpu.memref_slice %arg6[%add3A_185, %dma_wait3A_189] : memref<16384x256xf32, #tpu.memory_space<hbm>> -> memref<128x128xf32, #tpu.memory_space<hbm>>
    %dma_wait3A_191 = arith.constant 128 : i32
    %dma_wait3A_192 = tpu.memref_slice %arg6[%add3A_185, %dma_wait3A_191] : memref<16384x256xf32, #tpu.memory_space<hbm>> -> memref<128x128xf32, #tpu.memory_space<hbm>>
    %dma_wait3A_193 = arith.constant 256 : i32
    %dma_wait3A_194 = arith.constant 0 : i32
    %dma_wait3A_195 = tpu.memref_slice %arg10[%dma_wait3A_193, %dma_wait3A_194] : memref<512x128xf32, #tpu.memory_space<vmem>> -> memref<128x128xf32, #tpu.memory_space<vmem>>
    tpu.wait_dma2 semaphore(%arg16 : memref<!tpu.dma_semaphore, #tpu.memory_space<semaphore_mem>>) src(%dma_wait3A_195 : memref<128x128xf32, #tpu.memory_space<vmem>>) dst(%dma_wait3A_192 : memref<128x128xf32, #tpu.memory_space<hbm>>)
    %add3A_196 = arith.constant 384 : i32
    %add3A_197 = arith.addi %mul3A_2, %add3A_196 : i32
    %dma_wait3A_198 = arith.constant 384 : i32
    %dma_wait3A_199 = arith.constant 0 : i32
    %dma_wait3A_200 = tpu.memref_slice %arg10[%dma_wait3A_198, %dma_wait3A_199] : memref<512x128xf32, #tpu.memory_space<vmem>> -> memref<128x128xf32, #tpu.memory_space<vmem>>
    %dma_wait3A_201 = arith.constant 128 : i32
    %dma_wait3A_202 = tpu.memref_slice %arg6[%add3A_197, %dma_wait3A_201] : memref<16384x256xf32, #tpu.memory_space<hbm>> -> memref<128x128xf32, #tpu.memory_space<hbm>>
    %dma_wait3A_203 = arith.constant 128 : i32
    %dma_wait3A_204 = tpu.memref_slice %arg6[%add3A_197, %dma_wait3A_203] : memref<16384x256xf32, #tpu.memory_space<hbm>> -> memref<128x128xf32, #tpu.memory_space<hbm>>
    %dma_wait3A_205 = arith.constant 384 : i32
    %dma_wait3A_206 = arith.constant 0 : i32
    %dma_wait3A_207 = tpu.memref_slice %arg10[%dma_wait3A_205, %dma_wait3A_206] : memref<512x128xf32, #tpu.memory_space<vmem>> -> memref<128x128xf32, #tpu.memory_space<vmem>>
    tpu.wait_dma2 semaphore(%arg16 : memref<!tpu.dma_semaphore, #tpu.memory_space<semaphore_mem>>) src(%dma_wait3A_207 : memref<128x128xf32, #tpu.memory_space<vmem>>) dst(%dma_wait3A_204 : memref<128x128xf32, #tpu.memory_space<hbm>>)
    return
  }
}

</mosaic_0001>

<sc_bundles>
// kernel: kernel.3.cloned.1.call-start
scs
__scs_entry_jumppad:
0x0: {  	(pc) =	sbr.rel $0x88, $3  }
0x1: {  	(tag) =	ssettag $0x0;
	lr =	simm.s32 $0x1  }
0x2: {  	[smem:$0x3F9D] =	sst lr;
	_ =	strace $0xD0000000  }
0x3: {  	_ = 	snop  }
0x4: {  	_ = 	snop  }
0x5: {  	_ = 	snop  }
0x6: {  	_ = 	snop  }
0x7: {  	_ = 	snop  }
__scs_overlays_trampoline_lowered:
0x8: {  	[smem:$0x3FAC] =	sst s0  }
0x9: {  	[smem:$0x3FAD] =	sst s1  }
0xa: {  	[smem:$0x3FAE] =	sst s2  }
0xb: {  	[smem:$0x3FAF] =	sst s3  }
0xc: {  	[smem:$0x3FB0] =	sst s4  }
0xd: {  	[smem:$0x3FB1] =	sst s5  }
0xe: {  	[smem:$0x3FB2] =	sst s6  }
0xf: {  	[smem:$0x3FB3] =	sst s7  }
0x10: {  	[smem:$0x3FB4] =	sst s8  }
0x11: {  	[smem:$0x3FB5] =	sst s9;
	s0 =	simm.s32 @!p0 $0x0  }
0x12: {  	s1 =	sld [smem:$0x3F9B];
	s0 =	simm.s32 @p0 $0x1  }
0x13: {  	[smem:$0x3FB6] =	sst s0;
	s0 =	simm.s32 @!p1 $0x0  }
0x14: {  	s2 =	sld [smem:$0x3F9A];
	s0 =	simm.s32 @p1 $0x1  }
0x15: {  	[smem:$0x3FB7] =	sst s0;
	s0 =	simm.s32 @!p2 $0x0  }
0x16: {  	s3 =	sld [smem:$0x3FDB];
	s0 =	simm.s32 @p2 $0x1  }
0x17: {  	s4 =	simm.s32 $0x1BF5;
	[smem:$0x3FB9] =	sst s0  }
0x18: {  	s0 =	sld [smem:$0x3F9C];
	_ =	swait.ge [sflag:s4], $0x0  }
0x19: {  	s7 =	sld [smem:$0x3F9D]  }
0x1a: {  	s8 =	sadd.s32 $0xFFFFE003, lr  }
0x1b: {  	s9 =	sadd.s32 $0xFFFFFEF7, lr;
	s5 =	simm.s32 $0xFFFFFFFF;
	p2 =	slt.u32 s8, $0xFFFFF086  }
0x1c: {  	p1 =	slt.u32 s9, $0xF7A;
	s5 =	simm.s32 @!p2 $0x0  }
0x1d: {  	s5 =	simm.s32 @p1 $0x1;
	p0 =	seq.s32 s7, s2  }
0x1e: {  	s7 =	smul.u32 @!p0 $0xF7A, s2;
	p2 =	seq.s32 @!p0 s5, $0x0  }
0x1f: {  	s9 =	smul.u32 $0xF7A, s1;
	s8 =	simm.s32 @!p0 $0x1BF5;
	p2 =	por !p2, p0  }
0x20: {  	[sflag:s8] =	ssyncset.s32 @!p0 $0xFFFFF086;
	s6 =	sadd.s32 @!p0 s3, s7;
	s7 =	simm.s32 @!p0 $0x108  }
0x21: {  	s3 =	sadd.s32 s3, s9;
	s6 =	sadd.s32 @!p0 $0x88, s6;
	s7 =	simm.s32 @p2 $0x1082  }
0x22: {  	[simem:s7], [sflag:s8] =	dma.local @!p0 [hbm:s6], $0xF7A  }
0x23: {  	s9 =	sor.u32 $0xD0000000, s2;
	s6 =	simm.s32 $0x108;
	_ =	swait.ge @!p0 [sflag:s8], $0x0  }
0x24: {  	s3 =	sadd.s32 $0x88, s3;
	s6 =	simm.s32 @!p1 $0x1082;
	[sflag:s4] =	ssyncset.s32 $0xFFFFF086  }
0x25: {  	[simem:s6], [sflag:s4] =	dma.local [hbm:s3], $0xF7A  }
0x26: {  	[smem:$0x3F9D] =	sst s1;
	(tag) =	ssettag s2;
	_ =	strace s9  }
0x27: {  	s1 =	sld [smem:$0x3FAD]  }
0x28: {  	s2 =	sld [smem:$0x3FAE]  }
0x29: {  	s4 =	sld [smem:$0x3FB0]  }
0x2a: {  	p0 =	seq.s32 s5, $0x0;
	s5 =	sld [smem:$0x3FB1]  }
0x2b: {  	s6 =	sld [smem:$0x3FB2]  }
0x2c: {  	s7 =	sld [smem:$0x3FB3]  }
0x2d: {  	s3 =	simm.s32 $0x108;
	s8 =	sld [smem:$0x3FB4]  }
0x2e: {  	s3 =	simm.s32 @!p0 $0x1082;
	s9 =	sld [smem:$0x3FB5]  }
0x2f: {  	lr =	sadd.s32 s0, s3;
	s0 =	sld [smem:$0x3FAC]  }
0x30: {  	s3 =	sld [smem:$0x3FAF]  }
0x31: {  	[smem:$0x3FB8] =	sst s10  }
0x32: {  	s10 =	sld [smem:$0x3FB6];
	_ =	sdelay $0x3  }
0x33: {  	p0 =	seq.s32 s10, $0x1;
	s10 =	sld [smem:$0x3FB8];
	_ =	sdelay $0x3  }
0x34: {  	[smem:$0x3FB8] =	sst s10  }
0x35: {  	s10 =	sld [smem:$0x3FB7];
	_ =	sdelay $0x3  }
0x36: {  	p1 =	seq.s32 s10, $0x1;
	s10 =	sld [smem:$0x3FB8];
	_ =	sdelay $0x3  }
0x37: {  	[smem:$0x3FB8] =	sst s10  }
0x38: {  	s10 =	sld [smem:$0x3FB9]  }
0x39: {  	_ = 	snop;
	(pc) =	sbr.ind lr, $3  }
0x3a: {  	_ = 	snop  }
0x3b: {  	_ = 	snop  }
0x3c: {  	p2 =	seq.s32 s10, $0x1;
	s10 =	sld [smem:$0x3FB8]  }
0x3d: {  	_ =	shalt  }
0x3e: {  	_ =	shalt  }
0x3f: {  	_ =	shalt  }
0x40: {  	_ =	shalt  }
0x41: {  	_ =	shalt  }
0x42: {  	_ =	shalt  }
0x43: {  	_ =	shalt  }
0x44: {  	_ =	shalt  }
0x45: {  	_ =	shalt  }
0x46: {  	_ =	shalt  }
0x47: {  	_ =	shalt  }
0x48: {  	_ =	shalt  }
0x49: {  	_ =	shalt  }
0x4a: {  	_ =	shalt  }
0x4b: {  	_ =	shalt  }
0x4c: {  	_ =	shalt  }
0x4d: {  	_ =	shalt  }
0x4e: {  	_ =	shalt  }
0x4f: {  	_ =	shalt  }
0x50: {  	_ =	shalt  }
0x51: {  	_ =	shalt  }
0x52: {  	_ =	shalt  }
0x53: {  	_ =	shalt  }
0x54: {  	_ =	shalt  }
0x55: {  	_ =	shalt  }
0x56: {  	_ =	shalt  }
0x57: {  	_ =	shalt  }
0x58: {  	_ =	shalt  }
0x59: {  	_ =	shalt  }
0x5a: {  	_ =	shalt  }
0x5b: {  	_ =	shalt  }
0x5c: {  	_ =	shalt  }
0x5d: {  	_ =	shalt  }
0x5e: {  	_ =	shalt  }
0x5f: {  	_ =	shalt  }
0x60: {  	_ =	shalt  }
0x61: {  	_ =	shalt  }
0x62: {  	_ =	shalt  }
0x63: {  	_ =	shalt  }
0x64: {  	_ =	shalt  }
0x65: {  	_ =	shalt  }
0x66: {  	_ =	shalt  }
0x67: {  	_ =	shalt  }
0x68: {  	_ =	shalt  }
0x69: {  	_ =	shalt  }
0x6a: {  	_ =	shalt  }
0x6b: {  	_ =	shalt  }
0x6c: {  	_ =	shalt  }
0x6d: {  	_ =	shalt  }
0x6e: {  	_ =	shalt  }
0x6f: {  	_ =	shalt  }
0x70: {  	_ =	shalt  }
0x71: {  	_ =	shalt  }
0x72: {  	_ =	shalt  }
0x73: {  	_ =	shalt  }
0x74: {  	_ =	shalt  }
0x75: {  	_ =	shalt  }
0x76: {  	_ =	shalt  }
0x77: {  	_ =	shalt  }
0x78: {  	_ =	shalt  }
0x79: {  	_ =	shalt  }
0x7a: {  	_ =	shalt  }
0x7b: {  	_ =	shalt  }
0x7c: {  	_ =	shalt  }
0x7d: {  	_ =	shalt  }
0x7e: {  	_ =	shalt  }
0x7f: {  	_ =	shalt  }
0x80: {  	_ =	shalt  }
0x81: {  	_ =	shalt  }
0x82: {  	_ =	shalt  }
0x83: {  	_ =	shalt  }
0x84: {  	_ =	shalt  }
0x85: {  	_ =	shalt  }
0x86: {  	_ =	shalt  }
0x87: {  	_ =	shalt  }
.Lfunc_end0:
.L_simem_size_0:
called_computation_lowered:
.L_overlay_start_0:
0x88: {  	s2 =	sld [smem:$0x3FD9]  }
0x89: {  	s3 =	sld [smem:$0x3FFE];
	_ =	sdelay $0x1  }
0x8a: {  	s1 =	srdreg.scid  }
0x8b: {  	s0 =	sand.u32 $0x1, s1  }
0x8c: {  	s17 =	sshll.u32 s0, $0xA;
	s2 =	sadd.s32 s3, s2  }
0x8d: {  	s2 =	sadd.s32 s2, s17  }
0x8e: {  	[smem:$0x3FC4] =	sst s2  }
0x8f: {  	_ = 	snop  }
0x90: {  	s2 =	sld [smem:$0x3FC9]  }
0x91: {  	s18 =	sld [smem:$0x3FC7]  }
0x92: {  	s4 =	sld [smem:$0x3FC6]  }
0x93: {  	s5 =	sld [smem:$0x3FD0];
	(tm) =	ssettm $0x1  }
0x94: {  	s6 =	sld [smem:$0x3FFB];
	_ =	sdelay $0x3  }
0x95: {  	_ =	strace s6  }
0x96: {  	s6 =	sld [smem:$0x3FFC];
	_ =	sdelay $0x3  }
0x97: {  	_ =	strace s6  }
0x98: {  	s6 =	sld [smem:$0x3FFD];
	_ =	sdelay $0x3  }
0x99: {  	_ =	strace s6  }
0x9a: {  	_ =	strace $0x8FFFFFFF  }
0x9b: {  	s19 =	sld [smem:$0x3FDB];
	_ =	sdelay $0x1  }
0x9c: {  	s7 =	simm.s32 $_scs_section_size  }
0x9d: {  	s8 =	simm.s32 $_size__tile_overlayer_lowered;
	s9 =	simm.s32 $_tile_overlayer_lowered  }
0x9e: {  	s22 =	simm.s32 $0x1BFF;
	s21 =	sshll.u32 s9, $0x1;
	s6 =	sadd.s32 s7, s19  }
0x9f: {  	s10 =	simm.s32 $0x0;
	s20 =	sshll.u32 s8, $0x1;
	s8 =	sadd.s32 s21, s6  }
0xa0: {  	[timem:s10], [sflag:s22] =	dma.local [hbm:s8], s20  }
0xa1: {  	_ =	swait.ge [sflag:s22], s20  }
0xa2: {  	s7 =	ssub.s32 $0x0, s20;
	[sflag:s22] =	ssyncset.done $0x0  }
0xa3: {  	[sflag:s22] =	ssyncadd.s32 s7;
	_ =	sdelay $0x1  }
0xa4: {  	s23 =	simm.s32 $0x1B8B  }
0xa5: {  	_ =	swait.ge [sflag:s23], $0x1  }
0xa6: {  	[sflag:s23] =	ssyncset.done $0x0  }
0xa7: {  	s25 =	simm.s32 $0x1B8E;
	s24 =	sld [smem:$0x3FFE];
	[sflag:s23] =	ssyncadd.s32 $0xFFFFFFFF  }
0xa8: {  	s26 =	simm.s32 $execute0_lowered;
	[smem:$0x3FD2] =	sst s25  }
0xa9: {  	s8 =	sshll.u32 s26, $0x1;
	_ =	strace $0x80000046;
	[dreg:$0x1] =	wrdreg $0xFFFFFFFF  }
0xaa: {  	s28 =	simm.s32 $_size_execute0_lowered;
	s6 =	sadd.s32 s6, s8;
	[dreg:$0x0] =	wrdreg $0x0  }
0xab: {  	s8 =	sshll.u32 s28, $0x1;
	[dreg:$0x2] =	wrdreg s6  }
0xac: {  	[dreg:$0x3] =	wrdreg s8  }
0xad: {  	[dreg:$0x4] =	wrdreg $0xC0  }
0xae: {  	_ =	task [dreg:s10], $0x5FFFF  }
0xaf: {  	[dreg:$0x1] =	wrdreg $0xFFFFFFFF  }
0xb0: {  	[dreg:$0x0] =	wrdreg $0x60  }
0xb1: {  	[dreg:$0x2] =	wrdreg s2  }
0xb2: {  	[dreg:$0x3] =	wrdreg s24  }
0xb3: {  	[dreg:$0x4] =	wrdreg s18  }
0xb4: {  	[dreg:$0x5] =	wrdreg s4  }
0xb5: {  	[dreg:$0x6] =	wrdreg s5  }
0xb6: {  	[dreg:$0x7] =	wrdreg $0x9  }
0xb7: {  	_ =	task.clear_ibuf [dreg:s10], $0x8FFFF;
	_ =	strace $0x90000046  }
0xb8: {  	s29 =	simm.s32 $0x9;
	_ =	strace $0x80000048  }
0xb9: {  	_ =	swait.ge [sflag:s29], $0x1  }
0xba: {  	[sflag:s29] =	ssyncadd.s32 $0xFFFFFFFF  }
0xbb: {  	_ =	strace $0x90000048  }
0xbc: {  	_ =	sfence  }
0xbd: {  	s30 =	sld [smem:$0x0];
	_ =	sdelay $0x2  }
0xbe: {  	s31 =	sshll.u32 s1, $0xD;
	s1 =	sshrl.u32 s1, $0x2  }
0xbf: {  	s3 =	sand.u32 $0x4000, s31;
	s1 =	sadd.s32 s1, s30  }
0xc0: {  	s0 =	sor.u32 s3, s0;
	s1 =	sshll.u32 s1, $0x11  }
0xc1: {  	s0 =	sor.u32 s1, s0  }
0xc2: {  	s0 =	sadd.s32 $0x8F2B, s0  }
0xc3: {  	[sflag:s0] =	ssyncadd.remote.s32 $0x1  }
0xc4: {  	_ =	sfence.sel $0xFFFF  }
0xc5: {  	[dreg:$0x0] =	wrdreg $0xFFFFFFFF;
	(pc) =	sbr.abs _section_cstart, $3  }
0xc6: {  	[dreg:$0x1] =	wrdreg $0xFFFFFFFF  }
0xc7: {  	_ =	task.clear_ibuf [dreg:s10], $0x2FFFF;
	_ =	strace $0x9FFFFFFF  }
0xc8: {  	(tm) =	ssettm $0x7FFFFFFF  }
0xc9: {  	_ =	shalt  }
tec
execute0_lowered:
.L_overlay_start_1:
0x0: {  	(tag) =	ssettag $0x1  }
0x1: {  	s0 =	rddreg [dreg:$0x0]  }
0x2: {  	s2 =	rddreg [dreg:$0x1]  }
0x3: {  	s1 =	rddreg [dreg:$0x2]  }
0x4: {  	s3 =	rddreg [dreg:$0x4]  }
0x5: {  	s5 =	srdreg.scid;
	s6 =	stileid.u32  }
0x6: {  	s4 =	simm.s32 $0x0;
	s16 =	simm.s32 $0x5;
	s17 =	simm.s32 $0x200  }
0x7: {  	s18 =	simm.s32 $0x1200;
	s19 =	simm.s32 $0x80;
	s20 =	simm.s32 $0x14400  }
0x8: {  	s21 =	simm.s32 $0x18400;
	s22 =	simm.s32 $0x1;
	s23 =	simm.s32 $0x100  }
0x9: {  	s25 =	simm.s32 $0x3;
	s5 =	sand.u32 $0x1, s5;
	s6 =	sshll.u32 s6, $0x1  }
0xa: {  	s26 =	simm.s32 $0x2;
	[smem:$0x7FF] =	sst s4;
	s6 =	sor.u32 s5, s6  }
0xb: {  	_ =	strace $0x80000047;
	s5 =	ssub.s32 $0x2, s5;
	s7 =	sshll.u32 s6, $0x9  }
0xc: {  	s31 =	sshrl.u32 s5, $0x1;
	s8 =	sshll.u32 s6, $0xE;
	s6 =	sshll.u32 s6, $0x6  }
0xd: {  	s2 =	sadd.s32 s7, s2;
	s15 =	ssub.s32 s5, s31;
	s5 =	sadd.s32 s3, s8  }
0xe: {  	v0 =	vlaneseq.u32;
	s6 =	sadd.s32 s0, s6;
	s0 =	simm.s32 $0x4;
	s7 =	sadd.s32 $0x400, s2  }
0xf: {  	v1 =	vor.u32 $0x10, v0;
	s8 =	sadd.s32 $0x10, s5;
	s9 =	sadd.s32 $0x1000, s5;
	s10 =	sadd.s32 $0x1010, s5  }
0x10: {  	v2 =	vor.u32 $0x20, v0;
	v3 =	vor.u32 $0x30, v0;
	v4 =	vor.u32 $0x40, v0;
	s11 =	sadd.s32 $0x2000, s5;
	s12 =	sadd.s32 $0x2010, s5;
	s13 =	sadd.s32 $0x3000, s5  }
0x11: {  	v5 =	vor.u32 $0x50, v0;
	v6 =	vor.u32 $0x60, v0;
	v7 =	vor.u32 $0x70, v0;
	s14 =	sadd.s32 $0x3010, s5;
	s15 =	smax.u32 s15, $0x1;
	s2 =	simm.s32 $0x0  }
.LBB2_1:
0x12: {  	[tilespmem:s4], [sflag:$0x5] =	stream.linear.gather [hbm4b:s6+s4], $0x200, $0x38;
	[tilespmem:$0x1C400] =	vst v63  }
0x13: {  	_ =	swait.ge [sflag:s16], $0x200  }
0x14: {  	[sflag:s16] =	ssyncset.done $0x0  }
0x15: {  	[sflag:s16] =	ssyncadd.s32 $0xFFFFFE00  }
0x16: {  	[tilespmem:s17], [sflag:$0x5] =	stream.linear.gather [hbm4b:s7+s4], $0x1000, $0x38;
	[tilespmem:$0x1C400] =	vst v63  }
0x17: {  	_ =	swait.ge [sflag:s16], $0x1000  }
0x18: {  	[sflag:s16] =	ssyncset.done $0x0  }
0x19: {  	[sflag:s16] =	ssyncadd.s32 $0xFFFFF000  }
0x1a: {  	s3 =	rddreg [dreg:$0x3]  }
0x1b: {  	[tilespmem:s18], [sflag:$0x5] =	stream.linear.gather [hbm4b:s3+s4], $0x3200, $0x38;
	[tilespmem:$0x1C400] =	vst v63  }
0x1c: {  	_ =	swait.ge [sflag:s16], $0x3200  }
0x1d: {  	v8 =	vmov s4;
	[sflag:s16] =	ssyncset.done $0x0  }
0x1e: {  	v9 =	vor.u32 $0x1, v8;
	[sflag:s16] =	ssyncadd.s32 $0xFFFFCE00  }
0x1f: {  	[tilespmem:s20], [sflag:$0x1] =	stream.indirect.gather [hbm4b:s1+s19], $0x80, s4, s19, $0xb8;
	[tilespmem:$0x1C400] =	vst v63  }
0x20: {  	v10 =	vor.u32 $0x2, v8  }
0x21: {  	[tilespmem:s21], [sflag:$0x2] =	stream.indirect.gather [hbm4b:s1+s19], $0x80, s19, s19, $0xb8;
	[tilespmem:$0x1C400] =	vst v63  }
0x22: {  	v12 =	vor.u32 $0x3, v8;
	v11 =	vld.idx.msk [tilespmem:v8+s17+$0x0], $0xffff  }
0x23: {  	v9 =	vld.idx.msk [tilespmem:v9+s17+$0x0], $0xffff  }
0x24: {  	v13 =	vor.u32 $0x4, v8  }
0x25: {  	v10 =	vld.idx.msk [tilespmem:v10+s17+$0x0], $0xffff  }
0x26: {  	v16 =	vor.u32 $0x5, v8  }
0x27: {  	v17 =	vor.u32 $0x6, v8;
	v15 =	vshll.u32 v11, $0x7;
	v11 =	vld.idx.msk [tilespmem:v12+s17+$0x0], $0xffff  }
0x28: {  	v14 =	vshll.u32 v9, $0x7;
	v12 =	vor.u32 v0, v15  }
0x29: {  	v9 =	vld.idx.msk [tilespmem:v13+s17+$0x0], $0xffff;
	v18 =	vor.u32 v0, v14  }
0x2a: {  	v19 =	vor.u32 $0x7, v8;
	v13 =	vshll.u32 v10, $0x7  }
0x2b: {  	v10 =	vld.idx.msk [tilespmem:v16+s17+$0x0], $0xffff;
	v16 =	vor.u32 v0, v13  }
0x2c: {  	v17 =	vld.idx.msk [tilespmem:v17+s17+$0x0], $0xffff;
	v8 =	vshll.u32 v11, $0x7  }
0x2d: {  	v12 =	vld.idx.msk [tilespmem:v12+s18+$0x0], $0xffff;
	v20 =	vor.u32 v0, v8  }
0x2e: {  	v11 =	vshll.u32 v9, $0x7;
	v18 =	vld.idx.msk [tilespmem:v18+s18+$0x0], $0xffff  }
0x2f: {  	v19 =	vld.idx.msk [tilespmem:v19+s17+$0x0], $0xffff;
	v21 =	vor.u32 v0, v11  }
0x30: {  	v9 =	vshll.u32 v10, $0x7;
	v16 =	vld.idx.msk [tilespmem:v16+s18+$0x0], $0xffff  }
0x31: {  	v22 =	vor.u32 v0, v9  }
0x32: {  	v10 =	vshll.u32 v17, $0x7;
	v17 =	vld.idx.msk [tilespmem:v20+s18+$0x0], $0xffff  }
0x33: {  	v20 =	vor.u32 v0, v10;
	v18 =	vadd.f32 v18, v12  }
0x34: {  	v12 =	vshll.u32 v19, $0x7;
	v19 =	vld.idx.msk [tilespmem:v21+s18+$0x0], $0xffff  }
0x35: {  	v21 =	vor.u32 v0, v12;
	v16 =	vadd.f32 v16, v18  }
0x36: {  	v18 =	vld.idx.msk [tilespmem:v22+s18+$0x0], $0xffff  }
0x37: {  	v16 =	vadd.f32 v17, v16  }
0x38: {  	v17 =	vld.idx.msk [tilespmem:v20+s18+$0x0], $0xffff  }
0x39: {  	v16 =	vadd.f32 v19, v16  }
0x3a: {  	v19 =	vld.idx.msk [tilespmem:v21+s18+$0x0], $0xffff  }
0x3b: {  	v16 =	vadd.f32 v18, v16;
	_ =	sdelay $0x1  }
0x3c: {  	v16 =	vadd.f32 v17, v16;
	v17 =	vor.u32 v1, v15  }
0x3d: {  	v18 =	vor.u32 v1, v14  }
0x3e: {  	v16 =	vadd.f32 v19, v16  }
0x3f: {  	s3 =	simm.s32 $0x4440;
	v19 =	vor.u32 v1, v13  }
0x40: {  	[tilespmem:s3+$0xFFFFFFC0] =	vst v16  }
0x41: {  	v16 =	vor.u32 v1, v8;
	v17 =	vld.idx.msk [tilespmem:v17+s18+$0x0], $0xffff  }
0x42: {  	v18 =	vld.idx.msk [tilespmem:v18+s18+$0x0], $0xffff  }
0x43: {  	v20 =	vor.u32 v1, v11  }
0x44: {  	v19 =	vld.idx.msk [tilespmem:v19+s18+$0x0], $0xffff  }
0x45: {  	v21 =	vor.u32 v1, v9  }
0x46: {  	v16 =	vld.idx.msk [tilespmem:v16+s18+$0x0], $0xffff  }
0x47: {  	v22 =	vor.u32 v1, v10;
	v17 =	vadd.f32 v18, v17  }
0x48: {  	v18 =	vld.idx.msk [tilespmem:v20+s18+$0x0], $0xffff  }
0x49: {  	v20 =	vor.u32 v1, v12;
	v17 =	vadd.f32 v19, v17  }
0x4a: {  	v19 =	vld.idx.msk [tilespmem:v21+s18+$0x0], $0xffff  }
0x4b: {  	v16 =	vadd.f32 v16, v17  }
0x4c: {  	v17 =	vld.idx.msk [tilespmem:v22+s18+$0x0], $0xffff  }
0x4d: {  	v16 =	vadd.f32 v18, v16  }
0x4e: {  	v18 =	vld.idx.msk [tilespmem:v20+s18+$0x0], $0xffff  }
0x4f: {  	v16 =	vadd.f32 v19, v16;
	_ =	sdelay $0x1  }
0x50: {  	v16 =	vadd.f32 v17, v16;
	v17 =	vor.u32 v2, v15  }
0x51: {  	v19 =	vor.u32 v2, v14  }
0x52: {  	s24 =	simm.s32 $0x8;
	v16 =	vadd.f32 v18, v16  }
0x53: {  	v20 =	vmov s24;
	v18 =	vor.u32 v2, v13  }
0x54: {  	v21 =	vor.u32 $0x2, v20;
	[tilespmem:s3+$0xFFFFFFD0] =	vst v16  }
0x55: {  	v16 =	vld.idx.msk [tilespmem:v17+s18+$0x0], $0xffff;
	v17 =	vor.u32 v2, v8  }
0x56: {  	v23 =	vor.u32 $0x1, v20;
	v19 =	vld.idx.msk [tilespmem:v19+s18+$0x0], $0xffff  }
0x57: {  	v22 =	vor.u32 v2, v11  }
0x58: {  	v18 =	vld.idx.msk [tilespmem:v18+s18+$0x0], $0xffff  }
0x59: {  	v25 =	vor.u32 v2, v9;
	v26 =	vld.idx.msk [tilespmem:v21+s17+$0x0], $0xffff  }
0x5a: {  	v17 =	vld.idx.msk [tilespmem:v17+s18+$0x0], $0xffff  }
0x5b: {  	v21 =	vor.u32 v2, v10;
	v23 =	vld.idx.msk [tilespmem:v23+s17+$0x0], $0xffff;
	v16 =	vadd.f32 v19, v16  }
0x5c: {  	v22 =	vld.idx.msk [tilespmem:v22+s18+$0x0], $0xffff;
	v19 =	vor.u32 $0x3, v20  }
0x5d: {  	v27 =	vor.u32 v2, v12;
	v24 =	vld.idx.msk [tilespmem:v20+s17+$0x0], $0xffff;
	v16 =	vadd.f32 v18, v16  }
0x5e: {  	v25 =	vld.idx.msk [tilespmem:v25+s18+$0x0], $0xffff;
	v18 =	vor.u32 $0x4, v20  }
0x5f: {  	v28 =	vor.u32 $0x7, v20;
	v16 =	vadd.f32 v17, v16  }
0x60: {  	v29 =	vld.idx.msk [tilespmem:v21+s18+$0x0], $0xffff;
	v17 =	vor.u32 $0x5, v20  }
0x61: {  	v30 =	vor.u32 $0x6, v20;
	v21 =	vshll.u32 v23, $0x7;
	v19 =	vld.idx.msk [tilespmem:v19+s17+$0x0], $0xffff;
	v22 =	vadd.f32 v22, v16  }
0x62: {  	v23 =	vld.idx.msk [tilespmem:v27+s18+$0x0], $0xffff;
	v27 =	vor.u32 v0, v21;
	v20 =	vshll.u32 v24, $0x7  }
0x63: {  	v24 =	vor.u32 v0, v20;
	v18 =	vld.idx.msk [tilespmem:v18+s17+$0x0], $0xffff;
	v16 =	vshll.u32 v26, $0x7;
	v22 =	vadd.f32 v25, v22  }
0x64: {  	v26 =	vor.u32 v0, v16;
	v25 =	vld.idx.msk [tilespmem:v28+s17+$0x0], $0xffff  }
0x65: {  	v28 =	vld.idx.msk [tilespmem:v17+s17+$0x0], $0xffff;
	v22 =	vadd.f32 v29, v22;
	v29 =	vor.u32 v3, v15  }
0x66: {  	v30 =	vld.idx.msk [tilespmem:v30+s17+$0x0], $0xffff;
	v17 =	vshll.u32 v19, $0x7;
	v19 =	vor.u32 v3, v14  }
0x67: {  	v27 =	vld.idx.msk [tilespmem:v27+s18+$0x0], $0xffff;
	v31 =	vor.u32 v0, v17;
	v22 =	vadd.f32 v23, v22  }
0x68: {  	v32 =	vor.u32 v3, v13;
	v24 =	vld.idx.msk [tilespmem:v24+s18+$0x0], $0xffff;
	v18 =	vshll.u32 v18, $0x7  }
0x69: {  	v33 =	vor.u32 v0, v18;
	v26 =	vld.idx.msk [tilespmem:v26+s18+$0x0], $0xffff;
	[tilespmem:s3+$0xFFFFFFE0] =	vst v22  }
0x6a: {  	v22 =	vshll.u32 v28, $0x7;
	v28 =	vld.idx.msk [tilespmem:v29+s18+$0x0], $0xffff;
	v29 =	vor.u32 v3, v8  }
0x6b: {  	v34 =	vor.u32 v0, v22;
	v35 =	vld.idx.msk [tilespmem:v19+s18+$0x0], $0xffff  }
0x6c: {  	v23 =	vshll.u32 v30, $0x7;
	v30 =	vld.idx.msk [tilespmem:v31+s18+$0x0], $0xffff;
	v31 =	vor.u32 v3, v11  }
0x6d: {  	v36 =	vor.u32 v0, v23;
	v24 =	vadd.f32 v27, v24;
	v27 =	vld.idx.msk [tilespmem:v32+s18+$0x0], $0xffff  }
0x6e: {  	v46 =	vor.u32 v3, v9;
	v19 =	vshll.u32 v25, $0x7;
	v25 =	vld.idx.msk [tilespmem:v33+s18+$0x0], $0xffff  }
0x6f: {  	v47 =	vor.u32 v0, v19;
	v24 =	vadd.f32 v26, v24;
	v26 =	vld.idx.msk [tilespmem:v29+s18+$0x0], $0xffff  }
0x70: {  	v48 =	vor.u32 v3, v10;
	v29 =	vld.idx.msk [tilespmem:v34+s18+$0x0], $0xffff;
	v28 =	vadd.f32 v35, v28  }
0x71: {  	v24 =	vadd.f32 v30, v24;
	v30 =	vld.idx.msk [tilespmem:v31+s18+$0x0], $0xffff  }
0x72: {  	v49 =	vor.u32 v3, v12;
	v31 =	vld.idx.msk [tilespmem:v36+s18+$0x0], $0xffff;
	v27 =	vadd.f32 v27, v28  }
0x73: {  	s31 =	simm.s32 $0x10;
	v24 =	vadd.f32 v25, v24;
	v25 =	vld.idx.msk [tilespmem:v46+s18+$0x0], $0xffff  }
0x74: {  	v28 =	vld.idx.msk [tilespmem:v47+s18+$0x0], $0xffff;
	v26 =	vadd.f32 v26, v27;
	v27 =	vmov s31  }
0x75: {  	v24 =	vadd.f32 v29, v24;
	v29 =	vld.idx.msk [tilespmem:v48+s18+$0x0], $0xffff;
	v50 =	vor.u32 $0x7, v27  }
0x76: {  	v57 =	vor.u32 $0x6, v27;
	v26 =	vadd.f32 v30, v26  }
0x77: {  	v52 =	vor.u32 v1, v16;
	v24 =	vadd.f32 v31, v24;
	v31 =	vld.idx.msk [tilespmem:v49+s18+$0x0], $0xffff  }
0x78: {  	v51 =	vor.u32 v1, v20;
	v25 =	vadd.f32 v25, v26  }
0x79: {  	v24 =	vadd.f32 v28, v24;
	v26 =	vor.u32 v1, v21;
	v28 =	vld.idx.msk [tilespmem:v27+s17+$0x0], $0xffff  }
0x7a: {  	s28 =	simm.s32 $0x44C0;
	v25 =	vadd.f32 v29, v25;
	v29 =	vor.u32 v4, v15;
	v32 =	vld.idx.msk [tilespmem:v50+s17+$0x0], $0xffff  }
0x7b: {  	[tilespmem:s28+$0xFFFFFFC0] =	vst v24;
	v24 =	vor.u32 v4, v14;
	v62 =	vld.idx.msk [tilespmem:v57+s17+$0x0], $0xffff  }
0x7c: {  	v54 =	vor.u32 v1, v17;
	v34 =	vld.idx.msk [tilespmem:v52+s18+$0x0], $0xffff;
	v25 =	vadd.f32 v31, v25  }
0x7d: {  	v53 =	vor.u32 v4, v13;
	v31 =	vld.idx.msk [tilespmem:v51+s18+$0x0], $0xffff  }
0x7e: {  	v30 =	vor.u32 v1, v18;
	v26 =	vld.idx.msk [tilespmem:v26+s18+$0x0], $0xffff;
	[tilespmem:s3+$0xFFFFFFF0] =	vst v25  }
0x7f: {  	v25 =	vld.idx.msk [tilespmem:v29+s18+$0x0], $0xffff;
	v29 =	vor.u32 v4, v8  }
0x80: {  	v55 =	vor.u32 v4, v11;
	v24 =	vld.idx.msk [tilespmem:v24+s18+$0x0], $0xffff  }
0x81: {  	v37 =	vor.u32 v1, v22;
	v35 =	vld.idx.msk [tilespmem:v54+s18+$0x0], $0xffff  }
0x82: {  	v39 =	vor.u32 v1, v23;
	v33 =	vld.idx.msk [tilespmem:v53+s18+$0x0], $0xffff  }
0x83: {  	v38 =	vor.u32 v4, v9;
	v30 =	vld.idx.msk [tilespmem:v30+s18+$0x0], $0xffff;
	v26 =	vadd.f32 v26, v31  }
0x84: {  	v31 =	vor.u32 v4, v10;
	v29 =	vld.idx.msk [tilespmem:v29+s18+$0x0], $0xffff  }
0x85: {  	v40 =	vor.u32 v1, v19;
	v36 =	vld.idx.msk [tilespmem:v55+s18+$0x0], $0xffff;
	v24 =	vadd.f32 v24, v25;
	v25 =	vadd.f32 v34, v26  }
0x86: {  	v61 =	vor.u32 $0x4, v27;
	v26 =	vld.idx.msk [tilespmem:v37+s18+$0x0], $0xffff  }
0x87: {  	v56 =	vor.u32 v4, v12;
	v60 =	vld.idx.msk [tilespmem:v39+s18+$0x0], $0xffff;
	v24 =	vadd.f32 v33, v24;
	v25 =	vadd.f32 v35, v25  }
0x88: {  	v59 =	vor.u32 $0x5, v27;
	v58 =	vld.idx.msk [tilespmem:v38+s18+$0x0], $0xffff  }
0x89: {  	v30 =	vadd.f32 v30, v25;
	v24 =	vadd.f32 v29, v24;
	v29 =	vld.idx.msk [tilespmem:v31+s18+$0x0], $0xffff;
	v31 =	vor.u32 $0x3, v27  }
0x8a: {  	v41 =	vor.u32 $0x2, v27;
	v40 =	vld.idx.msk [tilespmem:v40+s18+$0x0], $0xffff;
	v25 =	vshll.u32 v28, $0x7  }
0x8b: {  	v63 =	vld.idx.msk [tilespmem:v61+s17+$0x0], $0xffff;
	v27 =	vor.u32 $0x1, v27;
	v26 =	vadd.f32 v26, v30;
	v24 =	vadd.f32 v36, v24  }
0x8c: {  	v34 =	vld.idx.msk [tilespmem:v56+s18+$0x0], $0xffff;
	v30 =	vor.u32 v0, v25  }
0x8d: {  	v51 =	vor.u32 v2, v20;
	v28 =	vld.idx.msk [tilespmem:v59+s17+$0x0], $0xffff;
	v26 =	vadd.f32 v60, v26;
	v24 =	vadd.f32 v58, v24  }
0x8e: {  	v54 =	vor.u32 v2, v16;
	v37 =	vld.idx.msk [tilespmem:v31+s17+$0x0], $0xffff  }
0x8f: {  	v31 =	vld.idx.msk [tilespmem:v41+s17+$0x0], $0xffff;
	v26 =	vadd.f32 v40, v26;
	v24 =	vadd.f32 v29, v24;
	v29 =	vor.u32 v5, v15  }
0x90: {  	v52 =	vor.u32 v5, v14;
	v53 =	vld.idx.msk [tilespmem:v27+s17+$0x0], $0xffff  }
0x91: {  	v27 =	vor.u32 v2, v21;
	v46 =	vld.idx.msk [tilespmem:v30+s18+$0x0], $0xffff;
	[tilespmem:s28+$0xFFFFFFD0] =	vst v26;
	v24 =	vadd.f32 v34, v24  }
0x92: {  	v26 =	vor.u32 v5, v13;
	v30 =	vld.idx.msk [tilespmem:v51+s18+$0x0], $0xffff  }
0x93: {  	v55 =	vor.u32 v2, v17;
	v34 =	vld.idx.msk [tilespmem:v54+s18+$0x0], $0xffff;
	[tilespmem:s3+$0x0] =	vst v24  }
0x94: {  	v24 =	vld.idx.msk [tilespmem:v29+s18+$0x0], $0xffff;
	v29 =	vor.u32 v5, v8  }
0x95: {  	v57 =	vor.u32 v2, v18;
	v38 =	vld.idx.msk [tilespmem:v52+s18+$0x0], $0xffff  }
0x96: {  	v56 =	vor.u32 v5, v11;
	v27 =	vld.idx.msk [tilespmem:v27+s18+$0x0], $0xffff  }
0x97: {  	v43 =	vor.u32 v2, v22;
	v26 =	vld.idx.msk [tilespmem:v26+s18+$0x0], $0xffff  }
0x98: {  	v42 =	vor.u32 v5, v9;
	v35 =	vld.idx.msk [tilespmem:v55+s18+$0x0], $0xffff  }
0x99: {  	v45 =	vor.u32 v2, v23;
	v29 =	vld.idx.msk [tilespmem:v29+s18+$0x0], $0xffff  }
0x9a: {  	v44 =	vor.u32 v5, v10;
	v58 =	vld.idx.msk [tilespmem:v57+s18+$0x0], $0xffff;
	v38 =	vadd.f32 v38, v24  }
0x9b: {  	v61 =	vor.u32 v2, v19;
	v59 =	vor.u32 v5, v12;
	v31 =	vshll.u32 v31, $0x7;
	v40 =	vld.idx.msk [tilespmem:v56+s18+$0x0], $0xffff  }
0x9c: {  	v60 =	vld.idx.msk [tilespmem:v43+s18+$0x0], $0xffff;
	v55 =	vor.u32 v0, v31;
	v30 =	vadd.f32 v27, v30;
	v38 =	vadd.f32 v26, v38  }
0x9d: {  	v42 =	vld.idx.msk [tilespmem:v42+s18+$0x0], $0xffff;
	v27 =	vshll.u32 v28, $0x7;
	v28 =	vshll.u32 v63, $0x7;
	v24 =	vshll.u32 v32, $0x7  }
0x9e: {  	v52 =	vld.idx.msk [tilespmem:v45+s18+$0x0], $0xffff;
	v49 =	vor.u32 v0, v28;
	v34 =	vadd.f32 v34, v30;
	v29 =	vadd.f32 v29, v38  }
0x9f: {  	v63 =	vor.u32 v0, v27;
	v47 =	vor.u32 v0, v24;
	v26 =	vshll.u32 v62, $0x7;
	v62 =	vld.idx.msk [tilespmem:v44+s18+$0x0], $0xffff  }
0xa0: {  	v41 =	vld.idx.msk [tilespmem:v59+s18+$0x0], $0xffff;
	v30 =	vshll.u32 v53, $0x7;
	v34 =	vadd.f32 v35, v34;
	v54 =	vadd.f32 v40, v29  }
0xa1: {  	v56 =	vld.idx.msk [tilespmem:v61+s18+$0x0], $0xffff;
	v53 =	vor.u32 v0, v30;
	v48 =	vor.u32 v0, v26  }
0xa2: {  	v45 =	vld.idx.msk [tilespmem:v55+s18+$0x0], $0xffff;
	v32 =	vadd.f32 v58, v34;
	v29 =	vshll.u32 v37, $0x7;
	v35 =	vadd.f32 v42, v54  }
0xa3: {  	v43 =	vld.idx.msk [tilespmem:v49+s18+$0x0], $0xffff;
	v57 =	vor.u32 v0, v29  }
0xa4: {  	v59 =	vor.u32 v6, v15;
	v37 =	vld.idx.msk [tilespmem:v47+s18+$0x0], $0xffff;
	v32 =	vadd.f32 v60, v32;
	v58 =	vadd.f32 v62, v35  }
0xa5: {  	v61 =	vor.u32 v6, v14;
	v40 =	vld.idx.msk [tilespmem:v63+s18+$0x0], $0xffff  }
0xa6: {  	v60 =	vld.idx.msk [tilespmem:v53+s18+$0x0], $0xffff;
	v32 =	vadd.f32 v52, v32;
	v62 =	vor.u32 v3, v20;
	v33 =	vadd.f32 v41, v58  }
0xa7: {  	v36 =	vor.u32 v6, v13;
	v39 =	vld.idx.msk [tilespmem:v48+s18+$0x0], $0xffff  }
0xa8: {  	v63 =	vadd.f32 v56, v32;
	v44 =	vld.idx.msk [tilespmem:v57+s18+$0x0], $0xffff;
	v41 =	vor.u32 v3, v21;
	[tilespmem:s3+$0x10] =	vst v33  }
0xa9: {  	v34 =	vor.u32 v6, v8;
	v32 =	vld.idx.msk [tilespmem:v59+s18+$0x0], $0xffff  }
0xaa: {  	v42 =	vor.u32 v3, v16;
	[tilespmem:s28+$0xFFFFFFE0] =	vst v63;
	v33 =	vld.idx.msk [tilespmem:v61+s18+$0x0], $0xffff  }
0xab: {  	s29 =	simm.s32 $0x18;
	s24 =	simm.s32 $0x44C0;
	v35 =	vor.u32 v6, v11;
	v46 =	vadd.f32 v60, v46;
	v38 =	vld.idx.msk [tilespmem:v62+s18+$0x0], $0xffff  }
.LBB2_2:
0xac: {  	p0 =	sne.s32 s29, $0x3F8;
	v47 =	vor.u32 v3, v17;
	v36 =	vld.idx.msk [tilespmem:v36+s18+$0x0], $0xffff  }
0xad: {  	v45 =	vadd.f32 v45, v46;
	v41 =	vld.idx.msk [tilespmem:v41+s18+$0x0], $0xffff;
	v46 =	vor.u32 v6, v9  }
0xae: {  	v48 =	vor.u32 v3, v18;
	v34 =	vld.idx.msk [tilespmem:v34+s18+$0x0], $0xffff  }
0xaf: {  	v44 =	vadd.f32 v44, v45;
	v42 =	vld.idx.msk [tilespmem:v42+s18+$0x0], $0xffff;
	v45 =	vor.u32 v6, v10  }
0xb0: {  	v49 =	vor.u32 v3, v22;
	v32 =	vadd.f32 v33, v32;
	v35 =	vld.idx.msk [tilespmem:v35+s18+$0x0], $0xffff  }
0xb1: {  	v43 =	vadd.f32 v43, v44;
	v44 =	vld.idx.msk [tilespmem:v47+s18+$0x0], $0xffff;
	v47 =	vor.u32 v6, v12  }
0xb2: {  	v33 =	vmov s29;
	v32 =	vadd.f32 v36, v32;
	v36 =	vld.idx.msk [tilespmem:v46+s18+$0x0], $0xffff  }
0xb3: {  	v46 =	vor.u32 v3, v23;
	v40 =	vadd.f32 v40, v43;
	v43 =	vld.idx.msk [tilespmem:v48+s18+$0x0], $0xffff  }
0xb4: {  	v38 =	vadd.f32 v41, v38;
	v48 =	vor.u32 $0x7, v33;
	v32 =	vadd.f32 v34, v32;
	v41 =	vld.idx.msk [tilespmem:v45+s18+$0x0], $0xffff  }
0xb5: {  	v45 =	vor.u32 v3, v19;
	v39 =	vadd.f32 v39, v40;
	v40 =	vld.idx.msk [tilespmem:v49+s18+$0x0], $0xffff  }
0xb6: {  	v38 =	vadd.f32 v42, v38;
	v49 =	vor.u32 v1, v28;
	v32 =	vadd.f32 v35, v32;
	v35 =	vld.idx.msk [tilespmem:v47+s18+$0x0], $0xffff  }
0xb7: {  	v34 =	vld.idx.msk [tilespmem:v33+s17+$0x0], $0xffff;
	v37 =	vadd.f32 v37, v39;
	v39 =	vor.u32 v1, v29  }
0xb8: {  	v42 =	vor.u32 v1, v31;
	v38 =	vadd.f32 v44, v38;
	v36 =	vadd.f32 v36, v32;
	v44 =	vld.idx.msk [tilespmem:v46+s18+$0x0], $0xffff  }
0xb9: {  	s28 =	sadd.s32 $0x80, s28;
	v47 =	vor.u32 v7, v15;
	v15 =	vmovc v20;
	v20 =	vmov v25;
	v46 =	vor.u32 v1, v25;
	v32 =	vld.idx.msk [tilespmem:v48+s17+$0x0], $0xffff  }
0xba: {  	v25 =	vadd.f32 v43, v38;
	v36 =	vadd.f32 v41, v36;
	[tilespmem:s28+$0xFFFFFFC0] =	vst v37;
	v37 =	vld.idx.msk [tilespmem:v45+s18+$0x0], $0xffff  }
0xbb: {  	v41 =	vor.u32 v7, v14;
	v14 =	vmov v21;
	v21 =	vmov v30;
	v38 =	vld.idx.msk [tilespmem:v49+s18+$0x0], $0xffff  }
0xbc: {  	v30 =	vor.u32 v1, v21;
	v25 =	vadd.f32 v40, v25;
	v35 =	vadd.f32 v35, v36;
	v39 =	vld.idx.msk [tilespmem:v39+s18+$0x0], $0xffff  }
0xbd: {  	v40 =	vor.u32 v7, v13;
	v13 =	vmov v16;
	v16 =	vmov v31;
	v36 =	vld.idx.msk [tilespmem:v42+s18+$0x0], $0xffff  }
0xbe: {  	v25 =	vadd.f32 v44, v25;
	v42 =	vor.u32 v4, v15;
	v31 =	vld.idx.msk [tilespmem:v46+s18+$0x0], $0xffff;
	[tilespmem:s3+$0x20] =	vst v35  }
0xbf: {  	v43 =	vor.u32 v7, v8;
	v8 =	vmov v17;
	v17 =	vmov v29;
	v35 =	vld.idx.msk [tilespmem:v47+s18+$0x0], $0xffff  }
0xc0: {  	v29 =	vor.u32 v4, v14;
	v25 =	vadd.f32 v37, v25;
	v37 =	vld.idx.msk [tilespmem:v41+s18+$0x0], $0xffff  }
0xc1: {  	v41 =	vor.u32 v7, v11;
	v11 =	vmov v18;
	v18 =	vmov v28;
	v30 =	vld.idx.msk [tilespmem:v30+s18+$0x0], $0xffff  }
0xc2: {  	[tilespmem:s24+$0xFFFFFFF0] =	vst v25;
	v25 =	vor.u32 v4, v13;
	v28 =	vld.idx.msk [tilespmem:v40+s18+$0x0], $0xffff  }
0xc3: {  	v40 =	vld.idx.msk [tilespmem:v42+s18+$0x0], $0xffff;
	v42 =	vor.u32 v7, v9;
	v9 =	vmov v22;
	v22 =	vmov v27  }
0xc4: {  	v27 =	vor.u32 v4, v8;
	v43 =	vld.idx.msk [tilespmem:v43+s18+$0x0], $0xffff  }
0xc5: {  	v44 =	vor.u32 v7, v10;
	v10 =	vmov v23;
	v23 =	vmov v26;
	v29 =	vld.idx.msk [tilespmem:v29+s18+$0x0], $0xffff  }
0xc6: {  	v26 =	vor.u32 v4, v11;
	v35 =	vadd.f32 v37, v35;
	v37 =	vld.idx.msk [tilespmem:v41+s18+$0x0], $0xffff  }
0xc7: {  	v41 =	vor.u32 v7, v12;
	v12 =	vmov v19;
	v19 =	vmov v24;
	v25 =	vld.idx.msk [tilespmem:v25+s18+$0x0], $0xffff  }
0xc8: {  	v24 =	vor.u32 v1, v22;
	v28 =	vadd.f32 v28, v35;
	v35 =	vld.idx.msk [tilespmem:v42+s18+$0x0], $0xffff  }
0xc9: {  	v42 =	vor.u32 v4, v9;
	v27 =	vld.idx.msk [tilespmem:v27+s18+$0x0], $0xffff  }
0xca: {  	v45 =	vor.u32 v1, v23;
	v28 =	vadd.f32 v43, v28;
	v43 =	vld.idx.msk [tilespmem:v44+s18+$0x0], $0xffff  }
0xcb: {  	v30 =	vadd.f32 v30, v31;
	v31 =	vor.u32 v4, v10;
	v26 =	vld.idx.msk [tilespmem:v26+s18+$0x0], $0xffff  }
0xcc: {  	v44 =	vor.u32 v1, v19;
	v29 =	vadd.f32 v29, v40;
	v28 =	vadd.f32 v37, v28;
	v37 =	vld.idx.msk [tilespmem:v41+s18+$0x0], $0xffff  }
0xcd: {  	v30 =	vadd.f32 v36, v30;
	v36 =	vor.u32 v4, v12;
	v24 =	vld.idx.msk [tilespmem:v24+s18+$0x0], $0xffff  }
0xce: {  	v40 =	vor.u32 $0x6, v33;
	v25 =	vadd.f32 v25, v29;
	v28 =	vadd.f32 v35, v28;
	v29 =	vld.idx.msk [tilespmem:v42+s18+$0x0], $0xffff  }
0xcf: {  	v30 =	vadd.f32 v39, v30;
	v35 =	vor.u32 $0x5, v33;
	v39 =	vld.idx.msk [tilespmem:v45+s18+$0x0], $0xffff  }
0xd0: {  	v41 =	vor.u32 $0x4, v33;
	v25 =	vadd.f32 v27, v25;
	v28 =	vadd.f32 v43, v28;
	v27 =	vld.idx.msk [tilespmem:v31+s18+$0x0], $0xffff  }
0xd1: {  	v30 =	vadd.f32 v38, v30;
	v31 =	vor.u32 $0x3, v33;
	v38 =	vld.idx.msk [tilespmem:v44+s18+$0x0], $0xffff  }
0xd2: {  	v42 =	vor.u32 $0x2, v33;
	v26 =	vadd.f32 v26, v25;
	v28 =	vadd.f32 v37, v28;
	v36 =	vld.idx.msk [tilespmem:v36+s18+$0x0], $0xffff  }
0xd3: {  	v33 =	vor.u32 $0x1, v33;
	v25 =	vshll.u32 v34, $0x7;
	v24 =	vadd.f32 v24, v30;
	v37 =	vld.idx.msk [tilespmem:v40+s17+$0x0], $0xffff  }
0xd4: {  	v34 =	vor.u32 v0, v25;
	v26 =	vadd.f32 v29, v26;
	v30 =	vld.idx.msk [tilespmem:v35+s17+$0x0], $0xffff;
	[tilespmem:s3+$0x30] =	vst v28;
	s3 =	smov.u32 s24;
	s24 =	smov.u32 s28  }
0xd5: {  	v29 =	vor.u32 v2, v20;
	v24 =	vadd.f32 v39, v24;
	v28 =	vld.idx.msk [tilespmem:v41+s17+$0x0], $0xffff  }
0xd6: {  	v26 =	vadd.f32 v27, v26;
	v27 =	vor.u32 v5, v15;
	v35 =	vld.idx.msk [tilespmem:v31+s17+$0x0], $0xffff  }
0xd7: {  	v24 =	vadd.f32 v38, v24;
	v38 =	vor.u32 v5, v14;
	v31 =	vld.idx.msk [tilespmem:v42+s17+$0x0], $0xffff  }
0xd8: {  	v39 =	vor.u32 v2, v21;
	v26 =	vadd.f32 v36, v26;
	v33 =	vld.idx.msk [tilespmem:v33+s17+$0x0], $0xffff  }
0xd9: {  	v46 =	vld.idx.msk [tilespmem:v34+s18+$0x0], $0xffff;
	[tilespmem:s28+$0xFFFFFFD0] =	vst v24;
	v24 =	vor.u32 v5, v13  }
0xda: {  	v34 =	vor.u32 v2, v16;
	v29 =	vld.idx.msk [tilespmem:v29+s18+$0x0], $0xffff;
	[tilespmem:s3+$0x0] =	vst v26  }
0xdb: {  	v26 =	vld.idx.msk [tilespmem:v27+s18+$0x0], $0xffff;
	v27 =	vor.u32 v5, v8  }
0xdc: {  	v36 =	vor.u32 v2, v17;
	v38 =	vld.idx.msk [tilespmem:v38+s18+$0x0], $0xffff  }
0xdd: {  	v40 =	vor.u32 v5, v11;
	v39 =	vld.idx.msk [tilespmem:v39+s18+$0x0], $0xffff  }
0xde: {  	v41 =	vor.u32 v2, v18;
	v42 =	vld.idx.msk [tilespmem:v24+s18+$0x0], $0xffff  }
0xdf: {  	v43 =	vor.u32 v5, v9;
	v34 =	vld.idx.msk [tilespmem:v34+s18+$0x0], $0xffff  }
0xe0: {  	v44 =	vor.u32 v2, v22;
	v45 =	vld.idx.msk [tilespmem:v27+s18+$0x0], $0xffff  }
0xe1: {  	v47 =	vor.u32 v5, v10;
	v36 =	vld.idx.msk [tilespmem:v36+s18+$0x0], $0xffff  }
0xe2: {  	v48 =	vor.u32 v2, v23;
	v26 =	vadd.f32 v38, v26;
	v38 =	vld.idx.msk [tilespmem:v40+s18+$0x0], $0xffff  }
0xe3: {  	v24 =	vshll.u32 v32, $0x7;
	v40 =	vor.u32 v5, v12;
	v32 =	vld.idx.msk [tilespmem:v41+s18+$0x0], $0xffff  }
0xe4: {  	v29 =	vadd.f32 v39, v29;
	v41 =	vor.u32 v0, v24;
	v39 =	vadd.f32 v42, v26;
	v42 =	vld.idx.msk [tilespmem:v43+s18+$0x0], $0xffff  }
0xe5: {  	v27 =	vshll.u32 v30, $0x7;
	v26 =	vshll.u32 v37, $0x7;
	v43 =	vld.idx.msk [tilespmem:v44+s18+$0x0], $0xffff;
	v44 =	vor.u32 v2, v19  }
0xe6: {  	v49 =	vor.u32 v0, v26;
	v29 =	vadd.f32 v34, v29;
	v34 =	vadd.f32 v45, v39;
	v45 =	vld.idx.msk [tilespmem:v47+s18+$0x0], $0xffff  }
0xe7: {  	v28 =	vshll.u32 v28, $0x7;
	v30 =	vshll.u32 v33, $0x7;
	v33 =	vor.u32 v0, v27;
	v47 =	vld.idx.msk [tilespmem:v48+s18+$0x0], $0xffff  }
0xe8: {  	v36 =	vadd.f32 v36, v29;
	v48 =	vor.u32 v0, v30;
	v34 =	vadd.f32 v38, v34;
	v38 =	vld.idx.msk [tilespmem:v40+s18+$0x0], $0xffff  }
0xe9: {  	v31 =	vshll.u32 v31, $0x7;
	v29 =	vshll.u32 v35, $0x7;
	v35 =	vor.u32 v0, v28;
	v37 =	vld.idx.msk [tilespmem:v41+s18+$0x0], $0xffff  }
0xea: {  	v32 =	vadd.f32 v32, v36;
	v41 =	vor.u32 v0, v31;
	v34 =	vadd.f32 v42, v34;
	v50 =	vld.idx.msk [tilespmem:v44+s18+$0x0], $0xffff  }
0xeb: {  	v42 =	vor.u32 v0, v29;
	v39 =	vld.idx.msk [tilespmem:v49+s18+$0x0], $0xffff  }
0xec: {  	v32 =	vadd.f32 v43, v32;
	v40 =	vld.idx.msk [tilespmem:v33+s18+$0x0], $0xffff;
	v33 =	vadd.f32 v45, v34;
	v34 =	vor.u32 v6, v15  }
0xed: {  	v49 =	vor.u32 v6, v14;
	v48 =	vld.idx.msk [tilespmem:v48+s18+$0x0], $0xffff  }
0xee: {  	v32 =	vadd.f32 v47, v32;
	v43 =	vld.idx.msk [tilespmem:v35+s18+$0x0], $0xffff;
	v35 =	vor.u32 v3, v20;
	v33 =	vadd.f32 v38, v33  }
.Ltmp0:
0xef: {  	v36 =	vor.u32 v6, v13;
	v45 =	vld.idx.msk [tilespmem:v41+s18+$0x0], $0xffff;
	(pc) =	sbr.rel @p0 .LBB2_2-.Ltmp0, $4  }
0xf0: {  	v38 =	vadd.f32 v50, v32;
	v41 =	vor.u32 v3, v21;
	v44 =	vld.idx.msk [tilespmem:v42+s18+$0x0], $0xffff;
	[tilespmem:s3+$0x10] =	vst v33  }
0xf1: {  	v32 =	vld.idx.msk [tilespmem:v34+s18+$0x0], $0xffff;
	v34 =	vor.u32 v6, v8  }
0xf2: {  	v42 =	vor.u32 v3, v16;
	[tilespmem:s28+$0xFFFFFFE0] =	vst v38;
	v33 =	vld.idx.msk [tilespmem:v49+s18+$0x0], $0xffff  }
0xf3: {  	s29 =	sadd.s32 $0x8, s29;
	v46 =	vadd.f32 v48, v46;
	v38 =	vld.idx.msk [tilespmem:v35+s18+$0x0], $0xffff;
	v35 =	vor.u32 v6, v11  }
0xf4: {  	_ = 	snop  }
0xf5: {  	v45 =	vadd.f32 v45, v46;
	_ =	sdelay $0x1  }
0xf6: {  	v44 =	vadd.f32 v44, v45;
	_ =	sdelay $0x1  }
0xf7: {  	v43 =	vadd.f32 v43, v44;
	_ =	sdelay $0x1  }
0xf8: {  	v40 =	vadd.f32 v40, v43;
	_ =	sdelay $0x1  }
0xf9: {  	v54 =	vor.u32 v1, v25;
	v39 =	vadd.f32 v39, v40  }
0xfa: {  	v55 =	vor.u32 v1, v30  }
0xfb: {  	v37 =	vadd.f32 v37, v39  }
0xfc: {  	v56 =	vor.u32 v1, v31;
	s28 =	sadd.s32 $0x80, s28  }
0xfd: {  	[tilespmem:s28+$0xFFFFFFC0] =	vst v37  }
0xfe: {  	v57 =	vor.u32 v1, v29;
	v40 =	vld.idx.msk [tilespmem:v54+s18+$0x0], $0xffff  }
0xff: {  	v43 =	vld.idx.msk [tilespmem:v55+s18+$0x0], $0xffff  }
0x100: {  	v58 =	vor.u32 v1, v28  }
0x101: {  	v39 =	vld.idx.msk [tilespmem:v56+s18+$0x0], $0xffff  }
0x102: {  	v59 =	vor.u32 v1, v27  }
0x103: {  	v37 =	vld.idx.msk [tilespmem:v57+s18+$0x0], $0xffff  }
0x104: {  	v60 =	vor.u32 v1, v26;
	v40 =	vadd.f32 v43, v40  }
0x105: {  	v61 =	vld.idx.msk [tilespmem:v58+s18+$0x0], $0xffff  }
0x106: {  	v62 =	vor.u32 v1, v24;
	v39 =	vadd.f32 v39, v40  }
0x107: {  	v63 =	vld.idx.msk [tilespmem:v59+s18+$0x0], $0xffff  }
0x108: {  	v37 =	vadd.f32 v37, v39  }
0x109: {  	v45 =	vld.idx.msk [tilespmem:v60+s18+$0x0], $0xffff  }
0x10a: {  	v37 =	vadd.f32 v61, v37  }
0x10b: {  	v46 =	vld.idx.msk [tilespmem:v62+s18+$0x0], $0xffff  }
0x10c: {  	v37 =	vadd.f32 v63, v37;
	_ =	sdelay $0x1  }
0x10d: {  	v47 =	vor.u32 v2, v25;
	v37 =	vadd.f32 v45, v37  }
0x10e: {  	v48 =	vor.u32 v2, v30  }
0x10f: {  	v37 =	vadd.f32 v46, v37  }
0x110: {  	v49 =	vor.u32 v2, v31  }
0x111: {  	[tilespmem:s28+$0xFFFFFFD0] =	vst v37  }
0x112: {  	v50 =	vor.u32 v2, v29;
	v37 =	vld.idx.msk [tilespmem:v47+s18+$0x0], $0xffff  }
0x113: {  	v40 =	vld.idx.msk [tilespmem:v48+s18+$0x0], $0xffff  }
0x114: {  	v51 =	vor.u32 v2, v28  }
0x115: {  	v43 =	vld.idx.msk [tilespmem:v49+s18+$0x0], $0xffff  }
0x116: {  	v52 =	vor.u32 v2, v27  }
0x117: {  	v39 =	vld.idx.msk [tilespmem:v50+s18+$0x0], $0xffff  }
0x118: {  	v53 =	vor.u32 v2, v26;
	v37 =	vadd.f32 v40, v37  }
0x119: {  	v54 =	vld.idx.msk [tilespmem:v51+s18+$0x0], $0xffff  }
0x11a: {  	v55 =	vor.u32 v2, v24;
	v37 =	vadd.f32 v43, v37  }
0x11b: {  	v56 =	vld.idx.msk [tilespmem:v52+s18+$0x0], $0xffff  }
0x11c: {  	v37 =	vadd.f32 v39, v37  }
0x11d: {  	v57 =	vld.idx.msk [tilespmem:v53+s18+$0x0], $0xffff  }
0x11e: {  	v37 =	vadd.f32 v54, v37  }
0x11f: {  	v58 =	vld.idx.msk [tilespmem:v55+s18+$0x0], $0xffff  }
0x120: {  	v37 =	vadd.f32 v56, v37;
	_ =	sdelay $0x1  }
0x121: {  	v59 =	vor.u32 v3, v25;
	v37 =	vadd.f32 v57, v37  }
0x122: {  	v60 =	vor.u32 v3, v30  }
0x123: {  	v61 =	vor.u32 v3, v17;
	v37 =	vadd.f32 v58, v37  }
0x124: {  	v62 =	vld.idx.msk [tilespmem:v41+s18+$0x0], $0xffff;
	v63 =	vor.u32 v3, v31  }
0x125: {  	v42 =	vld.idx.msk [tilespmem:v42+s18+$0x0], $0xffff;
	v52 =	vor.u32 v3, v18;
	[tilespmem:s28+$0xFFFFFFE0] =	vst v37  }
0x126: {  	v53 =	vor.u32 v3, v29;
	v37 =	vld.idx.msk [tilespmem:v59+s18+$0x0], $0xffff  }
0x127: {  	v54 =	vor.u32 v3, v22;
	v43 =	vld.idx.msk [tilespmem:v60+s18+$0x0], $0xffff  }
0x128: {  	v44 =	vld.idx.msk [tilespmem:v61+s18+$0x0], $0xffff;
	v47 =	vor.u32 v3, v28  }
0x129: {  	v38 =	vadd.f32 v62, v38;
	v48 =	vor.u32 v3, v23;
	v55 =	vld.idx.msk [tilespmem:v63+s18+$0x0], $0xffff  }
0x12a: {  	v56 =	vld.idx.msk [tilespmem:v52+s18+$0x0], $0xffff;
	v57 =	vor.u32 v3, v27  }
0x12b: {  	v38 =	vadd.f32 v42, v38;
	v49 =	vor.u32 v3, v19;
	v39 =	vld.idx.msk [tilespmem:v53+s18+$0x0], $0xffff  }
0x12c: {  	v58 =	vld.idx.msk [tilespmem:v54+s18+$0x0], $0xffff;
	v59 =	vor.u32 v3, v26;
	v37 =	vadd.f32 v43, v37  }
0x12d: {  	v38 =	vadd.f32 v44, v38;
	v60 =	vld.idx.msk [tilespmem:v47+s18+$0x0], $0xffff  }
0x12e: {  	v62 =	vor.u32 v3, v24;
	v61 =	vld.idx.msk [tilespmem:v48+s18+$0x0], $0xffff;
	v37 =	vadd.f32 v55, v37  }
0x12f: {  	v38 =	vadd.f32 v56, v38;
	v63 =	vld.idx.msk [tilespmem:v57+s18+$0x0], $0xffff  }
0x130: {  	v48 =	vld.idx.msk [tilespmem:v49+s18+$0x0], $0xffff;
	v37 =	vadd.f32 v39, v37  }
0x131: {  	v38 =	vadd.f32 v58, v38;
	v49 =	vld.idx.msk [tilespmem:v59+s18+$0x0], $0xffff  }
0x132: {  	v37 =	vadd.f32 v60, v37  }
0x133: {  	v50 =	vor.u32 v4, v20;
	v51 =	vld.idx.msk [tilespmem:v62+s18+$0x0], $0xffff;
	v38 =	vadd.f32 v61, v38  }
0x134: {  	v52 =	vor.u32 v4, v21;
	v37 =	vadd.f32 v63, v37  }
0x135: {  	v53 =	vor.u32 v4, v16;
	v38 =	vadd.f32 v48, v38  }
0x136: {  	v54 =	vor.u32 v4, v25;
	v37 =	vadd.f32 v49, v37  }
0x137: {  	v36 =	vld.idx.msk [tilespmem:v36+s18+$0x0], $0xffff;
	v55 =	vor.u32 v4, v30;
	[tilespmem:s24+$0xFFFFFFF0] =	vst v38  }
0x138: {  	v57 =	vor.u32 v4, v17;
	v56 =	vld.idx.msk [tilespmem:v50+s18+$0x0], $0xffff;
	v37 =	vadd.f32 v51, v37  }
0x139: {  	v59 =	vor.u32 v4, v31;
	v58 =	vld.idx.msk [tilespmem:v52+s18+$0x0], $0xffff  }
0x13a: {  	v40 =	vld.idx.msk [tilespmem:v53+s18+$0x0], $0xffff;
	v60 =	vor.u32 v4, v18;
	[tilespmem:s28+$0xFFFFFFF0] =	vst v37  }
0x13b: {  	v61 =	vor.u32 v4, v29;
	v37 =	vld.idx.msk [tilespmem:v54+s18+$0x0], $0xffff  }
0x13c: {  	v62 =	vor.u32 v4, v22;
	v38 =	vld.idx.msk [tilespmem:v55+s18+$0x0], $0xffff  }
0x13d: {  	v42 =	vld.idx.msk [tilespmem:v57+s18+$0x0], $0xffff;
	v63 =	vor.u32 v4, v28  }
0x13e: {  	v52 =	vor.u32 v4, v23;
	v41 =	vadd.f32 v58, v56;
	v53 =	vld.idx.msk [tilespmem:v59+s18+$0x0], $0xffff  }
0x13f: {  	v54 =	vld.idx.msk [tilespmem:v60+s18+$0x0], $0xffff;
	v55 =	vor.u32 v4, v27  }
0x140: {  	v56 =	vor.u32 v4, v19;
	v40 =	vadd.f32 v40, v41;
	v39 =	vld.idx.msk [tilespmem:v61+s18+$0x0], $0xffff  }
0x141: {  	v57 =	vld.idx.msk [tilespmem:v62+s18+$0x0], $0xffff;
	v58 =	vor.u32 v4, v26;
	v37 =	vadd.f32 v38, v37  }
0x142: {  	v59 =	vadd.f32 v42, v40;
	v60 =	vld.idx.msk [tilespmem:v63+s18+$0x0], $0xffff  }
0x143: {  	v62 =	vor.u32 v4, v24;
	v61 =	vld.idx.msk [tilespmem:v52+s18+$0x0], $0xffff;
	v37 =	vadd.f32 v53, v37  }
0x144: {  	v38 =	vadd.f32 v54, v59;
	v63 =	vld.idx.msk [tilespmem:v55+s18+$0x0], $0xffff  }
0x145: {  	v48 =	vor.u32 v6, v9;
	v49 =	vld.idx.msk [tilespmem:v56+s18+$0x0], $0xffff;
	v37 =	vadd.f32 v39, v37  }
0x146: {  	v51 =	vld.idx.msk [tilespmem:v58+s18+$0x0], $0xffff;
	v52 =	vor.u32 v6, v12;
	v38 =	vadd.f32 v57, v38  }
0x147: {  	v34 =	vld.idx.msk [tilespmem:v34+s18+$0x0], $0xffff;
	v50 =	vor.u32 v6, v10;
	v37 =	vadd.f32 v60, v37  }
0x148: {  	v54 =	vld.idx.msk [tilespmem:v62+s18+$0x0], $0xffff;
	v53 =	vor.u32 v5, v20;
	v38 =	vadd.f32 v61, v38  }
0x149: {  	v35 =	vld.idx.msk [tilespmem:v35+s18+$0x0], $0xffff;
	v55 =	vor.u32 v5, v21;
	v37 =	vadd.f32 v63, v37  }
0x14a: {  	v43 =	vld.idx.msk [tilespmem:v48+s18+$0x0], $0xffff;
	v56 =	vor.u32 v5, v16;
	v38 =	vadd.f32 v49, v38  }
0x14b: {  	v45 =	vld.idx.msk [tilespmem:v52+s18+$0x0], $0xffff;
	v57 =	vor.u32 v5, v25;
	v37 =	vadd.f32 v51, v37  }
0x14c: {  	v58 =	vor.u32 v5, v30;
	v39 =	vld.idx.msk [tilespmem:v50+s18+$0x0], $0xffff;
	[tilespmem:s24+$0x0] =	vst v38  }
0x14d: {  	v59 =	vor.u32 v5, v17;
	v40 =	vld.idx.msk [tilespmem:v53+s18+$0x0], $0xffff;
	v37 =	vadd.f32 v54, v37  }
0x14e: {  	v61 =	vor.u32 v5, v31;
	v60 =	vld.idx.msk [tilespmem:v55+s18+$0x0], $0xffff  }
0x14f: {  	v62 =	vor.u32 v5, v18;
	v44 =	vld.idx.msk [tilespmem:v56+s18+$0x0], $0xffff;
	[tilespmem:s28+$0x0] =	vst v37  }
0x150: {  	v63 =	vor.u32 v5, v29;
	v37 =	vld.idx.msk [tilespmem:v57+s18+$0x0], $0xffff  }
0x151: {  	v32 =	vadd.f32 v33, v32;
	v52 =	vor.u32 v5, v22;
	v38 =	vld.idx.msk [tilespmem:v58+s18+$0x0], $0xffff  }
0x152: {  	v46 =	vld.idx.msk [tilespmem:v59+s18+$0x0], $0xffff;
	v53 =	vor.u32 v5, v28  }
0x153: {  	v32 =	vadd.f32 v36, v32;
	v54 =	vor.u32 v5, v23;
	v40 =	vadd.f32 v60, v40;
	v55 =	vld.idx.msk [tilespmem:v61+s18+$0x0], $0xffff  }
0x154: {  	v56 =	vld.idx.msk [tilespmem:v62+s18+$0x0], $0xffff;
	v57 =	vor.u32 v5, v27  }
0x155: {  	v32 =	vadd.f32 v34, v32;
	v58 =	vor.u32 v5, v19;
	v41 =	vld.idx.msk [tilespmem:v63+s18+$0x0], $0xffff;
	v40 =	vadd.f32 v44, v40  }
0x156: {  	v33 =	vld.idx.msk [tilespmem:v52+s18+$0x0], $0xffff;
	v59 =	vor.u32 v5, v26;
	v37 =	vadd.f32 v38, v37  }
0x157: {  	v32 =	vadd.f32 v35, v32;
	v61 =	vld.idx.msk [tilespmem:v53+s18+$0x0], $0xffff;
	v60 =	vadd.f32 v46, v40  }
0x158: {  	v62 =	vor.u32 v5, v24;
	v36 =	vld.idx.msk [tilespmem:v54+s18+$0x0], $0xffff;
	v37 =	vadd.f32 v55, v37  }
0x159: {  	v32 =	vadd.f32 v43, v32;
	v35 =	vadd.f32 v56, v60;
	v63 =	vld.idx.msk [tilespmem:v57+s18+$0x0], $0xffff  }
0x15a: {  	v34 =	vld.idx.msk [tilespmem:v58+s18+$0x0], $0xffff;
	v37 =	vadd.f32 v41, v37  }
0x15b: {  	v15 =	vor.u32 v7, v15;
	v32 =	vadd.f32 v39, v32;
	v46 =	vld.idx.msk [tilespmem:v59+s18+$0x0], $0xffff;
	v33 =	vadd.f32 v33, v35  }
0x15c: {  	v14 =	vor.u32 v7, v14;
	v37 =	vadd.f32 v61, v37  }
0x15d: {  	v47 =	vor.u32 v6, v20;
	v32 =	vadd.f32 v45, v32;
	v48 =	vld.idx.msk [tilespmem:v62+s18+$0x0], $0xffff;
	v33 =	vadd.f32 v36, v33  }
0x15e: {  	v49 =	vor.u32 v6, v21;
	v37 =	vadd.f32 v63, v37  }
0x15f: {  	v51 =	vor.u32 v6, v16;
	[tilespmem:s3+$0x20] =	vst v32;
	v50 =	vadd.f32 v34, v33  }
0x160: {  	v15 =	vld.idx.msk [tilespmem:v15+s18+$0x0], $0xffff;
	v53 =	vor.u32 v6, v25;
	v52 =	vadd.f32 v46, v37  }
0x161: {  	v14 =	vld.idx.msk [tilespmem:v14+s18+$0x0], $0xffff;
	v54 =	vor.u32 v6, v30;
	[tilespmem:s24+$0x10] =	vst v50  }
0x162: {  	v55 =	vor.u32 v6, v17;
	v36 =	vld.idx.msk [tilespmem:v47+s18+$0x0], $0xffff;
	v34 =	vadd.f32 v48, v52  }
0x163: {  	v57 =	vor.u32 v6, v31;
	v56 =	vld.idx.msk [tilespmem:v49+s18+$0x0], $0xffff  }
0x164: {  	v58 =	vor.u32 v6, v18;
	v33 =	vld.idx.msk [tilespmem:v51+s18+$0x0], $0xffff;
	[tilespmem:s28+$0x10] =	vst v34  }
0x165: {  	v59 =	vor.u32 v6, v29;
	v34 =	vld.idx.msk [tilespmem:v53+s18+$0x0], $0xffff  }
0x166: {  	v60 =	vor.u32 v6, v22;
	v32 =	vld.idx.msk [tilespmem:v54+s18+$0x0], $0xffff  }
0x167: {  	v61 =	vor.u32 v6, v28;
	v37 =	vld.idx.msk [tilespmem:v55+s18+$0x0], $0xffff  }
0x168: {  	v62 =	vor.u32 v6, v23;
	v39 =	vld.idx.msk [tilespmem:v57+s18+$0x0], $0xffff  }
0x169: {  	v63 =	vld.idx.msk [tilespmem:v58+s18+$0x0], $0xffff;
	v48 =	vor.u32 v6, v27;
	v36 =	vadd.f32 v56, v36  }
0x16a: {  	v49 =	vor.u32 v6, v19;
	v35 =	vld.idx.msk [tilespmem:v59+s18+$0x0], $0xffff  }
0x16b: {  	v50 =	vld.idx.msk [tilespmem:v60+s18+$0x0], $0xffff;
	v51 =	vor.u32 v6, v26;
	v33 =	vadd.f32 v33, v36;
	v32 =	vadd.f32 v32, v34  }
0x16c: {  	v13 =	vor.u32 v7, v13;
	v52 =	vld.idx.msk [tilespmem:v61+s18+$0x0], $0xffff  }
0x16d: {  	v53 =	vld.idx.msk [tilespmem:v62+s18+$0x0], $0xffff;
	v54 =	vor.u32 v6, v24;
	v33 =	vadd.f32 v37, v33;
	v32 =	vadd.f32 v39, v32  }
0x16e: {  	v8 =	vor.u32 v7, v8;
	v55 =	vld.idx.msk [tilespmem:v48+s18+$0x0], $0xffff  }
0x16f: {  	v11 =	vor.u32 v7, v11;
	v56 =	vld.idx.msk [tilespmem:v49+s18+$0x0], $0xffff;
	v33 =	vadd.f32 v63, v33;
	v32 =	vadd.f32 v35, v32  }
0x170: {  	v9 =	vor.u32 v7, v9;
	v57 =	vld.idx.msk [tilespmem:v51+s18+$0x0], $0xffff  }
0x171: {  	v10 =	vor.u32 v7, v10;
	v13 =	vld.idx.msk [tilespmem:v13+s18+$0x0], $0xffff;
	v33 =	vadd.f32 v50, v33;
	v32 =	vadd.f32 v52, v32  }
0x172: {  	v12 =	vor.u32 v7, v12;
	v58 =	vld.idx.msk [tilespmem:v54+s18+$0x0], $0xffff  }
0x173: {  	v20 =	vor.u32 v7, v20;
	v8 =	vld.idx.msk [tilespmem:v8+s18+$0x0], $0xffff;
	v33 =	vadd.f32 v53, v33;
	v32 =	vadd.f32 v55, v32  }
0x174: {  	v21 =	vor.u32 v7, v21;
	v11 =	vld.idx.msk [tilespmem:v11+s18+$0x0], $0xffff  }
0x175: {  	v9 =	vld.idx.msk [tilespmem:v9+s18+$0x0], $0xffff;
	v25 =	vor.u32 v7, v25;
	v33 =	vadd.f32 v56, v33;
	v32 =	vadd.f32 v57, v32  }
0x176: {  	v10 =	vld.idx.msk [tilespmem:v10+s18+$0x0], $0xffff;
	v30 =	vor.u32 v7, v30  }
0x177: {  	v16 =	vor.u32 v7, v16;
	v12 =	vld.idx.msk [tilespmem:v12+s18+$0x0], $0xffff;
	[tilespmem:s24+$0x20] =	vst v33;
	v32 =	vadd.f32 v58, v32  }
0x178: {  	v31 =	vor.u32 v7, v31;
	v20 =	vld.idx.msk [tilespmem:v20+s18+$0x0], $0xffff  }
0x179: {  	v17 =	vor.u32 v7, v17;
	v21 =	vld.idx.msk [tilespmem:v21+s18+$0x0], $0xffff;
	[tilespmem:s28+$0x20] =	vst v32  }
0x17a: {  	v29 =	vor.u32 v7, v29;
	v25 =	vld.idx.msk [tilespmem:v25+s18+$0x0], $0xffff  }
0x17b: {  	v18 =	vor.u32 v7, v18;
	v30 =	vld.idx.msk [tilespmem:v30+s18+$0x0], $0xffff  }
0x17c: {  	v28 =	vor.u32 v7, v28;
	v16 =	vld.idx.msk [tilespmem:v16+s18+$0x0], $0xffff  }
0x17d: {  	v22 =	vor.u32 v7, v22;
	v31 =	vld.idx.msk [tilespmem:v31+s18+$0x0], $0xffff  }
0x17e: {  	v14 =	vadd.f32 v14, v15;
	v15 =	vld.idx.msk [tilespmem:v17+s18+$0x0], $0xffff;
	v17 =	vor.u32 v7, v27  }
0x17f: {  	v23 =	vor.u32 v7, v23;
	v20 =	vadd.f32 v21, v20;
	v21 =	vld.idx.msk [tilespmem:v29+s18+$0x0], $0xffff  }
0x180: {  	v13 =	vadd.f32 v13, v14;
	v14 =	vld.idx.msk [tilespmem:v18+s18+$0x0], $0xffff;
	v18 =	vor.u32 v7, v26;
	v25 =	vadd.f32 v30, v25  }
0x181: {  	v19 =	vor.u32 v7, v19;
	v16 =	vadd.f32 v16, v20;
	v20 =	vld.idx.msk [tilespmem:v28+s18+$0x0], $0xffff  }
0x182: {  	v8 =	vadd.f32 v8, v13;
	v13 =	vld.idx.msk [tilespmem:v22+s18+$0x0], $0xffff;
	v22 =	vor.u32 v7, v24;
	v24 =	vadd.f32 v31, v25  }
0x183: {  	v15 =	vadd.f32 v15, v16;
	v16 =	vld.idx.msk [tilespmem:v17+s18+$0x0], $0xffff  }
0x184: {  	v8 =	vadd.f32 v11, v8;
	v11 =	vld.idx.msk [tilespmem:v23+s18+$0x0], $0xffff;
	v17 =	vadd.f32 v21, v24  }
0x185: {  	v14 =	vadd.f32 v14, v15;
	v15 =	vld.idx.msk [tilespmem:v18+s18+$0x0], $0xffff  }
0x186: {  	v8 =	vadd.f32 v9, v8;
	v9 =	vld.idx.msk [tilespmem:v19+s18+$0x0], $0xffff;
	v17 =	vadd.f32 v20, v17  }
0x187: {  	v13 =	vadd.f32 v13, v14;
	v14 =	vld.idx.msk [tilespmem:v22+s18+$0x0], $0xffff  }
0x188: {  	v8 =	vadd.f32 v10, v8;
	v10 =	vadd.f32 v16, v17  }
0x189: {  	v11 =	vadd.f32 v11, v13  }
0x18a: {  	v8 =	vadd.f32 v12, v8;
	v10 =	vadd.f32 v15, v10  }
0x18b: {  	v9 =	vadd.f32 v9, v11  }
0x18c: {  	[tilespmem:s3+$0x30] =	vst v8;
	v8 =	vadd.f32 v14, v10  }
0x18d: {  	[tilespmem:s24+$0x30] =	vst v9  }
0x18e: {  	[tilespmem:s28+$0x30] =	vst v8  }
0x18f: {  	_ =	swait.ge [sflag:s22], $0x4000  }
0x190: {  	[sflag:s22] =	ssyncset.done $0x0  }
0x191: {  	[sflag:s22] =	ssyncadd.s32 $0xFFFFC000  }
0x192: {  	[hbm4b:s5+s19] =	stream.strided.scatter [tilespmem:s20], [sflag:$0x3], $0x4000, s23, s19, $0x38;
	[tilespmem:$0x1C400] =	vst v63  }
0x193: {  	s31 =	simm.s32 $0x4400;
	s3 =	simm.s32 $0x400  }
0x194: {  	v8 =	vmov s3;
	[hbm4b:s8+s19] =	stream.strided.scatter [tilespmem:s31], [sflag:$0x4], $0x4000, s23, s19, $0x38;
	[tilespmem:$0x1C400] =	vst v63  }
0x195: {  	v9 =	vor.u32 $0x1, v8;
	_ =	swait.ge [sflag:s25], $0x4000  }
0x196: {  	[sflag:s25] =	ssyncset.done $0x0  }
0x197: {  	v10 =	vor.u32 $0x2, v8;
	[sflag:s25] =	ssyncadd.s32 $0xFFFFC000  }
0x198: {  	[tilespmem:s20], [sflag:$0x1] =	stream.indirect.gather [hbm4b:s1+s19], $0x80, s23, s19, $0xb8;
	[tilespmem:$0x1C400] =	vst v63  }
0x199: {  	v12 =	vor.u32 $0x3, v8;
	v11 =	vld.idx.msk [tilespmem:v8+s17+$0x0], $0xffff  }
0x19a: {  	v9 =	vld.idx.msk [tilespmem:v9+s17+$0x0], $0xffff  }
0x19b: {  	v13 =	vor.u32 $0x4, v8  }
0x19c: {  	v10 =	vld.idx.msk [tilespmem:v10+s17+$0x0], $0xffff  }
0x19d: {  	v16 =	vor.u32 $0x5, v8  }
0x19e: {  	v17 =	vor.u32 $0x6, v8;
	v15 =	vshll.u32 v11, $0x7;
	v11 =	vld.idx.msk [tilespmem:v12+s17+$0x0], $0xffff  }
0x19f: {  	v14 =	vshll.u32 v9, $0x7;
	v12 =	vor.u32 v0, v15  }
0x1a0: {  	v9 =	vld.idx.msk [tilespmem:v13+s17+$0x0], $0xffff;
	v18 =	vor.u32 v0, v14  }
0x1a1: {  	v19 =	vor.u32 $0x7, v8;
	v13 =	vshll.u32 v10, $0x7  }
0x1a2: {  	v10 =	vld.idx.msk [tilespmem:v16+s17+$0x0], $0xffff;
	v16 =	vor.u32 v0, v13  }
0x1a3: {  	v17 =	vld.idx.msk [tilespmem:v17+s17+$0x0], $0xffff;
	v8 =	vshll.u32 v11, $0x7  }
0x1a4: {  	v12 =	vld.idx.msk [tilespmem:v12+s18+$0x0], $0xffff;
	v20 =	vor.u32 v0, v8  }
0x1a5: {  	v11 =	vshll.u32 v9, $0x7;
	v18 =	vld.idx.msk [tilespmem:v18+s18+$0x0], $0xffff  }
0x1a6: {  	v19 =	vld.idx.msk [tilespmem:v19+s17+$0x0], $0xffff;
	v21 =	vor.u32 v0, v11  }
0x1a7: {  	v9 =	vshll.u32 v10, $0x7;
	v16 =	vld.idx.msk [tilespmem:v16+s18+$0x0], $0xffff  }
0x1a8: {  	v22 =	vor.u32 v0, v9  }
0x1a9: {  	v10 =	vshll.u32 v17, $0x7;
	v17 =	vld.idx.msk [tilespmem:v20+s18+$0x0], $0xffff  }
0x1aa: {  	v20 =	vor.u32 v0, v10;
	v18 =	vadd.f32 v18, v12  }
0x1ab: {  	v12 =	vshll.u32 v19, $0x7;
	v19 =	vld.idx.msk [tilespmem:v21+s18+$0x0], $0xffff  }
0x1ac: {  	v21 =	vor.u32 v0, v12;
	v16 =	vadd.f32 v16, v18  }
0x1ad: {  	v18 =	vld.idx.msk [tilespmem:v22+s18+$0x0], $0xffff  }
0x1ae: {  	v16 =	vadd.f32 v17, v16  }
0x1af: {  	v17 =	vld.idx.msk [tilespmem:v20+s18+$0x0], $0xffff  }
0x1b0: {  	v16 =	vadd.f32 v19, v16  }
0x1b1: {  	v19 =	vld.idx.msk [tilespmem:v21+s18+$0x0], $0xffff  }
0x1b2: {  	v16 =	vadd.f32 v18, v16;
	_ =	sdelay $0x1  }
0x1b3: {  	v16 =	vadd.f32 v17, v16;
	v17 =	vor.u32 v1, v15  }
0x1b4: {  	v18 =	vor.u32 v1, v14  }
0x1b5: {  	v16 =	vadd.f32 v19, v16  }
0x1b6: {  	s3 =	simm.s32 $0x0;
	v19 =	vor.u32 v1, v13  }
0x1b7: {  	[tilespmem:s3+$0x8400] =	vst v16  }
0x1b8: {  	v16 =	vor.u32 v1, v8;
	v17 =	vld.idx.msk [tilespmem:v17+s18+$0x0], $0xffff  }
0x1b9: {  	v18 =	vld.idx.msk [tilespmem:v18+s18+$0x0], $0xffff  }
0x1ba: {  	v20 =	vor.u32 v1, v11  }
0x1bb: {  	v19 =	vld.idx.msk [tilespmem:v19+s18+$0x0], $0xffff  }
0x1bc: {  	v21 =	vor.u32 v1, v9  }
0x1bd: {  	v16 =	vld.idx.msk [tilespmem:v16+s18+$0x0], $0xffff  }
0x1be: {  	v22 =	vor.u32 v1, v10;
	v17 =	vadd.f32 v18, v17  }
0x1bf: {  	v18 =	vld.idx.msk [tilespmem:v20+s18+$0x0], $0xffff  }
0x1c0: {  	v20 =	vor.u32 v1, v12;
	v17 =	vadd.f32 v19, v17  }
0x1c1: {  	v19 =	vld.idx.msk [tilespmem:v21+s18+$0x0], $0xffff  }
0x1c2: {  	v16 =	vadd.f32 v16, v17  }
0x1c3: {  	v17 =	vld.idx.msk [tilespmem:v22+s18+$0x0], $0xffff  }
0x1c4: {  	v16 =	vadd.f32 v18, v16  }
0x1c5: {  	v18 =	vld.idx.msk [tilespmem:v20+s18+$0x0], $0xffff  }
0x1c6: {  	v16 =	vadd.f32 v19, v16;
	_ =	sdelay $0x1  }
0x1c7: {  	v16 =	vadd.f32 v17, v16;
	v17 =	vor.u32 v2, v15  }
0x1c8: {  	v19 =	vor.u32 v2, v14  }
0x1c9: {  	s31 =	simm.s32 $0x408;
	v16 =	vadd.f32 v18, v16  }
0x1ca: {  	v20 =	vmov s31;
	v18 =	vor.u32 v2, v13  }
0x1cb: {  	v21 =	vor.u32 $0x2, v20;
	[tilespmem:s3+$0x8410] =	vst v16  }
0x1cc: {  	v16 =	vld.idx.msk [tilespmem:v17+s18+$0x0], $0xffff;
	v17 =	vor.u32 v2, v8  }
0x1cd: {  	v23 =	vor.u32 $0x1, v20;
	v19 =	vld.idx.msk [tilespmem:v19+s18+$0x0], $0xffff  }
0x1ce: {  	v22 =	vor.u32 v2, v11  }
0x1cf: {  	v18 =	vld.idx.msk [tilespmem:v18+s18+$0x0], $0xffff  }
0x1d0: {  	v25 =	vor.u32 v2, v9;
	v26 =	vld.idx.msk [tilespmem:v21+s17+$0x0], $0xffff  }
0x1d1: {  	v17 =	vld.idx.msk [tilespmem:v17+s18+$0x0], $0xffff  }
0x1d2: {  	v21 =	vor.u32 v2, v10;
	v23 =	vld.idx.msk [tilespmem:v23+s17+$0x0], $0xffff;
	v16 =	vadd.f32 v19, v16  }
0x1d3: {  	v22 =	vld.idx.msk [tilespmem:v22+s18+$0x0], $0xffff;
	v19 =	vor.u32 $0x3, v20  }
0x1d4: {  	v27 =	vor.u32 v2, v12;
	v24 =	vld.idx.msk [tilespmem:v20+s17+$0x0], $0xffff;
	v16 =	vadd.f32 v18, v16  }
0x1d5: {  	v25 =	vld.idx.msk [tilespmem:v25+s18+$0x0], $0xffff;
	v18 =	vor.u32 $0x4, v20  }
0x1d6: {  	v28 =	vor.u32 $0x7, v20;
	v16 =	vadd.f32 v17, v16  }
0x1d7: {  	v29 =	vld.idx.msk [tilespmem:v21+s18+$0x0], $0xffff;
	v17 =	vor.u32 $0x5, v20  }
0x1d8: {  	v30 =	vor.u32 $0x6, v20;
	v21 =	vshll.u32 v23, $0x7;
	v19 =	vld.idx.msk [tilespmem:v19+s17+$0x0], $0xffff;
	v22 =	vadd.f32 v22, v16  }
0x1d9: {  	v23 =	vld.idx.msk [tilespmem:v27+s18+$0x0], $0xffff;
	v27 =	vor.u32 v0, v21;
	v20 =	vshll.u32 v24, $0x7  }
0x1da: {  	v24 =	vor.u32 v0, v20;
	v18 =	vld.idx.msk [tilespmem:v18+s17+$0x0], $0xffff;
	v16 =	vshll.u32 v26, $0x7;
	v22 =	vadd.f32 v25, v22  }
0x1db: {  	v26 =	vor.u32 v0, v16;
	v25 =	vld.idx.msk [tilespmem:v28+s17+$0x0], $0xffff  }
0x1dc: {  	v28 =	vld.idx.msk [tilespmem:v17+s17+$0x0], $0xffff;
	v22 =	vadd.f32 v29, v22;
	v29 =	vor.u32 v3, v15  }
0x1dd: {  	v30 =	vld.idx.msk [tilespmem:v30+s17+$0x0], $0xffff;
	v17 =	vshll.u32 v19, $0x7;
	v19 =	vor.u32 v3, v14  }
0x1de: {  	v27 =	vld.idx.msk [tilespmem:v27+s18+$0x0], $0xffff;
	v31 =	vor.u32 v0, v17;
	v22 =	vadd.f32 v23, v22  }
0x1df: {  	v59 =	vor.u32 v3, v13;
	v24 =	vld.idx.msk [tilespmem:v24+s18+$0x0], $0xffff;
	v18 =	vshll.u32 v18, $0x7  }
0x1e0: {  	v60 =	vor.u32 v0, v18;
	v26 =	vld.idx.msk [tilespmem:v26+s18+$0x0], $0xffff;
	[tilespmem:s3+$0x8420] =	vst v22  }
0x1e1: {  	v22 =	vshll.u32 v28, $0x7;
	v28 =	vld.idx.msk [tilespmem:v29+s18+$0x0], $0xffff;
	v29 =	vor.u32 v3, v8  }
0x1e2: {  	v61 =	vor.u32 v0, v22;
	v62 =	vld.idx.msk [tilespmem:v19+s18+$0x0], $0xffff  }
0x1e3: {  	v23 =	vshll.u32 v30, $0x7;
	v30 =	vld.idx.msk [tilespmem:v31+s18+$0x0], $0xffff;
	v31 =	vor.u32 v3, v11  }
0x1e4: {  	v63 =	vor.u32 v0, v23;
	v24 =	vadd.f32 v27, v24;
	v27 =	vld.idx.msk [tilespmem:v59+s18+$0x0], $0xffff  }
0x1e5: {  	v39 =	vor.u32 v3, v9;
	v19 =	vshll.u32 v25, $0x7;
	v25 =	vld.idx.msk [tilespmem:v60+s18+$0x0], $0xffff  }
0x1e6: {  	v40 =	vor.u32 v0, v19;
	v24 =	vadd.f32 v26, v24;
	v26 =	vld.idx.msk [tilespmem:v29+s18+$0x0], $0xffff  }
0x1e7: {  	v41 =	vor.u32 v3, v10;
	v29 =	vld.idx.msk [tilespmem:v61+s18+$0x0], $0xffff;
	v28 =	vadd.f32 v62, v28  }
0x1e8: {  	v24 =	vadd.f32 v30, v24;
	v30 =	vld.idx.msk [tilespmem:v31+s18+$0x0], $0xffff  }
0x1e9: {  	v42 =	vor.u32 v3, v12;
	v31 =	vld.idx.msk [tilespmem:v63+s18+$0x0], $0xffff;
	v27 =	vadd.f32 v27, v28  }
0x1ea: {  	s28 =	simm.s32 $0x410;
	v24 =	vadd.f32 v25, v24;
	v25 =	vld.idx.msk [tilespmem:v39+s18+$0x0], $0xffff  }
0x1eb: {  	v28 =	vld.idx.msk [tilespmem:v40+s18+$0x0], $0xffff;
	v26 =	vadd.f32 v26, v27;
	v27 =	vmov s28  }
0x1ec: {  	v24 =	vadd.f32 v29, v24;
	v29 =	vld.idx.msk [tilespmem:v41+s18+$0x0], $0xffff;
	v43 =	vor.u32 $0x7, v27  }
0x1ed: {  	v54 =	vor.u32 $0x6, v27;
	v26 =	vadd.f32 v30, v26  }
0x1ee: {  	v45 =	vor.u32 v1, v16;
	v24 =	vadd.f32 v31, v24;
	v31 =	vld.idx.msk [tilespmem:v42+s18+$0x0], $0xffff  }
0x1ef: {  	v44 =	vor.u32 v1, v20;
	v25 =	vadd.f32 v25, v26  }
0x1f0: {  	v24 =	vadd.f32 v28, v24;
	v26 =	vor.u32 v1, v21;
	v28 =	vld.idx.msk [tilespmem:v27+s17+$0x0], $0xffff  }
0x1f1: {  	s24 =	simm.s32 $0x80;
	v25 =	vadd.f32 v29, v25;
	v29 =	vor.u32 v4, v15;
	v32 =	vld.idx.msk [tilespmem:v43+s17+$0x0], $0xffff  }
0x1f2: {  	[tilespmem:s24+$0x8400] =	vst v24;
	v24 =	vor.u32 v4, v14;
	v60 =	vld.idx.msk [tilespmem:v54+s17+$0x0], $0xffff  }
0x1f3: {  	v47 =	vor.u32 v1, v17;
	v34 =	vld.idx.msk [tilespmem:v45+s18+$0x0], $0xffff;
	v25 =	vadd.f32 v31, v25  }
0x1f4: {  	v46 =	vor.u32 v4, v13;
	v31 =	vld.idx.msk [tilespmem:v44+s18+$0x0], $0xffff  }
0x1f5: {  	v30 =	vor.u32 v1, v18;
	v26 =	vld.idx.msk [tilespmem:v26+s18+$0x0], $0xffff;
	[tilespmem:s3+$0x8430] =	vst v25  }
0x1f6: {  	v25 =	vld.idx.msk [tilespmem:v29+s18+$0x0], $0xffff;
	v29 =	vor.u32 v4, v8  }
0x1f7: {  	v51 =	vor.u32 v1, v23;
	v24 =	vld.idx.msk [tilespmem:v24+s18+$0x0], $0xffff  }
0x1f8: {  	v49 =	vor.u32 v1, v22;
	v35 =	vld.idx.msk [tilespmem:v47+s18+$0x0], $0xffff  }
0x1f9: {  	v48 =	vor.u32 v4, v11;
	v33 =	vld.idx.msk [tilespmem:v46+s18+$0x0], $0xffff  }
0x1fa: {  	v50 =	vor.u32 v4, v9;
	v30 =	vld.idx.msk [tilespmem:v30+s18+$0x0], $0xffff;
	v26 =	vadd.f32 v26, v31  }
0x1fb: {  	v31 =	vor.u32 v4, v10;
	v29 =	vld.idx.msk [tilespmem:v29+s18+$0x0], $0xffff  }
0x1fc: {  	v52 =	vor.u32 v1, v19;
	v57 =	vld.idx.msk [tilespmem:v51+s18+$0x0], $0xffff;
	v24 =	vadd.f32 v24, v25;
	v25 =	vadd.f32 v34, v26  }
0x1fd: {  	v53 =	vor.u32 v4, v12;
	v26 =	vld.idx.msk [tilespmem:v49+s18+$0x0], $0xffff  }
0x1fe: {  	v58 =	vor.u32 $0x4, v27;
	v36 =	vld.idx.msk [tilespmem:v48+s18+$0x0], $0xffff;
	v24 =	vadd.f32 v33, v24;
	v25 =	vadd.f32 v35, v25  }
0x1ff: {  	v56 =	vor.u32 $0x5, v27;
	v55 =	vld.idx.msk [tilespmem:v50+s18+$0x0], $0xffff  }
0x200: {  	v30 =	vadd.f32 v30, v25;
	v24 =	vadd.f32 v29, v24;
	v29 =	vld.idx.msk [tilespmem:v31+s18+$0x0], $0xffff;
	v31 =	vor.u32 $0x3, v27  }
0x201: {  	v59 =	vor.u32 $0x2, v27;
	v40 =	vld.idx.msk [tilespmem:v52+s18+$0x0], $0xffff;
	v27 =	vor.u32 $0x1, v27  }
0x202: {  	v34 =	vld.idx.msk [tilespmem:v53+s18+$0x0], $0xffff;
	v25 =	vshll.u32 v28, $0x7;
	v26 =	vadd.f32 v26, v30  }
0x203: {  	v33 =	vld.idx.msk [tilespmem:v58+s17+$0x0], $0xffff;
	v30 =	vor.u32 v0, v25;
	v24 =	vadd.f32 v36, v24  }
0x204: {  	v61 =	vor.u32 v2, v20;
	v28 =	vld.idx.msk [tilespmem:v56+s17+$0x0], $0xffff;
	v26 =	vadd.f32 v57, v26  }
0x205: {  	v48 =	vor.u32 v2, v16;
	v24 =	vadd.f32 v55, v24;
	v37 =	vld.idx.msk [tilespmem:v31+s17+$0x0], $0xffff  }
0x206: {  	v26 =	vadd.f32 v40, v26;
	v63 =	vld.idx.msk [tilespmem:v27+s17+$0x0], $0xffff;
	v27 =	vor.u32 v2, v21  }
0x207: {  	v31 =	vld.idx.msk [tilespmem:v59+s17+$0x0], $0xffff;
	v24 =	vadd.f32 v29, v24;
	v29 =	vor.u32 v5, v15  }
0x208: {  	v62 =	vor.u32 v5, v14;
	v46 =	vld.idx.msk [tilespmem:v30+s18+$0x0], $0xffff;
	[tilespmem:s24+$0x8410] =	vst v26  }
0x209: {  	v49 =	vor.u32 v2, v17;
	v24 =	vadd.f32 v34, v24;
	v30 =	vld.idx.msk [tilespmem:v61+s18+$0x0], $0xffff  }
0x20a: {  	v26 =	vor.u32 v5, v13;
	v34 =	vld.idx.msk [tilespmem:v48+s18+$0x0], $0xffff  }
0x20b: {  	v53 =	vor.u32 v2, v22;
	[tilespmem:s3+$0x8440] =	vst v24;
	v27 =	vld.idx.msk [tilespmem:v27+s18+$0x0], $0xffff  }
0x20c: {  	v24 =	vld.idx.msk [tilespmem:v29+s18+$0x0], $0xffff;
	v29 =	vor.u32 v5, v8  }
0x20d: {  	v51 =	vor.u32 v2, v18;
	v38 =	vld.idx.msk [tilespmem:v62+s18+$0x0], $0xffff  }
0x20e: {  	v50 =	vor.u32 v5, v11;
	v35 =	vld.idx.msk [tilespmem:v49+s18+$0x0], $0xffff  }
0x20f: {  	v54 =	vor.u32 v5, v10;
	v26 =	vld.idx.msk [tilespmem:v26+s18+$0x0], $0xffff  }
0x210: {  	v52 =	vor.u32 v5, v9;
	v58 =	vld.idx.msk [tilespmem:v53+s18+$0x0], $0xffff  }
0x211: {  	v56 =	vor.u32 v5, v12;
	v55 =	vor.u32 v2, v23;
	v30 =	vadd.f32 v27, v30;
	v29 =	vld.idx.msk [tilespmem:v29+s18+$0x0], $0xffff  }
0x212: {  	v59 =	vor.u32 v2, v19;
	v38 =	vadd.f32 v38, v24;
	v24 =	vshll.u32 v32, $0x7;
	v32 =	vld.idx.msk [tilespmem:v51+s18+$0x0], $0xffff  }
0x213: {  	v40 =	vld.idx.msk [tilespmem:v50+s18+$0x0], $0xffff;
	v27 =	vshll.u32 v28, $0x7;
	v28 =	vshll.u32 v33, $0x7;
	v34 =	vadd.f32 v34, v30  }
0x214: {  	v61 =	vld.idx.msk [tilespmem:v54+s18+$0x0], $0xffff;
	v54 =	vor.u32 v0, v28;
	v38 =	vadd.f32 v26, v38  }
0x215: {  	v42 =	vld.idx.msk [tilespmem:v52+s18+$0x0], $0xffff;
	v62 =	vor.u32 v0, v27;
	v57 =	vor.u32 v0, v24;
	v34 =	vadd.f32 v35, v34  }
0x216: {  	v30 =	vshll.u32 v63, $0x7;
	v63 =	vld.idx.msk [tilespmem:v55+s18+$0x0], $0xffff;
	v26 =	vshll.u32 v60, $0x7;
	v29 =	vadd.f32 v29, v38  }
0x217: {  	v41 =	vld.idx.msk [tilespmem:v56+s18+$0x0], $0xffff;
	v60 =	vor.u32 v0, v26;
	v32 =	vadd.f32 v32, v34  }
0x218: {  	v31 =	vshll.u32 v31, $0x7;
	v56 =	vld.idx.msk [tilespmem:v59+s18+$0x0], $0xffff;
	v52 =	vor.u32 v0, v30;
	v53 =	vadd.f32 v40, v29  }
0x219: {  	v55 =	vor.u32 v0, v31;
	v43 =	vld.idx.msk [tilespmem:v54+s18+$0x0], $0xffff;
	v29 =	vshll.u32 v37, $0x7;
	v32 =	vadd.f32 v58, v32  }
0x21a: {  	v37 =	vld.idx.msk [tilespmem:v57+s18+$0x0], $0xffff;
	v57 =	vor.u32 v0, v29;
	v35 =	vadd.f32 v42, v53  }
0x21b: {  	v40 =	vld.idx.msk [tilespmem:v62+s18+$0x0], $0xffff;
	v62 =	vor.u32 v3, v20;
	v32 =	vadd.f32 v63, v32  }
0x21c: {  	v59 =	vor.u32 v6, v15;
	v39 =	vld.idx.msk [tilespmem:v60+s18+$0x0], $0xffff;
	v58 =	vadd.f32 v61, v35  }
0x21d: {  	v60 =	vld.idx.msk [tilespmem:v52+s18+$0x0], $0xffff;
	v61 =	vor.u32 v6, v14;
	v63 =	vadd.f32 v56, v32  }
0x21e: {  	v36 =	vor.u32 v6, v13;
	v45 =	vld.idx.msk [tilespmem:v55+s18+$0x0], $0xffff;
	v33 =	vadd.f32 v41, v58  }
0x21f: {  	v44 =	vld.idx.msk [tilespmem:v57+s18+$0x0], $0xffff;
	v41 =	vor.u32 v3, v21;
	[tilespmem:s24+$0x8420] =	vst v63  }
0x220: {  	v34 =	vor.u32 v6, v8;
	v38 =	vld.idx.msk [tilespmem:v62+s18+$0x0], $0xffff;
	[tilespmem:s3+$0x8450] =	vst v33  }
0x221: {  	v42 =	vor.u32 v3, v16;
	v32 =	vld.idx.msk [tilespmem:v59+s18+$0x0], $0xffff  }
0x222: {  	s29 =	simm.s32 $0x400;
	s30 =	simm.s32 $0x600;
	v35 =	vor.u32 v6, v11;
	v46 =	vadd.f32 v60, v46;
	v33 =	vld.idx.msk [tilespmem:v61+s18+$0x0], $0xffff  }
.LBB2_4:
0x223: {  	p0 =	sne.s32 s30, $0xFE00;
	v47 =	vor.u32 v3, v17;
	v36 =	vld.idx.msk [tilespmem:v36+s18+$0x0], $0xffff  }
0x224: {  	v45 =	vadd.f32 v45, v46;
	v41 =	vld.idx.msk [tilespmem:v41+s18+$0x0], $0xffff;
	v46 =	vor.u32 v6, v9  }
0x225: {  	v48 =	vor.u32 v3, v18;
	v34 =	vld.idx.msk [tilespmem:v34+s18+$0x0], $0xffff  }
0x226: {  	v44 =	vadd.f32 v44, v45;
	v42 =	vld.idx.msk [tilespmem:v42+s18+$0x0], $0xffff;
	v45 =	vor.u32 v6, v10  }
0x227: {  	v49 =	vor.u32 v3, v22;
	v32 =	vadd.f32 v33, v32;
	v35 =	vld.idx.msk [tilespmem:v35+s18+$0x0], $0xffff  }
0x228: {  	s28 =	sadd.s32 $0x8, s28;
	v43 =	vadd.f32 v43, v44;
	v44 =	vld.idx.msk [tilespmem:v47+s18+$0x0], $0xffff;
	v47 =	vor.u32 v6, v12  }
0x229: {  	v33 =	vmov s28;
	v32 =	vadd.f32 v36, v32;
	v36 =	vld.idx.msk [tilespmem:v46+s18+$0x0], $0xffff  }
0x22a: {  	v46 =	vor.u32 v3, v23;
	v40 =	vadd.f32 v40, v43;
	v43 =	vld.idx.msk [tilespmem:v48+s18+$0x0], $0xffff  }
0x22b: {  	v38 =	vadd.f32 v41, v38;
	v48 =	vor.u32 $0x7, v33;
	v32 =	vadd.f32 v34, v32;
	v41 =	vld.idx.msk [tilespmem:v45+s18+$0x0], $0xffff  }
0x22c: {  	v45 =	vor.u32 v3, v19;
	v39 =	vadd.f32 v39, v40;
	v40 =	vld.idx.msk [tilespmem:v49+s18+$0x0], $0xffff  }
0x22d: {  	v38 =	vadd.f32 v42, v38;
	v49 =	vor.u32 v1, v28;
	v32 =	vadd.f32 v35, v32;
	v35 =	vld.idx.msk [tilespmem:v47+s18+$0x0], $0xffff  }
0x22e: {  	v34 =	vld.idx.msk [tilespmem:v33+s17+$0x0], $0xffff;
	v37 =	vadd.f32 v37, v39;
	v39 =	vor.u32 v1, v29  }
0x22f: {  	v42 =	vor.u32 v1, v31;
	v38 =	vadd.f32 v44, v38;
	v36 =	vadd.f32 v36, v32;
	v44 =	vld.idx.msk [tilespmem:v46+s18+$0x0], $0xffff  }
0x230: {  	s31 =	sshra.s32 s29, $0x2;
	s29 =	smov.u32 s30;
	v47 =	vor.u32 v7, v15;
	v15 =	vmovc v20;
	v20 =	vmov v25;
	v46 =	vor.u32 v1, v25;
	v32 =	vld.idx.msk [tilespmem:v48+s17+$0x0], $0xffff  }
0x231: {  	v25 =	vadd.f32 v43, v38;
	v36 =	vadd.f32 v41, v36;
	[tilespmem:s31+$0x8400] =	vst v37;
	v37 =	vld.idx.msk [tilespmem:v45+s18+$0x0], $0xffff  }
0x232: {  	v41 =	vor.u32 v7, v14;
	v14 =	vmov v21;
	v21 =	vmov v30;
	v38 =	vld.idx.msk [tilespmem:v49+s18+$0x0], $0xffff  }
0x233: {  	v30 =	vor.u32 v1, v21;
	v25 =	vadd.f32 v40, v25;
	v35 =	vadd.f32 v35, v36;
	v39 =	vld.idx.msk [tilespmem:v39+s18+$0x0], $0xffff  }
0x234: {  	v40 =	vor.u32 v7, v13;
	v13 =	vmov v16;
	v16 =	vmov v31;
	v36 =	vld.idx.msk [tilespmem:v42+s18+$0x0], $0xffff  }
0x235: {  	v25 =	vadd.f32 v44, v25;
	v42 =	vor.u32 v4, v15;
	v31 =	vld.idx.msk [tilespmem:v46+s18+$0x0], $0xffff;
	[tilespmem:s3+$0x8460] =	vst v35  }
0x236: {  	v43 =	vor.u32 v7, v8;
	v8 =	vmov v17;
	v17 =	vmov v29;
	v35 =	vld.idx.msk [tilespmem:v47+s18+$0x0], $0xffff  }
0x237: {  	v29 =	vor.u32 v4, v14;
	v25 =	vadd.f32 v37, v25;
	v37 =	vld.idx.msk [tilespmem:v41+s18+$0x0], $0xffff  }
0x238: {  	v41 =	vor.u32 v7, v11;
	v11 =	vmov v18;
	v18 =	vmov v28;
	v30 =	vld.idx.msk [tilespmem:v30+s18+$0x0], $0xffff  }
0x239: {  	[tilespmem:s24+$0x8430] =	vst v25;
	v25 =	vor.u32 v4, v13;
	v28 =	vld.idx.msk [tilespmem:v40+s18+$0x0], $0xffff  }
0x23a: {  	v40 =	vld.idx.msk [tilespmem:v42+s18+$0x0], $0xffff;
	v42 =	vor.u32 v7, v9;
	v9 =	vmov v22;
	v22 =	vmov v27  }
0x23b: {  	v27 =	vor.u32 v4, v8;
	v43 =	vld.idx.msk [tilespmem:v43+s18+$0x0], $0xffff  }
0x23c: {  	v44 =	vor.u32 v7, v10;
	v10 =	vmov v23;
	v23 =	vmov v26;
	v29 =	vld.idx.msk [tilespmem:v29+s18+$0x0], $0xffff  }
0x23d: {  	v26 =	vor.u32 v4, v11;
	v35 =	vadd.f32 v37, v35;
	v37 =	vld.idx.msk [tilespmem:v41+s18+$0x0], $0xffff  }
0x23e: {  	v41 =	vor.u32 v7, v12;
	v12 =	vmov v19;
	v19 =	vmov v24;
	v25 =	vld.idx.msk [tilespmem:v25+s18+$0x0], $0xffff  }
0x23f: {  	v24 =	vor.u32 v1, v22;
	v28 =	vadd.f32 v28, v35;
	v35 =	vld.idx.msk [tilespmem:v42+s18+$0x0], $0xffff  }
0x240: {  	v42 =	vor.u32 v4, v9;
	v27 =	vld.idx.msk [tilespmem:v27+s18+$0x0], $0xffff  }
0x241: {  	v45 =	vor.u32 v1, v23;
	v28 =	vadd.f32 v43, v28;
	v43 =	vld.idx.msk [tilespmem:v44+s18+$0x0], $0xffff  }
0x242: {  	v30 =	vadd.f32 v30, v31;
	v31 =	vor.u32 v4, v10;
	v26 =	vld.idx.msk [tilespmem:v26+s18+$0x0], $0xffff  }
0x243: {  	v44 =	vor.u32 v1, v19;
	v29 =	vadd.f32 v29, v40;
	v28 =	vadd.f32 v37, v28;
	v37 =	vld.idx.msk [tilespmem:v41+s18+$0x0], $0xffff  }
0x244: {  	v30 =	vadd.f32 v36, v30;
	v36 =	vor.u32 v4, v12;
	v24 =	vld.idx.msk [tilespmem:v24+s18+$0x0], $0xffff  }
0x245: {  	v40 =	vor.u32 $0x6, v33;
	v25 =	vadd.f32 v25, v29;
	v28 =	vadd.f32 v35, v28;
	v29 =	vld.idx.msk [tilespmem:v42+s18+$0x0], $0xffff  }
0x246: {  	v30 =	vadd.f32 v39, v30;
	v35 =	vor.u32 $0x5, v33;
	v39 =	vld.idx.msk [tilespmem:v45+s18+$0x0], $0xffff  }
0x247: {  	v41 =	vor.u32 $0x4, v33;
	v25 =	vadd.f32 v27, v25;
	v28 =	vadd.f32 v43, v28;
	v27 =	vld.idx.msk [tilespmem:v31+s18+$0x0], $0xffff  }
0x248: {  	v30 =	vadd.f32 v38, v30;
	v31 =	vor.u32 $0x3, v33;
	v38 =	vld.idx.msk [tilespmem:v44+s18+$0x0], $0xffff  }
0x249: {  	v42 =	vor.u32 $0x2, v33;
	v26 =	vadd.f32 v26, v25;
	v28 =	vadd.f32 v37, v28;
	v36 =	vld.idx.msk [tilespmem:v36+s18+$0x0], $0xffff  }
0x24a: {  	v33 =	vor.u32 $0x1, v33;
	v25 =	vshll.u32 v34, $0x7;
	v24 =	vadd.f32 v24, v30;
	v37 =	vld.idx.msk [tilespmem:v40+s17+$0x0], $0xffff  }
0x24b: {  	v34 =	vor.u32 v0, v25;
	v26 =	vadd.f32 v29, v26;
	v30 =	vld.idx.msk [tilespmem:v35+s17+$0x0], $0xffff;
	[tilespmem:s3+$0x8470] =	vst v28;
	s3 =	smov.u32 s24;
	s24 =	smov.u32 s31  }
0x24c: {  	v29 =	vor.u32 v2, v20;
	v24 =	vadd.f32 v39, v24;
	v28 =	vld.idx.msk [tilespmem:v41+s17+$0x0], $0xffff  }
0x24d: {  	v26 =	vadd.f32 v27, v26;
	v27 =	vor.u32 v5, v15;
	v35 =	vld.idx.msk [tilespmem:v31+s17+$0x0], $0xffff  }
0x24e: {  	v24 =	vadd.f32 v38, v24;
	v38 =	vor.u32 v5, v14;
	v31 =	vld.idx.msk [tilespmem:v42+s17+$0x0], $0xffff  }
0x24f: {  	v39 =	vor.u32 v2, v21;
	v26 =	vadd.f32 v36, v26;
	v33 =	vld.idx.msk [tilespmem:v33+s17+$0x0], $0xffff  }
0x250: {  	v46 =	vld.idx.msk [tilespmem:v34+s18+$0x0], $0xffff;
	[tilespmem:s24+$0x8410] =	vst v24;
	v24 =	vor.u32 v5, v13  }
0x251: {  	v34 =	vor.u32 v2, v16;
	v29 =	vld.idx.msk [tilespmem:v29+s18+$0x0], $0xffff;
	[tilespmem:s3+$0x8440] =	vst v26  }
0x252: {  	v26 =	vld.idx.msk [tilespmem:v27+s18+$0x0], $0xffff;
	v27 =	vor.u32 v5, v8  }
0x253: {  	v36 =	vor.u32 v2, v17;
	v38 =	vld.idx.msk [tilespmem:v38+s18+$0x0], $0xffff  }
0x254: {  	v40 =	vor.u32 v5, v11;
	v39 =	vld.idx.msk [tilespmem:v39+s18+$0x0], $0xffff  }
0x255: {  	v41 =	vor.u32 v2, v18;
	v42 =	vld.idx.msk [tilespmem:v24+s18+$0x0], $0xffff  }
0x256: {  	v43 =	vor.u32 v5, v9;
	v34 =	vld.idx.msk [tilespmem:v34+s18+$0x0], $0xffff  }
0x257: {  	v44 =	vor.u32 v2, v22;
	v45 =	vld.idx.msk [tilespmem:v27+s18+$0x0], $0xffff  }
0x258: {  	v47 =	vor.u32 v5, v10;
	v36 =	vld.idx.msk [tilespmem:v36+s18+$0x0], $0xffff  }
0x259: {  	v48 =	vor.u32 v2, v23;
	v26 =	vadd.f32 v38, v26;
	v38 =	vld.idx.msk [tilespmem:v40+s18+$0x0], $0xffff  }
0x25a: {  	v24 =	vshll.u32 v32, $0x7;
	v40 =	vor.u32 v5, v12;
	v32 =	vld.idx.msk [tilespmem:v41+s18+$0x0], $0xffff  }
0x25b: {  	v29 =	vadd.f32 v39, v29;
	v41 =	vor.u32 v0, v24;
	v39 =	vadd.f32 v42, v26;
	v42 =	vld.idx.msk [tilespmem:v43+s18+$0x0], $0xffff  }
0x25c: {  	v27 =	vshll.u32 v30, $0x7;
	v26 =	vshll.u32 v37, $0x7;
	v43 =	vld.idx.msk [tilespmem:v44+s18+$0x0], $0xffff;
	v44 =	vor.u32 v2, v19  }
0x25d: {  	v49 =	vor.u32 v0, v26;
	v29 =	vadd.f32 v34, v29;
	v34 =	vadd.f32 v45, v39;
	v45 =	vld.idx.msk [tilespmem:v47+s18+$0x0], $0xffff  }
0x25e: {  	v28 =	vshll.u32 v28, $0x7;
	v30 =	vshll.u32 v33, $0x7;
	v33 =	vor.u32 v0, v27;
	v47 =	vld.idx.msk [tilespmem:v48+s18+$0x0], $0xffff  }
0x25f: {  	v36 =	vadd.f32 v36, v29;
	v48 =	vor.u32 v0, v30;
	v34 =	vadd.f32 v38, v34;
	v38 =	vld.idx.msk [tilespmem:v40+s18+$0x0], $0xffff  }
0x260: {  	v31 =	vshll.u32 v31, $0x7;
	v29 =	vshll.u32 v35, $0x7;
	v35 =	vor.u32 v0, v28;
	v37 =	vld.idx.msk [tilespmem:v41+s18+$0x0], $0xffff  }
0x261: {  	v32 =	vadd.f32 v32, v36;
	v41 =	vor.u32 v0, v31;
	v34 =	vadd.f32 v42, v34;
	v50 =	vld.idx.msk [tilespmem:v44+s18+$0x0], $0xffff  }
0x262: {  	v42 =	vor.u32 v0, v29;
	v39 =	vld.idx.msk [tilespmem:v49+s18+$0x0], $0xffff  }
0x263: {  	v32 =	vadd.f32 v43, v32;
	v40 =	vld.idx.msk [tilespmem:v33+s18+$0x0], $0xffff;
	v33 =	vadd.f32 v45, v34;
	v34 =	vor.u32 v6, v15  }
0x264: {  	v49 =	vor.u32 v6, v14;
	v48 =	vld.idx.msk [tilespmem:v48+s18+$0x0], $0xffff  }
0x265: {  	v32 =	vadd.f32 v47, v32;
	v43 =	vld.idx.msk [tilespmem:v35+s18+$0x0], $0xffff;
	v35 =	vor.u32 v3, v20;
	v33 =	vadd.f32 v38, v33  }
.Ltmp1:
0x266: {  	v36 =	vor.u32 v6, v13;
	v45 =	vld.idx.msk [tilespmem:v41+s18+$0x0], $0xffff;
	(pc) =	sbr.rel @p0 .LBB2_4-.Ltmp1, $4  }
0x267: {  	v38 =	vadd.f32 v50, v32;
	v41 =	vor.u32 v3, v21;
	v44 =	vld.idx.msk [tilespmem:v42+s18+$0x0], $0xffff;
	[tilespmem:s3+$0x8450] =	vst v33  }
0x268: {  	v32 =	vld.idx.msk [tilespmem:v34+s18+$0x0], $0xffff;
	v34 =	vor.u32 v6, v8  }
0x269: {  	v42 =	vor.u32 v3, v16;
	[tilespmem:s24+$0x8420] =	vst v38;
	v33 =	vld.idx.msk [tilespmem:v49+s18+$0x0], $0xffff  }
0x26a: {  	s30 =	sadd.s32 $0x200, s30;
	v46 =	vadd.f32 v48, v46;
	v38 =	vld.idx.msk [tilespmem:v35+s18+$0x0], $0xffff;
	v35 =	vor.u32 v6, v11  }
0x26b: {  	_ = 	snop  }
0x26c: {  	v45 =	vadd.f32 v45, v46;
	_ =	sdelay $0x1  }
0x26d: {  	v44 =	vadd.f32 v44, v45;
	_ =	sdelay $0x1  }
0x26e: {  	v43 =	vadd.f32 v43, v44;
	_ =	sdelay $0x1  }
0x26f: {  	v40 =	vadd.f32 v40, v43;
	_ =	sdelay $0x1  }
0x270: {  	v54 =	vor.u32 v1, v25;
	v39 =	vadd.f32 v39, v40  }
0x271: {  	v55 =	vor.u32 v1, v30  }
0x272: {  	v37 =	vadd.f32 v37, v39  }
0x273: {  	v56 =	vor.u32 v1, v31;
	s28 =	sshra.s32 s29, $0x2  }
0x274: {  	[tilespmem:s28+$0x8400] =	vst v37  }
0x275: {  	v57 =	vor.u32 v1, v29;
	v40 =	vld.idx.msk [tilespmem:v54+s18+$0x0], $0xffff  }
0x276: {  	v43 =	vld.idx.msk [tilespmem:v55+s18+$0x0], $0xffff  }
0x277: {  	v58 =	vor.u32 v1, v28  }
0x278: {  	v39 =	vld.idx.msk [tilespmem:v56+s18+$0x0], $0xffff  }
0x279: {  	v59 =	vor.u32 v1, v27  }
0x27a: {  	v37 =	vld.idx.msk [tilespmem:v57+s18+$0x0], $0xffff  }
0x27b: {  	v60 =	vor.u32 v1, v26;
	v40 =	vadd.f32 v43, v40  }
0x27c: {  	v61 =	vld.idx.msk [tilespmem:v58+s18+$0x0], $0xffff  }
0x27d: {  	v62 =	vor.u32 v1, v24;
	v39 =	vadd.f32 v39, v40  }
0x27e: {  	v63 =	vld.idx.msk [tilespmem:v59+s18+$0x0], $0xffff  }
0x27f: {  	v37 =	vadd.f32 v37, v39  }
0x280: {  	v45 =	vld.idx.msk [tilespmem:v60+s18+$0x0], $0xffff  }
0x281: {  	v37 =	vadd.f32 v61, v37  }
0x282: {  	v46 =	vld.idx.msk [tilespmem:v62+s18+$0x0], $0xffff  }
0x283: {  	v37 =	vadd.f32 v63, v37;
	_ =	sdelay $0x1  }
0x284: {  	v47 =	vor.u32 v2, v25;
	v37 =	vadd.f32 v45, v37  }
0x285: {  	v48 =	vor.u32 v2, v30  }
0x286: {  	v37 =	vadd.f32 v46, v37  }
0x287: {  	v49 =	vor.u32 v2, v31  }
0x288: {  	[tilespmem:s28+$0x8410] =	vst v37  }
0x289: {  	v50 =	vor.u32 v2, v29;
	v37 =	vld.idx.msk [tilespmem:v47+s18+$0x0], $0xffff  }
0x28a: {  	v40 =	vld.idx.msk [tilespmem:v48+s18+$0x0], $0xffff  }
0x28b: {  	v51 =	vor.u32 v2, v28  }
0x28c: {  	v43 =	vld.idx.msk [tilespmem:v49+s18+$0x0], $0xffff  }
0x28d: {  	v52 =	vor.u32 v2, v27  }
0x28e: {  	v39 =	vld.idx.msk [tilespmem:v50+s18+$0x0], $0xffff  }
0x28f: {  	v53 =	vor.u32 v2, v26;
	v37 =	vadd.f32 v40, v37  }
0x290: {  	v54 =	vld.idx.msk [tilespmem:v51+s18+$0x0], $0xffff  }
0x291: {  	v55 =	vor.u32 v2, v24;
	v37 =	vadd.f32 v43, v37  }
0x292: {  	v56 =	vld.idx.msk [tilespmem:v52+s18+$0x0], $0xffff  }
0x293: {  	v37 =	vadd.f32 v39, v37  }
0x294: {  	v57 =	vld.idx.msk [tilespmem:v53+s18+$0x0], $0xffff  }
0x295: {  	v37 =	vadd.f32 v54, v37  }
0x296: {  	v58 =	vld.idx.msk [tilespmem:v55+s18+$0x0], $0xffff  }
0x297: {  	v37 =	vadd.f32 v56, v37;
	_ =	sdelay $0x1  }
0x298: {  	v59 =	vor.u32 v3, v25;
	v37 =	vadd.f32 v57, v37  }
0x299: {  	v60 =	vor.u32 v3, v30  }
0x29a: {  	v61 =	vor.u32 v3, v17;
	v37 =	vadd.f32 v58, v37  }
0x29b: {  	v62 =	vld.idx.msk [tilespmem:v41+s18+$0x0], $0xffff;
	v63 =	vor.u32 v3, v31  }
0x29c: {  	v42 =	vld.idx.msk [tilespmem:v42+s18+$0x0], $0xffff;
	v52 =	vor.u32 v3, v18;
	[tilespmem:s28+$0x8420] =	vst v37  }
0x29d: {  	v53 =	vor.u32 v3, v29;
	v37 =	vld.idx.msk [tilespmem:v59+s18+$0x0], $0xffff  }
0x29e: {  	v54 =	vor.u32 v3, v22;
	v43 =	vld.idx.msk [tilespmem:v60+s18+$0x0], $0xffff  }
0x29f: {  	v44 =	vld.idx.msk [tilespmem:v61+s18+$0x0], $0xffff;
	v47 =	vor.u32 v3, v28  }
0x2a0: {  	v38 =	vadd.f32 v62, v38;
	v48 =	vor.u32 v3, v23;
	v55 =	vld.idx.msk [tilespmem:v63+s18+$0x0], $0xffff  }
0x2a1: {  	v56 =	vld.idx.msk [tilespmem:v52+s18+$0x0], $0xffff;
	v57 =	vor.u32 v3, v27  }
0x2a2: {  	v38 =	vadd.f32 v42, v38;
	v49 =	vor.u32 v3, v19;
	v39 =	vld.idx.msk [tilespmem:v53+s18+$0x0], $0xffff  }
0x2a3: {  	v58 =	vld.idx.msk [tilespmem:v54+s18+$0x0], $0xffff;
	v59 =	vor.u32 v3, v26;
	v37 =	vadd.f32 v43, v37  }
0x2a4: {  	v38 =	vadd.f32 v44, v38;
	v60 =	vld.idx.msk [tilespmem:v47+s18+$0x0], $0xffff  }
0x2a5: {  	v62 =	vor.u32 v3, v24;
	v61 =	vld.idx.msk [tilespmem:v48+s18+$0x0], $0xffff;
	v37 =	vadd.f32 v55, v37  }
0x2a6: {  	v38 =	vadd.f32 v56, v38;
	v63 =	vld.idx.msk [tilespmem:v57+s18+$0x0], $0xffff  }
0x2a7: {  	v48 =	vld.idx.msk [tilespmem:v49+s18+$0x0], $0xffff;
	v37 =	vadd.f32 v39, v37  }
0x2a8: {  	v38 =	vadd.f32 v58, v38;
	v49 =	vld.idx.msk [tilespmem:v59+s18+$0x0], $0xffff  }
0x2a9: {  	v37 =	vadd.f32 v60, v37  }
0x2aa: {  	v50 =	vor.u32 v4, v20;
	v51 =	vld.idx.msk [tilespmem:v62+s18+$0x0], $0xffff;
	v38 =	vadd.f32 v61, v38  }
0x2ab: {  	v52 =	vor.u32 v4, v21;
	v37 =	vadd.f32 v63, v37  }
0x2ac: {  	v53 =	vor.u32 v4, v16;
	v38 =	vadd.f32 v48, v38  }
0x2ad: {  	v54 =	vor.u32 v4, v25;
	v37 =	vadd.f32 v49, v37  }
0x2ae: {  	v36 =	vld.idx.msk [tilespmem:v36+s18+$0x0], $0xffff;
	v55 =	vor.u32 v4, v30;
	[tilespmem:s24+$0x8430] =	vst v38  }
0x2af: {  	v57 =	vor.u32 v4, v17;
	v56 =	vld.idx.msk [tilespmem:v50+s18+$0x0], $0xffff;
	v37 =	vadd.f32 v51, v37  }
0x2b0: {  	v59 =	vor.u32 v4, v31;
	v58 =	vld.idx.msk [tilespmem:v52+s18+$0x0], $0xffff  }
0x2b1: {  	v40 =	vld.idx.msk [tilespmem:v53+s18+$0x0], $0xffff;
	v60 =	vor.u32 v4, v18;
	[tilespmem:s28+$0x8430] =	vst v37  }
0x2b2: {  	v61 =	vor.u32 v4, v29;
	v37 =	vld.idx.msk [tilespmem:v54+s18+$0x0], $0xffff  }
0x2b3: {  	v62 =	vor.u32 v4, v22;
	v38 =	vld.idx.msk [tilespmem:v55+s18+$0x0], $0xffff  }
0x2b4: {  	v42 =	vld.idx.msk [tilespmem:v57+s18+$0x0], $0xffff;
	v63 =	vor.u32 v4, v28  }
0x2b5: {  	v52 =	vor.u32 v4, v23;
	v41 =	vadd.f32 v58, v56;
	v53 =	vld.idx.msk [tilespmem:v59+s18+$0x0], $0xffff  }
0x2b6: {  	v54 =	vld.idx.msk [tilespmem:v60+s18+$0x0], $0xffff;
	v55 =	vor.u32 v4, v27  }
0x2b7: {  	v56 =	vor.u32 v4, v19;
	v40 =	vadd.f32 v40, v41;
	v39 =	vld.idx.msk [tilespmem:v61+s18+$0x0], $0xffff  }
0x2b8: {  	v57 =	vld.idx.msk [tilespmem:v62+s18+$0x0], $0xffff;
	v58 =	vor.u32 v4, v26;
	v37 =	vadd.f32 v38, v37  }
0x2b9: {  	v59 =	vadd.f32 v42, v40;
	v60 =	vld.idx.msk [tilespmem:v63+s18+$0x0], $0xffff  }
0x2ba: {  	v62 =	vor.u32 v4, v24;
	v61 =	vld.idx.msk [tilespmem:v52+s18+$0x0], $0xffff;
	v37 =	vadd.f32 v53, v37  }
0x2bb: {  	v38 =	vadd.f32 v54, v59;
	v63 =	vld.idx.msk [tilespmem:v55+s18+$0x0], $0xffff  }
0x2bc: {  	v48 =	vor.u32 v6, v9;
	v49 =	vld.idx.msk [tilespmem:v56+s18+$0x0], $0xffff;
	v37 =	vadd.f32 v39, v37  }
0x2bd: {  	v51 =	vld.idx.msk [tilespmem:v58+s18+$0x0], $0xffff;
	v52 =	vor.u32 v6, v12;
	v38 =	vadd.f32 v57, v38  }
0x2be: {  	v34 =	vld.idx.msk [tilespmem:v34+s18+$0x0], $0xffff;
	v50 =	vor.u32 v6, v10;
	v37 =	vadd.f32 v60, v37  }
0x2bf: {  	v54 =	vld.idx.msk [tilespmem:v62+s18+$0x0], $0xffff;
	v53 =	vor.u32 v5, v20;
	v38 =	vadd.f32 v61, v38  }
0x2c0: {  	v35 =	vld.idx.msk [tilespmem:v35+s18+$0x0], $0xffff;
	v55 =	vor.u32 v5, v21;
	v37 =	vadd.f32 v63, v37  }
0x2c1: {  	v43 =	vld.idx.msk [tilespmem:v48+s18+$0x0], $0xffff;
	v56 =	vor.u32 v5, v16;
	v38 =	vadd.f32 v49, v38  }
0x2c2: {  	v45 =	vld.idx.msk [tilespmem:v52+s18+$0x0], $0xffff;
	v57 =	vor.u32 v5, v25;
	v37 =	vadd.f32 v51, v37  }
0x2c3: {  	v58 =	vor.u32 v5, v30;
	v39 =	vld.idx.msk [tilespmem:v50+s18+$0x0], $0xffff;
	[tilespmem:s24+$0x8440] =	vst v38  }
0x2c4: {  	v59 =	vor.u32 v5, v17;
	v40 =	vld.idx.msk [tilespmem:v53+s18+$0x0], $0xffff;
	v37 =	vadd.f32 v54, v37  }
0x2c5: {  	v61 =	vor.u32 v5, v31;
	v60 =	vld.idx.msk [tilespmem:v55+s18+$0x0], $0xffff  }
0x2c6: {  	v62 =	vor.u32 v5, v18;
	v44 =	vld.idx.msk [tilespmem:v56+s18+$0x0], $0xffff;
	[tilespmem:s28+$0x8440] =	vst v37  }
0x2c7: {  	v63 =	vor.u32 v5, v29;
	v37 =	vld.idx.msk [tilespmem:v57+s18+$0x0], $0xffff  }
0x2c8: {  	v32 =	vadd.f32 v33, v32;
	v52 =	vor.u32 v5, v22;
	v38 =	vld.idx.msk [tilespmem:v58+s18+$0x0], $0xffff  }
0x2c9: {  	v46 =	vld.idx.msk [tilespmem:v59+s18+$0x0], $0xffff;
	v53 =	vor.u32 v5, v28  }
0x2ca: {  	v32 =	vadd.f32 v36, v32;
	v54 =	vor.u32 v5, v23;
	v40 =	vadd.f32 v60, v40;
	v55 =	vld.idx.msk [tilespmem:v61+s18+$0x0], $0xffff  }
0x2cb: {  	v56 =	vld.idx.msk [tilespmem:v62+s18+$0x0], $0xffff;
	v57 =	vor.u32 v5, v27  }
0x2cc: {  	v32 =	vadd.f32 v34, v32;
	v58 =	vor.u32 v5, v19;
	v41 =	vld.idx.msk [tilespmem:v63+s18+$0x0], $0xffff;
	v40 =	vadd.f32 v44, v40  }
0x2cd: {  	v33 =	vld.idx.msk [tilespmem:v52+s18+$0x0], $0xffff;
	v59 =	vor.u32 v5, v26;
	v37 =	vadd.f32 v38, v37  }
0x2ce: {  	v32 =	vadd.f32 v35, v32;
	v61 =	vld.idx.msk [tilespmem:v53+s18+$0x0], $0xffff;
	v60 =	vadd.f32 v46, v40  }
0x2cf: {  	v62 =	vor.u32 v5, v24;
	v36 =	vld.idx.msk [tilespmem:v54+s18+$0x0], $0xffff;
	v37 =	vadd.f32 v55, v37  }
0x2d0: {  	v32 =	vadd.f32 v43, v32;
	v35 =	vadd.f32 v56, v60;
	v63 =	vld.idx.msk [tilespmem:v57+s18+$0x0], $0xffff  }
0x2d1: {  	v34 =	vld.idx.msk [tilespmem:v58+s18+$0x0], $0xffff;
	v37 =	vadd.f32 v41, v37  }
0x2d2: {  	v15 =	vor.u32 v7, v15;
	v32 =	vadd.f32 v39, v32;
	v46 =	vld.idx.msk [tilespmem:v59+s18+$0x0], $0xffff;
	v33 =	vadd.f32 v33, v35  }
0x2d3: {  	v14 =	vor.u32 v7, v14;
	v37 =	vadd.f32 v61, v37  }
0x2d4: {  	v47 =	vor.u32 v6, v20;
	v32 =	vadd.f32 v45, v32;
	v48 =	vld.idx.msk [tilespmem:v62+s18+$0x0], $0xffff;
	v33 =	vadd.f32 v36, v33  }
0x2d5: {  	v49 =	vor.u32 v6, v21;
	v37 =	vadd.f32 v63, v37  }
0x2d6: {  	v51 =	vor.u32 v6, v16;
	[tilespmem:s3+$0x8460] =	vst v32;
	v50 =	vadd.f32 v34, v33  }
0x2d7: {  	v15 =	vld.idx.msk [tilespmem:v15+s18+$0x0], $0xffff;
	v53 =	vor.u32 v6, v25;
	v52 =	vadd.f32 v46, v37  }
0x2d8: {  	v14 =	vld.idx.msk [tilespmem:v14+s18+$0x0], $0xffff;
	v54 =	vor.u32 v6, v30;
	[tilespmem:s24+$0x8450] =	vst v50  }
0x2d9: {  	v55 =	vor.u32 v6, v17;
	v36 =	vld.idx.msk [tilespmem:v47+s18+$0x0], $0xffff;
	v34 =	vadd.f32 v48, v52  }
0x2da: {  	v57 =	vor.u32 v6, v31;
	v56 =	vld.idx.msk [tilespmem:v49+s18+$0x0], $0xffff  }
0x2db: {  	v58 =	vor.u32 v6, v18;
	v33 =	vld.idx.msk [tilespmem:v51+s18+$0x0], $0xffff;
	[tilespmem:s28+$0x8450] =	vst v34  }
0x2dc: {  	v59 =	vor.u32 v6, v29;
	v34 =	vld.idx.msk [tilespmem:v53+s18+$0x0], $0xffff  }
0x2dd: {  	v60 =	vor.u32 v6, v22;
	v32 =	vld.idx.msk [tilespmem:v54+s18+$0x0], $0xffff  }
0x2de: {  	v61 =	vor.u32 v6, v28;
	v37 =	vld.idx.msk [tilespmem:v55+s18+$0x0], $0xffff  }
0x2df: {  	v62 =	vor.u32 v6, v23;
	v39 =	vld.idx.msk [tilespmem:v57+s18+$0x0], $0xffff  }
0x2e0: {  	v63 =	vld.idx.msk [tilespmem:v58+s18+$0x0], $0xffff;
	v48 =	vor.u32 v6, v27;
	v36 =	vadd.f32 v56, v36  }
0x2e1: {  	v49 =	vor.u32 v6, v19;
	v35 =	vld.idx.msk [tilespmem:v59+s18+$0x0], $0xffff  }
0x2e2: {  	v50 =	vld.idx.msk [tilespmem:v60+s18+$0x0], $0xffff;
	v51 =	vor.u32 v6, v26;
	v33 =	vadd.f32 v33, v36;
	v32 =	vadd.f32 v32, v34  }
0x2e3: {  	v13 =	vor.u32 v7, v13;
	v52 =	vld.idx.msk [tilespmem:v61+s18+$0x0], $0xffff  }
0x2e4: {  	v53 =	vld.idx.msk [tilespmem:v62+s18+$0x0], $0xffff;
	v54 =	vor.u32 v6, v24;
	v33 =	vadd.f32 v37, v33;
	v32 =	vadd.f32 v39, v32  }
0x2e5: {  	v8 =	vor.u32 v7, v8;
	v55 =	vld.idx.msk [tilespmem:v48+s18+$0x0], $0xffff  }
0x2e6: {  	v11 =	vor.u32 v7, v11;
	v56 =	vld.idx.msk [tilespmem:v49+s18+$0x0], $0xffff;
	v33 =	vadd.f32 v63, v33;
	v32 =	vadd.f32 v35, v32  }
0x2e7: {  	v9 =	vor.u32 v7, v9;
	v57 =	vld.idx.msk [tilespmem:v51+s18+$0x0], $0xffff  }
0x2e8: {  	v10 =	vor.u32 v7, v10;
	v13 =	vld.idx.msk [tilespmem:v13+s18+$0x0], $0xffff;
	v33 =	vadd.f32 v50, v33;
	v32 =	vadd.f32 v52, v32  }
0x2e9: {  	v12 =	vor.u32 v7, v12;
	v58 =	vld.idx.msk [tilespmem:v54+s18+$0x0], $0xffff  }
0x2ea: {  	v20 =	vor.u32 v7, v20;
	v8 =	vld.idx.msk [tilespmem:v8+s18+$0x0], $0xffff;
	v33 =	vadd.f32 v53, v33;
	v32 =	vadd.f32 v55, v32  }
0x2eb: {  	v21 =	vor.u32 v7, v21;
	v11 =	vld.idx.msk [tilespmem:v11+s18+$0x0], $0xffff  }
0x2ec: {  	v9 =	vld.idx.msk [tilespmem:v9+s18+$0x0], $0xffff;
	v25 =	vor.u32 v7, v25;
	v33 =	vadd.f32 v56, v33;
	v32 =	vadd.f32 v57, v32  }
0x2ed: {  	v10 =	vld.idx.msk [tilespmem:v10+s18+$0x0], $0xffff;
	v30 =	vor.u32 v7, v30  }
0x2ee: {  	v16 =	vor.u32 v7, v16;
	v12 =	vld.idx.msk [tilespmem:v12+s18+$0x0], $0xffff;
	[tilespmem:s24+$0x8460] =	vst v33;
	v32 =	vadd.f32 v58, v32  }
0x2ef: {  	v31 =	vor.u32 v7, v31;
	v20 =	vld.idx.msk [tilespmem:v20+s18+$0x0], $0xffff  }
0x2f0: {  	v17 =	vor.u32 v7, v17;
	v21 =	vld.idx.msk [tilespmem:v21+s18+$0x0], $0xffff;
	[tilespmem:s28+$0x8460] =	vst v32  }
0x2f1: {  	v29 =	vor.u32 v7, v29;
	v25 =	vld.idx.msk [tilespmem:v25+s18+$0x0], $0xffff  }
0x2f2: {  	v18 =	vor.u32 v7, v18;
	v30 =	vld.idx.msk [tilespmem:v30+s18+$0x0], $0xffff  }
0x2f3: {  	v28 =	vor.u32 v7, v28;
	v16 =	vld.idx.msk [tilespmem:v16+s18+$0x0], $0xffff  }
0x2f4: {  	v22 =	vor.u32 v7, v22;
	v31 =	vld.idx.msk [tilespmem:v31+s18+$0x0], $0xffff  }
0x2f5: {  	v14 =	vadd.f32 v14, v15;
	v15 =	vld.idx.msk [tilespmem:v17+s18+$0x0], $0xffff;
	v17 =	vor.u32 v7, v27  }
0x2f6: {  	v23 =	vor.u32 v7, v23;
	v20 =	vadd.f32 v21, v20;
	v21 =	vld.idx.msk [tilespmem:v29+s18+$0x0], $0xffff  }
0x2f7: {  	v13 =	vadd.f32 v13, v14;
	v14 =	vld.idx.msk [tilespmem:v18+s18+$0x0], $0xffff;
	v18 =	vor.u32 v7, v26;
	v25 =	vadd.f32 v30, v25  }
0x2f8: {  	v19 =	vor.u32 v7, v19;
	v16 =	vadd.f32 v16, v20;
	v20 =	vld.idx.msk [tilespmem:v28+s18+$0x0], $0xffff  }
0x2f9: {  	v8 =	vadd.f32 v8, v13;
	v13 =	vld.idx.msk [tilespmem:v22+s18+$0x0], $0xffff;
	v22 =	vor.u32 v7, v24;
	v24 =	vadd.f32 v31, v25  }
0x2fa: {  	v15 =	vadd.f32 v15, v16;
	v16 =	vld.idx.msk [tilespmem:v17+s18+$0x0], $0xffff  }
0x2fb: {  	v8 =	vadd.f32 v11, v8;
	v11 =	vld.idx.msk [tilespmem:v23+s18+$0x0], $0xffff;
	v17 =	vadd.f32 v21, v24  }
0x2fc: {  	v14 =	vadd.f32 v14, v15;
	v15 =	vld.idx.msk [tilespmem:v18+s18+$0x0], $0xffff  }
0x2fd: {  	v8 =	vadd.f32 v9, v8;
	v9 =	vld.idx.msk [tilespmem:v19+s18+$0x0], $0xffff;
	v17 =	vadd.f32 v20, v17  }
0x2fe: {  	v13 =	vadd.f32 v13, v14;
	v14 =	vld.idx.msk [tilespmem:v22+s18+$0x0], $0xffff  }
0x2ff: {  	v8 =	vadd.f32 v10, v8;
	v10 =	vadd.f32 v16, v17  }
0x300: {  	v11 =	vadd.f32 v11, v13  }
0x301: {  	v8 =	vadd.f32 v12, v8;
	v10 =	vadd.f32 v15, v10  }
0x302: {  	v9 =	vadd.f32 v9, v11  }
0x303: {  	[tilespmem:s3+$0x8470] =	vst v8;
	v8 =	vadd.f32 v14, v10  }
0x304: {  	[tilespmem:s24+$0x8470] =	vst v9  }
0x305: {  	[tilespmem:s28+$0x8470] =	vst v8  }
0x306: {  	_ =	swait.ge [sflag:s26], $0x4000  }
0x307: {  	[sflag:s26] =	ssyncset.done $0x0  }
0x308: {  	[sflag:s26] =	ssyncadd.s32 $0xFFFFC000  }
0x309: {  	[hbm4b:s9+s19] =	stream.strided.scatter [tilespmem:s21], [sflag:$0x3], $0x4000, s23, s19, $0x38;
	[tilespmem:$0x1C400] =	vst v63  }
0x30a: {  	s31 =	simm.s32 $0x8400;
	s3 =	simm.s32 $0x800  }
0x30b: {  	v8 =	vmov s3;
	[hbm4b:s10+s19] =	stream.strided.scatter [tilespmem:s31], [sflag:$0x4], $0x4000, s23, s19, $0x38;
	[tilespmem:$0x1C400] =	vst v63  }
0x30c: {  	v9 =	vor.u32 $0x1, v8;
	_ =	swait.ge [sflag:s25], $0x4000  }
0x30d: {  	[sflag:s25] =	ssyncset.done $0x0  }
0x30e: {  	s24 =	simm.s32 $0x180;
	v10 =	vor.u32 $0x2, v8;
	[sflag:s25] =	ssyncadd.s32 $0xFFFFC000  }
0x30f: {  	[tilespmem:s21], [sflag:$0x2] =	stream.indirect.gather [hbm4b:s1+s19], $0x80, s24, s19, $0xb8;
	[tilespmem:$0x1C400] =	vst v63  }
0x310: {  	v12 =	vor.u32 $0x3, v8;
	v11 =	vld.idx.msk [tilespmem:v8+s17+$0x0], $0xffff  }
0x311: {  	v9 =	vld.idx.msk [tilespmem:v9+s17+$0x0], $0xffff  }
0x312: {  	v13 =	vor.u32 $0x4, v8  }
0x313: {  	v10 =	vld.idx.msk [tilespmem:v10+s17+$0x0], $0xffff  }
0x314: {  	v16 =	vor.u32 $0x5, v8  }
0x315: {  	v17 =	vor.u32 $0x6, v8;
	v15 =	vshll.u32 v11, $0x7;
	v11 =	vld.idx.msk [tilespmem:v12+s17+$0x0], $0xffff  }
0x316: {  	v14 =	vshll.u32 v9, $0x7;
	v12 =	vor.u32 v0, v15  }
0x317: {  	v9 =	vld.idx.msk [tilespmem:v13+s17+$0x0], $0xffff;
	v18 =	vor.u32 v0, v14  }
0x318: {  	v19 =	vor.u32 $0x7, v8;
	v13 =	vshll.u32 v10, $0x7  }
0x319: {  	v10 =	vld.idx.msk [tilespmem:v16+s17+$0x0], $0xffff;
	v16 =	vor.u32 v0, v13  }
0x31a: {  	v17 =	vld.idx.msk [tilespmem:v17+s17+$0x0], $0xffff;
	v8 =	vshll.u32 v11, $0x7  }
0x31b: {  	v12 =	vld.idx.msk [tilespmem:v12+s18+$0x0], $0xffff;
	v20 =	vor.u32 v0, v8  }
0x31c: {  	v11 =	vshll.u32 v9, $0x7;
	v18 =	vld.idx.msk [tilespmem:v18+s18+$0x0], $0xffff  }
0x31d: {  	v19 =	vld.idx.msk [tilespmem:v19+s17+$0x0], $0xffff;
	v21 =	vor.u32 v0, v11  }
0x31e: {  	v9 =	vshll.u32 v10, $0x7;
	v16 =	vld.idx.msk [tilespmem:v16+s18+$0x0], $0xffff  }
0x31f: {  	v22 =	vor.u32 v0, v9  }
0x320: {  	v10 =	vshll.u32 v17, $0x7;
	v17 =	vld.idx.msk [tilespmem:v20+s18+$0x0], $0xffff  }
0x321: {  	v20 =	vor.u32 v0, v10;
	v18 =	vadd.f32 v18, v12  }
0x322: {  	v12 =	vshll.u32 v19, $0x7;
	v19 =	vld.idx.msk [tilespmem:v21+s18+$0x0], $0xffff  }
0x323: {  	v21 =	vor.u32 v0, v12;
	v16 =	vadd.f32 v16, v18  }
0x324: {  	v18 =	vld.idx.msk [tilespmem:v22+s18+$0x0], $0xffff  }
0x325: {  	v16 =	vadd.f32 v17, v16  }
0x326: {  	v17 =	vld.idx.msk [tilespmem:v20+s18+$0x0], $0xffff  }
0x327: {  	v16 =	vadd.f32 v19, v16  }
0x328: {  	v19 =	vld.idx.msk [tilespmem:v21+s18+$0x0], $0xffff  }
0x329: {  	v16 =	vadd.f32 v18, v16;
	_ =	sdelay $0x1  }
0x32a: {  	v16 =	vadd.f32 v17, v16;
	v17 =	vor.u32 v1, v15  }
0x32b: {  	v18 =	vor.u32 v1, v14  }
0x32c: {  	v16 =	vadd.f32 v19, v16  }
0x32d: {  	s3 =	simm.s32 $0x0;
	v19 =	vor.u32 v1, v13  }
0x32e: {  	[tilespmem:s3+$0xC400] =	vst v16  }
0x32f: {  	v16 =	vor.u32 v1, v8;
	v17 =	vld.idx.msk [tilespmem:v17+s18+$0x0], $0xffff  }
0x330: {  	v18 =	vld.idx.msk [tilespmem:v18+s18+$0x0], $0xffff  }
0x331: {  	v20 =	vor.u32 v1, v11  }
0x332: {  	v19 =	vld.idx.msk [tilespmem:v19+s18+$0x0], $0xffff  }
0x333: {  	v21 =	vor.u32 v1, v9  }
0x334: {  	v16 =	vld.idx.msk [tilespmem:v16+s18+$0x0], $0xffff  }
0x335: {  	v22 =	vor.u32 v1, v10;
	v17 =	vadd.f32 v18, v17  }
0x336: {  	v18 =	vld.idx.msk [tilespmem:v20+s18+$0x0], $0xffff  }
0x337: {  	v20 =	vor.u32 v1, v12;
	v17 =	vadd.f32 v19, v17  }
0x338: {  	v19 =	vld.idx.msk [tilespmem:v21+s18+$0x0], $0xffff  }
0x339: {  	v16 =	vadd.f32 v16, v17  }
0x33a: {  	v17 =	vld.idx.msk [tilespmem:v22+s18+$0x0], $0xffff  }
0x33b: {  	v16 =	vadd.f32 v18, v16  }
0x33c: {  	v18 =	vld.idx.msk [tilespmem:v20+s18+$0x0], $0xffff  }
0x33d: {  	v16 =	vadd.f32 v19, v16;
	_ =	sdelay $0x1  }
0x33e: {  	v16 =	vadd.f32 v17, v16;
	v17 =	vor.u32 v2, v15  }
0x33f: {  	v19 =	vor.u32 v2, v14  }
0x340: {  	s31 =	simm.s32 $0x808;
	v16 =	vadd.f32 v18, v16  }
0x341: {  	v20 =	vmov s31;
	v18 =	vor.u32 v2, v13  }
0x342: {  	v21 =	vor.u32 $0x2, v20;
	[tilespmem:s3+$0xC410] =	vst v16  }
0x343: {  	v16 =	vld.idx.msk [tilespmem:v17+s18+$0x0], $0xffff;
	v17 =	vor.u32 v2, v8  }
0x344: {  	v23 =	vor.u32 $0x1, v20;
	v19 =	vld.idx.msk [tilespmem:v19+s18+$0x0], $0xffff  }
0x345: {  	v22 =	vor.u32 v2, v11  }
0x346: {  	v18 =	vld.idx.msk [tilespmem:v18+s18+$0x0], $0xffff  }
0x347: {  	v25 =	vor.u32 v2, v9;
	v26 =	vld.idx.msk [tilespmem:v21+s17+$0x0], $0xffff  }
0x348: {  	v17 =	vld.idx.msk [tilespmem:v17+s18+$0x0], $0xffff  }
0x349: {  	v21 =	vor.u32 v2, v10;
	v23 =	vld.idx.msk [tilespmem:v23+s17+$0x0], $0xffff;
	v16 =	vadd.f32 v19, v16  }
0x34a: {  	v22 =	vld.idx.msk [tilespmem:v22+s18+$0x0], $0xffff;
	v19 =	vor.u32 $0x3, v20  }
0x34b: {  	v27 =	vor.u32 v2, v12;
	v24 =	vld.idx.msk [tilespmem:v20+s17+$0x0], $0xffff;
	v16 =	vadd.f32 v18, v16  }
0x34c: {  	v25 =	vld.idx.msk [tilespmem:v25+s18+$0x0], $0xffff;
	v18 =	vor.u32 $0x4, v20  }
0x34d: {  	v28 =	vor.u32 $0x7, v20;
	v16 =	vadd.f32 v17, v16  }
0x34e: {  	v29 =	vld.idx.msk [tilespmem:v21+s18+$0x0], $0xffff;
	v17 =	vor.u32 $0x5, v20  }
0x34f: {  	v30 =	vor.u32 $0x6, v20;
	v21 =	vshll.u32 v23, $0x7;
	v19 =	vld.idx.msk [tilespmem:v19+s17+$0x0], $0xffff;
	v22 =	vadd.f32 v22, v16  }
0x350: {  	v23 =	vld.idx.msk [tilespmem:v27+s18+$0x0], $0xffff;
	v27 =	vor.u32 v0, v21;
	v20 =	vshll.u32 v24, $0x7  }
0x351: {  	v24 =	vor.u32 v0, v20;
	v18 =	vld.idx.msk [tilespmem:v18+s17+$0x0], $0xffff;
	v16 =	vshll.u32 v26, $0x7;
	v22 =	vadd.f32 v25, v22  }
0x352: {  	v26 =	vor.u32 v0, v16;
	v25 =	vld.idx.msk [tilespmem:v28+s17+$0x0], $0xffff  }
0x353: {  	v28 =	vld.idx.msk [tilespmem:v17+s17+$0x0], $0xffff;
	v22 =	vadd.f32 v29, v22;
	v29 =	vor.u32 v3, v15  }
0x354: {  	v30 =	vld.idx.msk [tilespmem:v30+s17+$0x0], $0xffff;
	v17 =	vshll.u32 v19, $0x7;
	v19 =	vor.u32 v3, v14  }
0x355: {  	v27 =	vld.idx.msk [tilespmem:v27+s18+$0x0], $0xffff;
	v31 =	vor.u32 v0, v17;
	v22 =	vadd.f32 v23, v22  }
0x356: {  	v59 =	vor.u32 v3, v13;
	v24 =	vld.idx.msk [tilespmem:v24+s18+$0x0], $0xffff;
	v18 =	vshll.u32 v18, $0x7  }
0x357: {  	v60 =	vor.u32 v0, v18;
	v26 =	vld.idx.msk [tilespmem:v26+s18+$0x0], $0xffff;
	[tilespmem:s3+$0xC420] =	vst v22  }
0x358: {  	v22 =	vshll.u32 v28, $0x7;
	v28 =	vld.idx.msk [tilespmem:v29+s18+$0x0], $0xffff;
	v29 =	vor.u32 v3, v8  }
0x359: {  	v61 =	vor.u32 v0, v22;
	v62 =	vld.idx.msk [tilespmem:v19+s18+$0x0], $0xffff  }
0x35a: {  	v23 =	vshll.u32 v30, $0x7;
	v30 =	vld.idx.msk [tilespmem:v31+s18+$0x0], $0xffff;
	v31 =	vor.u32 v3, v11  }
0x35b: {  	v63 =	vor.u32 v0, v23;
	v24 =	vadd.f32 v27, v24;
	v27 =	vld.idx.msk [tilespmem:v59+s18+$0x0], $0xffff  }
0x35c: {  	v39 =	vor.u32 v3, v9;
	v19 =	vshll.u32 v25, $0x7;
	v25 =	vld.idx.msk [tilespmem:v60+s18+$0x0], $0xffff  }
0x35d: {  	v40 =	vor.u32 v0, v19;
	v24 =	vadd.f32 v26, v24;
	v26 =	vld.idx.msk [tilespmem:v29+s18+$0x0], $0xffff  }
0x35e: {  	v41 =	vor.u32 v3, v10;
	v29 =	vld.idx.msk [tilespmem:v61+s18+$0x0], $0xffff;
	v28 =	vadd.f32 v62, v28  }
0x35f: {  	v24 =	vadd.f32 v30, v24;
	v30 =	vld.idx.msk [tilespmem:v31+s18+$0x0], $0xffff  }
0x360: {  	v42 =	vor.u32 v3, v12;
	v31 =	vld.idx.msk [tilespmem:v63+s18+$0x0], $0xffff;
	v27 =	vadd.f32 v27, v28  }
0x361: {  	s28 =	simm.s32 $0x810;
	v24 =	vadd.f32 v25, v24;
	v25 =	vld.idx.msk [tilespmem:v39+s18+$0x0], $0xffff  }
0x362: {  	v28 =	vld.idx.msk [tilespmem:v40+s18+$0x0], $0xffff;
	v26 =	vadd.f32 v26, v27;
	v27 =	vmov s28  }
0x363: {  	v24 =	vadd.f32 v29, v24;
	v29 =	vld.idx.msk [tilespmem:v41+s18+$0x0], $0xffff;
	v43 =	vor.u32 $0x7, v27  }
0x364: {  	v54 =	vor.u32 $0x6, v27;
	v26 =	vadd.f32 v30, v26  }
0x365: {  	v45 =	vor.u32 v1, v16;
	v24 =	vadd.f32 v31, v24;
	v31 =	vld.idx.msk [tilespmem:v42+s18+$0x0], $0xffff  }
0x366: {  	v44 =	vor.u32 v1, v20;
	v25 =	vadd.f32 v25, v26  }
0x367: {  	v24 =	vadd.f32 v28, v24;
	v26 =	vor.u32 v1, v21;
	v28 =	vld.idx.msk [tilespmem:v27+s17+$0x0], $0xffff  }
0x368: {  	s24 =	simm.s32 $0x80;
	v25 =	vadd.f32 v29, v25;
	v29 =	vor.u32 v4, v15;
	v32 =	vld.idx.msk [tilespmem:v43+s17+$0x0], $0xffff  }
0x369: {  	[tilespmem:s24+$0xC400] =	vst v24;
	v24 =	vor.u32 v4, v14;
	v60 =	vld.idx.msk [tilespmem:v54+s17+$0x0], $0xffff  }
0x36a: {  	v47 =	vor.u32 v1, v17;
	v34 =	vld.idx.msk [tilespmem:v45+s18+$0x0], $0xffff;
	v25 =	vadd.f32 v31, v25  }
0x36b: {  	v46 =	vor.u32 v4, v13;
	v31 =	vld.idx.msk [tilespmem:v44+s18+$0x0], $0xffff  }
0x36c: {  	v30 =	vor.u32 v1, v18;
	v26 =	vld.idx.msk [tilespmem:v26+s18+$0x0], $0xffff;
	[tilespmem:s3+$0xC430] =	vst v25  }
0x36d: {  	v25 =	vld.idx.msk [tilespmem:v29+s18+$0x0], $0xffff;
	v29 =	vor.u32 v4, v8  }
0x36e: {  	v51 =	vor.u32 v1, v23;
	v24 =	vld.idx.msk [tilespmem:v24+s18+$0x0], $0xffff  }
0x36f: {  	v49 =	vor.u32 v1, v22;
	v35 =	vld.idx.msk [tilespmem:v47+s18+$0x0], $0xffff  }
0x370: {  	v48 =	vor.u32 v4, v11;
	v33 =	vld.idx.msk [tilespmem:v46+s18+$0x0], $0xffff  }
0x371: {  	v50 =	vor.u32 v4, v9;
	v30 =	vld.idx.msk [tilespmem:v30+s18+$0x0], $0xffff;
	v26 =	vadd.f32 v26, v31  }
0x372: {  	v31 =	vor.u32 v4, v10;
	v29 =	vld.idx.msk [tilespmem:v29+s18+$0x0], $0xffff  }
0x373: {  	v52 =	vor.u32 v1, v19;
	v57 =	vld.idx.msk [tilespmem:v51+s18+$0x0], $0xffff;
	v24 =	vadd.f32 v24, v25;
	v25 =	vadd.f32 v34, v26  }
0x374: {  	v53 =	vor.u32 v4, v12;
	v26 =	vld.idx.msk [tilespmem:v49+s18+$0x0], $0xffff  }
0x375: {  	v58 =	vor.u32 $0x4, v27;
	v36 =	vld.idx.msk [tilespmem:v48+s18+$0x0], $0xffff;
	v24 =	vadd.f32 v33, v24;
	v25 =	vadd.f32 v35, v25  }
0x376: {  	v56 =	vor.u32 $0x5, v27;
	v55 =	vld.idx.msk [tilespmem:v50+s18+$0x0], $0xffff  }
0x377: {  	v30 =	vadd.f32 v30, v25;
	v24 =	vadd.f32 v29, v24;
	v29 =	vld.idx.msk [tilespmem:v31+s18+$0x0], $0xffff;
	v31 =	vor.u32 $0x3, v27  }
0x378: {  	v59 =	vor.u32 $0x2, v27;
	v40 =	vld.idx.msk [tilespmem:v52+s18+$0x0], $0xffff;
	v27 =	vor.u32 $0x1, v27  }
0x379: {  	v34 =	vld.idx.msk [tilespmem:v53+s18+$0x0], $0xffff;
	v25 =	vshll.u32 v28, $0x7;
	v26 =	vadd.f32 v26, v30  }
0x37a: {  	v33 =	vld.idx.msk [tilespmem:v58+s17+$0x0], $0xffff;
	v30 =	vor.u32 v0, v25;
	v24 =	vadd.f32 v36, v24  }
0x37b: {  	v61 =	vor.u32 v2, v20;
	v28 =	vld.idx.msk [tilespmem:v56+s17+$0x0], $0xffff;
	v26 =	vadd.f32 v57, v26  }
0x37c: {  	v48 =	vor.u32 v2, v16;
	v24 =	vadd.f32 v55, v24;
	v37 =	vld.idx.msk [tilespmem:v31+s17+$0x0], $0xffff  }
0x37d: {  	v26 =	vadd.f32 v40, v26;
	v63 =	vld.idx.msk [tilespmem:v27+s17+$0x0], $0xffff;
	v27 =	vor.u32 v2, v21  }
0x37e: {  	v31 =	vld.idx.msk [tilespmem:v59+s17+$0x0], $0xffff;
	v24 =	vadd.f32 v29, v24;
	v29 =	vor.u32 v5, v15  }
0x37f: {  	v62 =	vor.u32 v5, v14;
	v46 =	vld.idx.msk [tilespmem:v30+s18+$0x0], $0xffff;
	[tilespmem:s24+$0xC410] =	vst v26  }
0x380: {  	v49 =	vor.u32 v2, v17;
	v24 =	vadd.f32 v34, v24;
	v30 =	vld.idx.msk [tilespmem:v61+s18+$0x0], $0xffff  }
0x381: {  	v26 =	vor.u32 v5, v13;
	v34 =	vld.idx.msk [tilespmem:v48+s18+$0x0], $0xffff  }
0x382: {  	v53 =	vor.u32 v2, v22;
	[tilespmem:s3+$0xC440] =	vst v24;
	v27 =	vld.idx.msk [tilespmem:v27+s18+$0x0], $0xffff  }
0x383: {  	v24 =	vld.idx.msk [tilespmem:v29+s18+$0x0], $0xffff;
	v29 =	vor.u32 v5, v8  }
0x384: {  	v51 =	vor.u32 v2, v18;
	v38 =	vld.idx.msk [tilespmem:v62+s18+$0x0], $0xffff  }
0x385: {  	v50 =	vor.u32 v5, v11;
	v35 =	vld.idx.msk [tilespmem:v49+s18+$0x0], $0xffff  }
0x386: {  	v54 =	vor.u32 v5, v10;
	v26 =	vld.idx.msk [tilespmem:v26+s18+$0x0], $0xffff  }
0x387: {  	v52 =	vor.u32 v5, v9;
	v58 =	vld.idx.msk [tilespmem:v53+s18+$0x0], $0xffff  }
0x388: {  	v56 =	vor.u32 v5, v12;
	v55 =	vor.u32 v2, v23;
	v30 =	vadd.f32 v27, v30;
	v29 =	vld.idx.msk [tilespmem:v29+s18+$0x0], $0xffff  }
0x389: {  	v59 =	vor.u32 v2, v19;
	v38 =	vadd.f32 v38, v24;
	v24 =	vshll.u32 v32, $0x7;
	v32 =	vld.idx.msk [tilespmem:v51+s18+$0x0], $0xffff  }
0x38a: {  	v40 =	vld.idx.msk [tilespmem:v50+s18+$0x0], $0xffff;
	v27 =	vshll.u32 v28, $0x7;
	v28 =	vshll.u32 v33, $0x7;
	v34 =	vadd.f32 v34, v30  }
0x38b: {  	v61 =	vld.idx.msk [tilespmem:v54+s18+$0x0], $0xffff;
	v54 =	vor.u32 v0, v28;
	v38 =	vadd.f32 v26, v38  }
0x38c: {  	v42 =	vld.idx.msk [tilespmem:v52+s18+$0x0], $0xffff;
	v62 =	vor.u32 v0, v27;
	v57 =	vor.u32 v0, v24;
	v34 =	vadd.f32 v35, v34  }
0x38d: {  	v30 =	vshll.u32 v63, $0x7;
	v63 =	vld.idx.msk [tilespmem:v55+s18+$0x0], $0xffff;
	v26 =	vshll.u32 v60, $0x7;
	v29 =	vadd.f32 v29, v38  }
0x38e: {  	v41 =	vld.idx.msk [tilespmem:v56+s18+$0x0], $0xffff;
	v60 =	vor.u32 v0, v26;
	v32 =	vadd.f32 v32, v34  }
0x38f: {  	v31 =	vshll.u32 v31, $0x7;
	v56 =	vld.idx.msk [tilespmem:v59+s18+$0x0], $0xffff;
	v52 =	vor.u32 v0, v30;
	v53 =	vadd.f32 v40, v29  }
0x390: {  	v55 =	vor.u32 v0, v31;
	v43 =	vld.idx.msk [tilespmem:v54+s18+$0x0], $0xffff;
	v29 =	vshll.u32 v37, $0x7;
	v32 =	vadd.f32 v58, v32  }
0x391: {  	v37 =	vld.idx.msk [tilespmem:v57+s18+$0x0], $0xffff;
	v57 =	vor.u32 v0, v29;
	v35 =	vadd.f32 v42, v53  }
0x392: {  	v40 =	vld.idx.msk [tilespmem:v62+s18+$0x0], $0xffff;
	v62 =	vor.u32 v3, v20;
	v32 =	vadd.f32 v63, v32  }
0x393: {  	v59 =	vor.u32 v6, v15;
	v39 =	vld.idx.msk [tilespmem:v60+s18+$0x0], $0xffff;
	v58 =	vadd.f32 v61, v35  }
0x394: {  	v60 =	vld.idx.msk [tilespmem:v52+s18+$0x0], $0xffff;
	v61 =	vor.u32 v6, v14;
	v63 =	vadd.f32 v56, v32  }
0x395: {  	v36 =	vor.u32 v6, v13;
	v45 =	vld.idx.msk [tilespmem:v55+s18+$0x0], $0xffff;
	v33 =	vadd.f32 v41, v58  }
0x396: {  	v44 =	vld.idx.msk [tilespmem:v57+s18+$0x0], $0xffff;
	v41 =	vor.u32 v3, v21;
	[tilespmem:s24+$0xC420] =	vst v63  }
0x397: {  	v34 =	vor.u32 v6, v8;
	v38 =	vld.idx.msk [tilespmem:v62+s18+$0x0], $0xffff;
	[tilespmem:s3+$0xC450] =	vst v33  }
0x398: {  	v42 =	vor.u32 v3, v16;
	v32 =	vld.idx.msk [tilespmem:v59+s18+$0x0], $0xffff  }
0x399: {  	s29 =	simm.s32 $0x400;
	s30 =	simm.s32 $0x600;
	v35 =	vor.u32 v6, v11;
	v46 =	vadd.f32 v60, v46;
	v33 =	vld.idx.msk [tilespmem:v61+s18+$0x0], $0xffff  }
.LBB2_6:
0x39a: {  	p0 =	sne.s32 s30, $0xFE00;
	v47 =	vor.u32 v3, v17;
	v36 =	vld.idx.msk [tilespmem:v36+s18+$0x0], $0xffff  }
0x39b: {  	v45 =	vadd.f32 v45, v46;
	v41 =	vld.idx.msk [tilespmem:v41+s18+$0x0], $0xffff;
	v46 =	vor.u32 v6, v9  }
0x39c: {  	v48 =	vor.u32 v3, v18;
	v34 =	vld.idx.msk [tilespmem:v34+s18+$0x0], $0xffff  }
0x39d: {  	v44 =	vadd.f32 v44, v45;
	v42 =	vld.idx.msk [tilespmem:v42+s18+$0x0], $0xffff;
	v45 =	vor.u32 v6, v10  }
0x39e: {  	v49 =	vor.u32 v3, v22;
	v32 =	vadd.f32 v33, v32;
	v35 =	vld.idx.msk [tilespmem:v35+s18+$0x0], $0xffff  }
0x39f: {  	s28 =	sadd.s32 $0x8, s28;
	v43 =	vadd.f32 v43, v44;
	v44 =	vld.idx.msk [tilespmem:v47+s18+$0x0], $0xffff;
	v47 =	vor.u32 v6, v12  }
0x3a0: {  	v33 =	vmov s28;
	v32 =	vadd.f32 v36, v32;
	v36 =	vld.idx.msk [tilespmem:v46+s18+$0x0], $0xffff  }
0x3a1: {  	v46 =	vor.u32 v3, v23;
	v40 =	vadd.f32 v40, v43;
	v43 =	vld.idx.msk [tilespmem:v48+s18+$0x0], $0xffff  }
0x3a2: {  	v38 =	vadd.f32 v41, v38;
	v48 =	vor.u32 $0x7, v33;
	v32 =	vadd.f32 v34, v32;
	v41 =	vld.idx.msk [tilespmem:v45+s18+$0x0], $0xffff  }
0x3a3: {  	v45 =	vor.u32 v3, v19;
	v39 =	vadd.f32 v39, v40;
	v40 =	vld.idx.msk [tilespmem:v49+s18+$0x0], $0xffff  }
0x3a4: {  	v38 =	vadd.f32 v42, v38;
	v49 =	vor.u32 v1, v28;
	v32 =	vadd.f32 v35, v32;
	v35 =	vld.idx.msk [tilespmem:v47+s18+$0x0], $0xffff  }
0x3a5: {  	v34 =	vld.idx.msk [tilespmem:v33+s17+$0x0], $0xffff;
	v37 =	vadd.f32 v37, v39;
	v39 =	vor.u32 v1, v29  }
0x3a6: {  	v42 =	vor.u32 v1, v31;
	v38 =	vadd.f32 v44, v38;
	v36 =	vadd.f32 v36, v32;
	v44 =	vld.idx.msk [tilespmem:v46+s18+$0x0], $0xffff  }
0x3a7: {  	s31 =	sshra.s32 s29, $0x2;
	s29 =	smov.u32 s30;
	v47 =	vor.u32 v7, v15;
	v15 =	vmovc v20;
	v20 =	vmov v25;
	v46 =	vor.u32 v1, v25;
	v32 =	vld.idx.msk [tilespmem:v48+s17+$0x0], $0xffff  }
0x3a8: {  	v25 =	vadd.f32 v43, v38;
	v36 =	vadd.f32 v41, v36;
	[tilespmem:s31+$0xC400] =	vst v37;
	v37 =	vld.idx.msk [tilespmem:v45+s18+$0x0], $0xffff  }
0x3a9: {  	v41 =	vor.u32 v7, v14;
	v14 =	vmov v21;
	v21 =	vmov v30;
	v38 =	vld.idx.msk [tilespmem:v49+s18+$0x0], $0xffff  }
0x3aa: {  	v30 =	vor.u32 v1, v21;
	v25 =	vadd.f32 v40, v25;
	v35 =	vadd.f32 v35, v36;
	v39 =	vld.idx.msk [tilespmem:v39+s18+$0x0], $0xffff  }
0x3ab: {  	v40 =	vor.u32 v7, v13;
	v13 =	vmov v16;
	v16 =	vmov v31;
	v36 =	vld.idx.msk [tilespmem:v42+s18+$0x0], $0xffff  }
0x3ac: {  	v25 =	vadd.f32 v44, v25;
	v42 =	vor.u32 v4, v15;
	v31 =	vld.idx.msk [tilespmem:v46+s18+$0x0], $0xffff;
	[tilespmem:s3+$0xC460] =	vst v35  }
0x3ad: {  	v43 =	vor.u32 v7, v8;
	v8 =	vmov v17;
	v17 =	vmov v29;
	v35 =	vld.idx.msk [tilespmem:v47+s18+$0x0], $0xffff  }
0x3ae: {  	v29 =	vor.u32 v4, v14;
	v25 =	vadd.f32 v37, v25;
	v37 =	vld.idx.msk [tilespmem:v41+s18+$0x0], $0xffff  }
0x3af: {  	v41 =	vor.u32 v7, v11;
	v11 =	vmov v18;
	v18 =	vmov v28;
	v30 =	vld.idx.msk [tilespmem:v30+s18+$0x0], $0xffff  }
0x3b0: {  	[tilespmem:s24+$0xC430] =	vst v25;
	v25 =	vor.u32 v4, v13;
	v28 =	vld.idx.msk [tilespmem:v40+s18+$0x0], $0xffff  }
0x3b1: {  	v40 =	vld.idx.msk [tilespmem:v42+s18+$0x0], $0xffff;
	v42 =	vor.u32 v7, v9;
	v9 =	vmov v22;
	v22 =	vmov v27  }
0x3b2: {  	v27 =	vor.u32 v4, v8;
	v43 =	vld.idx.msk [tilespmem:v43+s18+$0x0], $0xffff  }
0x3b3: {  	v44 =	vor.u32 v7, v10;
	v10 =	vmov v23;
	v23 =	vmov v26;
	v29 =	vld.idx.msk [tilespmem:v29+s18+$0x0], $0xffff  }
0x3b4: {  	v26 =	vor.u32 v4, v11;
	v35 =	vadd.f32 v37, v35;
	v37 =	vld.idx.msk [tilespmem:v41+s18+$0x0], $0xffff  }
0x3b5: {  	v41 =	vor.u32 v7, v12;
	v12 =	vmov v19;
	v19 =	vmov v24;
	v25 =	vld.idx.msk [tilespmem:v25+s18+$0x0], $0xffff  }
0x3b6: {  	v24 =	vor.u32 v1, v22;
	v28 =	vadd.f32 v28, v35;
	v35 =	vld.idx.msk [tilespmem:v42+s18+$0x0], $0xffff  }
0x3b7: {  	v42 =	vor.u32 v4, v9;
	v27 =	vld.idx.msk [tilespmem:v27+s18+$0x0], $0xffff  }
0x3b8: {  	v45 =	vor.u32 v1, v23;
	v28 =	vadd.f32 v43, v28;
	v43 =	vld.idx.msk [tilespmem:v44+s18+$0x0], $0xffff  }
0x3b9: {  	v30 =	vadd.f32 v30, v31;
	v31 =	vor.u32 v4, v10;
	v26 =	vld.idx.msk [tilespmem:v26+s18+$0x0], $0xffff  }
0x3ba: {  	v44 =	vor.u32 v1, v19;
	v29 =	vadd.f32 v29, v40;
	v28 =	vadd.f32 v37, v28;
	v37 =	vld.idx.msk [tilespmem:v41+s18+$0x0], $0xffff  }
0x3bb: {  	v30 =	vadd.f32 v36, v30;
	v36 =	vor.u32 v4, v12;
	v24 =	vld.idx.msk [tilespmem:v24+s18+$0x0], $0xffff  }
0x3bc: {  	v40 =	vor.u32 $0x6, v33;
	v25 =	vadd.f32 v25, v29;
	v28 =	vadd.f32 v35, v28;
	v29 =	vld.idx.msk [tilespmem:v42+s18+$0x0], $0xffff  }
0x3bd: {  	v30 =	vadd.f32 v39, v30;
	v35 =	vor.u32 $0x5, v33;
	v39 =	vld.idx.msk [tilespmem:v45+s18+$0x0], $0xffff  }
0x3be: {  	v41 =	vor.u32 $0x4, v33;
	v25 =	vadd.f32 v27, v25;
	v28 =	vadd.f32 v43, v28;
	v27 =	vld.idx.msk [tilespmem:v31+s18+$0x0], $0xffff  }
0x3bf: {  	v30 =	vadd.f32 v38, v30;
	v31 =	vor.u32 $0x3, v33;
	v38 =	vld.idx.msk [tilespmem:v44+s18+$0x0], $0xffff  }
0x3c0: {  	v42 =	vor.u32 $0x2, v33;
	v26 =	vadd.f32 v26, v25;
	v28 =	vadd.f32 v37, v28;
	v36 =	vld.idx.msk [tilespmem:v36+s18+$0x0], $0xffff  }
0x3c1: {  	v33 =	vor.u32 $0x1, v33;
	v25 =	vshll.u32 v34, $0x7;
	v24 =	vadd.f32 v24, v30;
	v37 =	vld.idx.msk [tilespmem:v40+s17+$0x0], $0xffff  }
0x3c2: {  	v34 =	vor.u32 v0, v25;
	v26 =	vadd.f32 v29, v26;
	v30 =	vld.idx.msk [tilespmem:v35+s17+$0x0], $0xffff;
	[tilespmem:s3+$0xC470] =	vst v28;
	s3 =	smov.u32 s24;
	s24 =	smov.u32 s31  }
0x3c3: {  	v29 =	vor.u32 v2, v20;
	v24 =	vadd.f32 v39, v24;
	v28 =	vld.idx.msk [tilespmem:v41+s17+$0x0], $0xffff  }
0x3c4: {  	v26 =	vadd.f32 v27, v26;
	v27 =	vor.u32 v5, v15;
	v35 =	vld.idx.msk [tilespmem:v31+s17+$0x0], $0xffff  }
0x3c5: {  	v24 =	vadd.f32 v38, v24;
	v38 =	vor.u32 v5, v14;
	v31 =	vld.idx.msk [tilespmem:v42+s17+$0x0], $0xffff  }
0x3c6: {  	v39 =	vor.u32 v2, v21;
	v26 =	vadd.f32 v36, v26;
	v33 =	vld.idx.msk [tilespmem:v33+s17+$0x0], $0xffff  }
0x3c7: {  	v46 =	vld.idx.msk [tilespmem:v34+s18+$0x0], $0xffff;
	[tilespmem:s24+$0xC410] =	vst v24;
	v24 =	vor.u32 v5, v13  }
0x3c8: {  	v34 =	vor.u32 v2, v16;
	v29 =	vld.idx.msk [tilespmem:v29+s18+$0x0], $0xffff;
	[tilespmem:s3+$0xC440] =	vst v26  }
0x3c9: {  	v26 =	vld.idx.msk [tilespmem:v27+s18+$0x0], $0xffff;
	v27 =	vor.u32 v5, v8  }
0x3ca: {  	v36 =	vor.u32 v2, v17;
	v38 =	vld.idx.msk [tilespmem:v38+s18+$0x0], $0xffff  }
0x3cb: {  	v40 =	vor.u32 v5, v11;
	v39 =	vld.idx.msk [tilespmem:v39+s18+$0x0], $0xffff  }
0x3cc: {  	v41 =	vor.u32 v2, v18;
	v42 =	vld.idx.msk [tilespmem:v24+s18+$0x0], $0xffff  }
0x3cd: {  	v43 =	vor.u32 v5, v9;
	v34 =	vld.idx.msk [tilespmem:v34+s18+$0x0], $0xffff  }
0x3ce: {  	v44 =	vor.u32 v2, v22;
	v45 =	vld.idx.msk [tilespmem:v27+s18+$0x0], $0xffff  }
0x3cf: {  	v47 =	vor.u32 v5, v10;
	v36 =	vld.idx.msk [tilespmem:v36+s18+$0x0], $0xffff  }
0x3d0: {  	v48 =	vor.u32 v2, v23;
	v26 =	vadd.f32 v38, v26;
	v38 =	vld.idx.msk [tilespmem:v40+s18+$0x0], $0xffff  }
0x3d1: {  	v24 =	vshll.u32 v32, $0x7;
	v40 =	vor.u32 v5, v12;
	v32 =	vld.idx.msk [tilespmem:v41+s18+$0x0], $0xffff  }
0x3d2: {  	v29 =	vadd.f32 v39, v29;
	v41 =	vor.u32 v0, v24;
	v39 =	vadd.f32 v42, v26;
	v42 =	vld.idx.msk [tilespmem:v43+s18+$0x0], $0xffff  }
0x3d3: {  	v27 =	vshll.u32 v30, $0x7;
	v26 =	vshll.u32 v37, $0x7;
	v43 =	vld.idx.msk [tilespmem:v44+s18+$0x0], $0xffff;
	v44 =	vor.u32 v2, v19  }
0x3d4: {  	v49 =	vor.u32 v0, v26;
	v29 =	vadd.f32 v34, v29;
	v34 =	vadd.f32 v45, v39;
	v45 =	vld.idx.msk [tilespmem:v47+s18+$0x0], $0xffff  }
0x3d5: {  	v28 =	vshll.u32 v28, $0x7;
	v30 =	vshll.u32 v33, $0x7;
	v33 =	vor.u32 v0, v27;
	v47 =	vld.idx.msk [tilespmem:v48+s18+$0x0], $0xffff  }
0x3d6: {  	v36 =	vadd.f32 v36, v29;
	v48 =	vor.u32 v0, v30;
	v34 =	vadd.f32 v38, v34;
	v38 =	vld.idx.msk [tilespmem:v40+s18+$0x0], $0xffff  }
0x3d7: {  	v31 =	vshll.u32 v31, $0x7;
	v29 =	vshll.u32 v35, $0x7;
	v35 =	vor.u32 v0, v28;
	v37 =	vld.idx.msk [tilespmem:v41+s18+$0x0], $0xffff  }
0x3d8: {  	v32 =	vadd.f32 v32, v36;
	v41 =	vor.u32 v0, v31;
	v34 =	vadd.f32 v42, v34;
	v50 =	vld.idx.msk [tilespmem:v44+s18+$0x0], $0xffff  }
0x3d9: {  	v42 =	vor.u32 v0, v29;
	v39 =	vld.idx.msk [tilespmem:v49+s18+$0x0], $0xffff  }
0x3da: {  	v32 =	vadd.f32 v43, v32;
	v40 =	vld.idx.msk [tilespmem:v33+s18+$0x0], $0xffff;
	v33 =	vadd.f32 v45, v34;
	v34 =	vor.u32 v6, v15  }
0x3db: {  	v49 =	vor.u32 v6, v14;
	v48 =	vld.idx.msk [tilespmem:v48+s18+$0x0], $0xffff  }
0x3dc: {  	v32 =	vadd.f32 v47, v32;
	v43 =	vld.idx.msk [tilespmem:v35+s18+$0x0], $0xffff;
	v35 =	vor.u32 v3, v20;
	v33 =	vadd.f32 v38, v33  }
.Ltmp2:
0x3dd: {  	v36 =	vor.u32 v6, v13;
	v45 =	vld.idx.msk [tilespmem:v41+s18+$0x0], $0xffff;
	(pc) =	sbr.rel @p0 .LBB2_6-.Ltmp2, $4  }
0x3de: {  	v38 =	vadd.f32 v50, v32;
	v41 =	vor.u32 v3, v21;
	v44 =	vld.idx.msk [tilespmem:v42+s18+$0x0], $0xffff;
	[tilespmem:s3+$0xC450] =	vst v33  }
0x3df: {  	v32 =	vld.idx.msk [tilespmem:v34+s18+$0x0], $0xffff;
	v34 =	vor.u32 v6, v8  }
0x3e0: {  	v42 =	vor.u32 v3, v16;
	[tilespmem:s24+$0xC420] =	vst v38;
	v33 =	vld.idx.msk [tilespmem:v49+s18+$0x0], $0xffff  }
0x3e1: {  	s30 =	sadd.s32 $0x200, s30;
	v46 =	vadd.f32 v48, v46;
	v38 =	vld.idx.msk [tilespmem:v35+s18+$0x0], $0xffff;
	v35 =	vor.u32 v6, v11  }
0x3e2: {  	_ = 	snop  }
0x3e3: {  	v45 =	vadd.f32 v45, v46;
	_ =	sdelay $0x1  }
0x3e4: {  	v44 =	vadd.f32 v44, v45;
	_ =	sdelay $0x1  }
0x3e5: {  	v43 =	vadd.f32 v43, v44;
	_ =	sdelay $0x1  }
0x3e6: {  	v40 =	vadd.f32 v40, v43;
	_ =	sdelay $0x1  }
0x3e7: {  	v54 =	vor.u32 v1, v25;
	v39 =	vadd.f32 v39, v40  }
0x3e8: {  	v55 =	vor.u32 v1, v30  }
0x3e9: {  	v37 =	vadd.f32 v37, v39  }
0x3ea: {  	v56 =	vor.u32 v1, v31;
	s28 =	sshra.s32 s29, $0x2  }
0x3eb: {  	[tilespmem:s28+$0xC400] =	vst v37  }
0x3ec: {  	v57 =	vor.u32 v1, v29;
	v40 =	vld.idx.msk [tilespmem:v54+s18+$0x0], $0xffff  }
0x3ed: {  	v43 =	vld.idx.msk [tilespmem:v55+s18+$0x0], $0xffff  }
0x3ee: {  	v58 =	vor.u32 v1, v28  }
0x3ef: {  	v39 =	vld.idx.msk [tilespmem:v56+s18+$0x0], $0xffff  }
0x3f0: {  	v59 =	vor.u32 v1, v27  }
0x3f1: {  	v37 =	vld.idx.msk [tilespmem:v57+s18+$0x0], $0xffff  }
0x3f2: {  	v60 =	vor.u32 v1, v26;
	v40 =	vadd.f32 v43, v40  }
0x3f3: {  	v61 =	vld.idx.msk [tilespmem:v58+s18+$0x0], $0xffff  }
0x3f4: {  	v62 =	vor.u32 v1, v24;
	v39 =	vadd.f32 v39, v40  }
0x3f5: {  	v63 =	vld.idx.msk [tilespmem:v59+s18+$0x0], $0xffff  }
0x3f6: {  	v37 =	vadd.f32 v37, v39  }
0x3f7: {  	v45 =	vld.idx.msk [tilespmem:v60+s18+$0x0], $0xffff  }
0x3f8: {  	v37 =	vadd.f32 v61, v37  }
0x3f9: {  	v46 =	vld.idx.msk [tilespmem:v62+s18+$0x0], $0xffff  }
0x3fa: {  	v37 =	vadd.f32 v63, v37;
	_ =	sdelay $0x1  }
0x3fb: {  	v47 =	vor.u32 v2, v25;
	v37 =	vadd.f32 v45, v37  }
0x3fc: {  	v48 =	vor.u32 v2, v30  }
0x3fd: {  	v37 =	vadd.f32 v46, v37  }
0x3fe: {  	v49 =	vor.u32 v2, v31  }
0x3ff: {  	[tilespmem:s28+$0xC410] =	vst v37  }
0x400: {  	v50 =	vor.u32 v2, v29;
	v37 =	vld.idx.msk [tilespmem:v47+s18+$0x0], $0xffff  }
0x401: {  	v40 =	vld.idx.msk [tilespmem:v48+s18+$0x0], $0xffff  }
0x402: {  	v51 =	vor.u32 v2, v28  }
0x403: {  	v43 =	vld.idx.msk [tilespmem:v49+s18+$0x0], $0xffff  }
0x404: {  	v52 =	vor.u32 v2, v27  }
0x405: {  	v39 =	vld.idx.msk [tilespmem:v50+s18+$0x0], $0xffff  }
0x406: {  	v53 =	vor.u32 v2, v26;
	v37 =	vadd.f32 v40, v37  }
0x407: {  	v54 =	vld.idx.msk [tilespmem:v51+s18+$0x0], $0xffff  }
0x408: {  	v55 =	vor.u32 v2, v24;
	v37 =	vadd.f32 v43, v37  }
0x409: {  	v56 =	vld.idx.msk [tilespmem:v52+s18+$0x0], $0xffff  }
0x40a: {  	v37 =	vadd.f32 v39, v37  }
0x40b: {  	v57 =	vld.idx.msk [tilespmem:v53+s18+$0x0], $0xffff  }
0x40c: {  	v37 =	vadd.f32 v54, v37  }
0x40d: {  	v58 =	vld.idx.msk [tilespmem:v55+s18+$0x0], $0xffff  }
0x40e: {  	v37 =	vadd.f32 v56, v37;
	_ =	sdelay $0x1  }
0x40f: {  	v59 =	vor.u32 v3, v25;
	v37 =	vadd.f32 v57, v37  }
0x410: {  	v60 =	vor.u32 v3, v30  }
0x411: {  	v61 =	vor.u32 v3, v17;
	v37 =	vadd.f32 v58, v37  }
0x412: {  	v62 =	vld.idx.msk [tilespmem:v41+s18+$0x0], $0xffff;
	v63 =	vor.u32 v3, v31  }
0x413: {  	v42 =	vld.idx.msk [tilespmem:v42+s18+$0x0], $0xffff;
	v52 =	vor.u32 v3, v18;
	[tilespmem:s28+$0xC420] =	vst v37  }
0x414: {  	v53 =	vor.u32 v3, v29;
	v37 =	vld.idx.msk [tilespmem:v59+s18+$0x0], $0xffff  }
0x415: {  	v54 =	vor.u32 v3, v22;
	v43 =	vld.idx.msk [tilespmem:v60+s18+$0x0], $0xffff  }
0x416: {  	v44 =	vld.idx.msk [tilespmem:v61+s18+$0x0], $0xffff;
	v47 =	vor.u32 v3, v28  }
0x417: {  	v38 =	vadd.f32 v62, v38;
	v48 =	vor.u32 v3, v23;
	v55 =	vld.idx.msk [tilespmem:v63+s18+$0x0], $0xffff  }
0x418: {  	v56 =	vld.idx.msk [tilespmem:v52+s18+$0x0], $0xffff;
	v57 =	vor.u32 v3, v27  }
0x419: {  	v38 =	vadd.f32 v42, v38;
	v49 =	vor.u32 v3, v19;
	v39 =	vld.idx.msk [tilespmem:v53+s18+$0x0], $0xffff  }
0x41a: {  	v58 =	vld.idx.msk [tilespmem:v54+s18+$0x0], $0xffff;
	v59 =	vor.u32 v3, v26;
	v37 =	vadd.f32 v43, v37  }
0x41b: {  	v38 =	vadd.f32 v44, v38;
	v60 =	vld.idx.msk [tilespmem:v47+s18+$0x0], $0xffff  }
0x41c: {  	v62 =	vor.u32 v3, v24;
	v61 =	vld.idx.msk [tilespmem:v48+s18+$0x0], $0xffff;
	v37 =	vadd.f32 v55, v37  }
0x41d: {  	v38 =	vadd.f32 v56, v38;
	v63 =	vld.idx.msk [tilespmem:v57+s18+$0x0], $0xffff  }
0x41e: {  	v48 =	vld.idx.msk [tilespmem:v49+s18+$0x0], $0xffff;
	v37 =	vadd.f32 v39, v37  }
0x41f: {  	v38 =	vadd.f32 v58, v38;
	v49 =	vld.idx.msk [tilespmem:v59+s18+$0x0], $0xffff  }
0x420: {  	v37 =	vadd.f32 v60, v37  }
0x421: {  	v50 =	vor.u32 v4, v20;
	v51 =	vld.idx.msk [tilespmem:v62+s18+$0x0], $0xffff;
	v38 =	vadd.f32 v61, v38  }
0x422: {  	v52 =	vor.u32 v4, v21;
	v37 =	vadd.f32 v63, v37  }
0x423: {  	v53 =	vor.u32 v4, v16;
	v38 =	vadd.f32 v48, v38  }
0x424: {  	v54 =	vor.u32 v4, v25;
	v37 =	vadd.f32 v49, v37  }
0x425: {  	v36 =	vld.idx.msk [tilespmem:v36+s18+$0x0], $0xffff;
	v55 =	vor.u32 v4, v30;
	[tilespmem:s24+$0xC430] =	vst v38  }
0x426: {  	v57 =	vor.u32 v4, v17;
	v56 =	vld.idx.msk [tilespmem:v50+s18+$0x0], $0xffff;
	v37 =	vadd.f32 v51, v37  }
0x427: {  	v59 =	vor.u32 v4, v31;
	v58 =	vld.idx.msk [tilespmem:v52+s18+$0x0], $0xffff  }
0x428: {  	v40 =	vld.idx.msk [tilespmem:v53+s18+$0x0], $0xffff;
	v60 =	vor.u32 v4, v18;
	[tilespmem:s28+$0xC430] =	vst v37  }
0x429: {  	v61 =	vor.u32 v4, v29;
	v37 =	vld.idx.msk [tilespmem:v54+s18+$0x0], $0xffff  }
0x42a: {  	v62 =	vor.u32 v4, v22;
	v38 =	vld.idx.msk [tilespmem:v55+s18+$0x0], $0xffff  }
0x42b: {  	v42 =	vld.idx.msk [tilespmem:v57+s18+$0x0], $0xffff;
	v63 =	vor.u32 v4, v28  }
0x42c: {  	v52 =	vor.u32 v4, v23;
	v41 =	vadd.f32 v58, v56;
	v53 =	vld.idx.msk [tilespmem:v59+s18+$0x0], $0xffff  }
0x42d: {  	v54 =	vld.idx.msk [tilespmem:v60+s18+$0x0], $0xffff;
	v55 =	vor.u32 v4, v27  }
0x42e: {  	v56 =	vor.u32 v4, v19;
	v40 =	vadd.f32 v40, v41;
	v39 =	vld.idx.msk [tilespmem:v61+s18+$0x0], $0xffff  }
0x42f: {  	v57 =	vld.idx.msk [tilespmem:v62+s18+$0x0], $0xffff;
	v58 =	vor.u32 v4, v26;
	v37 =	vadd.f32 v38, v37  }
0x430: {  	v59 =	vadd.f32 v42, v40;
	v60 =	vld.idx.msk [tilespmem:v63+s18+$0x0], $0xffff  }
0x431: {  	v62 =	vor.u32 v4, v24;
	v61 =	vld.idx.msk [tilespmem:v52+s18+$0x0], $0xffff;
	v37 =	vadd.f32 v53, v37  }
0x432: {  	v38 =	vadd.f32 v54, v59;
	v63 =	vld.idx.msk [tilespmem:v55+s18+$0x0], $0xffff  }
0x433: {  	v48 =	vor.u32 v6, v9;
	v49 =	vld.idx.msk [tilespmem:v56+s18+$0x0], $0xffff;
	v37 =	vadd.f32 v39, v37  }
0x434: {  	v51 =	vld.idx.msk [tilespmem:v58+s18+$0x0], $0xffff;
	v52 =	vor.u32 v6, v12;
	v38 =	vadd.f32 v57, v38  }
0x435: {  	v34 =	vld.idx.msk [tilespmem:v34+s18+$0x0], $0xffff;
	v50 =	vor.u32 v6, v10;
	v37 =	vadd.f32 v60, v37  }
0x436: {  	v54 =	vld.idx.msk [tilespmem:v62+s18+$0x0], $0xffff;
	v53 =	vor.u32 v5, v20;
	v38 =	vadd.f32 v61, v38  }
0x437: {  	v35 =	vld.idx.msk [tilespmem:v35+s18+$0x0], $0xffff;
	v55 =	vor.u32 v5, v21;
	v37 =	vadd.f32 v63, v37  }
0x438: {  	v43 =	vld.idx.msk [tilespmem:v48+s18+$0x0], $0xffff;
	v56 =	vor.u32 v5, v16;
	v38 =	vadd.f32 v49, v38  }
0x439: {  	v45 =	vld.idx.msk [tilespmem:v52+s18+$0x0], $0xffff;
	v57 =	vor.u32 v5, v25;
	v37 =	vadd.f32 v51, v37  }
0x43a: {  	v58 =	vor.u32 v5, v30;
	v39 =	vld.idx.msk [tilespmem:v50+s18+$0x0], $0xffff;
	[tilespmem:s24+$0xC440] =	vst v38  }
0x43b: {  	v59 =	vor.u32 v5, v17;
	v40 =	vld.idx.msk [tilespmem:v53+s18+$0x0], $0xffff;
	v37 =	vadd.f32 v54, v37  }
0x43c: {  	v61 =	vor.u32 v5, v31;
	v60 =	vld.idx.msk [tilespmem:v55+s18+$0x0], $0xffff  }
0x43d: {  	v62 =	vor.u32 v5, v18;
	v44 =	vld.idx.msk [tilespmem:v56+s18+$0x0], $0xffff;
	[tilespmem:s28+$0xC440] =	vst v37  }
0x43e: {  	v63 =	vor.u32 v5, v29;
	v37 =	vld.idx.msk [tilespmem:v57+s18+$0x0], $0xffff  }
0x43f: {  	v32 =	vadd.f32 v33, v32;
	v52 =	vor.u32 v5, v22;
	v38 =	vld.idx.msk [tilespmem:v58+s18+$0x0], $0xffff  }
0x440: {  	v46 =	vld.idx.msk [tilespmem:v59+s18+$0x0], $0xffff;
	v53 =	vor.u32 v5, v28  }
0x441: {  	v32 =	vadd.f32 v36, v32;
	v54 =	vor.u32 v5, v23;
	v40 =	vadd.f32 v60, v40;
	v55 =	vld.idx.msk [tilespmem:v61+s18+$0x0], $0xffff  }
0x442: {  	v56 =	vld.idx.msk [tilespmem:v62+s18+$0x0], $0xffff;
	v57 =	vor.u32 v5, v27  }
0x443: {  	v32 =	vadd.f32 v34, v32;
	v58 =	vor.u32 v5, v19;
	v41 =	vld.idx.msk [tilespmem:v63+s18+$0x0], $0xffff;
	v40 =	vadd.f32 v44, v40  }
0x444: {  	v33 =	vld.idx.msk [tilespmem:v52+s18+$0x0], $0xffff;
	v59 =	vor.u32 v5, v26;
	v37 =	vadd.f32 v38, v37  }
0x445: {  	v32 =	vadd.f32 v35, v32;
	v61 =	vld.idx.msk [tilespmem:v53+s18+$0x0], $0xffff;
	v60 =	vadd.f32 v46, v40  }
0x446: {  	v62 =	vor.u32 v5, v24;
	v36 =	vld.idx.msk [tilespmem:v54+s18+$0x0], $0xffff;
	v37 =	vadd.f32 v55, v37  }
0x447: {  	v32 =	vadd.f32 v43, v32;
	v35 =	vadd.f32 v56, v60;
	v63 =	vld.idx.msk [tilespmem:v57+s18+$0x0], $0xffff  }
0x448: {  	v34 =	vld.idx.msk [tilespmem:v58+s18+$0x0], $0xffff;
	v37 =	vadd.f32 v41, v37  }
0x449: {  	v15 =	vor.u32 v7, v15;
	v32 =	vadd.f32 v39, v32;
	v46 =	vld.idx.msk [tilespmem:v59+s18+$0x0], $0xffff;
	v33 =	vadd.f32 v33, v35  }
0x44a: {  	v14 =	vor.u32 v7, v14;
	v37 =	vadd.f32 v61, v37  }
0x44b: {  	v47 =	vor.u32 v6, v20;
	v32 =	vadd.f32 v45, v32;
	v48 =	vld.idx.msk [tilespmem:v62+s18+$0x0], $0xffff;
	v33 =	vadd.f32 v36, v33  }
0x44c: {  	v49 =	vor.u32 v6, v21;
	v37 =	vadd.f32 v63, v37  }
0x44d: {  	v51 =	vor.u32 v6, v16;
	[tilespmem:s3+$0xC460] =	vst v32;
	v50 =	vadd.f32 v34, v33  }
0x44e: {  	v15 =	vld.idx.msk [tilespmem:v15+s18+$0x0], $0xffff;
	v53 =	vor.u32 v6, v25;
	v52 =	vadd.f32 v46, v37  }
0x44f: {  	v14 =	vld.idx.msk [tilespmem:v14+s18+$0x0], $0xffff;
	v54 =	vor.u32 v6, v30;
	[tilespmem:s24+$0xC450] =	vst v50  }
0x450: {  	v55 =	vor.u32 v6, v17;
	v36 =	vld.idx.msk [tilespmem:v47+s18+$0x0], $0xffff;
	v34 =	vadd.f32 v48, v52  }
0x451: {  	v57 =	vor.u32 v6, v31;
	v56 =	vld.idx.msk [tilespmem:v49+s18+$0x0], $0xffff  }
0x452: {  	v58 =	vor.u32 v6, v18;
	v33 =	vld.idx.msk [tilespmem:v51+s18+$0x0], $0xffff;
	[tilespmem:s28+$0xC450] =	vst v34  }
0x453: {  	v59 =	vor.u32 v6, v29;
	v34 =	vld.idx.msk [tilespmem:v53+s18+$0x0], $0xffff  }
0x454: {  	v60 =	vor.u32 v6, v22;
	v32 =	vld.idx.msk [tilespmem:v54+s18+$0x0], $0xffff  }
0x455: {  	v61 =	vor.u32 v6, v28;
	v37 =	vld.idx.msk [tilespmem:v55+s18+$0x0], $0xffff  }
0x456: {  	v62 =	vor.u32 v6, v23;
	v39 =	vld.idx.msk [tilespmem:v57+s18+$0x0], $0xffff  }
0x457: {  	v63 =	vld.idx.msk [tilespmem:v58+s18+$0x0], $0xffff;
	v48 =	vor.u32 v6, v27;
	v36 =	vadd.f32 v56, v36  }
0x458: {  	v49 =	vor.u32 v6, v19;
	v35 =	vld.idx.msk [tilespmem:v59+s18+$0x0], $0xffff  }
0x459: {  	v50 =	vld.idx.msk [tilespmem:v60+s18+$0x0], $0xffff;
	v51 =	vor.u32 v6, v26;
	v33 =	vadd.f32 v33, v36;
	v32 =	vadd.f32 v32, v34  }
0x45a: {  	v13 =	vor.u32 v7, v13;
	v52 =	vld.idx.msk [tilespmem:v61+s18+$0x0], $0xffff  }
0x45b: {  	v53 =	vld.idx.msk [tilespmem:v62+s18+$0x0], $0xffff;
	v54 =	vor.u32 v6, v24;
	v33 =	vadd.f32 v37, v33;
	v32 =	vadd.f32 v39, v32  }
0x45c: {  	v8 =	vor.u32 v7, v8;
	v55 =	vld.idx.msk [tilespmem:v48+s18+$0x0], $0xffff  }
0x45d: {  	v11 =	vor.u32 v7, v11;
	v56 =	vld.idx.msk [tilespmem:v49+s18+$0x0], $0xffff;
	v33 =	vadd.f32 v63, v33;
	v32 =	vadd.f32 v35, v32  }
0x45e: {  	v9 =	vor.u32 v7, v9;
	v57 =	vld.idx.msk [tilespmem:v51+s18+$0x0], $0xffff  }
0x45f: {  	v10 =	vor.u32 v7, v10;
	v13 =	vld.idx.msk [tilespmem:v13+s18+$0x0], $0xffff;
	v33 =	vadd.f32 v50, v33;
	v32 =	vadd.f32 v52, v32  }
0x460: {  	v12 =	vor.u32 v7, v12;
	v58 =	vld.idx.msk [tilespmem:v54+s18+$0x0], $0xffff  }
0x461: {  	v20 =	vor.u32 v7, v20;
	v8 =	vld.idx.msk [tilespmem:v8+s18+$0x0], $0xffff;
	v33 =	vadd.f32 v53, v33;
	v32 =	vadd.f32 v55, v32  }
0x462: {  	v21 =	vor.u32 v7, v21;
	v11 =	vld.idx.msk [tilespmem:v11+s18+$0x0], $0xffff  }
0x463: {  	v9 =	vld.idx.msk [tilespmem:v9+s18+$0x0], $0xffff;
	v25 =	vor.u32 v7, v25;
	v33 =	vadd.f32 v56, v33;
	v32 =	vadd.f32 v57, v32  }
0x464: {  	v10 =	vld.idx.msk [tilespmem:v10+s18+$0x0], $0xffff;
	v30 =	vor.u32 v7, v30  }
0x465: {  	v16 =	vor.u32 v7, v16;
	v12 =	vld.idx.msk [tilespmem:v12+s18+$0x0], $0xffff;
	[tilespmem:s24+$0xC460] =	vst v33;
	v32 =	vadd.f32 v58, v32  }
0x466: {  	v31 =	vor.u32 v7, v31;
	v20 =	vld.idx.msk [tilespmem:v20+s18+$0x0], $0xffff  }
0x467: {  	v17 =	vor.u32 v7, v17;
	v21 =	vld.idx.msk [tilespmem:v21+s18+$0x0], $0xffff;
	[tilespmem:s28+$0xC460] =	vst v32  }
0x468: {  	v29 =	vor.u32 v7, v29;
	v25 =	vld.idx.msk [tilespmem:v25+s18+$0x0], $0xffff  }
0x469: {  	v18 =	vor.u32 v7, v18;
	v30 =	vld.idx.msk [tilespmem:v30+s18+$0x0], $0xffff  }
0x46a: {  	v28 =	vor.u32 v7, v28;
	v16 =	vld.idx.msk [tilespmem:v16+s18+$0x0], $0xffff  }
0x46b: {  	v22 =	vor.u32 v7, v22;
	v31 =	vld.idx.msk [tilespmem:v31+s18+$0x0], $0xffff  }
0x46c: {  	v14 =	vadd.f32 v14, v15;
	v15 =	vld.idx.msk [tilespmem:v17+s18+$0x0], $0xffff;
	v17 =	vor.u32 v7, v27  }
0x46d: {  	v23 =	vor.u32 v7, v23;
	v20 =	vadd.f32 v21, v20;
	v21 =	vld.idx.msk [tilespmem:v29+s18+$0x0], $0xffff  }
0x46e: {  	v13 =	vadd.f32 v13, v14;
	v14 =	vld.idx.msk [tilespmem:v18+s18+$0x0], $0xffff;
	v18 =	vor.u32 v7, v26;
	v25 =	vadd.f32 v30, v25  }
0x46f: {  	v19 =	vor.u32 v7, v19;
	v16 =	vadd.f32 v16, v20;
	v20 =	vld.idx.msk [tilespmem:v28+s18+$0x0], $0xffff  }
0x470: {  	v8 =	vadd.f32 v8, v13;
	v13 =	vld.idx.msk [tilespmem:v22+s18+$0x0], $0xffff;
	v22 =	vor.u32 v7, v24;
	v24 =	vadd.f32 v31, v25  }
0x471: {  	v15 =	vadd.f32 v15, v16;
	v16 =	vld.idx.msk [tilespmem:v17+s18+$0x0], $0xffff  }
0x472: {  	v8 =	vadd.f32 v11, v8;
	v11 =	vld.idx.msk [tilespmem:v23+s18+$0x0], $0xffff;
	v17 =	vadd.f32 v21, v24  }
0x473: {  	v14 =	vadd.f32 v14, v15;
	v15 =	vld.idx.msk [tilespmem:v18+s18+$0x0], $0xffff  }
0x474: {  	v8 =	vadd.f32 v9, v8;
	v9 =	vld.idx.msk [tilespmem:v19+s18+$0x0], $0xffff;
	v17 =	vadd.f32 v20, v17  }
0x475: {  	v13 =	vadd.f32 v13, v14;
	v14 =	vld.idx.msk [tilespmem:v22+s18+$0x0], $0xffff  }
0x476: {  	v8 =	vadd.f32 v10, v8;
	v10 =	vadd.f32 v16, v17  }
0x477: {  	v11 =	vadd.f32 v11, v13  }
0x478: {  	v8 =	vadd.f32 v12, v8;
	v10 =	vadd.f32 v15, v10  }
0x479: {  	v9 =	vadd.f32 v9, v11  }
0x47a: {  	[tilespmem:s3+$0xC470] =	vst v8;
	v8 =	vadd.f32 v14, v10  }
0x47b: {  	[tilespmem:s24+$0xC470] =	vst v9  }
0x47c: {  	[tilespmem:s28+$0xC470] =	vst v8  }
0x47d: {  	_ =	swait.ge [sflag:s22], $0x4000  }
0x47e: {  	[sflag:s22] =	ssyncset.done $0x0  }
0x47f: {  	s31 =	simm.s32 $0xC00;
	[sflag:s22] =	ssyncadd.s32 $0xFFFFC000  }
0x480: {  	[hbm4b:s11+s19] =	stream.strided.scatter [tilespmem:s20], [sflag:$0x3], $0x4000, s23, s19, $0x38;
	[tilespmem:$0x1C400] =	vst v63  }
0x481: {  	s24 =	simm.s32 $0xC400;
	v8 =	vmov s31  }
0x482: {  	v9 =	vor.u32 $0x1, v8;
	[hbm4b:s12+s19] =	stream.strided.scatter [tilespmem:s24], [sflag:$0x4], $0x4000, s23, s19, $0x38;
	[tilespmem:$0x1C400] =	vst v63  }
0x483: {  	_ =	swait.ge [sflag:s25], $0x4000  }
0x484: {  	v10 =	vor.u32 $0x2, v8;
	[sflag:s25] =	ssyncset.done $0x0  }
0x485: {  	[sflag:s25] =	ssyncadd.s32 $0xFFFFC000  }
0x486: {  	v12 =	vor.u32 $0x3, v8;
	v11 =	vld.idx.msk [tilespmem:v8+s17+$0x0], $0xffff  }
0x487: {  	v9 =	vld.idx.msk [tilespmem:v9+s17+$0x0], $0xffff  }
0x488: {  	v13 =	vor.u32 $0x4, v8  }
0x489: {  	v10 =	vld.idx.msk [tilespmem:v10+s17+$0x0], $0xffff  }
0x48a: {  	v16 =	vor.u32 $0x5, v8  }
0x48b: {  	v17 =	vor.u32 $0x6, v8;
	v15 =	vshll.u32 v11, $0x7;
	v11 =	vld.idx.msk [tilespmem:v12+s17+$0x0], $0xffff  }
0x48c: {  	v14 =	vshll.u32 v9, $0x7;
	v12 =	vor.u32 v0, v15  }
0x48d: {  	v9 =	vld.idx.msk [tilespmem:v13+s17+$0x0], $0xffff;
	v18 =	vor.u32 v0, v14  }
0x48e: {  	v19 =	vor.u32 $0x7, v8;
	v13 =	vshll.u32 v10, $0x7  }
0x48f: {  	v10 =	vld.idx.msk [tilespmem:v16+s17+$0x0], $0xffff;
	v16 =	vor.u32 v0, v13  }
0x490: {  	v17 =	vld.idx.msk [tilespmem:v17+s17+$0x0], $0xffff;
	v8 =	vshll.u32 v11, $0x7  }
0x491: {  	v12 =	vld.idx.msk [tilespmem:v12+s18+$0x0], $0xffff;
	v20 =	vor.u32 v0, v8  }
0x492: {  	v11 =	vshll.u32 v9, $0x7;
	v18 =	vld.idx.msk [tilespmem:v18+s18+$0x0], $0xffff  }
0x493: {  	v19 =	vld.idx.msk [tilespmem:v19+s17+$0x0], $0xffff;
	v21 =	vor.u32 v0, v11  }
0x494: {  	v9 =	vshll.u32 v10, $0x7;
	v16 =	vld.idx.msk [tilespmem:v16+s18+$0x0], $0xffff  }
0x495: {  	v22 =	vor.u32 v0, v9  }
0x496: {  	v10 =	vshll.u32 v17, $0x7;
	v17 =	vld.idx.msk [tilespmem:v20+s18+$0x0], $0xffff  }
0x497: {  	v20 =	vor.u32 v0, v10;
	v18 =	vadd.f32 v18, v12  }
0x498: {  	v12 =	vshll.u32 v19, $0x7;
	v19 =	vld.idx.msk [tilespmem:v21+s18+$0x0], $0xffff  }
0x499: {  	v21 =	vor.u32 v0, v12;
	v16 =	vadd.f32 v16, v18  }
0x49a: {  	v18 =	vld.idx.msk [tilespmem:v22+s18+$0x0], $0xffff  }
0x49b: {  	v16 =	vadd.f32 v17, v16  }
0x49c: {  	v17 =	vld.idx.msk [tilespmem:v20+s18+$0x0], $0xffff  }
0x49d: {  	v16 =	vadd.f32 v19, v16  }
0x49e: {  	v19 =	vld.idx.msk [tilespmem:v21+s18+$0x0], $0xffff  }
0x49f: {  	v16 =	vadd.f32 v18, v16;
	_ =	sdelay $0x1  }
0x4a0: {  	v16 =	vadd.f32 v17, v16;
	v17 =	vor.u32 v1, v15  }
0x4a1: {  	v18 =	vor.u32 v1, v14  }
0x4a2: {  	v16 =	vadd.f32 v19, v16  }
0x4a3: {  	s3 =	simm.s32 $0x0;
	v19 =	vor.u32 v1, v13  }
0x4a4: {  	[tilespmem:s3+$0x10400] =	vst v16  }
0x4a5: {  	v16 =	vor.u32 v1, v8;
	v17 =	vld.idx.msk [tilespmem:v17+s18+$0x0], $0xffff  }
0x4a6: {  	v18 =	vld.idx.msk [tilespmem:v18+s18+$0x0], $0xffff  }
0x4a7: {  	v20 =	vor.u32 v1, v11  }
0x4a8: {  	v19 =	vld.idx.msk [tilespmem:v19+s18+$0x0], $0xffff  }
0x4a9: {  	v21 =	vor.u32 v1, v9  }
0x4aa: {  	v16 =	vld.idx.msk [tilespmem:v16+s18+$0x0], $0xffff  }
0x4ab: {  	v22 =	vor.u32 v1, v10;
	v17 =	vadd.f32 v18, v17  }
0x4ac: {  	v18 =	vld.idx.msk [tilespmem:v20+s18+$0x0], $0xffff  }
0x4ad: {  	v20 =	vor.u32 v1, v12;
	v17 =	vadd.f32 v19, v17  }
0x4ae: {  	v19 =	vld.idx.msk [tilespmem:v21+s18+$0x0], $0xffff  }
0x4af: {  	v16 =	vadd.f32 v16, v17  }
0x4b0: {  	v17 =	vld.idx.msk [tilespmem:v22+s18+$0x0], $0xffff  }
0x4b1: {  	v16 =	vadd.f32 v18, v16  }
0x4b2: {  	v18 =	vld.idx.msk [tilespmem:v20+s18+$0x0], $0xffff  }
0x4b3: {  	v16 =	vadd.f32 v19, v16;
	_ =	sdelay $0x1  }
0x4b4: {  	v16 =	vadd.f32 v17, v16;
	v17 =	vor.u32 v2, v15  }
0x4b5: {  	v19 =	vor.u32 v2, v14  }
0x4b6: {  	s31 =	simm.s32 $0xC08;
	v16 =	vadd.f32 v18, v16  }
0x4b7: {  	v20 =	vmov s31;
	v18 =	vor.u32 v2, v13  }
0x4b8: {  	v21 =	vor.u32 $0x2, v20;
	[tilespmem:s3+$0x10410] =	vst v16  }
0x4b9: {  	v16 =	vld.idx.msk [tilespmem:v17+s18+$0x0], $0xffff;
	v17 =	vor.u32 v2, v8  }
0x4ba: {  	v23 =	vor.u32 $0x1, v20;
	v19 =	vld.idx.msk [tilespmem:v19+s18+$0x0], $0xffff  }
0x4bb: {  	v22 =	vor.u32 v2, v11  }
0x4bc: {  	v18 =	vld.idx.msk [tilespmem:v18+s18+$0x0], $0xffff  }
0x4bd: {  	v25 =	vor.u32 v2, v9;
	v26 =	vld.idx.msk [tilespmem:v21+s17+$0x0], $0xffff  }
0x4be: {  	v17 =	vld.idx.msk [tilespmem:v17+s18+$0x0], $0xffff  }
0x4bf: {  	v21 =	vor.u32 v2, v10;
	v23 =	vld.idx.msk [tilespmem:v23+s17+$0x0], $0xffff;
	v16 =	vadd.f32 v19, v16  }
0x4c0: {  	v22 =	vld.idx.msk [tilespmem:v22+s18+$0x0], $0xffff;
	v19 =	vor.u32 $0x3, v20  }
0x4c1: {  	v27 =	vor.u32 v2, v12;
	v24 =	vld.idx.msk [tilespmem:v20+s17+$0x0], $0xffff;
	v16 =	vadd.f32 v18, v16  }
0x4c2: {  	v25 =	vld.idx.msk [tilespmem:v25+s18+$0x0], $0xffff;
	v18 =	vor.u32 $0x4, v20  }
0x4c3: {  	v28 =	vor.u32 $0x7, v20;
	v16 =	vadd.f32 v17, v16  }
0x4c4: {  	v29 =	vld.idx.msk [tilespmem:v21+s18+$0x0], $0xffff;
	v17 =	vor.u32 $0x5, v20  }
0x4c5: {  	v30 =	vor.u32 $0x6, v20;
	v21 =	vshll.u32 v23, $0x7;
	v19 =	vld.idx.msk [tilespmem:v19+s17+$0x0], $0xffff;
	v22 =	vadd.f32 v22, v16  }
0x4c6: {  	v23 =	vld.idx.msk [tilespmem:v27+s18+$0x0], $0xffff;
	v27 =	vor.u32 v0, v21;
	v20 =	vshll.u32 v24, $0x7  }
0x4c7: {  	v24 =	vor.u32 v0, v20;
	v18 =	vld.idx.msk [tilespmem:v18+s17+$0x0], $0xffff;
	v16 =	vshll.u32 v26, $0x7;
	v22 =	vadd.f32 v25, v22  }
0x4c8: {  	v26 =	vor.u32 v0, v16;
	v25 =	vld.idx.msk [tilespmem:v28+s17+$0x0], $0xffff  }
0x4c9: {  	v28 =	vld.idx.msk [tilespmem:v17+s17+$0x0], $0xffff;
	v22 =	vadd.f32 v29, v22;
	v29 =	vor.u32 v3, v15  }
0x4ca: {  	v30 =	vld.idx.msk [tilespmem:v30+s17+$0x0], $0xffff;
	v17 =	vshll.u32 v19, $0x7;
	v19 =	vor.u32 v3, v14  }
0x4cb: {  	v27 =	vld.idx.msk [tilespmem:v27+s18+$0x0], $0xffff;
	v31 =	vor.u32 v0, v17;
	v22 =	vadd.f32 v23, v22  }
0x4cc: {  	v59 =	vor.u32 v3, v13;
	v24 =	vld.idx.msk [tilespmem:v24+s18+$0x0], $0xffff;
	v18 =	vshll.u32 v18, $0x7  }
0x4cd: {  	v60 =	vor.u32 v0, v18;
	v26 =	vld.idx.msk [tilespmem:v26+s18+$0x0], $0xffff;
	[tilespmem:s3+$0x10420] =	vst v22  }
0x4ce: {  	v22 =	vshll.u32 v28, $0x7;
	v28 =	vld.idx.msk [tilespmem:v29+s18+$0x0], $0xffff;
	v29 =	vor.u32 v3, v8  }
0x4cf: {  	v61 =	vor.u32 v0, v22;
	v62 =	vld.idx.msk [tilespmem:v19+s18+$0x0], $0xffff  }
0x4d0: {  	v23 =	vshll.u32 v30, $0x7;
	v30 =	vld.idx.msk [tilespmem:v31+s18+$0x0], $0xffff;
	v31 =	vor.u32 v3, v11  }
0x4d1: {  	v63 =	vor.u32 v0, v23;
	v24 =	vadd.f32 v27, v24;
	v27 =	vld.idx.msk [tilespmem:v59+s18+$0x0], $0xffff  }
0x4d2: {  	v39 =	vor.u32 v3, v9;
	v19 =	vshll.u32 v25, $0x7;
	v25 =	vld.idx.msk [tilespmem:v60+s18+$0x0], $0xffff  }
0x4d3: {  	v40 =	vor.u32 v0, v19;
	v24 =	vadd.f32 v26, v24;
	v26 =	vld.idx.msk [tilespmem:v29+s18+$0x0], $0xffff  }
0x4d4: {  	v41 =	vor.u32 v3, v10;
	v29 =	vld.idx.msk [tilespmem:v61+s18+$0x0], $0xffff;
	v28 =	vadd.f32 v62, v28  }
0x4d5: {  	v24 =	vadd.f32 v30, v24;
	v30 =	vld.idx.msk [tilespmem:v31+s18+$0x0], $0xffff  }
0x4d6: {  	v42 =	vor.u32 v3, v12;
	v31 =	vld.idx.msk [tilespmem:v63+s18+$0x0], $0xffff;
	v27 =	vadd.f32 v27, v28  }
0x4d7: {  	s28 =	simm.s32 $0xC10;
	v24 =	vadd.f32 v25, v24;
	v25 =	vld.idx.msk [tilespmem:v39+s18+$0x0], $0xffff  }
0x4d8: {  	v28 =	vld.idx.msk [tilespmem:v40+s18+$0x0], $0xffff;
	v26 =	vadd.f32 v26, v27;
	v27 =	vmov s28  }
0x4d9: {  	v24 =	vadd.f32 v29, v24;
	v29 =	vld.idx.msk [tilespmem:v41+s18+$0x0], $0xffff;
	v43 =	vor.u32 $0x7, v27  }
0x4da: {  	v54 =	vor.u32 $0x6, v27;
	v26 =	vadd.f32 v30, v26  }
0x4db: {  	v45 =	vor.u32 v1, v16;
	v24 =	vadd.f32 v31, v24;
	v31 =	vld.idx.msk [tilespmem:v42+s18+$0x0], $0xffff  }
0x4dc: {  	v44 =	vor.u32 v1, v20;
	v25 =	vadd.f32 v25, v26  }
0x4dd: {  	v24 =	vadd.f32 v28, v24;
	v26 =	vor.u32 v1, v21;
	v28 =	vld.idx.msk [tilespmem:v27+s17+$0x0], $0xffff  }
0x4de: {  	s24 =	simm.s32 $0x80;
	v25 =	vadd.f32 v29, v25;
	v29 =	vor.u32 v4, v15;
	v32 =	vld.idx.msk [tilespmem:v43+s17+$0x0], $0xffff  }
0x4df: {  	[tilespmem:s24+$0x10400] =	vst v24;
	v24 =	vor.u32 v4, v14;
	v60 =	vld.idx.msk [tilespmem:v54+s17+$0x0], $0xffff  }
0x4e0: {  	v47 =	vor.u32 v1, v17;
	v34 =	vld.idx.msk [tilespmem:v45+s18+$0x0], $0xffff;
	v25 =	vadd.f32 v31, v25  }
0x4e1: {  	v46 =	vor.u32 v4, v13;
	v31 =	vld.idx.msk [tilespmem:v44+s18+$0x0], $0xffff  }
0x4e2: {  	v30 =	vor.u32 v1, v18;
	v26 =	vld.idx.msk [tilespmem:v26+s18+$0x0], $0xffff;
	[tilespmem:s3+$0x10430] =	vst v25  }
0x4e3: {  	v25 =	vld.idx.msk [tilespmem:v29+s18+$0x0], $0xffff;
	v29 =	vor.u32 v4, v8  }
0x4e4: {  	v51 =	vor.u32 v1, v23;
	v24 =	vld.idx.msk [tilespmem:v24+s18+$0x0], $0xffff  }
0x4e5: {  	v49 =	vor.u32 v1, v22;
	v35 =	vld.idx.msk [tilespmem:v47+s18+$0x0], $0xffff  }
0x4e6: {  	v48 =	vor.u32 v4, v11;
	v33 =	vld.idx.msk [tilespmem:v46+s18+$0x0], $0xffff  }
0x4e7: {  	v50 =	vor.u32 v4, v9;
	v30 =	vld.idx.msk [tilespmem:v30+s18+$0x0], $0xffff;
	v26 =	vadd.f32 v26, v31  }
0x4e8: {  	v31 =	vor.u32 v4, v10;
	v29 =	vld.idx.msk [tilespmem:v29+s18+$0x0], $0xffff  }
0x4e9: {  	v52 =	vor.u32 v1, v19;
	v57 =	vld.idx.msk [tilespmem:v51+s18+$0x0], $0xffff;
	v24 =	vadd.f32 v24, v25;
	v25 =	vadd.f32 v34, v26  }
0x4ea: {  	v53 =	vor.u32 v4, v12;
	v26 =	vld.idx.msk [tilespmem:v49+s18+$0x0], $0xffff  }
0x4eb: {  	v58 =	vor.u32 $0x4, v27;
	v36 =	vld.idx.msk [tilespmem:v48+s18+$0x0], $0xffff;
	v24 =	vadd.f32 v33, v24;
	v25 =	vadd.f32 v35, v25  }
0x4ec: {  	v56 =	vor.u32 $0x5, v27;
	v55 =	vld.idx.msk [tilespmem:v50+s18+$0x0], $0xffff  }
0x4ed: {  	v30 =	vadd.f32 v30, v25;
	v24 =	vadd.f32 v29, v24;
	v29 =	vld.idx.msk [tilespmem:v31+s18+$0x0], $0xffff;
	v31 =	vor.u32 $0x3, v27  }
0x4ee: {  	v59 =	vor.u32 $0x2, v27;
	v40 =	vld.idx.msk [tilespmem:v52+s18+$0x0], $0xffff;
	v27 =	vor.u32 $0x1, v27  }
0x4ef: {  	v34 =	vld.idx.msk [tilespmem:v53+s18+$0x0], $0xffff;
	v25 =	vshll.u32 v28, $0x7;
	v26 =	vadd.f32 v26, v30  }
0x4f0: {  	v33 =	vld.idx.msk [tilespmem:v58+s17+$0x0], $0xffff;
	v30 =	vor.u32 v0, v25;
	v24 =	vadd.f32 v36, v24  }
0x4f1: {  	v61 =	vor.u32 v2, v20;
	v28 =	vld.idx.msk [tilespmem:v56+s17+$0x0], $0xffff;
	v26 =	vadd.f32 v57, v26  }
0x4f2: {  	v48 =	vor.u32 v2, v16;
	v24 =	vadd.f32 v55, v24;
	v37 =	vld.idx.msk [tilespmem:v31+s17+$0x0], $0xffff  }
0x4f3: {  	v26 =	vadd.f32 v40, v26;
	v63 =	vld.idx.msk [tilespmem:v27+s17+$0x0], $0xffff;
	v27 =	vor.u32 v2, v21  }
0x4f4: {  	v31 =	vld.idx.msk [tilespmem:v59+s17+$0x0], $0xffff;
	v24 =	vadd.f32 v29, v24;
	v29 =	vor.u32 v5, v15  }
0x4f5: {  	v62 =	vor.u32 v5, v14;
	v46 =	vld.idx.msk [tilespmem:v30+s18+$0x0], $0xffff;
	[tilespmem:s24+$0x10410] =	vst v26  }
0x4f6: {  	v49 =	vor.u32 v2, v17;
	v24 =	vadd.f32 v34, v24;
	v30 =	vld.idx.msk [tilespmem:v61+s18+$0x0], $0xffff  }
0x4f7: {  	v26 =	vor.u32 v5, v13;
	v34 =	vld.idx.msk [tilespmem:v48+s18+$0x0], $0xffff  }
0x4f8: {  	v53 =	vor.u32 v2, v22;
	[tilespmem:s3+$0x10440] =	vst v24;
	v27 =	vld.idx.msk [tilespmem:v27+s18+$0x0], $0xffff  }
0x4f9: {  	v24 =	vld.idx.msk [tilespmem:v29+s18+$0x0], $0xffff;
	v29 =	vor.u32 v5, v8  }
0x4fa: {  	v51 =	vor.u32 v2, v18;
	v38 =	vld.idx.msk [tilespmem:v62+s18+$0x0], $0xffff  }
0x4fb: {  	v50 =	vor.u32 v5, v11;
	v35 =	vld.idx.msk [tilespmem:v49+s18+$0x0], $0xffff  }
0x4fc: {  	v54 =	vor.u32 v5, v10;
	v26 =	vld.idx.msk [tilespmem:v26+s18+$0x0], $0xffff  }
0x4fd: {  	v52 =	vor.u32 v5, v9;
	v58 =	vld.idx.msk [tilespmem:v53+s18+$0x0], $0xffff  }
0x4fe: {  	v56 =	vor.u32 v5, v12;
	v55 =	vor.u32 v2, v23;
	v30 =	vadd.f32 v27, v30;
	v29 =	vld.idx.msk [tilespmem:v29+s18+$0x0], $0xffff  }
0x4ff: {  	v59 =	vor.u32 v2, v19;
	v38 =	vadd.f32 v38, v24;
	v24 =	vshll.u32 v32, $0x7;
	v32 =	vld.idx.msk [tilespmem:v51+s18+$0x0], $0xffff  }
0x500: {  	v40 =	vld.idx.msk [tilespmem:v50+s18+$0x0], $0xffff;
	v27 =	vshll.u32 v28, $0x7;
	v28 =	vshll.u32 v33, $0x7;
	v34 =	vadd.f32 v34, v30  }
0x501: {  	v61 =	vld.idx.msk [tilespmem:v54+s18+$0x0], $0xffff;
	v54 =	vor.u32 v0, v28;
	v38 =	vadd.f32 v26, v38  }
0x502: {  	v42 =	vld.idx.msk [tilespmem:v52+s18+$0x0], $0xffff;
	v62 =	vor.u32 v0, v27;
	v57 =	vor.u32 v0, v24;
	v34 =	vadd.f32 v35, v34  }
0x503: {  	v30 =	vshll.u32 v63, $0x7;
	v63 =	vld.idx.msk [tilespmem:v55+s18+$0x0], $0xffff;
	v26 =	vshll.u32 v60, $0x7;
	v29 =	vadd.f32 v29, v38  }
0x504: {  	v41 =	vld.idx.msk [tilespmem:v56+s18+$0x0], $0xffff;
	v60 =	vor.u32 v0, v26;
	v32 =	vadd.f32 v32, v34  }
0x505: {  	v31 =	vshll.u32 v31, $0x7;
	v56 =	vld.idx.msk [tilespmem:v59+s18+$0x0], $0xffff;
	v52 =	vor.u32 v0, v30;
	v53 =	vadd.f32 v40, v29  }
0x506: {  	v55 =	vor.u32 v0, v31;
	v43 =	vld.idx.msk [tilespmem:v54+s18+$0x0], $0xffff;
	v29 =	vshll.u32 v37, $0x7;
	v32 =	vadd.f32 v58, v32  }
0x507: {  	v37 =	vld.idx.msk [tilespmem:v57+s18+$0x0], $0xffff;
	v57 =	vor.u32 v0, v29;
	v35 =	vadd.f32 v42, v53  }
0x508: {  	v40 =	vld.idx.msk [tilespmem:v62+s18+$0x0], $0xffff;
	v62 =	vor.u32 v3, v20;
	v32 =	vadd.f32 v63, v32  }
0x509: {  	v59 =	vor.u32 v6, v15;
	v39 =	vld.idx.msk [tilespmem:v60+s18+$0x0], $0xffff;
	v58 =	vadd.f32 v61, v35  }
0x50a: {  	v60 =	vld.idx.msk [tilespmem:v52+s18+$0x0], $0xffff;
	v61 =	vor.u32 v6, v14;
	v63 =	vadd.f32 v56, v32  }
0x50b: {  	v36 =	vor.u32 v6, v13;
	v45 =	vld.idx.msk [tilespmem:v55+s18+$0x0], $0xffff;
	v33 =	vadd.f32 v41, v58  }
0x50c: {  	v44 =	vld.idx.msk [tilespmem:v57+s18+$0x0], $0xffff;
	v41 =	vor.u32 v3, v21;
	[tilespmem:s24+$0x10420] =	vst v63  }
0x50d: {  	v34 =	vor.u32 v6, v8;
	v38 =	vld.idx.msk [tilespmem:v62+s18+$0x0], $0xffff;
	[tilespmem:s3+$0x10450] =	vst v33  }
0x50e: {  	v42 =	vor.u32 v3, v16;
	v32 =	vld.idx.msk [tilespmem:v59+s18+$0x0], $0xffff  }
0x50f: {  	s29 =	simm.s32 $0x400;
	s30 =	simm.s32 $0x600;
	v35 =	vor.u32 v6, v11;
	v46 =	vadd.f32 v60, v46;
	v33 =	vld.idx.msk [tilespmem:v61+s18+$0x0], $0xffff  }
.LBB2_8:
0x510: {  	p0 =	sne.s32 s30, $0xFE00;
	v47 =	vor.u32 v3, v17;
	v36 =	vld.idx.msk [tilespmem:v36+s18+$0x0], $0xffff  }
0x511: {  	v45 =	vadd.f32 v45, v46;
	v41 =	vld.idx.msk [tilespmem:v41+s18+$0x0], $0xffff;
	v46 =	vor.u32 v6, v9  }
0x512: {  	v48 =	vor.u32 v3, v18;
	v34 =	vld.idx.msk [tilespmem:v34+s18+$0x0], $0xffff  }
0x513: {  	v44 =	vadd.f32 v44, v45;
	v42 =	vld.idx.msk [tilespmem:v42+s18+$0x0], $0xffff;
	v45 =	vor.u32 v6, v10  }
0x514: {  	v49 =	vor.u32 v3, v22;
	v32 =	vadd.f32 v33, v32;
	v35 =	vld.idx.msk [tilespmem:v35+s18+$0x0], $0xffff  }
0x515: {  	s28 =	sadd.s32 $0x8, s28;
	v43 =	vadd.f32 v43, v44;
	v44 =	vld.idx.msk [tilespmem:v47+s18+$0x0], $0xffff;
	v47 =	vor.u32 v6, v12  }
0x516: {  	v33 =	vmov s28;
	v32 =	vadd.f32 v36, v32;
	v36 =	vld.idx.msk [tilespmem:v46+s18+$0x0], $0xffff  }
0x517: {  	v46 =	vor.u32 v3, v23;
	v40 =	vadd.f32 v40, v43;
	v43 =	vld.idx.msk [tilespmem:v48+s18+$0x0], $0xffff  }
0x518: {  	v38 =	vadd.f32 v41, v38;
	v48 =	vor.u32 $0x7, v33;
	v32 =	vadd.f32 v34, v32;
	v41 =	vld.idx.msk [tilespmem:v45+s18+$0x0], $0xffff  }
0x519: {  	v45 =	vor.u32 v3, v19;
	v39 =	vadd.f32 v39, v40;
	v40 =	vld.idx.msk [tilespmem:v49+s18+$0x0], $0xffff  }
0x51a: {  	v38 =	vadd.f32 v42, v38;
	v49 =	vor.u32 v1, v28;
	v32 =	vadd.f32 v35, v32;
	v35 =	vld.idx.msk [tilespmem:v47+s18+$0x0], $0xffff  }
0x51b: {  	v34 =	vld.idx.msk [tilespmem:v33+s17+$0x0], $0xffff;
	v37 =	vadd.f32 v37, v39;
	v39 =	vor.u32 v1, v29  }
0x51c: {  	v42 =	vor.u32 v1, v31;
	v38 =	vadd.f32 v44, v38;
	v36 =	vadd.f32 v36, v32;
	v44 =	vld.idx.msk [tilespmem:v46+s18+$0x0], $0xffff  }
0x51d: {  	s31 =	sshra.s32 s29, $0x2;
	s29 =	smov.u32 s30;
	v47 =	vor.u32 v7, v15;
	v15 =	vmovc v20;
	v20 =	vmov v25;
	v46 =	vor.u32 v1, v25;
	v32 =	vld.idx.msk [tilespmem:v48+s17+$0x0], $0xffff  }
0x51e: {  	v25 =	vadd.f32 v43, v38;
	v36 =	vadd.f32 v41, v36;
	[tilespmem:s31+$0x10400] =	vst v37;
	v37 =	vld.idx.msk [tilespmem:v45+s18+$0x0], $0xffff  }
0x51f: {  	v41 =	vor.u32 v7, v14;
	v14 =	vmov v21;
	v21 =	vmov v30;
	v38 =	vld.idx.msk [tilespmem:v49+s18+$0x0], $0xffff  }
0x520: {  	v30 =	vor.u32 v1, v21;
	v25 =	vadd.f32 v40, v25;
	v35 =	vadd.f32 v35, v36;
	v39 =	vld.idx.msk [tilespmem:v39+s18+$0x0], $0xffff  }
0x521: {  	v40 =	vor.u32 v7, v13;
	v13 =	vmov v16;
	v16 =	vmov v31;
	v36 =	vld.idx.msk [tilespmem:v42+s18+$0x0], $0xffff  }
0x522: {  	v25 =	vadd.f32 v44, v25;
	v42 =	vor.u32 v4, v15;
	v31 =	vld.idx.msk [tilespmem:v46+s18+$0x0], $0xffff;
	[tilespmem:s3+$0x10460] =	vst v35  }
0x523: {  	v43 =	vor.u32 v7, v8;
	v8 =	vmov v17;
	v17 =	vmov v29;
	v35 =	vld.idx.msk [tilespmem:v47+s18+$0x0], $0xffff  }
0x524: {  	v29 =	vor.u32 v4, v14;
	v25 =	vadd.f32 v37, v25;
	v37 =	vld.idx.msk [tilespmem:v41+s18+$0x0], $0xffff  }
0x525: {  	v41 =	vor.u32 v7, v11;
	v11 =	vmov v18;
	v18 =	vmov v28;
	v30 =	vld.idx.msk [tilespmem:v30+s18+$0x0], $0xffff  }
0x526: {  	[tilespmem:s24+$0x10430] =	vst v25;
	v25 =	vor.u32 v4, v13;
	v28 =	vld.idx.msk [tilespmem:v40+s18+$0x0], $0xffff  }
0x527: {  	v40 =	vld.idx.msk [tilespmem:v42+s18+$0x0], $0xffff;
	v42 =	vor.u32 v7, v9;
	v9 =	vmov v22;
	v22 =	vmov v27  }
0x528: {  	v27 =	vor.u32 v4, v8;
	v43 =	vld.idx.msk [tilespmem:v43+s18+$0x0], $0xffff  }
0x529: {  	v44 =	vor.u32 v7, v10;
	v10 =	vmov v23;
	v23 =	vmov v26;
	v29 =	vld.idx.msk [tilespmem:v29+s18+$0x0], $0xffff  }
0x52a: {  	v26 =	vor.u32 v4, v11;
	v35 =	vadd.f32 v37, v35;
	v37 =	vld.idx.msk [tilespmem:v41+s18+$0x0], $0xffff  }
0x52b: {  	v41 =	vor.u32 v7, v12;
	v12 =	vmov v19;
	v19 =	vmov v24;
	v25 =	vld.idx.msk [tilespmem:v25+s18+$0x0], $0xffff  }
0x52c: {  	v24 =	vor.u32 v1, v22;
	v28 =	vadd.f32 v28, v35;
	v35 =	vld.idx.msk [tilespmem:v42+s18+$0x0], $0xffff  }
0x52d: {  	v42 =	vor.u32 v4, v9;
	v27 =	vld.idx.msk [tilespmem:v27+s18+$0x0], $0xffff  }
0x52e: {  	v45 =	vor.u32 v1, v23;
	v28 =	vadd.f32 v43, v28;
	v43 =	vld.idx.msk [tilespmem:v44+s18+$0x0], $0xffff  }
0x52f: {  	v30 =	vadd.f32 v30, v31;
	v31 =	vor.u32 v4, v10;
	v26 =	vld.idx.msk [tilespmem:v26+s18+$0x0], $0xffff  }
0x530: {  	v44 =	vor.u32 v1, v19;
	v29 =	vadd.f32 v29, v40;
	v28 =	vadd.f32 v37, v28;
	v37 =	vld.idx.msk [tilespmem:v41+s18+$0x0], $0xffff  }
0x531: {  	v30 =	vadd.f32 v36, v30;
	v36 =	vor.u32 v4, v12;
	v24 =	vld.idx.msk [tilespmem:v24+s18+$0x0], $0xffff  }
0x532: {  	v40 =	vor.u32 $0x6, v33;
	v25 =	vadd.f32 v25, v29;
	v28 =	vadd.f32 v35, v28;
	v29 =	vld.idx.msk [tilespmem:v42+s18+$0x0], $0xffff  }
0x533: {  	v30 =	vadd.f32 v39, v30;
	v35 =	vor.u32 $0x5, v33;
	v39 =	vld.idx.msk [tilespmem:v45+s18+$0x0], $0xffff  }
0x534: {  	v41 =	vor.u32 $0x4, v33;
	v25 =	vadd.f32 v27, v25;
	v28 =	vadd.f32 v43, v28;
	v27 =	vld.idx.msk [tilespmem:v31+s18+$0x0], $0xffff  }
0x535: {  	v30 =	vadd.f32 v38, v30;
	v31 =	vor.u32 $0x3, v33;
	v38 =	vld.idx.msk [tilespmem:v44+s18+$0x0], $0xffff  }
0x536: {  	v42 =	vor.u32 $0x2, v33;
	v26 =	vadd.f32 v26, v25;
	v28 =	vadd.f32 v37, v28;
	v36 =	vld.idx.msk [tilespmem:v36+s18+$0x0], $0xffff  }
0x537: {  	v33 =	vor.u32 $0x1, v33;
	v25 =	vshll.u32 v34, $0x7;
	v24 =	vadd.f32 v24, v30;
	v37 =	vld.idx.msk [tilespmem:v40+s17+$0x0], $0xffff  }
0x538: {  	v34 =	vor.u32 v0, v25;
	v26 =	vadd.f32 v29, v26;
	v30 =	vld.idx.msk [tilespmem:v35+s17+$0x0], $0xffff;
	[tilespmem:s3+$0x10470] =	vst v28;
	s3 =	smov.u32 s24;
	s24 =	smov.u32 s31  }
0x539: {  	v29 =	vor.u32 v2, v20;
	v24 =	vadd.f32 v39, v24;
	v28 =	vld.idx.msk [tilespmem:v41+s17+$0x0], $0xffff  }
0x53a: {  	v26 =	vadd.f32 v27, v26;
	v27 =	vor.u32 v5, v15;
	v35 =	vld.idx.msk [tilespmem:v31+s17+$0x0], $0xffff  }
0x53b: {  	v24 =	vadd.f32 v38, v24;
	v38 =	vor.u32 v5, v14;
	v31 =	vld.idx.msk [tilespmem:v42+s17+$0x0], $0xffff  }
0x53c: {  	v39 =	vor.u32 v2, v21;
	v26 =	vadd.f32 v36, v26;
	v33 =	vld.idx.msk [tilespmem:v33+s17+$0x0], $0xffff  }
0x53d: {  	v46 =	vld.idx.msk [tilespmem:v34+s18+$0x0], $0xffff;
	[tilespmem:s24+$0x10410] =	vst v24;
	v24 =	vor.u32 v5, v13  }
0x53e: {  	v34 =	vor.u32 v2, v16;
	v29 =	vld.idx.msk [tilespmem:v29+s18+$0x0], $0xffff;
	[tilespmem:s3+$0x10440] =	vst v26  }
0x53f: {  	v26 =	vld.idx.msk [tilespmem:v27+s18+$0x0], $0xffff;
	v27 =	vor.u32 v5, v8  }
0x540: {  	v36 =	vor.u32 v2, v17;
	v38 =	vld.idx.msk [tilespmem:v38+s18+$0x0], $0xffff  }
0x541: {  	v40 =	vor.u32 v5, v11;
	v39 =	vld.idx.msk [tilespmem:v39+s18+$0x0], $0xffff  }
0x542: {  	v41 =	vor.u32 v2, v18;
	v42 =	vld.idx.msk [tilespmem:v24+s18+$0x0], $0xffff  }
0x543: {  	v43 =	vor.u32 v5, v9;
	v34 =	vld.idx.msk [tilespmem:v34+s18+$0x0], $0xffff  }
0x544: {  	v44 =	vor.u32 v2, v22;
	v45 =	vld.idx.msk [tilespmem:v27+s18+$0x0], $0xffff  }
0x545: {  	v47 =	vor.u32 v5, v10;
	v36 =	vld.idx.msk [tilespmem:v36+s18+$0x0], $0xffff  }
0x546: {  	v48 =	vor.u32 v2, v23;
	v26 =	vadd.f32 v38, v26;
	v38 =	vld.idx.msk [tilespmem:v40+s18+$0x0], $0xffff  }
0x547: {  	v24 =	vshll.u32 v32, $0x7;
	v40 =	vor.u32 v5, v12;
	v32 =	vld.idx.msk [tilespmem:v41+s18+$0x0], $0xffff  }
0x548: {  	v29 =	vadd.f32 v39, v29;
	v41 =	vor.u32 v0, v24;
	v39 =	vadd.f32 v42, v26;
	v42 =	vld.idx.msk [tilespmem:v43+s18+$0x0], $0xffff  }
0x549: {  	v27 =	vshll.u32 v30, $0x7;
	v26 =	vshll.u32 v37, $0x7;
	v43 =	vld.idx.msk [tilespmem:v44+s18+$0x0], $0xffff;
	v44 =	vor.u32 v2, v19  }
0x54a: {  	v49 =	vor.u32 v0, v26;
	v29 =	vadd.f32 v34, v29;
	v34 =	vadd.f32 v45, v39;
	v45 =	vld.idx.msk [tilespmem:v47+s18+$0x0], $0xffff  }
0x54b: {  	v28 =	vshll.u32 v28, $0x7;
	v30 =	vshll.u32 v33, $0x7;
	v33 =	vor.u32 v0, v27;
	v47 =	vld.idx.msk [tilespmem:v48+s18+$0x0], $0xffff  }
0x54c: {  	v36 =	vadd.f32 v36, v29;
	v48 =	vor.u32 v0, v30;
	v34 =	vadd.f32 v38, v34;
	v38 =	vld.idx.msk [tilespmem:v40+s18+$0x0], $0xffff  }
0x54d: {  	v31 =	vshll.u32 v31, $0x7;
	v29 =	vshll.u32 v35, $0x7;
	v35 =	vor.u32 v0, v28;
	v37 =	vld.idx.msk [tilespmem:v41+s18+$0x0], $0xffff  }
0x54e: {  	v32 =	vadd.f32 v32, v36;
	v41 =	vor.u32 v0, v31;
	v34 =	vadd.f32 v42, v34;
	v50 =	vld.idx.msk [tilespmem:v44+s18+$0x0], $0xffff  }
0x54f: {  	v42 =	vor.u32 v0, v29;
	v39 =	vld.idx.msk [tilespmem:v49+s18+$0x0], $0xffff  }
0x550: {  	v32 =	vadd.f32 v43, v32;
	v40 =	vld.idx.msk [tilespmem:v33+s18+$0x0], $0xffff;
	v33 =	vadd.f32 v45, v34;
	v34 =	vor.u32 v6, v15  }
0x551: {  	v49 =	vor.u32 v6, v14;
	v48 =	vld.idx.msk [tilespmem:v48+s18+$0x0], $0xffff  }
0x552: {  	v32 =	vadd.f32 v47, v32;
	v43 =	vld.idx.msk [tilespmem:v35+s18+$0x0], $0xffff;
	v35 =	vor.u32 v3, v20;
	v33 =	vadd.f32 v38, v33  }
.Ltmp3:
0x553: {  	v36 =	vor.u32 v6, v13;
	v45 =	vld.idx.msk [tilespmem:v41+s18+$0x0], $0xffff;
	(pc) =	sbr.rel @p0 .LBB2_8-.Ltmp3, $4  }
0x554: {  	v38 =	vadd.f32 v50, v32;
	v41 =	vor.u32 v3, v21;
	v44 =	vld.idx.msk [tilespmem:v42+s18+$0x0], $0xffff;
	[tilespmem:s3+$0x10450] =	vst v33  }
0x555: {  	v32 =	vld.idx.msk [tilespmem:v34+s18+$0x0], $0xffff;
	v34 =	vor.u32 v6, v8  }
0x556: {  	v42 =	vor.u32 v3, v16;
	[tilespmem:s24+$0x10420] =	vst v38;
	v33 =	vld.idx.msk [tilespmem:v49+s18+$0x0], $0xffff  }
0x557: {  	s30 =	sadd.s32 $0x200, s30;
	v46 =	vadd.f32 v48, v46;
	v38 =	vld.idx.msk [tilespmem:v35+s18+$0x0], $0xffff;
	v35 =	vor.u32 v6, v11  }
0x558: {  	_ = 	snop  }
0x559: {  	v45 =	vadd.f32 v45, v46;
	_ =	sdelay $0x1  }
0x55a: {  	v44 =	vadd.f32 v44, v45;
	_ =	sdelay $0x1  }
0x55b: {  	v43 =	vadd.f32 v43, v44;
	_ =	sdelay $0x1  }
0x55c: {  	v40 =	vadd.f32 v40, v43;
	_ =	sdelay $0x1  }
0x55d: {  	v54 =	vor.u32 v1, v25;
	v39 =	vadd.f32 v39, v40  }
0x55e: {  	v55 =	vor.u32 v1, v30  }
0x55f: {  	v37 =	vadd.f32 v37, v39  }
0x560: {  	v56 =	vor.u32 v1, v31;
	s28 =	sshra.s32 s29, $0x2  }
0x561: {  	[tilespmem:s28+$0x10400] =	vst v37  }
0x562: {  	v57 =	vor.u32 v1, v29;
	v40 =	vld.idx.msk [tilespmem:v54+s18+$0x0], $0xffff  }
0x563: {  	v43 =	vld.idx.msk [tilespmem:v55+s18+$0x0], $0xffff  }
0x564: {  	v58 =	vor.u32 v1, v28  }
0x565: {  	v39 =	vld.idx.msk [tilespmem:v56+s18+$0x0], $0xffff  }
0x566: {  	v59 =	vor.u32 v1, v27  }
0x567: {  	v37 =	vld.idx.msk [tilespmem:v57+s18+$0x0], $0xffff  }
0x568: {  	v60 =	vor.u32 v1, v26;
	v40 =	vadd.f32 v43, v40  }
0x569: {  	v61 =	vld.idx.msk [tilespmem:v58+s18+$0x0], $0xffff  }
0x56a: {  	v62 =	vor.u32 v1, v24;
	v39 =	vadd.f32 v39, v40  }
0x56b: {  	v63 =	vld.idx.msk [tilespmem:v59+s18+$0x0], $0xffff  }
0x56c: {  	v37 =	vadd.f32 v37, v39  }
0x56d: {  	v45 =	vld.idx.msk [tilespmem:v60+s18+$0x0], $0xffff  }
0x56e: {  	v37 =	vadd.f32 v61, v37  }
0x56f: {  	v46 =	vld.idx.msk [tilespmem:v62+s18+$0x0], $0xffff  }
0x570: {  	v37 =	vadd.f32 v63, v37;
	_ =	sdelay $0x1  }
0x571: {  	v47 =	vor.u32 v2, v25;
	v37 =	vadd.f32 v45, v37  }
0x572: {  	v48 =	vor.u32 v2, v30  }
0x573: {  	v37 =	vadd.f32 v46, v37  }
0x574: {  	v49 =	vor.u32 v2, v31  }
0x575: {  	[tilespmem:s28+$0x10410] =	vst v37  }
0x576: {  	v50 =	vor.u32 v2, v29;
	v37 =	vld.idx.msk [tilespmem:v47+s18+$0x0], $0xffff  }
0x577: {  	v40 =	vld.idx.msk [tilespmem:v48+s18+$0x0], $0xffff  }
0x578: {  	v51 =	vor.u32 v2, v28  }
0x579: {  	v43 =	vld.idx.msk [tilespmem:v49+s18+$0x0], $0xffff  }
0x57a: {  	v52 =	vor.u32 v2, v27  }
0x57b: {  	v39 =	vld.idx.msk [tilespmem:v50+s18+$0x0], $0xffff  }
0x57c: {  	v53 =	vor.u32 v2, v26;
	v37 =	vadd.f32 v40, v37  }
0x57d: {  	v54 =	vld.idx.msk [tilespmem:v51+s18+$0x0], $0xffff  }
0x57e: {  	v55 =	vor.u32 v2, v24;
	v37 =	vadd.f32 v43, v37  }
0x57f: {  	v56 =	vld.idx.msk [tilespmem:v52+s18+$0x0], $0xffff  }
0x580: {  	v37 =	vadd.f32 v39, v37  }
0x581: {  	v57 =	vld.idx.msk [tilespmem:v53+s18+$0x0], $0xffff  }
0x582: {  	v37 =	vadd.f32 v54, v37  }
0x583: {  	v58 =	vld.idx.msk [tilespmem:v55+s18+$0x0], $0xffff  }
0x584: {  	v37 =	vadd.f32 v56, v37;
	_ =	sdelay $0x1  }
0x585: {  	v59 =	vor.u32 v3, v25;
	v37 =	vadd.f32 v57, v37  }
0x586: {  	v60 =	vor.u32 v3, v30  }
0x587: {  	v61 =	vor.u32 v3, v17;
	v37 =	vadd.f32 v58, v37  }
0x588: {  	v62 =	vld.idx.msk [tilespmem:v41+s18+$0x0], $0xffff;
	v63 =	vor.u32 v3, v31  }
0x589: {  	v42 =	vld.idx.msk [tilespmem:v42+s18+$0x0], $0xffff;
	v52 =	vor.u32 v3, v18;
	[tilespmem:s28+$0x10420] =	vst v37  }
0x58a: {  	v53 =	vor.u32 v3, v29;
	v37 =	vld.idx.msk [tilespmem:v59+s18+$0x0], $0xffff  }
0x58b: {  	v54 =	vor.u32 v3, v22;
	v43 =	vld.idx.msk [tilespmem:v60+s18+$0x0], $0xffff  }
0x58c: {  	v44 =	vld.idx.msk [tilespmem:v61+s18+$0x0], $0xffff;
	v47 =	vor.u32 v3, v28  }
0x58d: {  	v38 =	vadd.f32 v62, v38;
	v48 =	vor.u32 v3, v23;
	v55 =	vld.idx.msk [tilespmem:v63+s18+$0x0], $0xffff  }
0x58e: {  	v56 =	vld.idx.msk [tilespmem:v52+s18+$0x0], $0xffff;
	v57 =	vor.u32 v3, v27  }
0x58f: {  	v38 =	vadd.f32 v42, v38;
	v49 =	vor.u32 v3, v19;
	v39 =	vld.idx.msk [tilespmem:v53+s18+$0x0], $0xffff  }
0x590: {  	v58 =	vld.idx.msk [tilespmem:v54+s18+$0x0], $0xffff;
	v59 =	vor.u32 v3, v26;
	v37 =	vadd.f32 v43, v37  }
0x591: {  	v38 =	vadd.f32 v44, v38;
	v60 =	vld.idx.msk [tilespmem:v47+s18+$0x0], $0xffff  }
0x592: {  	v62 =	vor.u32 v3, v24;
	v61 =	vld.idx.msk [tilespmem:v48+s18+$0x0], $0xffff;
	v37 =	vadd.f32 v55, v37  }
0x593: {  	v38 =	vadd.f32 v56, v38;
	v63 =	vld.idx.msk [tilespmem:v57+s18+$0x0], $0xffff  }
0x594: {  	v48 =	vld.idx.msk [tilespmem:v49+s18+$0x0], $0xffff;
	v37 =	vadd.f32 v39, v37  }
0x595: {  	v38 =	vadd.f32 v58, v38;
	v49 =	vld.idx.msk [tilespmem:v59+s18+$0x0], $0xffff  }
0x596: {  	v37 =	vadd.f32 v60, v37  }
0x597: {  	v50 =	vor.u32 v4, v20;
	v51 =	vld.idx.msk [tilespmem:v62+s18+$0x0], $0xffff;
	v38 =	vadd.f32 v61, v38  }
0x598: {  	v52 =	vor.u32 v4, v21;
	v37 =	vadd.f32 v63, v37  }
0x599: {  	v53 =	vor.u32 v4, v16;
	v38 =	vadd.f32 v48, v38  }
0x59a: {  	v54 =	vor.u32 v4, v25;
	v37 =	vadd.f32 v49, v37  }
0x59b: {  	v36 =	vld.idx.msk [tilespmem:v36+s18+$0x0], $0xffff;
	v55 =	vor.u32 v4, v30;
	[tilespmem:s24+$0x10430] =	vst v38  }
0x59c: {  	v57 =	vor.u32 v4, v17;
	v56 =	vld.idx.msk [tilespmem:v50+s18+$0x0], $0xffff;
	v37 =	vadd.f32 v51, v37  }
0x59d: {  	v59 =	vor.u32 v4, v31;
	v58 =	vld.idx.msk [tilespmem:v52+s18+$0x0], $0xffff  }
0x59e: {  	v40 =	vld.idx.msk [tilespmem:v53+s18+$0x0], $0xffff;
	v60 =	vor.u32 v4, v18;
	[tilespmem:s28+$0x10430] =	vst v37  }
0x59f: {  	v61 =	vor.u32 v4, v29;
	v37 =	vld.idx.msk [tilespmem:v54+s18+$0x0], $0xffff  }
0x5a0: {  	v62 =	vor.u32 v4, v22;
	v38 =	vld.idx.msk [tilespmem:v55+s18+$0x0], $0xffff  }
0x5a1: {  	v42 =	vld.idx.msk [tilespmem:v57+s18+$0x0], $0xffff;
	v63 =	vor.u32 v4, v28  }
0x5a2: {  	v52 =	vor.u32 v4, v23;
	v41 =	vadd.f32 v58, v56;
	v53 =	vld.idx.msk [tilespmem:v59+s18+$0x0], $0xffff  }
0x5a3: {  	v54 =	vld.idx.msk [tilespmem:v60+s18+$0x0], $0xffff;
	v55 =	vor.u32 v4, v27  }
0x5a4: {  	v56 =	vor.u32 v4, v19;
	v40 =	vadd.f32 v40, v41;
	v39 =	vld.idx.msk [tilespmem:v61+s18+$0x0], $0xffff  }
0x5a5: {  	v57 =	vld.idx.msk [tilespmem:v62+s18+$0x0], $0xffff;
	v58 =	vor.u32 v4, v26;
	v37 =	vadd.f32 v38, v37  }
0x5a6: {  	v59 =	vadd.f32 v42, v40;
	v60 =	vld.idx.msk [tilespmem:v63+s18+$0x0], $0xffff  }
0x5a7: {  	v62 =	vor.u32 v4, v24;
	v61 =	vld.idx.msk [tilespmem:v52+s18+$0x0], $0xffff;
	v37 =	vadd.f32 v53, v37  }
0x5a8: {  	v38 =	vadd.f32 v54, v59;
	v63 =	vld.idx.msk [tilespmem:v55+s18+$0x0], $0xffff  }
0x5a9: {  	v48 =	vor.u32 v6, v9;
	v50 =	vld.idx.msk [tilespmem:v56+s18+$0x0], $0xffff;
	v37 =	vadd.f32 v39, v37  }
0x5aa: {  	v51 =	vor.u32 v6, v10;
	v52 =	vld.idx.msk [tilespmem:v58+s18+$0x0], $0xffff;
	v38 =	vadd.f32 v57, v38  }
0x5ab: {  	v34 =	vld.idx.msk [tilespmem:v34+s18+$0x0], $0xffff;
	v53 =	vor.u32 v6, v12;
	v37 =	vadd.f32 v60, v37  }
0x5ac: {  	v54 =	vor.u32 v5, v20;
	v55 =	vld.idx.msk [tilespmem:v62+s18+$0x0], $0xffff;
	v38 =	vadd.f32 v61, v38  }
0x5ad: {  	v35 =	vld.idx.msk [tilespmem:v35+s18+$0x0], $0xffff;
	v56 =	vor.u32 v5, v21;
	v37 =	vadd.f32 v63, v37  }
0x5ae: {  	v43 =	vld.idx.msk [tilespmem:v48+s18+$0x0], $0xffff;
	v57 =	vor.u32 v5, v16;
	v38 =	vadd.f32 v50, v38  }
0x5af: {  	v58 =	vor.u32 v5, v25;
	v39 =	vld.idx.msk [tilespmem:v51+s18+$0x0], $0xffff;
	v37 =	vadd.f32 v52, v37  }
0x5b0: {  	v59 =	vor.u32 v5, v30;
	v45 =	vld.idx.msk [tilespmem:v53+s18+$0x0], $0xffff;
	[tilespmem:s24+$0x10440] =	vst v38  }
0x5b1: {  	v60 =	vor.u32 v5, v17;
	v40 =	vld.idx.msk [tilespmem:v54+s18+$0x0], $0xffff;
	v37 =	vadd.f32 v55, v37  }
0x5b2: {  	v62 =	vor.u32 v5, v31;
	v61 =	vld.idx.msk [tilespmem:v56+s18+$0x0], $0xffff  }
0x5b3: {  	v63 =	vor.u32 v5, v18;
	v44 =	vld.idx.msk [tilespmem:v57+s18+$0x0], $0xffff;
	[tilespmem:s28+$0x10440] =	vst v37  }
0x5b4: {  	v52 =	vor.u32 v5, v29;
	v37 =	vld.idx.msk [tilespmem:v58+s18+$0x0], $0xffff  }
0x5b5: {  	v32 =	vadd.f32 v33, v32;
	v53 =	vor.u32 v5, v22;
	v38 =	vld.idx.msk [tilespmem:v59+s18+$0x0], $0xffff  }
0x5b6: {  	v54 =	vor.u32 v5, v28;
	v46 =	vld.idx.msk [tilespmem:v60+s18+$0x0], $0xffff  }
0x5b7: {  	v32 =	vadd.f32 v36, v32;
	v55 =	vor.u32 v5, v23;
	v40 =	vadd.f32 v61, v40;
	v56 =	vld.idx.msk [tilespmem:v62+s18+$0x0], $0xffff  }
0x5b8: {  	v57 =	vld.idx.msk [tilespmem:v63+s18+$0x0], $0xffff;
	v58 =	vor.u32 v5, v27  }
0x5b9: {  	v32 =	vadd.f32 v34, v32;
	v59 =	vor.u32 v5, v19;
	v41 =	vld.idx.msk [tilespmem:v52+s18+$0x0], $0xffff;
	v40 =	vadd.f32 v44, v40  }
0x5ba: {  	v60 =	vor.u32 v5, v26;
	v33 =	vld.idx.msk [tilespmem:v53+s18+$0x0], $0xffff;
	v37 =	vadd.f32 v38, v37  }
0x5bb: {  	v32 =	vadd.f32 v35, v32;
	v62 =	vld.idx.msk [tilespmem:v54+s18+$0x0], $0xffff;
	v61 =	vadd.f32 v46, v40  }
0x5bc: {  	v63 =	vor.u32 v5, v24;
	v36 =	vld.idx.msk [tilespmem:v55+s18+$0x0], $0xffff;
	v37 =	vadd.f32 v56, v37  }
0x5bd: {  	v32 =	vadd.f32 v43, v32;
	v35 =	vadd.f32 v57, v61;
	v46 =	vld.idx.msk [tilespmem:v58+s18+$0x0], $0xffff  }
0x5be: {  	v34 =	vld.idx.msk [tilespmem:v59+s18+$0x0], $0xffff;
	v37 =	vadd.f32 v41, v37  }
0x5bf: {  	v15 =	vor.u32 v7, v15;
	v32 =	vadd.f32 v39, v32;
	v47 =	vld.idx.msk [tilespmem:v60+s18+$0x0], $0xffff;
	v33 =	vadd.f32 v33, v35  }
0x5c0: {  	v14 =	vor.u32 v7, v14;
	v37 =	vadd.f32 v62, v37  }
0x5c1: {  	v48 =	vor.u32 v6, v20;
	v32 =	vadd.f32 v45, v32;
	v49 =	vld.idx.msk [tilespmem:v63+s18+$0x0], $0xffff;
	v33 =	vadd.f32 v36, v33  }
0x5c2: {  	v50 =	vor.u32 v6, v21;
	v37 =	vadd.f32 v46, v37  }
0x5c3: {  	[tilespmem:s3+$0x10460] =	vst v32;
	v52 =	vor.u32 v6, v16;
	v51 =	vadd.f32 v34, v33  }
0x5c4: {  	v15 =	vld.idx.msk [tilespmem:v15+s18+$0x0], $0xffff;
	v54 =	vor.u32 v6, v25;
	v53 =	vadd.f32 v47, v37  }
0x5c5: {  	v14 =	vld.idx.msk [tilespmem:v14+s18+$0x0], $0xffff;
	v55 =	vor.u32 v6, v30;
	[tilespmem:s24+$0x10450] =	vst v51  }
0x5c6: {  	v56 =	vor.u32 v6, v17;
	v36 =	vld.idx.msk [tilespmem:v48+s18+$0x0], $0xffff;
	v34 =	vadd.f32 v49, v53  }
0x5c7: {  	v58 =	vor.u32 v6, v31;
	v57 =	vld.idx.msk [tilespmem:v50+s18+$0x0], $0xffff  }
0x5c8: {  	v59 =	vor.u32 v6, v18;
	v33 =	vld.idx.msk [tilespmem:v52+s18+$0x0], $0xffff;
	[tilespmem:s28+$0x10450] =	vst v34  }
0x5c9: {  	v60 =	vor.u32 v6, v29;
	v34 =	vld.idx.msk [tilespmem:v54+s18+$0x0], $0xffff  }
0x5ca: {  	v61 =	vor.u32 v6, v22;
	v32 =	vld.idx.msk [tilespmem:v55+s18+$0x0], $0xffff  }
0x5cb: {  	v62 =	vor.u32 v6, v28;
	v37 =	vld.idx.msk [tilespmem:v56+s18+$0x0], $0xffff  }
0x5cc: {  	v63 =	vor.u32 v6, v23;
	v39 =	vld.idx.msk [tilespmem:v58+s18+$0x0], $0xffff  }
0x5cd: {  	v48 =	vld.idx.msk [tilespmem:v59+s18+$0x0], $0xffff;
	v49 =	vor.u32 v6, v27;
	v36 =	vadd.f32 v57, v36  }
0x5ce: {  	v50 =	vor.u32 v6, v19;
	v35 =	vld.idx.msk [tilespmem:v60+s18+$0x0], $0xffff  }
0x5cf: {  	v51 =	vld.idx.msk [tilespmem:v61+s18+$0x0], $0xffff;
	v52 =	vor.u32 v6, v26;
	v33 =	vadd.f32 v33, v36;
	v32 =	vadd.f32 v32, v34  }
0x5d0: {  	v13 =	vor.u32 v7, v13;
	v53 =	vld.idx.msk [tilespmem:v62+s18+$0x0], $0xffff  }
0x5d1: {  	v54 =	vld.idx.msk [tilespmem:v63+s18+$0x0], $0xffff;
	v55 =	vor.u32 v6, v24;
	v33 =	vadd.f32 v37, v33;
	v32 =	vadd.f32 v39, v32  }
0x5d2: {  	v8 =	vor.u32 v7, v8;
	v56 =	vld.idx.msk [tilespmem:v49+s18+$0x0], $0xffff  }
0x5d3: {  	v11 =	vor.u32 v7, v11;
	v57 =	vld.idx.msk [tilespmem:v50+s18+$0x0], $0xffff;
	v33 =	vadd.f32 v48, v33;
	v32 =	vadd.f32 v35, v32  }
0x5d4: {  	v61 =	vor.u32 v7, v12;
	v59 =	vld.idx.msk [tilespmem:v52+s18+$0x0], $0xffff  }
0x5d5: {  	v13 =	vld.idx.msk [tilespmem:v13+s18+$0x0], $0xffff;
	v58 =	vor.u32 v7, v9;
	v33 =	vadd.f32 v51, v33;
	v32 =	vadd.f32 v53, v32  }
0x5d6: {  	v60 =	vor.u32 v7, v10;
	v62 =	vld.idx.msk [tilespmem:v55+s18+$0x0], $0xffff  }
0x5d7: {  	v8 =	vld.idx.msk [tilespmem:v8+s18+$0x0], $0xffff;
	v63 =	vor.u32 v7, v20;
	v33 =	vadd.f32 v54, v33;
	v32 =	vadd.f32 v56, v32  }
0x5d8: {  	v11 =	vld.idx.msk [tilespmem:v11+s18+$0x0], $0xffff;
	v36 =	vor.u32 v7, v21  }
0x5d9: {  	v12 =	vld.idx.msk [tilespmem:v61+s18+$0x0], $0xffff;
	v37 =	vor.u32 v7, v25;
	v33 =	vadd.f32 v57, v33;
	v32 =	vadd.f32 v59, v32  }
0x5da: {  	v38 =	vor.u32 v7, v30;
	v9 =	vld.idx.msk [tilespmem:v58+s18+$0x0], $0xffff  }
0x5db: {  	v10 =	vld.idx.msk [tilespmem:v60+s18+$0x0], $0xffff;
	v39 =	vor.u32 v7, v16;
	[tilespmem:s24+$0x10460] =	vst v33;
	v32 =	vadd.f32 v62, v32  }
0x5dc: {  	v40 =	vor.u32 v7, v31;
	v20 =	vld.idx.msk [tilespmem:v63+s18+$0x0], $0xffff  }
0x5dd: {  	v41 =	vor.u32 v7, v17;
	v21 =	vld.idx.msk [tilespmem:v36+s18+$0x0], $0xffff;
	[tilespmem:s28+$0x10460] =	vst v32  }
0x5de: {  	v42 =	vor.u32 v7, v29;
	v25 =	vld.idx.msk [tilespmem:v37+s18+$0x0], $0xffff  }
0x5df: {  	v43 =	vor.u32 v7, v18;
	v30 =	vld.idx.msk [tilespmem:v38+s18+$0x0], $0xffff  }
0x5e0: {  	v44 =	vor.u32 v7, v28;
	v16 =	vld.idx.msk [tilespmem:v39+s18+$0x0], $0xffff  }
0x5e1: {  	v45 =	vor.u32 v7, v22;
	v31 =	vld.idx.msk [tilespmem:v40+s18+$0x0], $0xffff  }
0x5e2: {  	v14 =	vadd.f32 v14, v15;
	v47 =	vor.u32 v7, v27;
	v46 =	vld.idx.msk [tilespmem:v41+s18+$0x0], $0xffff  }
0x5e3: {  	v48 =	vor.u32 v7, v23;
	v20 =	vadd.f32 v21, v20;
	v49 =	vld.idx.msk [tilespmem:v42+s18+$0x0], $0xffff  }
0x5e4: {  	v13 =	vadd.f32 v13, v14;
	v51 =	vor.u32 v7, v26;
	v50 =	vld.idx.msk [tilespmem:v43+s18+$0x0], $0xffff;
	v25 =	vadd.f32 v30, v25  }
0x5e5: {  	v52 =	vor.u32 v7, v19;
	v53 =	vld.idx.msk [tilespmem:v44+s18+$0x0], $0xffff;
	v16 =	vadd.f32 v16, v20  }
0x5e6: {  	v8 =	vadd.f32 v8, v13;
	v55 =	vor.u32 v7, v24;
	v54 =	vld.idx.msk [tilespmem:v45+s18+$0x0], $0xffff;
	v56 =	vadd.f32 v31, v25  }
0x5e7: {  	v57 =	vld.idx.msk [tilespmem:v47+s18+$0x0], $0xffff;
	v15 =	vadd.f32 v46, v16  }
0x5e8: {  	v8 =	vadd.f32 v11, v8;
	v58 =	vld.idx.msk [tilespmem:v48+s18+$0x0], $0xffff;
	v59 =	vadd.f32 v49, v56  }
0x5e9: {  	v60 =	vld.idx.msk [tilespmem:v51+s18+$0x0], $0xffff;
	v14 =	vadd.f32 v50, v15  }
0x5ea: {  	v8 =	vadd.f32 v9, v8;
	v61 =	vld.idx.msk [tilespmem:v52+s18+$0x0], $0xffff;
	v17 =	vadd.f32 v53, v59  }
0x5eb: {  	v62 =	vld.idx.msk [tilespmem:v55+s18+$0x0], $0xffff;
	v13 =	vadd.f32 v54, v14  }
0x5ec: {  	v8 =	vadd.f32 v10, v8;
	v63 =	vadd.f32 v57, v17  }
0x5ed: {  	v11 =	vadd.f32 v58, v13  }
0x5ee: {  	v8 =	vadd.f32 v12, v8;
	v10 =	vadd.f32 v60, v63  }
0x5ef: {  	v9 =	vadd.f32 v61, v11  }
0x5f0: {  	[tilespmem:s3+$0x10470] =	vst v8;
	v8 =	vadd.f32 v62, v10  }
0x5f1: {  	[tilespmem:s24+$0x10470] =	vst v9  }
0x5f2: {  	[tilespmem:s28+$0x10470] =	vst v8  }
0x5f3: {  	_ =	swait.ge [sflag:s26], $0x4000  }
0x5f4: {  	[sflag:s26] =	ssyncset.done $0x0  }
0x5f5: {  	[sflag:s26] =	ssyncadd.s32 $0xFFFFC000  }
0x5f6: {  	[hbm4b:s13+s19] =	stream.strided.scatter [tilespmem:s21], [sflag:$0x3], $0x4000, s23, s19, $0x38;
	[tilespmem:$0x1C400] =	vst v63  }
0x5f7: {  	s31 =	simm.s32 $0x10400  }
0x5f8: {  	[hbm4b:s14+s19] =	stream.strided.scatter [tilespmem:s31], [sflag:$0x4], $0x4000, s23, s19, $0x38;
	[tilespmem:$0x1C400] =	vst v63  }
0x5f9: {  	_ =	swait.ge [sflag:s25], $0x4000  }
0x5fa: {  	[sflag:s25] =	ssyncset.done $0x0  }
0x5fb: {  	[sflag:s25] =	ssyncadd.s32 $0xFFFFC000  }
0x5fc: {  	_ =	swait.ge [sflag:s0], $0x4000  }
0x5fd: {  	[sflag:s0] =	ssyncset.done $0x0  }
0x5fe: {  	[sflag:s0] =	ssyncadd.s32 $0xFFFFC000  }
0x5ff: {  	_ =	swait.ge [sflag:s0], $0x4000  }
0x600: {  	[sflag:s0] =	ssyncset.done $0x0  }
0x601: {  	s2 =	sadd.s32 $0x1, s2;
	[sflag:s0] =	ssyncadd.s32 $0xFFFFC000  }
0x602: {  	p0 =	sne.s32 s2, s15;
	_ =	swait.ge [sflag:s0], $0x4000  }
.Ltmp4:
0x603: {  	[sflag:s0] =	ssyncset.done $0x0;
	(pc) =	sbr.rel @p0 .LBB2_1-.Ltmp4, $4  }
0x604: {  	[sflag:s0] =	ssyncadd.s32 $0xFFFFC000  }
0x605: {  	_ =	swait.ge [sflag:s0], $0x4000  }
0x606: {  	[sflag:s0] =	ssyncset.done $0x0  }
0x607: {  	[sflag:s0] =	ssyncadd.s32 $0xFFFFC000  }
0x608: {  	_ =	sfence.sel $0x180000  }
0x609: {  	[bflag:$0x0] =	sbarrier.arrive $0xFFFF  }
0x60a: {  	_ =	strace $0x90000047  }
0x60b: {  	s0 =	stileid.u32;
	[bflag:$0x2] =	sbarrier.arrive $0xFFFF  }
0x60c: {  	p0 =	sne.s32 s0, $0x0;
	s0 =	rddreg [dreg:$0x5]  }
0x60d: {  	s0 =	sadd.s32 @!p0 $0x100000, s0  }
0x60e: {  	[sflag:s0] =	ssyncadd.tile.s32 @!p0 $0x1;
	_ =	shalt  }
.Lfunc_end2:
_tile_overlayer_lowered:
.L_overlay_start_2:
0x60f: {  	(tag) =	ssettag $0x2  }
0x610: {  	s0 =	rddreg [dreg:$0x0];
	s2 =	stileid.u32  }
0x611: {  	s1 =	rddreg [dreg:$0x1];
	p0 =	sne.s32 s2, $0x0  }
0x612: {  	s3 =	rddreg [dreg:$0x2];
	[bflag:$0x3] =	sbarrier.arrive $0xFFFF;
	s2 =	simm.s32 @!p0 $0x1C05  }
0x613: {  	[timem:s3], [sflag:s2] =	dma.local @!p0 [hbm:s0], s1  }
0x614: {  	s0 =	simm.s32 @!p0 $0x5  }
0x615: {  	_ =	swait.ge @!p0 [sflag:s0], s1  }
0x616: {  	s1 =	ssub.s32 @!p0 $0x0, s1;
	[sflag:s0] =	ssyncset.done @!p0 $0x0  }
0x617: {  	[sflag:s0] =	ssyncadd.s32 @!p0 s1  }
0x618: {  	[bflag:$0x3] =	sbarrier.arrive $0xFFFF  }
0x619: {  	_ =	shalt  }

</sc_bundles>
